<compile_context>
chip_gen: v7x
topology: tpu7x:2x2x1
jax: 0.10.2.dev20260603
libtpu: 0.0.44.dev20260713+nightly
codegen_flags: <defaults>
</compile_context>

<pallas_src>
import functools

import jax
import jax.numpy as jnp
from jax import lax
from jax.experimental import pallas as pl
from jax.experimental.pallas import tpu as pltpu
from jax.experimental.pallas import tpu_sc as plsc

NC = 2
NS = 16
CH = 128
NBUF = 2
GRP = 8
NW = NC * NS


def _round_up(a, b):
    return ((a + b - 1) // b) * b



def _sc_hist(dst2, npad, per_w):
    n_ch = per_w // CH
    rows_t = npad // NS

    mesh = plsc.VectorSubcoreMesh(core_axis_name="c", subcore_axis_name="s")

    @functools.partial(
        pl.kernel,
        out_type=jax.ShapeDtypeStruct((NC * npad,), jnp.float32),
        mesh=mesh,
        scratch_types=[
            pltpu.VMEM((n_ch, CH), jnp.int32),
            pltpu.VMEM((CH,), jnp.float32),
            pltpu.VMEM((rows_t,), jnp.float32),
            pltpu.VMEM_SHARED((npad,), jnp.float32),
        ],
    )
    def hist_kernel(dst_hbm, out_hbm, dstb, onesv, zbuf, acc):
        cid = lax.axis_index("c")
        sid = lax.axis_index("s")
        wid = cid * NS + sid

        pltpu.sync_copy(dst_hbm.at[pl.ds(wid * n_ch, n_ch)], dstb)

        @pl.loop(0, CH, step=16)
        def _(i):
            onesv[pl.ds(i, 16)] = jnp.full((16,), 1.0, jnp.float32)

        @pl.loop(0, rows_t, step=16)
        def _(i):
            zbuf[pl.ds(i, 16)] = jnp.zeros((16,), jnp.float32)

        pltpu.sync_copy(zbuf, acc.at[pl.ds(sid * rows_t, rows_t)])
        plsc.subcore_barrier()

        @pl.loop(0, n_ch)
        def _(i):
            pltpu.sync_copy(onesv, acc.at[dstb.at[i]], add=True)

        plsc.subcore_barrier()
        pltpu.sync_copy(acc.at[pl.ds(sid * rows_t, rows_t)],
                        out_hbm.at[pl.ds(cid * npad + sid * rows_t, rows_t)])

    return hist_kernel(dst2).reshape(NC, npad)


def _sc_gather_scatter_add(ht, src2, dst2, npad, per_w):
    n, d = ht.shape
    n_ch = per_w // CH
    n_grp = n_ch // GRP
    rows_t = npad // NS

    mesh = plsc.VectorSubcoreMesh(core_axis_name="c", subcore_axis_name="s")

    @functools.partial(
        pl.kernel,
        out_type=jax.ShapeDtypeStruct((NC, npad, d), jnp.float32),
        mesh=mesh,
        scratch_types=[
            [pltpu.VMEM((GRP, CH), jnp.int32)] * 2,
            [pltpu.VMEM((GRP, CH), jnp.int32)] * 2,
            [pltpu.VMEM((CH, d), jnp.float32)] * NBUF,
            pltpu.VMEM_SHARED((npad, d), jnp.float32),
            [pltpu.SemaphoreType.DMA] * 2,
            [pltpu.SemaphoreType.DMA] * NBUF,
            [pltpu.SemaphoreType.DMA] * NBUF,
        ],
    )
    def gsa_kernel(ht_hbm, src_hbm, dst_hbm, out_hbm,
                   isrc, idst, rows, acc, isems, gsems, ssems):
        cid = lax.axis_index("c")
        sid = lax.axis_index("s")
        wid = cid * NS + sid
        gbase = wid * n_grp

        @pl.loop(0, CH)
        def _(i):
            @pl.loop(0, d, step=16)
            def _(j):
                rows[0][i, pl.ds(j, 16)] = jnp.zeros((16,), jnp.float32)

        @pl.loop(0, rows_t, step=CH)
        def _(r):
            pltpu.async_copy(rows[0], acc.at[pl.ds(sid * rows_t + r, CH)],
                             isems[1])
        @pl.loop(0, rows_t, step=CH)
        def _(r):
            pltpu.make_async_copy(rows[0],
                                  acc.at[pl.ds(sid * rows_t + r, CH)],
                                  isems[1]).wait()
        plsc.subcore_barrier()

        def fetch_idx(grp, p):
            pltpu.async_copy(src_hbm.at[pl.ds((gbase + grp) * GRP, GRP)],
                             isrc[p], isems[p])
            pltpu.async_copy(dst_hbm.at[pl.ds((gbase + grp) * GRP, GRP)],
                             idst[p], isems[p])

        def wait_idx(p):
            pltpu.make_async_copy(src_hbm.at[pl.ds(0, GRP)], isrc[p],
                                  isems[p]).wait()
            pltpu.make_async_copy(dst_hbm.at[pl.ds(0, GRP)], idst[p],
                                  isems[p]).wait()

        fetch_idx(0, 0)
        for b in range(NBUF):
            pltpu.async_copy(rows[0], acc.at[pl.ds(npad - CH, CH)], ssems[b])

        def wait_row_free(b):
            pltpu.make_async_copy(rows[b], acc.at[pl.ds(npad - CH, CH)],
                                  ssems[b]).wait()

        @pl.loop(0, n_grp, step=2)
        def _(g):
            for p in range(2):
                @pl.when(g + p + 1 < n_grp)
                def _():
                    fetch_idx(g + p + 1, 1 - p)
                wait_idx(p)
                gh = [None] * GRP
                sh = [None] * GRP
                wait_row_free(0)
                gh[0] = pltpu.async_copy(ht_hbm.at[isrc[p].at[0]],
                                         rows[0], gsems[0])
                for c in range(GRP):
                    b = c % 2
                    if c + 1 < GRP:
                        if c >= 1:
                            sh[c - 1].wait()
                        else:
                            wait_row_free(1)
                        gh[c + 1] = pltpu.async_copy(
                            ht_hbm.at[isrc[p].at[c + 1]], rows[1 - b],
                            gsems[1 - b])
                    gh[c].wait()
                    sh[c] = pltpu.async_copy(
                        rows[b], acc.at[idst[p].at[c]], ssems[b], add=True)

        for b in range(NBUF):
            wait_row_free(b)

        plsc.subcore_barrier()
        pltpu.sync_copy(acc.at[pl.ds(sid * rows_t, rows_t)],
                        out_hbm.at[cid, pl.ds(sid * rows_t, rows_t)])

    return gsa_kernel(ht, src2, dst2)



def _tc_prep(x, w1, degp, n):
    def body(x_ref, w_ref, dg_ref, ht_ref, dinv_ref):
        deg = dg_ref[0, 0:n] + dg_ref[1, 0:n] + 1.0
        dinv = lax.rsqrt(deg)
        dinv_ref[...] = dinv[:, None]
        mm = jnp.dot(x_ref[...], w_ref[...],
                     preferred_element_type=jnp.float32)
        ht_ref[...] = mm * dinv[:, None]
    return pl.pallas_call(
        body,
        out_shape=[
            jax.ShapeDtypeStruct((n, w1.shape[1]), jnp.float32),
            jax.ShapeDtypeStruct((n, 1), jnp.float32),
        ],
    )(x, w1, degp)


def _tc_mid(sp, ht1, dinv, b1, w2, n):
    def body(sp_ref, ht_ref, dinv_ref, b_ref, w_ref, o_ref):
        s = sp_ref[0, 0:n, :] + sp_ref[1, 0:n, :] + ht_ref[...]
        h1 = jnp.maximum(dinv_ref[...] * s + b_ref[...], 0.0)
        o_ref[...] = jnp.dot(h1, w_ref[...],
                             preferred_element_type=jnp.float32) * dinv_ref[...]
    return pl.pallas_call(
        body,
        out_shape=jax.ShapeDtypeStruct((n, ht1.shape[1]), jnp.float32),
    )(sp, ht1, dinv, b1, w2)


def _tc_final(sp, ht2, dinv, b2, batch2d, lin_w, lin_b, n, g):
    def body(sp_ref, ht_ref, dinv_ref, b_ref, bat_ref, lw_ref, lb_ref, o_ref):
        s = sp_ref[0, 0:n, :] + sp_ref[1, 0:n, :] + ht_ref[...]
        h2 = jnp.maximum(dinv_ref[...] * s + b_ref[...], 0.0)
        gids = lax.broadcasted_iota(jnp.int32, (1, g), 1)
        oh = (bat_ref[...] == gids).astype(jnp.float32)
        sums = lax.dot_general(oh, h2, (((0,), (0,)), ((), ())),
                               preferred_element_type=jnp.float32)
        counts = jnp.sum(oh, axis=0)
        pooled = sums / jnp.maximum(counts, 1.0)[:, None]
        o_ref[...] = jnp.dot(pooled, lw_ref[...],
                             preferred_element_type=jnp.float32) + lb_ref[...]
    return pl.pallas_call(
        body,
        out_shape=jax.ShapeDtypeStruct((g, 1), jnp.float32),
    )(sp, ht2, dinv, b2, batch2d, lin_w, lin_b)



def kernel(x, edge_index, batch, W1, b1, W2, b2, lin_W, lin_b):
    n, d = x.shape
    num_graphs = 128
    e = edge_index.shape[1]

    per_w = _round_up(e, NW * 2 * GRP * CH) // NW
    e_pad = per_w * NW
    npad_e = e_pad - e
    npad = _round_up(n + 1, 16 * 16)

    src = edge_index[0]
    dst = edge_index[1]
    if npad_e:
        ar = jnp.arange(npad_e, dtype=jnp.int32)
        src_p = jnp.concatenate([src, ar % n])
        dst_p = jnp.concatenate([dst, n + ar % (npad - n)])
    else:
        src_p, dst_p = src, dst
    src2 = src_p.reshape(e_pad // CH, CH)
    dst2 = dst_p.reshape(e_pad // CH, CH)

    batch2d = batch.reshape(n, 1)
    b1r = b1.reshape(1, -1)
    b2r = b2.reshape(1, -1)
    lbr = lin_b.reshape(1, 1)

    degp = _sc_hist(dst2, npad, per_w)
    ht1, dinv = _tc_prep(x, W1, degp, n)

    s1 = _sc_gather_scatter_add(ht1, src2, dst2, npad, per_w)
    ht2 = _tc_mid(s1, ht1, dinv, b1r, W2, n)

    s2 = _sc_gather_scatter_add(ht2, src2, dst2, npad, per_w)
    out = _tc_final(s2, ht2, dinv, b2r, batch2d, lin_W, lbr, n, num_graphs)
    return out

# --- scband reference (transcript-rebuilt; emitter-appended) ---
"""Pipeline reference for scband-gcn-1529008357501 (READ-ONLY COPY).

The authoritative reference and input builder live on the scoring server;
editing this copy changes nothing except your own understanding.
"""

import jax, jax.numpy as jnp
import numpy as np

N = 10000
E = 320000
D = 128
H = 128
G = 128


def setup_inputs(seed: int = 0) -> dict:
    key = jax.random.key(seed)
    ks = jax.random.split(key, 10)
    x = jax.random.normal(ks[0], (N, D), dtype=jnp.float32)
    edge_index = jax.random.randint(ks[1], (2, E), 0, N, dtype=jnp.int32)
    batch = jnp.sort(jax.random.randint(ks[2], (N,), 0, G, dtype=jnp.int32))
    W1 = jax.random.normal(ks[3], (D, H), dtype=jnp.float32) * (1.0 / np.sqrt(D))
    b1 = jnp.zeros((H,), dtype=jnp.float32)
    W2 = jax.random.normal(ks[4], (H, H), dtype=jnp.float32) * (1.0 / np.sqrt(H))
    b2 = jnp.zeros((H,), dtype=jnp.float32)
    lin_W = jax.random.normal(ks[5], (H, 1), dtype=jnp.float32) * (1.0 / np.sqrt(H))
    lin_b = jnp.zeros((1,), dtype=jnp.float32)
    return {"x": x, "edge_index": edge_index, "batch": batch,
            "W1": W1, "b1": b1, "W2": W2, "b2": b2,
            "lin_W": lin_W, "lin_b": lin_b}


def _gcn_conv(x, W, b, src, dst, norm, num_nodes):
    h = x @ W
    msg = h[src] * norm[:, None]
    agg = jax.ops.segment_sum(msg, dst, num_segments=num_nodes)
    return agg + b


def reference(x, edge_index, batch, W1, b1, W2, b2, lin_W, lin_b):
    num_nodes = x.shape[0]
    # add self-loops (PyG GCNConv default)
    loop = jnp.arange(num_nodes, dtype=edge_index.dtype)
    src = jnp.concatenate([edge_index[0], loop])
    dst = jnp.concatenate([edge_index[1], loop])
    # symmetric normalization deg^{-1/2} A_hat deg^{-1/2}
    deg = jax.ops.segment_sum(jnp.ones_like(dst, dtype=jnp.float32), dst,
                              num_segments=num_nodes)
    dinv = jnp.where(deg > 0, jax.lax.rsqrt(deg), 0.0)
    norm = dinv[src] * dinv[dst]

    h = _gcn_conv(x, W1, b1, src, dst, norm, num_nodes)
    h = jax.nn.relu(h)
    h = _gcn_conv(h, W2, b2, src, dst, norm, num_nodes)
    h = jax.nn.relu(h)

    # global_mean_pool over graph ids
    num_graphs = G
    sums = jax.ops.segment_sum(h, batch, num_segments=num_graphs)
    counts = jax.ops.segment_sum(jnp.ones((num_nodes,), dtype=jnp.float32),
                                 batch, num_segments=num_graphs)
    pooled = sums / jnp.maximum(counts, 1.0)[:, None]

    out = pooled @ lin_W + lin_b
    return out

if __name__ == "__main__":
    import jax
    _d = setup_inputs()
    print(jax.jit(kernel)(*tuple(_d.values())))

</pallas_src>

<mosaic_0001>
#map = affine_map<(d0, d1) -> (0, 0)>
#map1 = affine_map<(d0, d1) -> (0)>
module attributes {stable_mosaic.version = 14 : i64} {
  func.func @hist_kernel(%arg0: i32, %arg1: i32, %arg2: memref<2560x128xi32, #tpu.memory_space<hbm>>, %arg3: memref<20480xf32, #tpu.memory_space<hbm>>, %arg4: memref<80x128xi32, #tpu.memory_space<vmem>>, %arg5: memref<128xf32, #tpu.memory_space<vmem>>, %arg6: memref<640xf32, #tpu.memory_space<vmem>>, %arg7: memref<10240xf32, #tpu.memory_space<vmem_shared>>) attributes {dimension_semantics = [#tpu.dimension_semantics<core_parallel>, #tpu.dimension_semantics<subcore_parallel>], iteration_bounds = array<i64: 2, 16>, scalar_prefetch = 0 : i64, scratch_operands = 4 : i64, tpu.core_type = #tpu.core_type<sc_vector_subcore>, window_params = [{transform_indices = #map}, {transform_indices = #map1}]} {
    %mul3A = arith.constant 16 : i32
    %mul3A_0 = arith.muli %arg0, %mul3A : i32
    %add3A = arith.addi %mul3A_0, %arg1 : i32
    %mul3A_1 = arith.constant 80 : i32
    %mul3A_2 = arith.muli %add3A, %mul3A_1 : i32
    "tpu.region"() ({
      %run_scoped3A = tpu.sem_alloc : memref<!tpu.dma_semaphore, #tpu.memory_space<semaphore_mem>>
      %dma_start3A = arith.constant 0 : i32
      %dma_start3A_27 = tpu.memref_slice %arg2[%mul3A_2, %dma_start3A] : memref<2560x128xi32, #tpu.memory_space<hbm>> -> memref<80x128xi32, #tpu.memory_space<hbm>>
      %dma_start3A_28 = arith.constant 0 : i32
      %dma_start3A_29 = tpu.memref_slice %arg2[%mul3A_2, %dma_start3A_28] : memref<2560x128xi32, #tpu.memory_space<hbm>> -> memref<80x128xi32, #tpu.memory_space<hbm>>
      tpu.enqueue_dma source(%dma_start3A_29 : memref<80x128xi32, #tpu.memory_space<hbm>>) target(%arg4 : memref<80x128xi32, #tpu.memory_space<vmem>>) target_semaphore(%run_scoped3A : memref<!tpu.dma_semaphore, #tpu.memory_space<semaphore_mem>>)
      %dma_wait3A = arith.constant 0 : i32
      %dma_wait3A_30 = tpu.memref_slice %arg2[%mul3A_2, %dma_wait3A] : memref<2560x128xi32, #tpu.memory_space<hbm>> -> memref<80x128xi32, #tpu.memory_space<hbm>>
      %dma_wait3A_31 = arith.constant 0 : i32
      %dma_wait3A_32 = tpu.memref_slice %arg2[%mul3A_2, %dma_wait3A_31] : memref<2560x128xi32, #tpu.memory_space<hbm>> -> memref<80x128xi32, #tpu.memory_space<hbm>>
      tpu.wait_dma2 semaphore(%run_scoped3A : memref<!tpu.dma_semaphore, #tpu.memory_space<semaphore_mem>>) src(%dma_wait3A_32 : memref<80x128xi32, #tpu.memory_space<hbm>>) dst(%arg4 : memref<80x128xi32, #tpu.memory_space<vmem>>)
      tpu.yield
    }) : () -> ()
    %scan3A = arith.constant 0 : i32
    %scan3A_3 = arith.constant 8 : i32
    %scan3A_4 = arith.addi %scan3A, %scan3A_3 : i32
    %scan3A_5 = arith.constant 1 : i32
    scf.for %scan3A_27 = %scan3A to %scan3A_4 step %scan3A_5  : i32 {
      %mul3A_28 = arith.constant 16 : i32
      %mul3A_29 = arith.muli %scan3A_27, %mul3A_28 : i32
      %add3A_30 = arith.constant 0 : i32
      %add3A_31 = arith.addi %add3A_30, %mul3A_29 : i32
      %broadcast_in_dim3A = arith.constant 1.000000e+00 : f32
      %broadcast_in_dim3A_32 = vector.broadcast %broadcast_in_dim3A : f32 to vector<16xf32>
      %swap3A = arith.index_cast %add3A_31 : i32 to index
      %swap3A_33 = tpu.vector_load %arg5[%swap3A] {strides = array<i32>} : memref<128xf32, #tpu.memory_space<vmem>>, vector<16xf32>,
      %swap3A_34 = vector.shape_cast %swap3A_33 : vector<16xf32> to vector<16xf32>
      %swap3A_35 = vector.shape_cast %broadcast_in_dim3A_32 : vector<16xf32> to vector<16xf32>
      tpu.vector_store %arg5[%swap3A], %swap3A_35 {strides = array<i32>} : memref<128xf32, #tpu.memory_space<vmem>>, vector<16xf32>,
    }
    %scan3A_6 = arith.constant 8 : i32
    %scan3A_7 = arith.constant 0 : i32
    %scan3A_8 = arith.constant 40 : i32
    %scan3A_9 = arith.addi %scan3A_7, %scan3A_8 : i32
    %scan3A_10 = arith.constant 1 : i32
    scf.for %scan3A_27 = %scan3A_7 to %scan3A_9 step %scan3A_10  : i32 {
      %mul3A_28 = arith.constant 16 : i32
      %mul3A_29 = arith.muli %scan3A_27, %mul3A_28 : i32
      %add3A_30 = arith.constant 0 : i32
      %add3A_31 = arith.addi %add3A_30, %mul3A_29 : i32
      %broadcast_in_dim3A = arith.constant 0.000000e+00 : f32
      %broadcast_in_dim3A_32 = vector.broadcast %broadcast_in_dim3A : f32 to vector<16xf32>
      %swap3A = arith.index_cast %add3A_31 : i32 to index
      %swap3A_33 = tpu.vector_load %arg6[%swap3A] {strides = array<i32>} : memref<640xf32, #tpu.memory_space<vmem>>, vector<16xf32>,
      %swap3A_34 = vector.shape_cast %swap3A_33 : vector<16xf32> to vector<16xf32>
      %swap3A_35 = vector.shape_cast %broadcast_in_dim3A_32 : vector<16xf32> to vector<16xf32>
      tpu.vector_store %arg6[%swap3A], %swap3A_35 {strides = array<i32>} : memref<640xf32, #tpu.memory_space<vmem>>, vector<16xf32>,
    }
    %scan3A_11 = arith.constant 40 : i32
    %mul3A_12 = arith.constant 640 : i32
    %mul3A_13 = arith.muli %arg1, %mul3A_12 : i32
    "tpu.region"() ({
      %run_scoped3A = tpu.sem_alloc : memref<!tpu.dma_semaphore, #tpu.memory_space<semaphore_mem>>
      %dma_start3A = tpu.memref_slice %arg7[%mul3A_13] : memref<10240xf32, #tpu.memory_space<vmem_shared>> -> memref<640xf32, #tpu.memory_space<vmem_shared>>
      %dma_start3A_27 = tpu.memref_slice %arg7[%mul3A_13] : memref<10240xf32, #tpu.memory_space<vmem_shared>> -> memref<640xf32, #tpu.memory_space<vmem_shared>>
      tpu.enqueue_dma source(%arg6 : memref<640xf32, #tpu.memory_space<vmem>>) target(%dma_start3A_27 : memref<640xf32, #tpu.memory_space<vmem_shared>>) target_semaphore(%run_scoped3A : memref<!tpu.dma_semaphore, #tpu.memory_space<semaphore_mem>>)
      %dma_wait3A = tpu.memref_slice %arg7[%mul3A_13] : memref<10240xf32, #tpu.memory_space<vmem_shared>> -> memref<640xf32, #tpu.memory_space<vmem_shared>>
      %dma_wait3A_28 = tpu.memref_slice %arg7[%mul3A_13] : memref<10240xf32, #tpu.memory_space<vmem_shared>> -> memref<640xf32, #tpu.memory_space<vmem_shared>>
      tpu.wait_dma2 semaphore(%run_scoped3A : memref<!tpu.dma_semaphore, #tpu.memory_space<semaphore_mem>>) src(%arg6 : memref<640xf32, #tpu.memory_space<vmem>>) dst(%dma_wait3A_28 : memref<640xf32, #tpu.memory_space<vmem_shared>>)
      tpu.yield
    }) : () -> ()
    %barrier3A = arith.constant 0 : index
    tpu.barrier barrier_id(%barrier3A)
    %scan3A_14 = arith.constant 0 : i32
    %scan3A_15 = arith.constant 80 : i32
    %scan3A_16 = arith.addi %scan3A_14, %scan3A_15 : i32
    %scan3A_17 = arith.constant 1 : i32
    scf.for %scan3A_27 = %scan3A_14 to %scan3A_16 step %scan3A_17  : i32 {
      %mul3A_28 = arith.constant 1 : i32
      %mul3A_29 = arith.muli %scan3A_27, %mul3A_28 : i32
      %add3A_30 = arith.constant 0 : i32
      %add3A_31 = arith.addi %add3A_30, %mul3A_29 : i32
      "tpu.region"() ({
        %run_scoped3A = tpu.sem_alloc : memref<!tpu.dma_semaphore, #tpu.memory_space<semaphore_mem>>
        %dma_start3A = arith.constant 0 : i32
        %dma_start3A_32 = tpu.memref_slice %arg4[%add3A_31, %dma_start3A] : memref<80x128xi32, #tpu.memory_space<vmem>> -> memref<1x128xi32, #tpu.memory_space<vmem>>
        %dma_start3A_33 = tpu.memref_squeeze %dma_start3A_32 : memref<1x128xi32, #tpu.memory_space<vmem>> -> memref<128xi32, #tpu.memory_space<vmem>>
        %dma_start3A_34 = arith.constant 0 : i32
        %dma_start3A_35 = tpu.memref_slice %arg7[%dma_start3A_34] : memref<10240xf32, #tpu.memory_space<vmem_shared>> -> memref<10240xf32, #tpu.memory_space<vmem_shared>>
        tpu.enqueue_indirect_dma source(%arg5 : memref<128xf32, #tpu.memory_space<vmem>>) target(%dma_start3A_35 : memref<10240xf32, #tpu.memory_space<vmem_shared>>) offsets(%dma_start3A_33 : memref<128xi32, #tpu.memory_space<vmem>>) semaphore(%run_scoped3A : memref<!tpu.dma_semaphore, #tpu.memory_space<semaphore_mem>>) {add = true}
        %dma_wait3A = arith.constant 0 : i32
        %dma_wait3A_36 = tpu.memref_slice %arg4[%add3A_31, %dma_wait3A] : memref<80x128xi32, #tpu.memory_space<vmem>> -> memref<1x128xi32, #tpu.memory_space<vmem>>
        %dma_wait3A_37 = tpu.memref_squeeze %dma_wait3A_36 : memref<1x128xi32, #tpu.memory_space<vmem>> -> memref<128xi32, #tpu.memory_space<vmem>>
        %dma_wait3A_38 = arith.constant 0 : i32
        %dma_wait3A_39 = tpu.memref_slice %arg7[%dma_wait3A_38] : memref<10240xf32, #tpu.memory_space<vmem_shared>> -> memref<10240xf32, #tpu.memory_space<vmem_shared>>
        tpu.wait_indirect_dma semaphore(%run_scoped3A : memref<!tpu.dma_semaphore, #tpu.memory_space<semaphore_mem>>) src(%arg5 : memref<128xf32, #tpu.memory_space<vmem>>) dst(%dma_wait3A_39 : memref<10240xf32, #tpu.memory_space<vmem_shared>>)
        tpu.yield
      }) : () -> ()
    }
    %scan3A_18 = arith.constant 80 : i32
    %barrier3A_19 = arith.constant 0 : index
    tpu.barrier barrier_id(%barrier3A_19)
    %mul3A_20 = arith.constant 640 : i32
    %mul3A_21 = arith.muli %arg1, %mul3A_20 : i32
    %mul3A_22 = arith.constant 10240 : i32
    %mul3A_23 = arith.muli %arg0, %mul3A_22 : i32
    %mul3A_24 = arith.constant 640 : i32
    %mul3A_25 = arith.muli %arg1, %mul3A_24 : i32
    %add3A_26 = arith.addi %mul3A_23, %mul3A_25 : i32
    "tpu.region"() ({
      %run_scoped3A = tpu.sem_alloc : memref<!tpu.dma_semaphore, #tpu.memory_space<semaphore_mem>>
      %dma_start3A = tpu.memref_slice %arg3[%add3A_26] : memref<20480xf32, #tpu.memory_space<hbm>> -> memref<640xf32, #tpu.memory_space<hbm>>
      %dma_start3A_27 = tpu.memref_slice %arg7[%mul3A_21] : memref<10240xf32, #tpu.memory_space<vmem_shared>> -> memref<640xf32, #tpu.memory_space<vmem_shared>>
      tpu.enqueue_dma source(%dma_start3A_27 : memref<640xf32, #tpu.memory_space<vmem_shared>>) target(%dma_start3A : memref<640xf32, #tpu.memory_space<hbm>>) target_semaphore(%run_scoped3A : memref<!tpu.dma_semaphore, #tpu.memory_space<semaphore_mem>>)
      %dma_wait3A = tpu.memref_slice %arg3[%add3A_26] : memref<20480xf32, #tpu.memory_space<hbm>> -> memref<640xf32, #tpu.memory_space<hbm>>
      %dma_wait3A_28 = tpu.memref_slice %arg7[%mul3A_21] : memref<10240xf32, #tpu.memory_space<vmem_shared>> -> memref<640xf32, #tpu.memory_space<vmem_shared>>
      tpu.wait_dma2 semaphore(%run_scoped3A : memref<!tpu.dma_semaphore, #tpu.memory_space<semaphore_mem>>) src(%dma_wait3A_28 : memref<640xf32, #tpu.memory_space<vmem_shared>>) dst(%dma_wait3A : memref<640xf32, #tpu.memory_space<hbm>>)
      tpu.yield
    }) : () -> ()
    return
  }
}

#map = affine_map<(d0, d1) -> (0, 0)>
#map1 = affine_map<(d0, d1) -> (0, 0, 0)>
module attributes {stable_mosaic.version = 14 : i64} {
  func.func @gsa_kernel(%arg0: i32, %arg1: i32, %arg2: memref<10000x128xf32, #tpu.memory_space<hbm>>, %arg3: memref<2560x128xi32, #tpu.memory_space<hbm>>, %arg4: memref<2560x128xi32, #tpu.memory_space<hbm>>, %arg5: memref<2x10240x128xf32, #tpu.memory_space<hbm>>, %arg6: memref<8x128xi32, #tpu.memory_space<vmem>>, %arg7: memref<8x128xi32, #tpu.memory_space<vmem>>, %arg8: memref<8x128xi32, #tpu.memory_space<vmem>>, %arg9: memref<8x128xi32, #tpu.memory_space<vmem>>, %arg10: memref<128x128xf32, #tpu.memory_space<vmem>>, %arg11: memref<128x128xf32, #tpu.memory_space<vmem>>, %arg12: memref<10240x128xf32, #tpu.memory_space<vmem_shared>>, %arg13: memref<!tpu.dma_semaphore, #tpu.memory_space<semaphore_mem>>, %arg14: memref<!tpu.dma_semaphore, #tpu.memory_space<semaphore_mem>>, %arg15: memref<!tpu.dma_semaphore, #tpu.memory_space<semaphore_mem>>, %arg16: memref<!tpu.dma_semaphore, #tpu.memory_space<semaphore_mem>>, %arg17: memref<!tpu.dma_semaphore, #tpu.memory_space<semaphore_mem>>, %arg18: memref<!tpu.dma_semaphore, #tpu.memory_space<semaphore_mem>>) attributes {dimension_semantics = [#tpu.dimension_semantics<core_parallel>, #tpu.dimension_semantics<subcore_parallel>], iteration_bounds = array<i64: 2, 16>, scalar_prefetch = 0 : i64, scratch_operands = 13 : i64, tpu.core_type = #tpu.core_type<sc_vector_subcore>, window_params = [{transform_indices = #map}, {transform_indices = #map}, {transform_indices = #map}, {transform_indices = #map1}]} {
    %mul3A = arith.constant 16 : i32
    %mul3A_0 = arith.muli %arg0, %mul3A : i32
    %add3A = arith.addi %mul3A_0, %arg1 : i32
    %mul3A_1 = arith.constant 10 : i32
    %mul3A_2 = arith.muli %add3A, %mul3A_1 : i32
    %scan3A = arith.constant 0 : i32
    %scan3A_3 = arith.constant 128 : i32
    %scan3A_4 = arith.addi %scan3A, %scan3A_3 : i32
    %scan3A_5 = arith.constant 1 : i32
    scf.for %scan3A_65 = %scan3A to %scan3A_4 step %scan3A_5  : i32 {
      %mul3A_66 = arith.constant 1 : i32
      %mul3A_67 = arith.muli %scan3A_65, %mul3A_66 : i32
      %add3A_68 = arith.constant 0 : i32
      %add3A_69 = arith.addi %add3A_68, %mul3A_67 : i32
      %scan3A_70 = arith.constant 0 : i32
      %scan3A_71 = arith.constant 8 : i32
      %scan3A_72 = arith.addi %scan3A_70, %scan3A_71 : i32
      %scan3A_73 = arith.constant 1 : i32
      scf.for %scan3A_75 = %scan3A_70 to %scan3A_72 step %scan3A_73  : i32 {
        %mul3A_76 = arith.constant 16 : i32
        %mul3A_77 = arith.muli %scan3A_75, %mul3A_76 : i32
        %add3A_78 = arith.constant 0 : i32
        %add3A_79 = arith.addi %add3A_78, %mul3A_77 : i32
        %broadcast_in_dim3A = arith.constant 0.000000e+00 : f32
        %broadcast_in_dim3A_80 = vector.broadcast %broadcast_in_dim3A : f32 to vector<16xf32>
        %swap3A = arith.index_cast %add3A_69 : i32 to index
        %swap3A_81 = arith.index_cast %add3A_79 : i32 to index
        %swap3A_82 = tpu.vector_load %arg10[%swap3A, %swap3A_81] {strides = array<i32>} : memref<128x128xf32, #tpu.memory_space<vmem>>, vector<1x16xf32>,
        %swap3A_83 = vector.shape_cast %swap3A_82 : vector<1x16xf32> to vector<16xf32>
        %swap3A_84 = vector.shape_cast %broadcast_in_dim3A_80 : vector<16xf32> to vector<1x16xf32>
        tpu.vector_store %arg10[%swap3A, %swap3A_81], %swap3A_84 {strides = array<i32>} : memref<128x128xf32, #tpu.memory_space<vmem>>, vector<1x16xf32>,
      }
      %scan3A_74 = arith.constant 8 : i32
    }
    %scan3A_6 = arith.constant 128 : i32
    %scan3A_7 = arith.constant 0 : i32
    %scan3A_8 = arith.constant 5 : i32
    %scan3A_9 = arith.addi %scan3A_7, %scan3A_8 : i32
    %scan3A_10 = arith.constant 1 : i32
    scf.for %scan3A_65 = %scan3A_7 to %scan3A_9 step %scan3A_10  : i32 {
      %mul3A_66 = arith.constant 128 : i32
      %mul3A_67 = arith.muli %scan3A_65, %mul3A_66 : i32
      %add3A_68 = arith.constant 0 : i32
      %add3A_69 = arith.addi %add3A_68, %mul3A_67 : i32
      %mul3A_70 = arith.constant 640 : i32
      %mul3A_71 = arith.muli %arg1, %mul3A_70 : i32
      %add3A_72 = arith.addi %mul3A_71, %add3A_69 : i32
      %dma_start3A_73 = arith.constant 0 : i32
      %dma_start3A_74 = tpu.memref_slice %arg12[%add3A_72, %dma_start3A_73] : memref<10240x128xf32, #tpu.memory_space<vmem_shared>> -> memref<128x128xf32, #tpu.memory_space<vmem_shared>>
      %dma_start3A_75 = arith.constant 0 : i32
      %dma_start3A_76 = tpu.memref_slice %arg12[%add3A_72, %dma_start3A_75] : memref<10240x128xf32, #tpu.memory_space<vmem_shared>> -> memref<128x128xf32, #tpu.memory_space<vmem_shared>>
      tpu.enqueue_dma source(%arg10 : memref<128x128xf32, #tpu.memory_space<vmem>>) target(%dma_start3A_76 : memref<128x128xf32, #tpu.memory_space<vmem_shared>>) target_semaphore(%arg14 : memref<!tpu.dma_semaphore, #tpu.memory_space<semaphore_mem>>)
    }
    %scan3A_11 = arith.constant 5 : i32
    %scan3A_12 = arith.constant 0 : i32
    %scan3A_13 = arith.constant 5 : i32
    %scan3A_14 = arith.addi %scan3A_12, %scan3A_13 : i32
    %scan3A_15 = arith.constant 1 : i32
    scf.for %scan3A_65 = %scan3A_12 to %scan3A_14 step %scan3A_15  : i32 {
      %mul3A_66 = arith.constant 128 : i32
      %mul3A_67 = arith.muli %scan3A_65, %mul3A_66 : i32
      %add3A_68 = arith.constant 0 : i32
      %add3A_69 = arith.addi %add3A_68, %mul3A_67 : i32
      %mul3A_70 = arith.constant 640 : i32
      %mul3A_71 = arith.muli %arg1, %mul3A_70 : i32
      %add3A_72 = arith.addi %mul3A_71, %add3A_69 : i32
      %dma_wait3A_73 = arith.constant 0 : i32
      %dma_wait3A_74 = tpu.memref_slice %arg12[%add3A_72, %dma_wait3A_73] : memref<10240x128xf32, #tpu.memory_space<vmem_shared>> -> memref<128x128xf32, #tpu.memory_space<vmem_shared>>
      %dma_wait3A_75 = arith.constant 0 : i32
      %dma_wait3A_76 = tpu.memref_slice %arg12[%add3A_72, %dma_wait3A_75] : memref<10240x128xf32, #tpu.memory_space<vmem_shared>> -> memref<128x128xf32, #tpu.memory_space<vmem_shared>>
      tpu.wait_dma2 semaphore(%arg14 : memref<!tpu.dma_semaphore, #tpu.memory_space<semaphore_mem>>) src(%arg10 : memref<128x128xf32, #tpu.memory_space<vmem>>) dst(%dma_wait3A_76 : memref<128x128xf32, #tpu.memory_space<vmem_shared>>)
    }
    %scan3A_16 = arith.constant 5 : i32
    %barrier3A = arith.constant 0 : index
    tpu.barrier barrier_id(%barrier3A)
    %add3A_17 = arith.constant 0 : i32
    %add3A_18 = arith.addi %mul3A_2, %add3A_17 : i32
    %mul3A_19 = arith.constant 8 : i32
    %mul3A_20 = arith.muli %add3A_18, %mul3A_19 : i32
    %dma_start3A = arith.constant 0 : i32
    %dma_start3A_21 = tpu.memref_slice %arg3[%mul3A_20, %dma_start3A] : memref<2560x128xi32, #tpu.memory_space<hbm>> -> memref<8x128xi32, #tpu.memory_space<hbm>>
    %dma_start3A_22 = arith.constant 0 : i32
    %dma_start3A_23 = tpu.memref_slice %arg3[%mul3A_20, %dma_start3A_22] : memref<2560x128xi32, #tpu.memory_space<hbm>> -> memref<8x128xi32, #tpu.memory_space<hbm>>
    tpu.enqueue_dma source(%dma_start3A_23 : memref<8x128xi32, #tpu.memory_space<hbm>>) target(%arg6 : memref<8x128xi32, #tpu.memory_space<vmem>>) target_semaphore(%arg13 : memref<!tpu.dma_semaphore, #tpu.memory_space<semaphore_mem>>)
    %add3A_24 = arith.constant 0 : i32
    %add3A_25 = arith.addi %mul3A_2, %add3A_24 : i32
    %mul3A_26 = arith.constant 8 : i32
    %mul3A_27 = arith.muli %add3A_25, %mul3A_26 : i32
    %dma_start3A_28 = arith.constant 0 : i32
    %dma_start3A_29 = tpu.memref_slice %arg4[%mul3A_27, %dma_start3A_28] : memref<2560x128xi32, #tpu.memory_space<hbm>> -> memref<8x128xi32, #tpu.memory_space<hbm>>
    %dma_start3A_30 = arith.constant 0 : i32
    %dma_start3A_31 = tpu.memref_slice %arg4[%mul3A_27, %dma_start3A_30] : memref<2560x128xi32, #tpu.memory_space<hbm>> -> memref<8x128xi32, #tpu.memory_space<hbm>>
    tpu.enqueue_dma source(%dma_start3A_31 : memref<8x128xi32, #tpu.memory_space<hbm>>) target(%arg8 : memref<8x128xi32, #tpu.memory_space<vmem>>) target_semaphore(%arg13 : memref<!tpu.dma_semaphore, #tpu.memory_space<semaphore_mem>>)
    %dma_start3A_32 = arith.constant 10112 : i32
    %dma_start3A_33 = arith.constant 0 : i32
    %dma_start3A_34 = tpu.memref_slice %arg12[%dma_start3A_32, %dma_start3A_33] : memref<10240x128xf32, #tpu.memory_space<vmem_shared>> -> memref<128x128xf32, #tpu.memory_space<vmem_shared>>
    %dma_start3A_35 = arith.constant 10112 : i32
    %dma_start3A_36 = arith.constant 0 : i32
    %dma_start3A_37 = tpu.memref_slice %arg12[%dma_start3A_35, %dma_start3A_36] : memref<10240x128xf32, #tpu.memory_space<vmem_shared>> -> memref<128x128xf32, #tpu.memory_space<vmem_shared>>
    tpu.enqueue_dma source(%arg10 : memref<128x128xf32, #tpu.memory_space<vmem>>) target(%dma_start3A_37 : memref<128x128xf32, #tpu.memory_space<vmem_shared>>) target_semaphore(%arg17 : memref<!tpu.dma_semaphore, #tpu.memory_space<semaphore_mem>>)
    %dma_start3A_38 = arith.constant 10112 : i32
    %dma_start3A_39 = arith.constant 0 : i32
    %dma_start3A_40 = tpu.memref_slice %arg12[%dma_start3A_38, %dma_start3A_39] : memref<10240x128xf32, #tpu.memory_space<vmem_shared>> -> memref<128x128xf32, #tpu.memory_space<vmem_shared>>
    %dma_start3A_41 = arith.constant 10112 : i32
    %dma_start3A_42 = arith.constant 0 : i32
    %dma_start3A_43 = tpu.memref_slice %arg12[%dma_start3A_41, %dma_start3A_42] : memref<10240x128xf32, #tpu.memory_space<vmem_shared>> -> memref<128x128xf32, #tpu.memory_space<vmem_shared>>
    tpu.enqueue_dma source(%arg10 : memref<128x128xf32, #tpu.memory_space<vmem>>) target(%dma_start3A_43 : memref<128x128xf32, #tpu.memory_space<vmem_shared>>) target_semaphore(%arg18 : memref<!tpu.dma_semaphore, #tpu.memory_space<semaphore_mem>>)
    %scan3A_44 = arith.constant 0 : i32
    %scan3A_45 = arith.constant 5 : i32
    %scan3A_46 = arith.addi %scan3A_44, %scan3A_45 : i32
    %scan3A_47 = arith.constant 1 : i32
    scf.for %scan3A_65 = %scan3A_44 to %scan3A_46 step %scan3A_47  : i32 {
      %mul3A_66 = arith.constant 2 : i32
      %mul3A_67 = arith.muli %scan3A_65, %mul3A_66 : i32
      %add3A_68 = arith.constant 0 : i32
      %add3A_69 = arith.addi %add3A_68, %mul3A_67 : i32
      %add3A_70 = arith.constant 0 : i32
      %add3A_71 = arith.addi %add3A_69, %add3A_70 : i32
      %add3A_72 = arith.constant 1 : i32
      %add3A_73 = arith.addi %add3A_71, %add3A_72 : i32
      %lt3A = arith.constant 10 : i32
      %lt3A_74 = arith.cmpi slt, %add3A_73, %lt3A : i32
      %convert_element_type3A = arith.extui %lt3A_74 : i1 to i32
      %cond3A = arith.constant 0 : i32
      %cond3A_75 = arith.cmpi ne, %convert_element_type3A, %cond3A : i32
      scf.if %cond3A_75 {
        %add3A_553 = arith.constant 0 : i32
        %add3A_554 = arith.addi %add3A_69, %add3A_553 : i32
        %add3A_555 = arith.constant 1 : i32
        %add3A_556 = arith.addi %add3A_554, %add3A_555 : i32
        %add3A_557 = arith.addi %mul3A_2, %add3A_556 : i32
        %mul3A_558 = arith.constant 8 : i32
        %mul3A_559 = arith.muli %add3A_557, %mul3A_558 : i32
        %dma_start3A_560 = arith.constant 0 : i32
        %dma_start3A_561 = tpu.memref_slice %arg3[%mul3A_559, %dma_start3A_560] : memref<2560x128xi32, #tpu.memory_space<hbm>> -> memref<8x128xi32, #tpu.memory_space<hbm>>
        %dma_start3A_562 = arith.constant 0 : i32
        %dma_start3A_563 = tpu.memref_slice %arg3[%mul3A_559, %dma_start3A_562] : memref<2560x128xi32, #tpu.memory_space<hbm>> -> memref<8x128xi32, #tpu.memory_space<hbm>>
        tpu.enqueue_dma source(%dma_start3A_563 : memref<8x128xi32, #tpu.memory_space<hbm>>) target(%arg7 : memref<8x128xi32, #tpu.memory_space<vmem>>) target_semaphore(%arg14 : memref<!tpu.dma_semaphore, #tpu.memory_space<semaphore_mem>>)
        %add3A_564 = arith.addi %mul3A_2, %add3A_556 : i32
        %mul3A_565 = arith.constant 8 : i32
        %mul3A_566 = arith.muli %add3A_564, %mul3A_565 : i32
        %dma_start3A_567 = arith.constant 0 : i32
        %dma_start3A_568 = tpu.memref_slice %arg4[%mul3A_566, %dma_start3A_567] : memref<2560x128xi32, #tpu.memory_space<hbm>> -> memref<8x128xi32, #tpu.memory_space<hbm>>
        %dma_start3A_569 = arith.constant 0 : i32
        %dma_start3A_570 = tpu.memref_slice %arg4[%mul3A_566, %dma_start3A_569] : memref<2560x128xi32, #tpu.memory_space<hbm>> -> memref<8x128xi32, #tpu.memory_space<hbm>>
        tpu.enqueue_dma source(%dma_start3A_570 : memref<8x128xi32, #tpu.memory_space<hbm>>) target(%arg9 : memref<8x128xi32, #tpu.memory_space<vmem>>) target_semaphore(%arg14 : memref<!tpu.dma_semaphore, #tpu.memory_space<semaphore_mem>>)
      } else {
      }
      %dma_wait3A_76 = arith.constant 0 : i32
      %dma_wait3A_77 = arith.constant 0 : i32
      %dma_wait3A_78 = tpu.memref_slice %arg3[%dma_wait3A_76, %dma_wait3A_77] : memref<2560x128xi32, #tpu.memory_space<hbm>> -> memref<8x128xi32, #tpu.memory_space<hbm>>
      %dma_wait3A_79 = arith.constant 0 : i32
      %dma_wait3A_80 = arith.constant 0 : i32
      %dma_wait3A_81 = tpu.memref_slice %arg3[%dma_wait3A_79, %dma_wait3A_80] : memref<2560x128xi32, #tpu.memory_space<hbm>> -> memref<8x128xi32, #tpu.memory_space<hbm>>
      tpu.wait_dma2 semaphore(%arg13 : memref<!tpu.dma_semaphore, #tpu.memory_space<semaphore_mem>>) src(%dma_wait3A_81 : memref<8x128xi32, #tpu.memory_space<hbm>>) dst(%arg6 : memref<8x128xi32, #tpu.memory_space<vmem>>)
      %dma_wait3A_82 = arith.constant 0 : i32
      %dma_wait3A_83 = arith.constant 0 : i32
      %dma_wait3A_84 = tpu.memref_slice %arg4[%dma_wait3A_82, %dma_wait3A_83] : memref<2560x128xi32, #tpu.memory_space<hbm>> -> memref<8x128xi32, #tpu.memory_space<hbm>>
      %dma_wait3A_85 = arith.constant 0 : i32
      %dma_wait3A_86 = arith.constant 0 : i32
      %dma_wait3A_87 = tpu.memref_slice %arg4[%dma_wait3A_85, %dma_wait3A_86] : memref<2560x128xi32, #tpu.memory_space<hbm>> -> memref<8x128xi32, #tpu.memory_space<hbm>>
      tpu.wait_dma2 semaphore(%arg13 : memref<!tpu.dma_semaphore, #tpu.memory_space<semaphore_mem>>) src(%dma_wait3A_87 : memref<8x128xi32, #tpu.memory_space<hbm>>) dst(%arg8 : memref<8x128xi32, #tpu.memory_space<vmem>>)
      %dma_wait3A_88 = arith.constant 10112 : i32
      %dma_wait3A_89 = arith.constant 0 : i32
      %dma_wait3A_90 = tpu.memref_slice %arg12[%dma_wait3A_88, %dma_wait3A_89] : memref<10240x128xf32, #tpu.memory_space<vmem_shared>> -> memref<128x128xf32, #tpu.memory_space<vmem_shared>>
      %dma_wait3A_91 = arith.constant 10112 : i32
      %dma_wait3A_92 = arith.constant 0 : i32
      %dma_wait3A_93 = tpu.memref_slice %arg12[%dma_wait3A_91, %dma_wait3A_92] : memref<10240x128xf32, #tpu.memory_space<vmem_shared>> -> memref<128x128xf32, #tpu.memory_space<vmem_shared>>
      tpu.wait_dma2 semaphore(%arg17 : memref<!tpu.dma_semaphore, #tpu.memory_space<semaphore_mem>>) src(%arg10 : memref<128x128xf32, #tpu.memory_space<vmem>>) dst(%dma_wait3A_93 : memref<128x128xf32, #tpu.memory_space<vmem_shared>>)
      %dma_start3A_94 = arith.constant 0 : i32
      %dma_start3A_95 = arith.constant 0 : i32
      %dma_start3A_96 = tpu.memref_slice %arg6[%dma_start3A_94, %dma_start3A_95] : memref<8x128xi32, #tpu.memory_space<vmem>> -> memref<1x128xi32, #tpu.memory_space<vmem>>
      %dma_start3A_97 = tpu.memref_squeeze %dma_start3A_96 : memref<1x128xi32, #tpu.memory_space<vmem>> -> memref<128xi32, #tpu.memory_space<vmem>>
      %dma_start3A_98 = arith.constant 0 : i32
      %dma_start3A_99 = arith.constant 0 : i32
      %dma_start3A_100 = tpu.memref_slice %arg2[%dma_start3A_98, %dma_start3A_99] : memref<10000x128xf32, #tpu.memory_space<hbm>> -> memref<10000x128xf32, #tpu.memory_space<hbm>>
      tpu.enqueue_indirect_dma source(%dma_start3A_100 : memref<10000x128xf32, #tpu.memory_space<hbm>>) target(%arg10 : memref<128x128xf32, #tpu.memory_space<vmem>>) offsets(%dma_start3A_97 : memref<128xi32, #tpu.memory_space<vmem>>) semaphore(%arg15 : memref<!tpu.dma_semaphore, #tpu.memory_space<semaphore_mem>>)
      %dma_wait3A_101 = arith.constant 10112 : i32
      %dma_wait3A_102 = arith.constant 0 : i32
      %dma_wait3A_103 = tpu.memref_slice %arg12[%dma_wait3A_101, %dma_wait3A_102] : memref<10240x128xf32, #tpu.memory_space<vmem_shared>> -> memref<128x128xf32, #tpu.memory_space<vmem_shared>>
      %dma_wait3A_104 = arith.constant 10112 : i32
      %dma_wait3A_105 = arith.constant 0 : i32
      %dma_wait3A_106 = tpu.memref_slice %arg12[%dma_wait3A_104, %dma_wait3A_105] : memref<10240x128xf32, #tpu.memory_space<vmem_shared>> -> memref<128x128xf32, #tpu.memory_space<vmem_shared>>
      tpu.wait_dma2 semaphore(%arg18 : memref<!tpu.dma_semaphore, #tpu.memory_space<semaphore_mem>>) src(%arg11 : memref<128x128xf32, #tpu.memory_space<vmem>>) dst(%dma_wait3A_106 : memref<128x128xf32, #tpu.memory_space<vmem_shared>>)
      %dma_start3A_107 = arith.constant 1 : i32
      %dma_start3A_108 = arith.constant 0 : i32
      %dma_start3A_109 = tpu.memref_slice %arg6[%dma_start3A_107, %dma_start3A_108] : memref<8x128xi32, #tpu.memory_space<vmem>> -> memref<1x128xi32, #tpu.memory_space<vmem>>
      %dma_start3A_110 = tpu.memref_squeeze %dma_start3A_109 : memref<1x128xi32, #tpu.memory_space<vmem>> -> memref<128xi32, #tpu.memory_space<vmem>>
      %dma_start3A_111 = arith.constant 0 : i32
      %dma_start3A_112 = arith.constant 0 : i32
      %dma_start3A_113 = tpu.memref_slice %arg2[%dma_start3A_111, %dma_start3A_112] : memref<10000x128xf32, #tpu.memory_space<hbm>> -> memref<10000x128xf32, #tpu.memory_space<hbm>>
      tpu.enqueue_indirect_dma source(%dma_start3A_113 : memref<10000x128xf32, #tpu.memory_space<hbm>>) target(%arg11 : memref<128x128xf32, #tpu.memory_space<vmem>>) offsets(%dma_start3A_110 : memref<128xi32, #tpu.memory_space<vmem>>) semaphore(%arg16 : memref<!tpu.dma_semaphore, #tpu.memory_space<semaphore_mem>>)
      %dma_wait3A_114 = arith.constant 0 : i32
      %dma_wait3A_115 = arith.constant 0 : i32
      %dma_wait3A_116 = tpu.memref_slice %arg6[%dma_wait3A_114, %dma_wait3A_115] : memref<8x128xi32, #tpu.memory_space<vmem>> -> memref<1x128xi32, #tpu.memory_space<vmem>>
      %dma_wait3A_117 = tpu.memref_squeeze %dma_wait3A_116 : memref<1x128xi32, #tpu.memory_space<vmem>> -> memref<128xi32, #tpu.memory_space<vmem>>
      %dma_wait3A_118 = arith.constant 0 : i32
      %dma_wait3A_119 = arith.constant 0 : i32
      %dma_wait3A_120 = tpu.memref_slice %arg2[%dma_wait3A_118, %dma_wait3A_119] : memref<10000x128xf32, #tpu.memory_space<hbm>> -> memref<10000x128xf32, #tpu.memory_space<hbm>>
      tpu.wait_indirect_dma semaphore(%arg15 : memref<!tpu.dma_semaphore, #tpu.memory_space<semaphore_mem>>) src(%dma_wait3A_120 : memref<10000x128xf32, #tpu.memory_space<hbm>>) dst(%arg10 : memref<128x128xf32, #tpu.memory_space<vmem>>)
      %dma_start3A_121 = arith.constant 0 : i32
      %dma_start3A_122 = arith.constant 0 : i32
      %dma_start3A_123 = tpu.memref_slice %arg8[%dma_start3A_121, %dma_start3A_122] : memref<8x128xi32, #tpu.memory_space<vmem>> -> memref<1x128xi32, #tpu.memory_space<vmem>>
      %dma_start3A_124 = tpu.memref_squeeze %dma_start3A_123 : memref<1x128xi32, #tpu.memory_space<vmem>> -> memref<128xi32, #tpu.memory_space<vmem>>
      %dma_start3A_125 = arith.constant 0 : i32
      %dma_start3A_126 = arith.constant 0 : i32
      %dma_start3A_127 = tpu.memref_slice %arg12[%dma_start3A_125, %dma_start3A_126] : memref<10240x128xf32, #tpu.memory_space<vmem_shared>> -> memref<10240x128xf32, #tpu.memory_space<vmem_shared>>
      tpu.enqueue_indirect_dma source(%arg10 : memref<128x128xf32, #tpu.memory_space<vmem>>) target(%dma_start3A_127 : memref<10240x128xf32, #tpu.memory_space<vmem_shared>>) offsets(%dma_start3A_124 : memref<128xi32, #tpu.memory_space<vmem>>) semaphore(%arg17 : memref<!tpu.dma_semaphore, #tpu.memory_space<semaphore_mem>>) {add = true}
      %dma_wait3A_128 = arith.constant 0 : i32
      %dma_wait3A_129 = arith.constant 0 : i32
      %dma_wait3A_130 = tpu.memref_slice %arg8[%dma_wait3A_128, %dma_wait3A_129] : memref<8x128xi32, #tpu.memory_space<vmem>> -> memref<1x128xi32, #tpu.memory_space<vmem>>
      %dma_wait3A_131 = tpu.memref_squeeze %dma_wait3A_130 : memref<1x128xi32, #tpu.memory_space<vmem>> -> memref<128xi32, #tpu.memory_space<vmem>>
      %dma_wait3A_132 = arith.constant 0 : i32
      %dma_wait3A_133 = arith.constant 0 : i32
      %dma_wait3A_134 = tpu.memref_slice %arg12[%dma_wait3A_132, %dma_wait3A_133] : memref<10240x128xf32, #tpu.memory_space<vmem_shared>> -> memref<10240x128xf32, #tpu.memory_space<vmem_shared>>
      tpu.wait_indirect_dma semaphore(%arg17 : memref<!tpu.dma_semaphore, #tpu.memory_space<semaphore_mem>>) src(%arg10 : memref<128x128xf32, #tpu.memory_space<vmem>>) dst(%dma_wait3A_134 : memref<10240x128xf32, #tpu.memory_space<vmem_shared>>)
      %dma_start3A_135 = arith.constant 2 : i32
      %dma_start3A_136 = arith.constant 0 : i32
      %dma_start3A_137 = tpu.memref_slice %arg6[%dma_start3A_135, %dma_start3A_136] : memref<8x128xi32, #tpu.memory_space<vmem>> -> memref<1x128xi32, #tpu.memory_space<vmem>>
      %dma_start3A_138 = tpu.memref_squeeze %dma_start3A_137 : memref<1x128xi32, #tpu.memory_space<vmem>> -> memref<128xi32, #tpu.memory_space<vmem>>
      %dma_start3A_139 = arith.constant 0 : i32
      %dma_start3A_140 = arith.constant 0 : i32
      %dma_start3A_141 = tpu.memref_slice %arg2[%dma_start3A_139, %dma_start3A_140] : memref<10000x128xf32, #tpu.memory_space<hbm>> -> memref<10000x128xf32, #tpu.memory_space<hbm>>
      tpu.enqueue_indirect_dma source(%dma_start3A_141 : memref<10000x128xf32, #tpu.memory_space<hbm>>) target(%arg10 : memref<128x128xf32, #tpu.memory_space<vmem>>) offsets(%dma_start3A_138 : memref<128xi32, #tpu.memory_space<vmem>>) semaphore(%arg15 : memref<!tpu.dma_semaphore, #tpu.memory_space<semaphore_mem>>)
      %dma_wait3A_142 = arith.constant 1 : i32
      %dma_wait3A_143 = arith.constant 0 : i32
      %dma_wait3A_144 = tpu.memref_slice %arg6[%dma_wait3A_142, %dma_wait3A_143] : memref<8x128xi32, #tpu.memory_space<vmem>> -> memref<1x128xi32, #tpu.memory_space<vmem>>
      %dma_wait3A_145 = tpu.memref_squeeze %dma_wait3A_144 : memref<1x128xi32, #tpu.memory_space<vmem>> -> memref<128xi32, #tpu.memory_space<vmem>>
      %dma_wait3A_146 = arith.constant 0 : i32
      %dma_wait3A_147 = arith.constant 0 : i32
      %dma_wait3A_148 = tpu.memref_slice %arg2[%dma_wait3A_146, %dma_wait3A_147] : memref<10000x128xf32, #tpu.memory_space<hbm>> -> memref<10000x128xf32, #tpu.memory_space<hbm>>
      tpu.wait_indirect_dma semaphore(%arg16 : memref<!tpu.dma_semaphore, #tpu.memory_space<semaphore_mem>>) src(%dma_wait3A_148 : memref<10000x128xf32, #tpu.memory_space<hbm>>) dst(%arg11 : memref<128x128xf32, #tpu.memory_space<vmem>>)
      %dma_start3A_149 = arith.constant 1 : i32
      %dma_start3A_150 = arith.constant 0 : i32
      %dma_start3A_151 = tpu.memref_slice %arg8[%dma_start3A_149, %dma_start3A_150] : memref<8x128xi32, #tpu.memory_space<vmem>> -> memref<1x128xi32, #tpu.memory_space<vmem>>
      %dma_start3A_152 = tpu.memref_squeeze %dma_start3A_151 : memref<1x128xi32, #tpu.memory_space<vmem>> -> memref<128xi32, #tpu.memory_space<vmem>>
      %dma_start3A_153 = arith.constant 0 : i32
      %dma_start3A_154 = arith.constant 0 : i32
      %dma_start3A_155 = tpu.memref_slice %arg12[%dma_start3A_153, %dma_start3A_154] : memref<10240x128xf32, #tpu.memory_space<vmem_shared>> -> memref<10240x128xf32, #tpu.memory_space<vmem_shared>>
      tpu.enqueue_indirect_dma source(%arg11 : memref<128x128xf32, #tpu.memory_space<vmem>>) target(%dma_start3A_155 : memref<10240x128xf32, #tpu.memory_space<vmem_shared>>) offsets(%dma_start3A_152 : memref<128xi32, #tpu.memory_space<vmem>>) semaphore(%arg18 : memref<!tpu.dma_semaphore, #tpu.memory_space<semaphore_mem>>) {add = true}
      %dma_wait3A_156 = arith.constant 1 : i32
      %dma_wait3A_157 = arith.constant 0 : i32
      %dma_wait3A_158 = tpu.memref_slice %arg8[%dma_wait3A_156, %dma_wait3A_157] : memref<8x128xi32, #tpu.memory_space<vmem>> -> memref<1x128xi32, #tpu.memory_space<vmem>>
      %dma_wait3A_159 = tpu.memref_squeeze %dma_wait3A_158 : memref<1x128xi32, #tpu.memory_space<vmem>> -> memref<128xi32, #tpu.memory_space<vmem>>
      %dma_wait3A_160 = arith.constant 0 : i32
      %dma_wait3A_161 = arith.constant 0 : i32
      %dma_wait3A_162 = tpu.memref_slice %arg12[%dma_wait3A_160, %dma_wait3A_161] : memref<10240x128xf32, #tpu.memory_space<vmem_shared>> -> memref<10240x128xf32, #tpu.memory_space<vmem_shared>>
      tpu.wait_indirect_dma semaphore(%arg18 : memref<!tpu.dma_semaphore, #tpu.memory_space<semaphore_mem>>) src(%arg11 : memref<128x128xf32, #tpu.memory_space<vmem>>) dst(%dma_wait3A_162 : memref<10240x128xf32, #tpu.memory_space<vmem_shared>>)
      %dma_start3A_163 = arith.constant 3 : i32
      %dma_start3A_164 = arith.constant 0 : i32
      %dma_start3A_165 = tpu.memref_slice %arg6[%dma_start3A_163, %dma_start3A_164] : memref<8x128xi32, #tpu.memory_space<vmem>> -> memref<1x128xi32, #tpu.memory_space<vmem>>
      %dma_start3A_166 = tpu.memref_squeeze %dma_start3A_165 : memref<1x128xi32, #tpu.memory_space<vmem>> -> memref<128xi32, #tpu.memory_space<vmem>>
      %dma_start3A_167 = arith.constant 0 : i32
      %dma_start3A_168 = arith.constant 0 : i32
      %dma_start3A_169 = tpu.memref_slice %arg2[%dma_start3A_167, %dma_start3A_168] : memref<10000x128xf32, #tpu.memory_space<hbm>> -> memref<10000x128xf32, #tpu.memory_space<hbm>>
      tpu.enqueue_indirect_dma source(%dma_start3A_169 : memref<10000x128xf32, #tpu.memory_space<hbm>>) target(%arg11 : memref<128x128xf32, #tpu.memory_space<vmem>>) offsets(%dma_start3A_166 : memref<128xi32, #tpu.memory_space<vmem>>) semaphore(%arg16 : memref<!tpu.dma_semaphore, #tpu.memory_space<semaphore_mem>>)
      %dma_wait3A_170 = arith.constant 2 : i32
      %dma_wait3A_171 = arith.constant 0 : i32
      %dma_wait3A_172 = tpu.memref_slice %arg6[%dma_wait3A_170, %dma_wait3A_171] : memref<8x128xi32, #tpu.memory_space<vmem>> -> memref<1x128xi32, #tpu.memory_space<vmem>>
      %dma_wait3A_173 = tpu.memref_squeeze %dma_wait3A_172 : memref<1x128xi32, #tpu.memory_space<vmem>> -> memref<128xi32, #tpu.memory_space<vmem>>
      %dma_wait3A_174 = arith.constant 0 : i32
      %dma_wait3A_175 = arith.constant 0 : i32
      %dma_wait3A_176 = tpu.memref_slice %arg2[%dma_wait3A_174, %dma_wait3A_175] : memref<10000x128xf32, #tpu.memory_space<hbm>> -> memref<10000x128xf32, #tpu.memory_space<hbm>>
      tpu.wait_indirect_dma semaphore(%arg15 : memref<!tpu.dma_semaphore, #tpu.memory_space<semaphore_mem>>) src(%dma_wait3A_176 : memref<10000x128xf32, #tpu.memory_space<hbm>>) dst(%arg10 : memref<128x128xf32, #tpu.memory_space<vmem>>)
      %dma_start3A_177 = arith.constant 2 : i32
      %dma_start3A_178 = arith.constant 0 : i32
      %dma_start3A_179 = tpu.memref_slice %arg8[%dma_start3A_177, %dma_start3A_178] : memref<8x128xi32, #tpu.memory_space<vmem>> -> memref<1x128xi32, #tpu.memory_space<vmem>>
      %dma_start3A_180 = tpu.memref_squeeze %dma_start3A_179 : memref<1x128xi32, #tpu.memory_space<vmem>> -> memref<128xi32, #tpu.memory_space<vmem>>
      %dma_start3A_181 = arith.constant 0 : i32
      %dma_start3A_182 = arith.constant 0 : i32
      %dma_start3A_183 = tpu.memref_slice %arg12[%dma_start3A_181, %dma_start3A_182] : memref<10240x128xf32, #tpu.memory_space<vmem_shared>> -> memref<10240x128xf32, #tpu.memory_space<vmem_shared>>
      tpu.enqueue_indirect_dma source(%arg10 : memref<128x128xf32, #tpu.memory_space<vmem>>) target(%dma_start3A_183 : memref<10240x128xf32, #tpu.memory_space<vmem_shared>>) offsets(%dma_start3A_180 : memref<128xi32, #tpu.memory_space<vmem>>) semaphore(%arg17 : memref<!tpu.dma_semaphore, #tpu.memory_space<semaphore_mem>>) {add = true}
      %dma_wait3A_184 = arith.constant 2 : i32
      %dma_wait3A_185 = arith.constant 0 : i32
      %dma_wait3A_186 = tpu.memref_slice %arg8[%dma_wait3A_184, %dma_wait3A_185] : memref<8x128xi32, #tpu.memory_space<vmem>> -> memref<1x128xi32, #tpu.memory_space<vmem>>
      %dma_wait3A_187 = tpu.memref_squeeze %dma_wait3A_186 : memref<1x128xi32, #tpu.memory_space<vmem>> -> memref<128xi32, #tpu.memory_space<vmem>>
      %dma_wait3A_188 = arith.constant 0 : i32
      %dma_wait3A_189 = arith.constant 0 : i32
      %dma_wait3A_190 = tpu.memref_slice %arg12[%dma_wait3A_188, %dma_wait3A_189] : memref<10240x128xf32, #tpu.memory_space<vmem_shared>> -> memref<10240x128xf32, #tpu.memory_space<vmem_shared>>
      tpu.wait_indirect_dma semaphore(%arg17 : memref<!tpu.dma_semaphore, #tpu.memory_space<semaphore_mem>>) src(%arg10 : memref<128x128xf32, #tpu.memory_space<vmem>>) dst(%dma_wait3A_190 : memref<10240x128xf32, #tpu.memory_space<vmem_shared>>)
      %dma_start3A_191 = arith.constant 4 : i32
      %dma_start3A_192 = arith.constant 0 : i32
      %dma_start3A_193 = tpu.memref_slice %arg6[%dma_start3A_191, %dma_start3A_192] : memref<8x128xi32, #tpu.memory_space<vmem>> -> memref<1x128xi32, #tpu.memory_space<vmem>>
      %dma_start3A_194 = tpu.memref_squeeze %dma_start3A_193 : memref<1x128xi32, #tpu.memory_space<vmem>> -> memref<128xi32, #tpu.memory_space<vmem>>
      %dma_start3A_195 = arith.constant 0 : i32
      %dma_start3A_196 = arith.constant 0 : i32
      %dma_start3A_197 = tpu.memref_slice %arg2[%dma_start3A_195, %dma_start3A_196] : memref<10000x128xf32, #tpu.memory_space<hbm>> -> memref<10000x128xf32, #tpu.memory_space<hbm>>
      tpu.enqueue_indirect_dma source(%dma_start3A_197 : memref<10000x128xf32, #tpu.memory_space<hbm>>) target(%arg10 : memref<128x128xf32, #tpu.memory_space<vmem>>) offsets(%dma_start3A_194 : memref<128xi32, #tpu.memory_space<vmem>>) semaphore(%arg15 : memref<!tpu.dma_semaphore, #tpu.memory_space<semaphore_mem>>)
      %dma_wait3A_198 = arith.constant 3 : i32
      %dma_wait3A_199 = arith.constant 0 : i32
      %dma_wait3A_200 = tpu.memref_slice %arg6[%dma_wait3A_198, %dma_wait3A_199] : memref<8x128xi32, #tpu.memory_space<vmem>> -> memref<1x128xi32, #tpu.memory_space<vmem>>
      %dma_wait3A_201 = tpu.memref_squeeze %dma_wait3A_200 : memref<1x128xi32, #tpu.memory_space<vmem>> -> memref<128xi32, #tpu.memory_space<vmem>>
      %dma_wait3A_202 = arith.constant 0 : i32
      %dma_wait3A_203 = arith.constant 0 : i32
      %dma_wait3A_204 = tpu.memref_slice %arg2[%dma_wait3A_202, %dma_wait3A_203] : memref<10000x128xf32, #tpu.memory_space<hbm>> -> memref<10000x128xf32, #tpu.memory_space<hbm>>
      tpu.wait_indirect_dma semaphore(%arg16 : memref<!tpu.dma_semaphore, #tpu.memory_space<semaphore_mem>>) src(%dma_wait3A_204 : memref<10000x128xf32, #tpu.memory_space<hbm>>) dst(%arg11 : memref<128x128xf32, #tpu.memory_space<vmem>>)
      %dma_start3A_205 = arith.constant 3 : i32
      %dma_start3A_206 = arith.constant 0 : i32
      %dma_start3A_207 = tpu.memref_slice %arg8[%dma_start3A_205, %dma_start3A_206] : memref<8x128xi32, #tpu.memory_space<vmem>> -> memref<1x128xi32, #tpu.memory_space<vmem>>
      %dma_start3A_208 = tpu.memref_squeeze %dma_start3A_207 : memref<1x128xi32, #tpu.memory_space<vmem>> -> memref<128xi32, #tpu.memory_space<vmem>>
      %dma_start3A_209 = arith.constant 0 : i32
      %dma_start3A_210 = arith.constant 0 : i32
      %dma_start3A_211 = tpu.memref_slice %arg12[%dma_start3A_209, %dma_start3A_210] : memref<10240x128xf32, #tpu.memory_space<vmem_shared>> -> memref<10240x128xf32, #tpu.memory_space<vmem_shared>>
      tpu.enqueue_indirect_dma source(%arg11 : memref<128x128xf32, #tpu.memory_space<vmem>>) target(%dma_start3A_211 : memref<10240x128xf32, #tpu.memory_space<vmem_shared>>) offsets(%dma_start3A_208 : memref<128xi32, #tpu.memory_space<vmem>>) semaphore(%arg18 : memref<!tpu.dma_semaphore, #tpu.memory_space<semaphore_mem>>) {add = true}
      %dma_wait3A_212 = arith.constant 3 : i32
      %dma_wait3A_213 = arith.constant 0 : i32
      %dma_wait3A_214 = tpu.memref_slice %arg8[%dma_wait3A_212, %dma_wait3A_213] : memref<8x128xi32, #tpu.memory_space<vmem>> -> memref<1x128xi32, #tpu.memory_space<vmem>>
      %dma_wait3A_215 = tpu.memref_squeeze %dma_wait3A_214 : memref<1x128xi32, #tpu.memory_space<vmem>> -> memref<128xi32, #tpu.memory_space<vmem>>
      %dma_wait3A_216 = arith.constant 0 : i32
      %dma_wait3A_217 = arith.constant 0 : i32
      %dma_wait3A_218 = tpu.memref_slice %arg12[%dma_wait3A_216, %dma_wait3A_217] : memref<10240x128xf32, #tpu.memory_space<vmem_shared>> -> memref<10240x128xf32, #tpu.memory_space<vmem_shared>>
      tpu.wait_indirect_dma semaphore(%arg18 : memref<!tpu.dma_semaphore, #tpu.memory_space<semaphore_mem>>) src(%arg11 : memref<128x128xf32, #tpu.memory_space<vmem>>) dst(%dma_wait3A_218 : memref<10240x128xf32, #tpu.memory_space<vmem_shared>>)
      %dma_start3A_219 = arith.constant 5 : i32
      %dma_start3A_220 = arith.constant 0 : i32
      %dma_start3A_221 = tpu.memref_slice %arg6[%dma_start3A_219, %dma_start3A_220] : memref<8x128xi32, #tpu.memory_space<vmem>> -> memref<1x128xi32, #tpu.memory_space<vmem>>
      %dma_start3A_222 = tpu.memref_squeeze %dma_start3A_221 : memref<1x128xi32, #tpu.memory_space<vmem>> -> memref<128xi32, #tpu.memory_space<vmem>>
      %dma_start3A_223 = arith.constant 0 : i32
      %dma_start3A_224 = arith.constant 0 : i32
      %dma_start3A_225 = tpu.memref_slice %arg2[%dma_start3A_223, %dma_start3A_224] : memref<10000x128xf32, #tpu.memory_space<hbm>> -> memref<10000x128xf32, #tpu.memory_space<hbm>>
      tpu.enqueue_indirect_dma source(%dma_start3A_225 : memref<10000x128xf32, #tpu.memory_space<hbm>>) target(%arg11 : memref<128x128xf32, #tpu.memory_space<vmem>>) offsets(%dma_start3A_222 : memref<128xi32, #tpu.memory_space<vmem>>) semaphore(%arg16 : memref<!tpu.dma_semaphore, #tpu.memory_space<semaphore_mem>>)
      %dma_wait3A_226 = arith.constant 4 : i32
      %dma_wait3A_227 = arith.constant 0 : i32
      %dma_wait3A_228 = tpu.memref_slice %arg6[%dma_wait3A_226, %dma_wait3A_227] : memref<8x128xi32, #tpu.memory_space<vmem>> -> memref<1x128xi32, #tpu.memory_space<vmem>>
      %dma_wait3A_229 = tpu.memref_squeeze %dma_wait3A_228 : memref<1x128xi32, #tpu.memory_space<vmem>> -> memref<128xi32, #tpu.memory_space<vmem>>
      %dma_wait3A_230 = arith.constant 0 : i32
      %dma_wait3A_231 = arith.constant 0 : i32
      %dma_wait3A_232 = tpu.memref_slice %arg2[%dma_wait3A_230, %dma_wait3A_231] : memref<10000x128xf32, #tpu.memory_space<hbm>> -> memref<10000x128xf32, #tpu.memory_space<hbm>>
      tpu.wait_indirect_dma semaphore(%arg15 : memref<!tpu.dma_semaphore, #tpu.memory_space<semaphore_mem>>) src(%dma_wait3A_232 : memref<10000x128xf32, #tpu.memory_space<hbm>>) dst(%arg10 : memref<128x128xf32, #tpu.memory_space<vmem>>)
      %dma_start3A_233 = arith.constant 4 : i32
      %dma_start3A_234 = arith.constant 0 : i32
      %dma_start3A_235 = tpu.memref_slice %arg8[%dma_start3A_233, %dma_start3A_234] : memref<8x128xi32, #tpu.memory_space<vmem>> -> memref<1x128xi32, #tpu.memory_space<vmem>>
      %dma_start3A_236 = tpu.memref_squeeze %dma_start3A_235 : memref<1x128xi32, #tpu.memory_space<vmem>> -> memref<128xi32, #tpu.memory_space<vmem>>
      %dma_start3A_237 = arith.constant 0 : i32
      %dma_start3A_238 = arith.constant 0 : i32
      %dma_start3A_239 = tpu.memref_slice %arg12[%dma_start3A_237, %dma_start3A_238] : memref<10240x128xf32, #tpu.memory_space<vmem_shared>> -> memref<10240x128xf32, #tpu.memory_space<vmem_shared>>
      tpu.enqueue_indirect_dma source(%arg10 : memref<128x128xf32, #tpu.memory_space<vmem>>) target(%dma_start3A_239 : memref<10240x128xf32, #tpu.memory_space<vmem_shared>>) offsets(%dma_start3A_236 : memref<128xi32, #tpu.memory_space<vmem>>) semaphore(%arg17 : memref<!tpu.dma_semaphore, #tpu.memory_space<semaphore_mem>>) {add = true}
      %dma_wait3A_240 = arith.constant 4 : i32
      %dma_wait3A_241 = arith.constant 0 : i32
      %dma_wait3A_242 = tpu.memref_slice %arg8[%dma_wait3A_240, %dma_wait3A_241] : memref<8x128xi32, #tpu.memory_space<vmem>> -> memref<1x128xi32, #tpu.memory_space<vmem>>
      %dma_wait3A_243 = tpu.memref_squeeze %dma_wait3A_242 : memref<1x128xi32, #tpu.memory_space<vmem>> -> memref<128xi32, #tpu.memory_space<vmem>>
      %dma_wait3A_244 = arith.constant 0 : i32
      %dma_wait3A_245 = arith.constant 0 : i32
      %dma_wait3A_246 = tpu.memref_slice %arg12[%dma_wait3A_244, %dma_wait3A_245] : memref<10240x128xf32, #tpu.memory_space<vmem_shared>> -> memref<10240x128xf32, #tpu.memory_space<vmem_shared>>
      tpu.wait_indirect_dma semaphore(%arg17 : memref<!tpu.dma_semaphore, #tpu.memory_space<semaphore_mem>>) src(%arg10 : memref<128x128xf32, #tpu.memory_space<vmem>>) dst(%dma_wait3A_246 : memref<10240x128xf32, #tpu.memory_space<vmem_shared>>)
      %dma_start3A_247 = arith.constant 6 : i32
      %dma_start3A_248 = arith.constant 0 : i32
      %dma_start3A_249 = tpu.memref_slice %arg6[%dma_start3A_247, %dma_start3A_248] : memref<8x128xi32, #tpu.memory_space<vmem>> -> memref<1x128xi32, #tpu.memory_space<vmem>>
      %dma_start3A_250 = tpu.memref_squeeze %dma_start3A_249 : memref<1x128xi32, #tpu.memory_space<vmem>> -> memref<128xi32, #tpu.memory_space<vmem>>
      %dma_start3A_251 = arith.constant 0 : i32
      %dma_start3A_252 = arith.constant 0 : i32
      %dma_start3A_253 = tpu.memref_slice %arg2[%dma_start3A_251, %dma_start3A_252] : memref<10000x128xf32, #tpu.memory_space<hbm>> -> memref<10000x128xf32, #tpu.memory_space<hbm>>
      tpu.enqueue_indirect_dma source(%dma_start3A_253 : memref<10000x128xf32, #tpu.memory_space<hbm>>) target(%arg10 : memref<128x128xf32, #tpu.memory_space<vmem>>) offsets(%dma_start3A_250 : memref<128xi32, #tpu.memory_space<vmem>>) semaphore(%arg15 : memref<!tpu.dma_semaphore, #tpu.memory_space<semaphore_mem>>)
      %dma_wait3A_254 = arith.constant 5 : i32
      %dma_wait3A_255 = arith.constant 0 : i32
      %dma_wait3A_256 = tpu.memref_slice %arg6[%dma_wait3A_254, %dma_wait3A_255] : memref<8x128xi32, #tpu.memory_space<vmem>> -> memref<1x128xi32, #tpu.memory_space<vmem>>
      %dma_wait3A_257 = tpu.memref_squeeze %dma_wait3A_256 : memref<1x128xi32, #tpu.memory_space<vmem>> -> memref<128xi32, #tpu.memory_space<vmem>>
      %dma_wait3A_258 = arith.constant 0 : i32
      %dma_wait3A_259 = arith.constant 0 : i32
      %dma_wait3A_260 = tpu.memref_slice %arg2[%dma_wait3A_258, %dma_wait3A_259] : memref<10000x128xf32, #tpu.memory_space<hbm>> -> memref<10000x128xf32, #tpu.memory_space<hbm>>
      tpu.wait_indirect_dma semaphore(%arg16 : memref<!tpu.dma_semaphore, #tpu.memory_space<semaphore_mem>>) src(%dma_wait3A_260 : memref<10000x128xf32, #tpu.memory_space<hbm>>) dst(%arg11 : memref<128x128xf32, #tpu.memory_space<vmem>>)
      %dma_start3A_261 = arith.constant 5 : i32
      %dma_start3A_262 = arith.constant 0 : i32
      %dma_start3A_263 = tpu.memref_slice %arg8[%dma_start3A_261, %dma_start3A_262] : memref<8x128xi32, #tpu.memory_space<vmem>> -> memref<1x128xi32, #tpu.memory_space<vmem>>
      %dma_start3A_264 = tpu.memref_squeeze %dma_start3A_263 : memref<1x128xi32, #tpu.memory_space<vmem>> -> memref<128xi32, #tpu.memory_space<vmem>>
      %dma_start3A_265 = arith.constant 0 : i32
      %dma_start3A_266 = arith.constant 0 : i32
      %dma_start3A_267 = tpu.memref_slice %arg12[%dma_start3A_265, %dma_start3A_266] : memref<10240x128xf32, #tpu.memory_space<vmem_shared>> -> memref<10240x128xf32, #tpu.memory_space<vmem_shared>>
      tpu.enqueue_indirect_dma source(%arg11 : memref<128x128xf32, #tpu.memory_space<vmem>>) target(%dma_start3A_267 : memref<10240x128xf32, #tpu.memory_space<vmem_shared>>) offsets(%dma_start3A_264 : memref<128xi32, #tpu.memory_space<vmem>>) semaphore(%arg18 : memref<!tpu.dma_semaphore, #tpu.memory_space<semaphore_mem>>) {add = true}
      %dma_wait3A_268 = arith.constant 5 : i32
      %dma_wait3A_269 = arith.constant 0 : i32
      %dma_wait3A_270 = tpu.memref_slice %arg8[%dma_wait3A_268, %dma_wait3A_269] : memref<8x128xi32, #tpu.memory_space<vmem>> -> memref<1x128xi32, #tpu.memory_space<vmem>>
      %dma_wait3A_271 = tpu.memref_squeeze %dma_wait3A_270 : memref<1x128xi32, #tpu.memory_space<vmem>> -> memref<128xi32, #tpu.memory_space<vmem>>
      %dma_wait3A_272 = arith.constant 0 : i32
      %dma_wait3A_273 = arith.constant 0 : i32
      %dma_wait3A_274 = tpu.memref_slice %arg12[%dma_wait3A_272, %dma_wait3A_273] : memref<10240x128xf32, #tpu.memory_space<vmem_shared>> -> memref<10240x128xf32, #tpu.memory_space<vmem_shared>>
      tpu.wait_indirect_dma semaphore(%arg18 : memref<!tpu.dma_semaphore, #tpu.memory_space<semaphore_mem>>) src(%arg11 : memref<128x128xf32, #tpu.memory_space<vmem>>) dst(%dma_wait3A_274 : memref<10240x128xf32, #tpu.memory_space<vmem_shared>>)
      %dma_start3A_275 = arith.constant 7 : i32
      %dma_start3A_276 = arith.constant 0 : i32
      %dma_start3A_277 = tpu.memref_slice %arg6[%dma_start3A_275, %dma_start3A_276] : memref<8x128xi32, #tpu.memory_space<vmem>> -> memref<1x128xi32, #tpu.memory_space<vmem>>
      %dma_start3A_278 = tpu.memref_squeeze %dma_start3A_277 : memref<1x128xi32, #tpu.memory_space<vmem>> -> memref<128xi32, #tpu.memory_space<vmem>>
      %dma_start3A_279 = arith.constant 0 : i32
      %dma_start3A_280 = arith.constant 0 : i32
      %dma_start3A_281 = tpu.memref_slice %arg2[%dma_start3A_279, %dma_start3A_280] : memref<10000x128xf32, #tpu.memory_space<hbm>> -> memref<10000x128xf32, #tpu.memory_space<hbm>>
      tpu.enqueue_indirect_dma source(%dma_start3A_281 : memref<10000x128xf32, #tpu.memory_space<hbm>>) target(%arg11 : memref<128x128xf32, #tpu.memory_space<vmem>>) offsets(%dma_start3A_278 : memref<128xi32, #tpu.memory_space<vmem>>) semaphore(%arg16 : memref<!tpu.dma_semaphore, #tpu.memory_space<semaphore_mem>>)
      %dma_wait3A_282 = arith.constant 6 : i32
      %dma_wait3A_283 = arith.constant 0 : i32
      %dma_wait3A_284 = tpu.memref_slice %arg6[%dma_wait3A_282, %dma_wait3A_283] : memref<8x128xi32, #tpu.memory_space<vmem>> -> memref<1x128xi32, #tpu.memory_space<vmem>>
      %dma_wait3A_285 = tpu.memref_squeeze %dma_wait3A_284 : memref<1x128xi32, #tpu.memory_space<vmem>> -> memref<128xi32, #tpu.memory_space<vmem>>
      %dma_wait3A_286 = arith.constant 0 : i32
      %dma_wait3A_287 = arith.constant 0 : i32
      %dma_wait3A_288 = tpu.memref_slice %arg2[%dma_wait3A_286, %dma_wait3A_287] : memref<10000x128xf32, #tpu.memory_space<hbm>> -> memref<10000x128xf32, #tpu.memory_space<hbm>>
      tpu.wait_indirect_dma semaphore(%arg15 : memref<!tpu.dma_semaphore, #tpu.memory_space<semaphore_mem>>) src(%dma_wait3A_288 : memref<10000x128xf32, #tpu.memory_space<hbm>>) dst(%arg10 : memref<128x128xf32, #tpu.memory_space<vmem>>)
      %dma_start3A_289 = arith.constant 6 : i32
      %dma_start3A_290 = arith.constant 0 : i32
      %dma_start3A_291 = tpu.memref_slice %arg8[%dma_start3A_289, %dma_start3A_290] : memref<8x128xi32, #tpu.memory_space<vmem>> -> memref<1x128xi32, #tpu.memory_space<vmem>>
      %dma_start3A_292 = tpu.memref_squeeze %dma_start3A_291 : memref<1x128xi32, #tpu.memory_space<vmem>> -> memref<128xi32, #tpu.memory_space<vmem>>
      %dma_start3A_293 = arith.constant 0 : i32
      %dma_start3A_294 = arith.constant 0 : i32
      %dma_start3A_295 = tpu.memref_slice %arg12[%dma_start3A_293, %dma_start3A_294] : memref<10240x128xf32, #tpu.memory_space<vmem_shared>> -> memref<10240x128xf32, #tpu.memory_space<vmem_shared>>
      tpu.enqueue_indirect_dma source(%arg10 : memref<128x128xf32, #tpu.memory_space<vmem>>) target(%dma_start3A_295 : memref<10240x128xf32, #tpu.memory_space<vmem_shared>>) offsets(%dma_start3A_292 : memref<128xi32, #tpu.memory_space<vmem>>) semaphore(%arg17 : memref<!tpu.dma_semaphore, #tpu.memory_space<semaphore_mem>>) {add = true}
      %dma_wait3A_296 = arith.constant 7 : i32
      %dma_wait3A_297 = arith.constant 0 : i32
      %dma_wait3A_298 = tpu.memref_slice %arg6[%dma_wait3A_296, %dma_wait3A_297] : memref<8x128xi32, #tpu.memory_space<vmem>> -> memref<1x128xi32, #tpu.memory_space<vmem>>
      %dma_wait3A_299 = tpu.memref_squeeze %dma_wait3A_298 : memref<1x128xi32, #tpu.memory_space<vmem>> -> memref<128xi32, #tpu.memory_space<vmem>>
      %dma_wait3A_300 = arith.constant 0 : i32
      %dma_wait3A_301 = arith.constant 0 : i32
      %dma_wait3A_302 = tpu.memref_slice %arg2[%dma_wait3A_300, %dma_wait3A_301] : memref<10000x128xf32, #tpu.memory_space<hbm>> -> memref<10000x128xf32, #tpu.memory_space<hbm>>
      tpu.wait_indirect_dma semaphore(%arg16 : memref<!tpu.dma_semaphore, #tpu.memory_space<semaphore_mem>>) src(%dma_wait3A_302 : memref<10000x128xf32, #tpu.memory_space<hbm>>) dst(%arg11 : memref<128x128xf32, #tpu.memory_space<vmem>>)
      %dma_start3A_303 = arith.constant 7 : i32
      %dma_start3A_304 = arith.constant 0 : i32
      %dma_start3A_305 = tpu.memref_slice %arg8[%dma_start3A_303, %dma_start3A_304] : memref<8x128xi32, #tpu.memory_space<vmem>> -> memref<1x128xi32, #tpu.memory_space<vmem>>
      %dma_start3A_306 = tpu.memref_squeeze %dma_start3A_305 : memref<1x128xi32, #tpu.memory_space<vmem>> -> memref<128xi32, #tpu.memory_space<vmem>>
      %dma_start3A_307 = arith.constant 0 : i32
      %dma_start3A_308 = arith.constant 0 : i32
      %dma_start3A_309 = tpu.memref_slice %arg12[%dma_start3A_307, %dma_start3A_308] : memref<10240x128xf32, #tpu.memory_space<vmem_shared>> -> memref<10240x128xf32, #tpu.memory_space<vmem_shared>>
      tpu.enqueue_indirect_dma source(%arg11 : memref<128x128xf32, #tpu.memory_space<vmem>>) target(%dma_start3A_309 : memref<10240x128xf32, #tpu.memory_space<vmem_shared>>) offsets(%dma_start3A_306 : memref<128xi32, #tpu.memory_space<vmem>>) semaphore(%arg18 : memref<!tpu.dma_semaphore, #tpu.memory_space<semaphore_mem>>) {add = true}
      %add3A_310 = arith.constant 1 : i32
      %add3A_311 = arith.addi %add3A_69, %add3A_310 : i32
      %add3A_312 = arith.constant 1 : i32
      %add3A_313 = arith.addi %add3A_311, %add3A_312 : i32
      %lt3A_314 = arith.constant 10 : i32
      %lt3A_315 = arith.cmpi slt, %add3A_313, %lt3A_314 : i32
      %convert_element_type3A_316 = arith.extui %lt3A_315 : i1 to i32
      %cond3A_317 = arith.constant 0 : i32
      %cond3A_318 = arith.cmpi ne, %convert_element_type3A_316, %cond3A_317 : i32
      scf.if %cond3A_318 {
        %add3A_553 = arith.constant 1 : i32
        %add3A_554 = arith.addi %add3A_69, %add3A_553 : i32
        %add3A_555 = arith.constant 1 : i32
        %add3A_556 = arith.addi %add3A_554, %add3A_555 : i32
        %add3A_557 = arith.addi %mul3A_2, %add3A_556 : i32
        %mul3A_558 = arith.constant 8 : i32
        %mul3A_559 = arith.muli %add3A_557, %mul3A_558 : i32
        %dma_start3A_560 = arith.constant 0 : i32
        %dma_start3A_561 = tpu.memref_slice %arg3[%mul3A_559, %dma_start3A_560] : memref<2560x128xi32, #tpu.memory_space<hbm>> -> memref<8x128xi32, #tpu.memory_space<hbm>>
        %dma_start3A_562 = arith.constant 0 : i32
        %dma_start3A_563 = tpu.memref_slice %arg3[%mul3A_559, %dma_start3A_562] : memref<2560x128xi32, #tpu.memory_space<hbm>> -> memref<8x128xi32, #tpu.memory_space<hbm>>
        tpu.enqueue_dma source(%dma_start3A_563 : memref<8x128xi32, #tpu.memory_space<hbm>>) target(%arg6 : memref<8x128xi32, #tpu.memory_space<vmem>>) target_semaphore(%arg13 : memref<!tpu.dma_semaphore, #tpu.memory_space<semaphore_mem>>)
        %add3A_564 = arith.addi %mul3A_2, %add3A_556 : i32
        %mul3A_565 = arith.constant 8 : i32
        %mul3A_566 = arith.muli %add3A_564, %mul3A_565 : i32
        %dma_start3A_567 = arith.constant 0 : i32
        %dma_start3A_568 = tpu.memref_slice %arg4[%mul3A_566, %dma_start3A_567] : memref<2560x128xi32, #tpu.memory_space<hbm>> -> memref<8x128xi32, #tpu.memory_space<hbm>>
        %dma_start3A_569 = arith.constant 0 : i32
        %dma_start3A_570 = tpu.memref_slice %arg4[%mul3A_566, %dma_start3A_569] : memref<2560x128xi32, #tpu.memory_space<hbm>> -> memref<8x128xi32, #tpu.memory_space<hbm>>
        tpu.enqueue_dma source(%dma_start3A_570 : memref<8x128xi32, #tpu.memory_space<hbm>>) target(%arg8 : memref<8x128xi32, #tpu.memory_space<vmem>>) target_semaphore(%arg13 : memref<!tpu.dma_semaphore, #tpu.memory_space<semaphore_mem>>)
      } else {
      }
      %dma_wait3A_319 = arith.constant 0 : i32
      %dma_wait3A_320 = arith.constant 0 : i32
      %dma_wait3A_321 = tpu.memref_slice %arg3[%dma_wait3A_319, %dma_wait3A_320] : memref<2560x128xi32, #tpu.memory_space<hbm>> -> memref<8x128xi32, #tpu.memory_space<hbm>>
      %dma_wait3A_322 = arith.constant 0 : i32
      %dma_wait3A_323 = arith.constant 0 : i32
      %dma_wait3A_324 = tpu.memref_slice %arg3[%dma_wait3A_322, %dma_wait3A_323] : memref<2560x128xi32, #tpu.memory_space<hbm>> -> memref<8x128xi32, #tpu.memory_space<hbm>>
      tpu.wait_dma2 semaphore(%arg14 : memref<!tpu.dma_semaphore, #tpu.memory_space<semaphore_mem>>) src(%dma_wait3A_324 : memref<8x128xi32, #tpu.memory_space<hbm>>) dst(%arg7 : memref<8x128xi32, #tpu.memory_space<vmem>>)
      %dma_wait3A_325 = arith.constant 0 : i32
      %dma_wait3A_326 = arith.constant 0 : i32
      %dma_wait3A_327 = tpu.memref_slice %arg4[%dma_wait3A_325, %dma_wait3A_326] : memref<2560x128xi32, #tpu.memory_space<hbm>> -> memref<8x128xi32, #tpu.memory_space<hbm>>
      %dma_wait3A_328 = arith.constant 0 : i32
      %dma_wait3A_329 = arith.constant 0 : i32
      %dma_wait3A_330 = tpu.memref_slice %arg4[%dma_wait3A_328, %dma_wait3A_329] : memref<2560x128xi32, #tpu.memory_space<hbm>> -> memref<8x128xi32, #tpu.memory_space<hbm>>
      tpu.wait_dma2 semaphore(%arg14 : memref<!tpu.dma_semaphore, #tpu.memory_space<semaphore_mem>>) src(%dma_wait3A_330 : memref<8x128xi32, #tpu.memory_space<hbm>>) dst(%arg9 : memref<8x128xi32, #tpu.memory_space<vmem>>)
      %dma_wait3A_331 = arith.constant 10112 : i32
      %dma_wait3A_332 = arith.constant 0 : i32
      %dma_wait3A_333 = tpu.memref_slice %arg12[%dma_wait3A_331, %dma_wait3A_332] : memref<10240x128xf32, #tpu.memory_space<vmem_shared>> -> memref<128x128xf32, #tpu.memory_space<vmem_shared>>
      %dma_wait3A_334 = arith.constant 10112 : i32
      %dma_wait3A_335 = arith.constant 0 : i32
      %dma_wait3A_336 = tpu.memref_slice %arg12[%dma_wait3A_334, %dma_wait3A_335] : memref<10240x128xf32, #tpu.memory_space<vmem_shared>> -> memref<128x128xf32, #tpu.memory_space<vmem_shared>>
      tpu.wait_dma2 semaphore(%arg17 : memref<!tpu.dma_semaphore, #tpu.memory_space<semaphore_mem>>) src(%arg10 : memref<128x128xf32, #tpu.memory_space<vmem>>) dst(%dma_wait3A_336 : memref<128x128xf32, #tpu.memory_space<vmem_shared>>)
      %dma_start3A_337 = arith.constant 0 : i32
      %dma_start3A_338 = arith.constant 0 : i32
      %dma_start3A_339 = tpu.memref_slice %arg7[%dma_start3A_337, %dma_start3A_338] : memref<8x128xi32, #tpu.memory_space<vmem>> -> memref<1x128xi32, #tpu.memory_space<vmem>>
      %dma_start3A_340 = tpu.memref_squeeze %dma_start3A_339 : memref<1x128xi32, #tpu.memory_space<vmem>> -> memref<128xi32, #tpu.memory_space<vmem>>
      %dma_start3A_341 = arith.constant 0 : i32
      %dma_start3A_342 = arith.constant 0 : i32
      %dma_start3A_343 = tpu.memref_slice %arg2[%dma_start3A_341, %dma_start3A_342] : memref<10000x128xf32, #tpu.memory_space<hbm>> -> memref<10000x128xf32, #tpu.memory_space<hbm>>
      tpu.enqueue_indirect_dma source(%dma_start3A_343 : memref<10000x128xf32, #tpu.memory_space<hbm>>) target(%arg10 : memref<128x128xf32, #tpu.memory_space<vmem>>) offsets(%dma_start3A_340 : memref<128xi32, #tpu.memory_space<vmem>>) semaphore(%arg15 : memref<!tpu.dma_semaphore, #tpu.memory_space<semaphore_mem>>)
      %dma_wait3A_344 = arith.constant 10112 : i32
      %dma_wait3A_345 = arith.constant 0 : i32
      %dma_wait3A_346 = tpu.memref_slice %arg12[%dma_wait3A_344, %dma_wait3A_345] : memref<10240x128xf32, #tpu.memory_space<vmem_shared>> -> memref<128x128xf32, #tpu.memory_space<vmem_shared>>
      %dma_wait3A_347 = arith.constant 10112 : i32
      %dma_wait3A_348 = arith.constant 0 : i32
      %dma_wait3A_349 = tpu.memref_slice %arg12[%dma_wait3A_347, %dma_wait3A_348] : memref<10240x128xf32, #tpu.memory_space<vmem_shared>> -> memref<128x128xf32, #tpu.memory_space<vmem_shared>>
      tpu.wait_dma2 semaphore(%arg18 : memref<!tpu.dma_semaphore, #tpu.memory_space<semaphore_mem>>) src(%arg11 : memref<128x128xf32, #tpu.memory_space<vmem>>) dst(%dma_wait3A_349 : memref<128x128xf32, #tpu.memory_space<vmem_shared>>)
      %dma_start3A_350 = arith.constant 1 : i32
      %dma_start3A_351 = arith.constant 0 : i32
      %dma_start3A_352 = tpu.memref_slice %arg7[%dma_start3A_350, %dma_start3A_351] : memref<8x128xi32, #tpu.memory_space<vmem>> -> memref<1x128xi32, #tpu.memory_space<vmem>>
      %dma_start3A_353 = tpu.memref_squeeze %dma_start3A_352 : memref<1x128xi32, #tpu.memory_space<vmem>> -> memref<128xi32, #tpu.memory_space<vmem>>
      %dma_start3A_354 = arith.constant 0 : i32
      %dma_start3A_355 = arith.constant 0 : i32
      %dma_start3A_356 = tpu.memref_slice %arg2[%dma_start3A_354, %dma_start3A_355] : memref<10000x128xf32, #tpu.memory_space<hbm>> -> memref<10000x128xf32, #tpu.memory_space<hbm>>
      tpu.enqueue_indirect_dma source(%dma_start3A_356 : memref<10000x128xf32, #tpu.memory_space<hbm>>) target(%arg11 : memref<128x128xf32, #tpu.memory_space<vmem>>) offsets(%dma_start3A_353 : memref<128xi32, #tpu.memory_space<vmem>>) semaphore(%arg16 : memref<!tpu.dma_semaphore, #tpu.memory_space<semaphore_mem>>)
      %dma_wait3A_357 = arith.constant 0 : i32
      %dma_wait3A_358 = arith.constant 0 : i32
      %dma_wait3A_359 = tpu.memref_slice %arg7[%dma_wait3A_357, %dma_wait3A_358] : memref<8x128xi32, #tpu.memory_space<vmem>> -> memref<1x128xi32, #tpu.memory_space<vmem>>
      %dma_wait3A_360 = tpu.memref_squeeze %dma_wait3A_359 : memref<1x128xi32, #tpu.memory_space<vmem>> -> memref<128xi32, #tpu.memory_space<vmem>>
      %dma_wait3A_361 = arith.constant 0 : i32
      %dma_wait3A_362 = arith.constant 0 : i32
      %dma_wait3A_363 = tpu.memref_slice %arg2[%dma_wait3A_361, %dma_wait3A_362] : memref<10000x128xf32, #tpu.memory_space<hbm>> -> memref<10000x128xf32, #tpu.memory_space<hbm>>
      tpu.wait_indirect_dma semaphore(%arg15 : memref<!tpu.dma_semaphore, #tpu.memory_space<semaphore_mem>>) src(%dma_wait3A_363 : memref<10000x128xf32, #tpu.memory_space<hbm>>) dst(%arg10 : memref<128x128xf32, #tpu.memory_space<vmem>>)
      %dma_start3A_364 = arith.constant 0 : i32
      %dma_start3A_365 = arith.constant 0 : i32
      %dma_start3A_366 = tpu.memref_slice %arg9[%dma_start3A_364, %dma_start3A_365] : memref<8x128xi32, #tpu.memory_space<vmem>> -> memref<1x128xi32, #tpu.memory_space<vmem>>
      %dma_start3A_367 = tpu.memref_squeeze %dma_start3A_366 : memref<1x128xi32, #tpu.memory_space<vmem>> -> memref<128xi32, #tpu.memory_space<vmem>>
      %dma_start3A_368 = arith.constant 0 : i32
      %dma_start3A_369 = arith.constant 0 : i32
      %dma_start3A_370 = tpu.memref_slice %arg12[%dma_start3A_368, %dma_start3A_369] : memref<10240x128xf32, #tpu.memory_space<vmem_shared>> -> memref<10240x128xf32, #tpu.memory_space<vmem_shared>>
      tpu.enqueue_indirect_dma source(%arg10 : memref<128x128xf32, #tpu.memory_space<vmem>>) target(%dma_start3A_370 : memref<10240x128xf32, #tpu.memory_space<vmem_shared>>) offsets(%dma_start3A_367 : memref<128xi32, #tpu.memory_space<vmem>>) semaphore(%arg17 : memref<!tpu.dma_semaphore, #tpu.memory_space<semaphore_mem>>) {add = true}
      %dma_wait3A_371 = arith.constant 0 : i32
      %dma_wait3A_372 = arith.constant 0 : i32
      %dma_wait3A_373 = tpu.memref_slice %arg9[%dma_wait3A_371, %dma_wait3A_372] : memref<8x128xi32, #tpu.memory_space<vmem>> -> memref<1x128xi32, #tpu.memory_space<vmem>>
      %dma_wait3A_374 = tpu.memref_squeeze %dma_wait3A_373 : memref<1x128xi32, #tpu.memory_space<vmem>> -> memref<128xi32, #tpu.memory_space<vmem>>
      %dma_wait3A_375 = arith.constant 0 : i32
      %dma_wait3A_376 = arith.constant 0 : i32
      %dma_wait3A_377 = tpu.memref_slice %arg12[%dma_wait3A_375, %dma_wait3A_376] : memref<10240x128xf32, #tpu.memory_space<vmem_shared>> -> memref<10240x128xf32, #tpu.memory_space<vmem_shared>>
      tpu.wait_indirect_dma semaphore(%arg17 : memref<!tpu.dma_semaphore, #tpu.memory_space<semaphore_mem>>) src(%arg10 : memref<128x128xf32, #tpu.memory_space<vmem>>) dst(%dma_wait3A_377 : memref<10240x128xf32, #tpu.memory_space<vmem_shared>>)
      %dma_start3A_378 = arith.constant 2 : i32
      %dma_start3A_379 = arith.constant 0 : i32
      %dma_start3A_380 = tpu.memref_slice %arg7[%dma_start3A_378, %dma_start3A_379] : memref<8x128xi32, #tpu.memory_space<vmem>> -> memref<1x128xi32, #tpu.memory_space<vmem>>
      %dma_start3A_381 = tpu.memref_squeeze %dma_start3A_380 : memref<1x128xi32, #tpu.memory_space<vmem>> -> memref<128xi32, #tpu.memory_space<vmem>>
      %dma_start3A_382 = arith.constant 0 : i32
      %dma_start3A_383 = arith.constant 0 : i32
      %dma_start3A_384 = tpu.memref_slice %arg2[%dma_start3A_382, %dma_start3A_383] : memref<10000x128xf32, #tpu.memory_space<hbm>> -> memref<10000x128xf32, #tpu.memory_space<hbm>>
      tpu.enqueue_indirect_dma source(%dma_start3A_384 : memref<10000x128xf32, #tpu.memory_space<hbm>>) target(%arg10 : memref<128x128xf32, #tpu.memory_space<vmem>>) offsets(%dma_start3A_381 : memref<128xi32, #tpu.memory_space<vmem>>) semaphore(%arg15 : memref<!tpu.dma_semaphore, #tpu.memory_space<semaphore_mem>>)
      %dma_wait3A_385 = arith.constant 1 : i32
      %dma_wait3A_386 = arith.constant 0 : i32
      %dma_wait3A_387 = tpu.memref_slice %arg7[%dma_wait3A_385, %dma_wait3A_386] : memref<8x128xi32, #tpu.memory_space<vmem>> -> memref<1x128xi32, #tpu.memory_space<vmem>>
      %dma_wait3A_388 = tpu.memref_squeeze %dma_wait3A_387 : memref<1x128xi32, #tpu.memory_space<vmem>> -> memref<128xi32, #tpu.memory_space<vmem>>
      %dma_wait3A_389 = arith.constant 0 : i32
      %dma_wait3A_390 = arith.constant 0 : i32
      %dma_wait3A_391 = tpu.memref_slice %arg2[%dma_wait3A_389, %dma_wait3A_390] : memref<10000x128xf32, #tpu.memory_space<hbm>> -> memref<10000x128xf32, #tpu.memory_space<hbm>>
      tpu.wait_indirect_dma semaphore(%arg16 : memref<!tpu.dma_semaphore, #tpu.memory_space<semaphore_mem>>) src(%dma_wait3A_391 : memref<10000x128xf32, #tpu.memory_space<hbm>>) dst(%arg11 : memref<128x128xf32, #tpu.memory_space<vmem>>)
      %dma_start3A_392 = arith.constant 1 : i32
      %dma_start3A_393 = arith.constant 0 : i32
      %dma_start3A_394 = tpu.memref_slice %arg9[%dma_start3A_392, %dma_start3A_393] : memref<8x128xi32, #tpu.memory_space<vmem>> -> memref<1x128xi32, #tpu.memory_space<vmem>>
      %dma_start3A_395 = tpu.memref_squeeze %dma_start3A_394 : memref<1x128xi32, #tpu.memory_space<vmem>> -> memref<128xi32, #tpu.memory_space<vmem>>
      %dma_start3A_396 = arith.constant 0 : i32
      %dma_start3A_397 = arith.constant 0 : i32
      %dma_start3A_398 = tpu.memref_slice %arg12[%dma_start3A_396, %dma_start3A_397] : memref<10240x128xf32, #tpu.memory_space<vmem_shared>> -> memref<10240x128xf32, #tpu.memory_space<vmem_shared>>
      tpu.enqueue_indirect_dma source(%arg11 : memref<128x128xf32, #tpu.memory_space<vmem>>) target(%dma_start3A_398 : memref<10240x128xf32, #tpu.memory_space<vmem_shared>>) offsets(%dma_start3A_395 : memref<128xi32, #tpu.memory_space<vmem>>) semaphore(%arg18 : memref<!tpu.dma_semaphore, #tpu.memory_space<semaphore_mem>>) {add = true}
      %dma_wait3A_399 = arith.constant 1 : i32
      %dma_wait3A_400 = arith.constant 0 : i32
      %dma_wait3A_401 = tpu.memref_slice %arg9[%dma_wait3A_399, %dma_wait3A_400] : memref<8x128xi32, #tpu.memory_space<vmem>> -> memref<1x128xi32, #tpu.memory_space<vmem>>
      %dma_wait3A_402 = tpu.memref_squeeze %dma_wait3A_401 : memref<1x128xi32, #tpu.memory_space<vmem>> -> memref<128xi32, #tpu.memory_space<vmem>>
      %dma_wait3A_403 = arith.constant 0 : i32
      %dma_wait3A_404 = arith.constant 0 : i32
      %dma_wait3A_405 = tpu.memref_slice %arg12[%dma_wait3A_403, %dma_wait3A_404] : memref<10240x128xf32, #tpu.memory_space<vmem_shared>> -> memref<10240x128xf32, #tpu.memory_space<vmem_shared>>
      tpu.wait_indirect_dma semaphore(%arg18 : memref<!tpu.dma_semaphore, #tpu.memory_space<semaphore_mem>>) src(%arg11 : memref<128x128xf32, #tpu.memory_space<vmem>>) dst(%dma_wait3A_405 : memref<10240x128xf32, #tpu.memory_space<vmem_shared>>)
      %dma_start3A_406 = arith.constant 3 : i32
      %dma_start3A_407 = arith.constant 0 : i32
      %dma_start3A_408 = tpu.memref_slice %arg7[%dma_start3A_406, %dma_start3A_407] : memref<8x128xi32, #tpu.memory_space<vmem>> -> memref<1x128xi32, #tpu.memory_space<vmem>>
      %dma_start3A_409 = tpu.memref_squeeze %dma_start3A_408 : memref<1x128xi32, #tpu.memory_space<vmem>> -> memref<128xi32, #tpu.memory_space<vmem>>
      %dma_start3A_410 = arith.constant 0 : i32
      %dma_start3A_411 = arith.constant 0 : i32
      %dma_start3A_412 = tpu.memref_slice %arg2[%dma_start3A_410, %dma_start3A_411] : memref<10000x128xf32, #tpu.memory_space<hbm>> -> memref<10000x128xf32, #tpu.memory_space<hbm>>
      tpu.enqueue_indirect_dma source(%dma_start3A_412 : memref<10000x128xf32, #tpu.memory_space<hbm>>) target(%arg11 : memref<128x128xf32, #tpu.memory_space<vmem>>) offsets(%dma_start3A_409 : memref<128xi32, #tpu.memory_space<vmem>>) semaphore(%arg16 : memref<!tpu.dma_semaphore, #tpu.memory_space<semaphore_mem>>)
      %dma_wait3A_413 = arith.constant 2 : i32
      %dma_wait3A_414 = arith.constant 0 : i32
      %dma_wait3A_415 = tpu.memref_slice %arg7[%dma_wait3A_413, %dma_wait3A_414] : memref<8x128xi32, #tpu.memory_space<vmem>> -> memref<1x128xi32, #tpu.memory_space<vmem>>
      %dma_wait3A_416 = tpu.memref_squeeze %dma_wait3A_415 : memref<1x128xi32, #tpu.memory_space<vmem>> -> memref<128xi32, #tpu.memory_space<vmem>>
      %dma_wait3A_417 = arith.constant 0 : i32
      %dma_wait3A_418 = arith.constant 0 : i32
      %dma_wait3A_419 = tpu.memref_slice %arg2[%dma_wait3A_417, %dma_wait3A_418] : memref<10000x128xf32, #tpu.memory_space<hbm>> -> memref<10000x128xf32, #tpu.memory_space<hbm>>
      tpu.wait_indirect_dma semaphore(%arg15 : memref<!tpu.dma_semaphore, #tpu.memory_space<semaphore_mem>>) src(%dma_wait3A_419 : memref<10000x128xf32, #tpu.memory_space<hbm>>) dst(%arg10 : memref<128x128xf32, #tpu.memory_space<vmem>>)
      %dma_start3A_420 = arith.constant 2 : i32
      %dma_start3A_421 = arith.constant 0 : i32
      %dma_start3A_422 = tpu.memref_slice %arg9[%dma_start3A_420, %dma_start3A_421] : memref<8x128xi32, #tpu.memory_space<vmem>> -> memref<1x128xi32, #tpu.memory_space<vmem>>
      %dma_start3A_423 = tpu.memref_squeeze %dma_start3A_422 : memref<1x128xi32, #tpu.memory_space<vmem>> -> memref<128xi32, #tpu.memory_space<vmem>>
      %dma_start3A_424 = arith.constant 0 : i32
      %dma_start3A_425 = arith.constant 0 : i32
      %dma_start3A_426 = tpu.memref_slice %arg12[%dma_start3A_424, %dma_start3A_425] : memref<10240x128xf32, #tpu.memory_space<vmem_shared>> -> memref<10240x128xf32, #tpu.memory_space<vmem_shared>>
      tpu.enqueue_indirect_dma source(%arg10 : memref<128x128xf32, #tpu.memory_space<vmem>>) target(%dma_start3A_426 : memref<10240x128xf32, #tpu.memory_space<vmem_shared>>) offsets(%dma_start3A_423 : memref<128xi32, #tpu.memory_space<vmem>>) semaphore(%arg17 : memref<!tpu.dma_semaphore, #tpu.memory_space<semaphore_mem>>) {add = true}
      %dma_wait3A_427 = arith.constant 2 : i32
      %dma_wait3A_428 = arith.constant 0 : i32
      %dma_wait3A_429 = tpu.memref_slice %arg9[%dma_wait3A_427, %dma_wait3A_428] : memref<8x128xi32, #tpu.memory_space<vmem>> -> memref<1x128xi32, #tpu.memory_space<vmem>>
      %dma_wait3A_430 = tpu.memref_squeeze %dma_wait3A_429 : memref<1x128xi32, #tpu.memory_space<vmem>> -> memref<128xi32, #tpu.memory_space<vmem>>
      %dma_wait3A_431 = arith.constant 0 : i32
      %dma_wait3A_432 = arith.constant 0 : i32
      %dma_wait3A_433 = tpu.memref_slice %arg12[%dma_wait3A_431, %dma_wait3A_432] : memref<10240x128xf32, #tpu.memory_space<vmem_shared>> -> memref<10240x128xf32, #tpu.memory_space<vmem_shared>>
      tpu.wait_indirect_dma semaphore(%arg17 : memref<!tpu.dma_semaphore, #tpu.memory_space<semaphore_mem>>) src(%arg10 : memref<128x128xf32, #tpu.memory_space<vmem>>) dst(%dma_wait3A_433 : memref<10240x128xf32, #tpu.memory_space<vmem_shared>>)
      %dma_start3A_434 = arith.constant 4 : i32
      %dma_start3A_435 = arith.constant 0 : i32
      %dma_start3A_436 = tpu.memref_slice %arg7[%dma_start3A_434, %dma_start3A_435] : memref<8x128xi32, #tpu.memory_space<vmem>> -> memref<1x128xi32, #tpu.memory_space<vmem>>
      %dma_start3A_437 = tpu.memref_squeeze %dma_start3A_436 : memref<1x128xi32, #tpu.memory_space<vmem>> -> memref<128xi32, #tpu.memory_space<vmem>>
      %dma_start3A_438 = arith.constant 0 : i32
      %dma_start3A_439 = arith.constant 0 : i32
      %dma_start3A_440 = tpu.memref_slice %arg2[%dma_start3A_438, %dma_start3A_439] : memref<10000x128xf32, #tpu.memory_space<hbm>> -> memref<10000x128xf32, #tpu.memory_space<hbm>>
      tpu.enqueue_indirect_dma source(%dma_start3A_440 : memref<10000x128xf32, #tpu.memory_space<hbm>>) target(%arg10 : memref<128x128xf32, #tpu.memory_space<vmem>>) offsets(%dma_start3A_437 : memref<128xi32, #tpu.memory_space<vmem>>) semaphore(%arg15 : memref<!tpu.dma_semaphore, #tpu.memory_space<semaphore_mem>>)
      %dma_wait3A_441 = arith.constant 3 : i32
      %dma_wait3A_442 = arith.constant 0 : i32
      %dma_wait3A_443 = tpu.memref_slice %arg7[%dma_wait3A_441, %dma_wait3A_442] : memref<8x128xi32, #tpu.memory_space<vmem>> -> memref<1x128xi32, #tpu.memory_space<vmem>>
      %dma_wait3A_444 = tpu.memref_squeeze %dma_wait3A_443 : memref<1x128xi32, #tpu.memory_space<vmem>> -> memref<128xi32, #tpu.memory_space<vmem>>
      %dma_wait3A_445 = arith.constant 0 : i32
      %dma_wait3A_446 = arith.constant 0 : i32
      %dma_wait3A_447 = tpu.memref_slice %arg2[%dma_wait3A_445, %dma_wait3A_446] : memref<10000x128xf32, #tpu.memory_space<hbm>> -> memref<10000x128xf32, #tpu.memory_space<hbm>>
      tpu.wait_indirect_dma semaphore(%arg16 : memref<!tpu.dma_semaphore, #tpu.memory_space<semaphore_mem>>) src(%dma_wait3A_447 : memref<10000x128xf32, #tpu.memory_space<hbm>>) dst(%arg11 : memref<128x128xf32, #tpu.memory_space<vmem>>)
      %dma_start3A_448 = arith.constant 3 : i32
      %dma_start3A_449 = arith.constant 0 : i32
      %dma_start3A_450 = tpu.memref_slice %arg9[%dma_start3A_448, %dma_start3A_449] : memref<8x128xi32, #tpu.memory_space<vmem>> -> memref<1x128xi32, #tpu.memory_space<vmem>>
      %dma_start3A_451 = tpu.memref_squeeze %dma_start3A_450 : memref<1x128xi32, #tpu.memory_space<vmem>> -> memref<128xi32, #tpu.memory_space<vmem>>
      %dma_start3A_452 = arith.constant 0 : i32
      %dma_start3A_453 = arith.constant 0 : i32
      %dma_start3A_454 = tpu.memref_slice %arg12[%dma_start3A_452, %dma_start3A_453] : memref<10240x128xf32, #tpu.memory_space<vmem_shared>> -> memref<10240x128xf32, #tpu.memory_space<vmem_shared>>
      tpu.enqueue_indirect_dma source(%arg11 : memref<128x128xf32, #tpu.memory_space<vmem>>) target(%dma_start3A_454 : memref<10240x128xf32, #tpu.memory_space<vmem_shared>>) offsets(%dma_start3A_451 : memref<128xi32, #tpu.memory_space<vmem>>) semaphore(%arg18 : memref<!tpu.dma_semaphore, #tpu.memory_space<semaphore_mem>>) {add = true}
      %dma_wait3A_455 = arith.constant 3 : i32
      %dma_wait3A_456 = arith.constant 0 : i32
      %dma_wait3A_457 = tpu.memref_slice %arg9[%dma_wait3A_455, %dma_wait3A_456] : memref<8x128xi32, #tpu.memory_space<vmem>> -> memref<1x128xi32, #tpu.memory_space<vmem>>
      %dma_wait3A_458 = tpu.memref_squeeze %dma_wait3A_457 : memref<1x128xi32, #tpu.memory_space<vmem>> -> memref<128xi32, #tpu.memory_space<vmem>>
      %dma_wait3A_459 = arith.constant 0 : i32
      %dma_wait3A_460 = arith.constant 0 : i32
      %dma_wait3A_461 = tpu.memref_slice %arg12[%dma_wait3A_459, %dma_wait3A_460] : memref<10240x128xf32, #tpu.memory_space<vmem_shared>> -> memref<10240x128xf32, #tpu.memory_space<vmem_shared>>
      tpu.wait_indirect_dma semaphore(%arg18 : memref<!tpu.dma_semaphore, #tpu.memory_space<semaphore_mem>>) src(%arg11 : memref<128x128xf32, #tpu.memory_space<vmem>>) dst(%dma_wait3A_461 : memref<10240x128xf32, #tpu.memory_space<vmem_shared>>)
      %dma_start3A_462 = arith.constant 5 : i32
      %dma_start3A_463 = arith.constant 0 : i32
      %dma_start3A_464 = tpu.memref_slice %arg7[%dma_start3A_462, %dma_start3A_463] : memref<8x128xi32, #tpu.memory_space<vmem>> -> memref<1x128xi32, #tpu.memory_space<vmem>>
      %dma_start3A_465 = tpu.memref_squeeze %dma_start3A_464 : memref<1x128xi32, #tpu.memory_space<vmem>> -> memref<128xi32, #tpu.memory_space<vmem>>
      %dma_start3A_466 = arith.constant 0 : i32
      %dma_start3A_467 = arith.constant 0 : i32
      %dma_start3A_468 = tpu.memref_slice %arg2[%dma_start3A_466, %dma_start3A_467] : memref<10000x128xf32, #tpu.memory_space<hbm>> -> memref<10000x128xf32, #tpu.memory_space<hbm>>
      tpu.enqueue_indirect_dma source(%dma_start3A_468 : memref<10000x128xf32, #tpu.memory_space<hbm>>) target(%arg11 : memref<128x128xf32, #tpu.memory_space<vmem>>) offsets(%dma_start3A_465 : memref<128xi32, #tpu.memory_space<vmem>>) semaphore(%arg16 : memref<!tpu.dma_semaphore, #tpu.memory_space<semaphore_mem>>)
      %dma_wait3A_469 = arith.constant 4 : i32
      %dma_wait3A_470 = arith.constant 0 : i32
      %dma_wait3A_471 = tpu.memref_slice %arg7[%dma_wait3A_469, %dma_wait3A_470] : memref<8x128xi32, #tpu.memory_space<vmem>> -> memref<1x128xi32, #tpu.memory_space<vmem>>
      %dma_wait3A_472 = tpu.memref_squeeze %dma_wait3A_471 : memref<1x128xi32, #tpu.memory_space<vmem>> -> memref<128xi32, #tpu.memory_space<vmem>>
      %dma_wait3A_473 = arith.constant 0 : i32
      %dma_wait3A_474 = arith.constant 0 : i32
      %dma_wait3A_475 = tpu.memref_slice %arg2[%dma_wait3A_473, %dma_wait3A_474] : memref<10000x128xf32, #tpu.memory_space<hbm>> -> memref<10000x128xf32, #tpu.memory_space<hbm>>
      tpu.wait_indirect_dma semaphore(%arg15 : memref<!tpu.dma_semaphore, #tpu.memory_space<semaphore_mem>>) src(%dma_wait3A_475 : memref<10000x128xf32, #tpu.memory_space<hbm>>) dst(%arg10 : memref<128x128xf32, #tpu.memory_space<vmem>>)
      %dma_start3A_476 = arith.constant 4 : i32
      %dma_start3A_477 = arith.constant 0 : i32
      %dma_start3A_478 = tpu.memref_slice %arg9[%dma_start3A_476, %dma_start3A_477] : memref<8x128xi32, #tpu.memory_space<vmem>> -> memref<1x128xi32, #tpu.memory_space<vmem>>
      %dma_start3A_479 = tpu.memref_squeeze %dma_start3A_478 : memref<1x128xi32, #tpu.memory_space<vmem>> -> memref<128xi32, #tpu.memory_space<vmem>>
      %dma_start3A_480 = arith.constant 0 : i32
      %dma_start3A_481 = arith.constant 0 : i32
      %dma_start3A_482 = tpu.memref_slice %arg12[%dma_start3A_480, %dma_start3A_481] : memref<10240x128xf32, #tpu.memory_space<vmem_shared>> -> memref<10240x128xf32, #tpu.memory_space<vmem_shared>>
      tpu.enqueue_indirect_dma source(%arg10 : memref<128x128xf32, #tpu.memory_space<vmem>>) target(%dma_start3A_482 : memref<10240x128xf32, #tpu.memory_space<vmem_shared>>) offsets(%dma_start3A_479 : memref<128xi32, #tpu.memory_space<vmem>>) semaphore(%arg17 : memref<!tpu.dma_semaphore, #tpu.memory_space<semaphore_mem>>) {add = true}
      %dma_wait3A_483 = arith.constant 4 : i32
      %dma_wait3A_484 = arith.constant 0 : i32
      %dma_wait3A_485 = tpu.memref_slice %arg9[%dma_wait3A_483, %dma_wait3A_484] : memref<8x128xi32, #tpu.memory_space<vmem>> -> memref<1x128xi32, #tpu.memory_space<vmem>>
      %dma_wait3A_486 = tpu.memref_squeeze %dma_wait3A_485 : memref<1x128xi32, #tpu.memory_space<vmem>> -> memref<128xi32, #tpu.memory_space<vmem>>
      %dma_wait3A_487 = arith.constant 0 : i32
      %dma_wait3A_488 = arith.constant 0 : i32
      %dma_wait3A_489 = tpu.memref_slice %arg12[%dma_wait3A_487, %dma_wait3A_488] : memref<10240x128xf32, #tpu.memory_space<vmem_shared>> -> memref<10240x128xf32, #tpu.memory_space<vmem_shared>>
      tpu.wait_indirect_dma semaphore(%arg17 : memref<!tpu.dma_semaphore, #tpu.memory_space<semaphore_mem>>) src(%arg10 : memref<128x128xf32, #tpu.memory_space<vmem>>) dst(%dma_wait3A_489 : memref<10240x128xf32, #tpu.memory_space<vmem_shared>>)
      %dma_start3A_490 = arith.constant 6 : i32
      %dma_start3A_491 = arith.constant 0 : i32
      %dma_start3A_492 = tpu.memref_slice %arg7[%dma_start3A_490, %dma_start3A_491] : memref<8x128xi32, #tpu.memory_space<vmem>> -> memref<1x128xi32, #tpu.memory_space<vmem>>
      %dma_start3A_493 = tpu.memref_squeeze %dma_start3A_492 : memref<1x128xi32, #tpu.memory_space<vmem>> -> memref<128xi32, #tpu.memory_space<vmem>>
      %dma_start3A_494 = arith.constant 0 : i32
      %dma_start3A_495 = arith.constant 0 : i32
      %dma_start3A_496 = tpu.memref_slice %arg2[%dma_start3A_494, %dma_start3A_495] : memref<10000x128xf32, #tpu.memory_space<hbm>> -> memref<10000x128xf32, #tpu.memory_space<hbm>>
      tpu.enqueue_indirect_dma source(%dma_start3A_496 : memref<10000x128xf32, #tpu.memory_space<hbm>>) target(%arg10 : memref<128x128xf32, #tpu.memory_space<vmem>>) offsets(%dma_start3A_493 : memref<128xi32, #tpu.memory_space<vmem>>) semaphore(%arg15 : memref<!tpu.dma_semaphore, #tpu.memory_space<semaphore_mem>>)
      %dma_wait3A_497 = arith.constant 5 : i32
      %dma_wait3A_498 = arith.constant 0 : i32
      %dma_wait3A_499 = tpu.memref_slice %arg7[%dma_wait3A_497, %dma_wait3A_498] : memref<8x128xi32, #tpu.memory_space<vmem>> -> memref<1x128xi32, #tpu.memory_space<vmem>>
      %dma_wait3A_500 = tpu.memref_squeeze %dma_wait3A_499 : memref<1x128xi32, #tpu.memory_space<vmem>> -> memref<128xi32, #tpu.memory_space<vmem>>
      %dma_wait3A_501 = arith.constant 0 : i32
      %dma_wait3A_502 = arith.constant 0 : i32
      %dma_wait3A_503 = tpu.memref_slice %arg2[%dma_wait3A_501, %dma_wait3A_502] : memref<10000x128xf32, #tpu.memory_space<hbm>> -> memref<10000x128xf32, #tpu.memory_space<hbm>>
      tpu.wait_indirect_dma semaphore(%arg16 : memref<!tpu.dma_semaphore, #tpu.memory_space<semaphore_mem>>) src(%dma_wait3A_503 : memref<10000x128xf32, #tpu.memory_space<hbm>>) dst(%arg11 : memref<128x128xf32, #tpu.memory_space<vmem>>)
      %dma_start3A_504 = arith.constant 5 : i32
      %dma_start3A_505 = arith.constant 0 : i32
      %dma_start3A_506 = tpu.memref_slice %arg9[%dma_start3A_504, %dma_start3A_505] : memref<8x128xi32, #tpu.memory_space<vmem>> -> memref<1x128xi32, #tpu.memory_space<vmem>>
      %dma_start3A_507 = tpu.memref_squeeze %dma_start3A_506 : memref<1x128xi32, #tpu.memory_space<vmem>> -> memref<128xi32, #tpu.memory_space<vmem>>
      %dma_start3A_508 = arith.constant 0 : i32
      %dma_start3A_509 = arith.constant 0 : i32
      %dma_start3A_510 = tpu.memref_slice %arg12[%dma_start3A_508, %dma_start3A_509] : memref<10240x128xf32, #tpu.memory_space<vmem_shared>> -> memref<10240x128xf32, #tpu.memory_space<vmem_shared>>
      tpu.enqueue_indirect_dma source(%arg11 : memref<128x128xf32, #tpu.memory_space<vmem>>) target(%dma_start3A_510 : memref<10240x128xf32, #tpu.memory_space<vmem_shared>>) offsets(%dma_start3A_507 : memref<128xi32, #tpu.memory_space<vmem>>) semaphore(%arg18 : memref<!tpu.dma_semaphore, #tpu.memory_space<semaphore_mem>>) {add = true}
      %dma_wait3A_511 = arith.constant 5 : i32
      %dma_wait3A_512 = arith.constant 0 : i32
      %dma_wait3A_513 = tpu.memref_slice %arg9[%dma_wait3A_511, %dma_wait3A_512] : memref<8x128xi32, #tpu.memory_space<vmem>> -> memref<1x128xi32, #tpu.memory_space<vmem>>
      %dma_wait3A_514 = tpu.memref_squeeze %dma_wait3A_513 : memref<1x128xi32, #tpu.memory_space<vmem>> -> memref<128xi32, #tpu.memory_space<vmem>>
      %dma_wait3A_515 = arith.constant 0 : i32
      %dma_wait3A_516 = arith.constant 0 : i32
      %dma_wait3A_517 = tpu.memref_slice %arg12[%dma_wait3A_515, %dma_wait3A_516] : memref<10240x128xf32, #tpu.memory_space<vmem_shared>> -> memref<10240x128xf32, #tpu.memory_space<vmem_shared>>
      tpu.wait_indirect_dma semaphore(%arg18 : memref<!tpu.dma_semaphore, #tpu.memory_space<semaphore_mem>>) src(%arg11 : memref<128x128xf32, #tpu.memory_space<vmem>>) dst(%dma_wait3A_517 : memref<10240x128xf32, #tpu.memory_space<vmem_shared>>)
      %dma_start3A_518 = arith.constant 7 : i32
      %dma_start3A_519 = arith.constant 0 : i32
      %dma_start3A_520 = tpu.memref_slice %arg7[%dma_start3A_518, %dma_start3A_519] : memref<8x128xi32, #tpu.memory_space<vmem>> -> memref<1x128xi32, #tpu.memory_space<vmem>>
      %dma_start3A_521 = tpu.memref_squeeze %dma_start3A_520 : memref<1x128xi32, #tpu.memory_space<vmem>> -> memref<128xi32, #tpu.memory_space<vmem>>
      %dma_start3A_522 = arith.constant 0 : i32
      %dma_start3A_523 = arith.constant 0 : i32
      %dma_start3A_524 = tpu.memref_slice %arg2[%dma_start3A_522, %dma_start3A_523] : memref<10000x128xf32, #tpu.memory_space<hbm>> -> memref<10000x128xf32, #tpu.memory_space<hbm>>
      tpu.enqueue_indirect_dma source(%dma_start3A_524 : memref<10000x128xf32, #tpu.memory_space<hbm>>) target(%arg11 : memref<128x128xf32, #tpu.memory_space<vmem>>) offsets(%dma_start3A_521 : memref<128xi32, #tpu.memory_space<vmem>>) semaphore(%arg16 : memref<!tpu.dma_semaphore, #tpu.memory_space<semaphore_mem>>)
      %dma_wait3A_525 = arith.constant 6 : i32
      %dma_wait3A_526 = arith.constant 0 : i32
      %dma_wait3A_527 = tpu.memref_slice %arg7[%dma_wait3A_525, %dma_wait3A_526] : memref<8x128xi32, #tpu.memory_space<vmem>> -> memref<1x128xi32, #tpu.memory_space<vmem>>
      %dma_wait3A_528 = tpu.memref_squeeze %dma_wait3A_527 : memref<1x128xi32, #tpu.memory_space<vmem>> -> memref<128xi32, #tpu.memory_space<vmem>>
      %dma_wait3A_529 = arith.constant 0 : i32
      %dma_wait3A_530 = arith.constant 0 : i32
      %dma_wait3A_531 = tpu.memref_slice %arg2[%dma_wait3A_529, %dma_wait3A_530] : memref<10000x128xf32, #tpu.memory_space<hbm>> -> memref<10000x128xf32, #tpu.memory_space<hbm>>
      tpu.wait_indirect_dma semaphore(%arg15 : memref<!tpu.dma_semaphore, #tpu.memory_space<semaphore_mem>>) src(%dma_wait3A_531 : memref<10000x128xf32, #tpu.memory_space<hbm>>) dst(%arg10 : memref<128x128xf32, #tpu.memory_space<vmem>>)
      %dma_start3A_532 = arith.constant 6 : i32
      %dma_start3A_533 = arith.constant 0 : i32
      %dma_start3A_534 = tpu.memref_slice %arg9[%dma_start3A_532, %dma_start3A_533] : memref<8x128xi32, #tpu.memory_space<vmem>> -> memref<1x128xi32, #tpu.memory_space<vmem>>
      %dma_start3A_535 = tpu.memref_squeeze %dma_start3A_534 : memref<1x128xi32, #tpu.memory_space<vmem>> -> memref<128xi32, #tpu.memory_space<vmem>>
      %dma_start3A_536 = arith.constant 0 : i32
      %dma_start3A_537 = arith.constant 0 : i32
      %dma_start3A_538 = tpu.memref_slice %arg12[%dma_start3A_536, %dma_start3A_537] : memref<10240x128xf32, #tpu.memory_space<vmem_shared>> -> memref<10240x128xf32, #tpu.memory_space<vmem_shared>>
      tpu.enqueue_indirect_dma source(%arg10 : memref<128x128xf32, #tpu.memory_space<vmem>>) target(%dma_start3A_538 : memref<10240x128xf32, #tpu.memory_space<vmem_shared>>) offsets(%dma_start3A_535 : memref<128xi32, #tpu.memory_space<vmem>>) semaphore(%arg17 : memref<!tpu.dma_semaphore, #tpu.memory_space<semaphore_mem>>) {add = true}
      %dma_wait3A_539 = arith.constant 7 : i32
      %dma_wait3A_540 = arith.constant 0 : i32
      %dma_wait3A_541 = tpu.memref_slice %arg7[%dma_wait3A_539, %dma_wait3A_540] : memref<8x128xi32, #tpu.memory_space<vmem>> -> memref<1x128xi32, #tpu.memory_space<vmem>>
      %dma_wait3A_542 = tpu.memref_squeeze %dma_wait3A_541 : memref<1x128xi32, #tpu.memory_space<vmem>> -> memref<128xi32, #tpu.memory_space<vmem>>
      %dma_wait3A_543 = arith.constant 0 : i32
      %dma_wait3A_544 = arith.constant 0 : i32
      %dma_wait3A_545 = tpu.memref_slice %arg2[%dma_wait3A_543, %dma_wait3A_544] : memref<10000x128xf32, #tpu.memory_space<hbm>> -> memref<10000x128xf32, #tpu.memory_space<hbm>>
      tpu.wait_indirect_dma semaphore(%arg16 : memref<!tpu.dma_semaphore, #tpu.memory_space<semaphore_mem>>) src(%dma_wait3A_545 : memref<10000x128xf32, #tpu.memory_space<hbm>>) dst(%arg11 : memref<128x128xf32, #tpu.memory_space<vmem>>)
      %dma_start3A_546 = arith.constant 7 : i32
      %dma_start3A_547 = arith.constant 0 : i32
      %dma_start3A_548 = tpu.memref_slice %arg9[%dma_start3A_546, %dma_start3A_547] : memref<8x128xi32, #tpu.memory_space<vmem>> -> memref<1x128xi32, #tpu.memory_space<vmem>>
      %dma_start3A_549 = tpu.memref_squeeze %dma_start3A_548 : memref<1x128xi32, #tpu.memory_space<vmem>> -> memref<128xi32, #tpu.memory_space<vmem>>
      %dma_start3A_550 = arith.constant 0 : i32
      %dma_start3A_551 = arith.constant 0 : i32
      %dma_start3A_552 = tpu.memref_slice %arg12[%dma_start3A_550, %dma_start3A_551] : memref<10240x128xf32, #tpu.memory_space<vmem_shared>> -> memref<10240x128xf32, #tpu.memory_space<vmem_shared>>
      tpu.enqueue_indirect_dma source(%arg11 : memref<128x128xf32, #tpu.memory_space<vmem>>) target(%dma_start3A_552 : memref<10240x128xf32, #tpu.memory_space<vmem_shared>>) offsets(%dma_start3A_549 : memref<128xi32, #tpu.memory_space<vmem>>) semaphore(%arg18 : memref<!tpu.dma_semaphore, #tpu.memory_space<semaphore_mem>>) {add = true}
    }
    %scan3A_48 = arith.constant 5 : i32
    %dma_wait3A = arith.constant 10112 : i32
    %dma_wait3A_49 = arith.constant 0 : i32
    %dma_wait3A_50 = tpu.memref_slice %arg12[%dma_wait3A, %dma_wait3A_49] : memref<10240x128xf32, #tpu.memory_space<vmem_shared>> -> memref<128x128xf32, #tpu.memory_space<vmem_shared>>
    %dma_wait3A_51 = arith.constant 10112 : i32
    %dma_wait3A_52 = arith.constant 0 : i32
    %dma_wait3A_53 = tpu.memref_slice %arg12[%dma_wait3A_51, %dma_wait3A_52] : memref<10240x128xf32, #tpu.memory_space<vmem_shared>> -> memref<128x128xf32, #tpu.memory_space<vmem_shared>>
    tpu.wait_dma2 semaphore(%arg17 : memref<!tpu.dma_semaphore, #tpu.memory_space<semaphore_mem>>) src(%arg10 : memref<128x128xf32, #tpu.memory_space<vmem>>) dst(%dma_wait3A_53 : memref<128x128xf32, #tpu.memory_space<vmem_shared>>)
    %dma_wait3A_54 = arith.constant 10112 : i32
    %dma_wait3A_55 = arith.constant 0 : i32
    %dma_wait3A_56 = tpu.memref_slice %arg12[%dma_wait3A_54, %dma_wait3A_55] : memref<10240x128xf32, #tpu.memory_space<vmem_shared>> -> memref<128x128xf32, #tpu.memory_space<vmem_shared>>
    %dma_wait3A_57 = arith.constant 10112 : i32
    %dma_wait3A_58 = arith.constant 0 : i32
    %dma_wait3A_59 = tpu.memref_slice %arg12[%dma_wait3A_57, %dma_wait3A_58] : memref<10240x128xf32, #tpu.memory_space<vmem_shared>> -> memref<128x128xf32, #tpu.memory_space<vmem_shared>>
    tpu.wait_dma2 semaphore(%arg18 : memref<!tpu.dma_semaphore, #tpu.memory_space<semaphore_mem>>) src(%arg11 : memref<128x128xf32, #tpu.memory_space<vmem>>) dst(%dma_wait3A_59 : memref<128x128xf32, #tpu.memory_space<vmem_shared>>)
    %barrier3A_60 = arith.constant 0 : index
    tpu.barrier barrier_id(%barrier3A_60)
    %mul3A_61 = arith.constant 640 : i32
    %mul3A_62 = arith.muli %arg1, %mul3A_61 : i32
    %mul3A_63 = arith.constant 640 : i32
    %mul3A_64 = arith.muli %arg1, %mul3A_63 : i32
    "tpu.region"() ({
      %run_scoped3A = tpu.sem_alloc : memref<!tpu.dma_semaphore, #tpu.memory_space<semaphore_mem>>
      %dma_start3A_65 = arith.constant 0 : i32
      %dma_start3A_66 = tpu.memref_slice %arg5[%arg0, %mul3A_64, %dma_start3A_65] : memref<2x10240x128xf32, #tpu.memory_space<hbm>> -> memref<1x640x128xf32, #tpu.memory_space<hbm>>
      %dma_start3A_67 = tpu.memref_squeeze %dma_start3A_66 : memref<1x640x128xf32, #tpu.memory_space<hbm>> -> memref<640x128xf32, #tpu.memory_space<hbm>>
      %dma_start3A_68 = arith.constant 0 : i32
      %dma_start3A_69 = tpu.memref_slice %arg12[%mul3A_62, %dma_start3A_68] : memref<10240x128xf32, #tpu.memory_space<vmem_shared>> -> memref<640x128xf32, #tpu.memory_space<vmem_shared>>
      tpu.enqueue_dma source(%dma_start3A_69 : memref<640x128xf32, #tpu.memory_space<vmem_shared>>) target(%dma_start3A_67 : memref<640x128xf32, #tpu.memory_space<hbm>>) target_semaphore(%run_scoped3A : memref<!tpu.dma_semaphore, #tpu.memory_space<semaphore_mem>>)
      %dma_wait3A_70 = arith.constant 0 : i32
      %dma_wait3A_71 = tpu.memref_slice %arg5[%arg0, %mul3A_64, %dma_wait3A_70] : memref<2x10240x128xf32, #tpu.memory_space<hbm>> -> memref<1x640x128xf32, #tpu.memory_space<hbm>>
      %dma_wait3A_72 = tpu.memref_squeeze %dma_wait3A_71 : memref<1x640x128xf32, #tpu.memory_space<hbm>> -> memref<640x128xf32, #tpu.memory_space<hbm>>
      %dma_wait3A_73 = arith.constant 0 : i32
      %dma_wait3A_74 = tpu.memref_slice %arg12[%mul3A_62, %dma_wait3A_73] : memref<10240x128xf32, #tpu.memory_space<vmem_shared>> -> memref<640x128xf32, #tpu.memory_space<vmem_shared>>
      tpu.wait_dma2 semaphore(%run_scoped3A : memref<!tpu.dma_semaphore, #tpu.memory_space<semaphore_mem>>) src(%dma_wait3A_74 : memref<640x128xf32, #tpu.memory_space<vmem_shared>>) dst(%dma_wait3A_72 : memref<640x128xf32, #tpu.memory_space<hbm>>)
      tpu.yield
    }) : () -> ()
    return
  }
}

#map = affine_map<(d0, d1) -> (0, 0)>
#map1 = affine_map<(d0, d1) -> (0, 0, 0)>
module attributes {stable_mosaic.version = 14 : i64} {
  func.func @gsa_kernel(%arg0: i32, %arg1: i32, %arg2: memref<10000x128xf32, #tpu.memory_space<hbm>>, %arg3: memref<2560x128xi32, #tpu.memory_space<hbm>>, %arg4: memref<2560x128xi32, #tpu.memory_space<hbm>>, %arg5: memref<2x10240x128xf32, #tpu.memory_space<hbm>>, %arg6: memref<8x128xi32, #tpu.memory_space<vmem>>, %arg7: memref<8x128xi32, #tpu.memory_space<vmem>>, %arg8: memref<8x128xi32, #tpu.memory_space<vmem>>, %arg9: memref<8x128xi32, #tpu.memory_space<vmem>>, %arg10: memref<128x128xf32, #tpu.memory_space<vmem>>, %arg11: memref<128x128xf32, #tpu.memory_space<vmem>>, %arg12: memref<10240x128xf32, #tpu.memory_space<vmem_shared>>, %arg13: memref<!tpu.dma_semaphore, #tpu.memory_space<semaphore_mem>>, %arg14: memref<!tpu.dma_semaphore, #tpu.memory_space<semaphore_mem>>, %arg15: memref<!tpu.dma_semaphore, #tpu.memory_space<semaphore_mem>>, %arg16: memref<!tpu.dma_semaphore, #tpu.memory_space<semaphore_mem>>, %arg17: memref<!tpu.dma_semaphore, #tpu.memory_space<semaphore_mem>>, %arg18: memref<!tpu.dma_semaphore, #tpu.memory_space<semaphore_mem>>) attributes {dimension_semantics = [#tpu.dimension_semantics<core_parallel>, #tpu.dimension_semantics<subcore_parallel>], iteration_bounds = array<i64: 2, 16>, scalar_prefetch = 0 : i64, scratch_operands = 13 : i64, tpu.core_type = #tpu.core_type<sc_vector_subcore>, window_params = [{transform_indices = #map}, {transform_indices = #map}, {transform_indices = #map}, {transform_indices = #map1}]} {
    %mul3A = arith.constant 16 : i32
    %mul3A_0 = arith.muli %arg0, %mul3A : i32
    %add3A = arith.addi %mul3A_0, %arg1 : i32
    %mul3A_1 = arith.constant 10 : i32
    %mul3A_2 = arith.muli %add3A, %mul3A_1 : i32
    %scan3A = arith.constant 0 : i32
    %scan3A_3 = arith.constant 128 : i32
    %scan3A_4 = arith.addi %scan3A, %scan3A_3 : i32
    %scan3A_5 = arith.constant 1 : i32
    scf.for %scan3A_65 = %scan3A to %scan3A_4 step %scan3A_5  : i32 {
      %mul3A_66 = arith.constant 1 : i32
      %mul3A_67 = arith.muli %scan3A_65, %mul3A_66 : i32
      %add3A_68 = arith.constant 0 : i32
      %add3A_69 = arith.addi %add3A_68, %mul3A_67 : i32
      %scan3A_70 = arith.constant 0 : i32
      %scan3A_71 = arith.constant 8 : i32
      %scan3A_72 = arith.addi %scan3A_70, %scan3A_71 : i32
      %scan3A_73 = arith.constant 1 : i32
      scf.for %scan3A_75 = %scan3A_70 to %scan3A_72 step %scan3A_73  : i32 {
        %mul3A_76 = arith.constant 16 : i32
        %mul3A_77 = arith.muli %scan3A_75, %mul3A_76 : i32
        %add3A_78 = arith.constant 0 : i32
        %add3A_79 = arith.addi %add3A_78, %mul3A_77 : i32
        %broadcast_in_dim3A = arith.constant 0.000000e+00 : f32
        %broadcast_in_dim3A_80 = vector.broadcast %broadcast_in_dim3A : f32 to vector<16xf32>
        %swap3A = arith.index_cast %add3A_69 : i32 to index
        %swap3A_81 = arith.index_cast %add3A_79 : i32 to index
        %swap3A_82 = tpu.vector_load %arg10[%swap3A, %swap3A_81] {strides = array<i32>} : memref<128x128xf32, #tpu.memory_space<vmem>>, vector<1x16xf32>,
        %swap3A_83 = vector.shape_cast %swap3A_82 : vector<1x16xf32> to vector<16xf32>
        %swap3A_84 = vector.shape_cast %broadcast_in_dim3A_80 : vector<16xf32> to vector<1x16xf32>
        tpu.vector_store %arg10[%swap3A, %swap3A_81], %swap3A_84 {strides = array<i32>} : memref<128x128xf32, #tpu.memory_space<vmem>>, vector<1x16xf32>,
      }
      %scan3A_74 = arith.constant 8 : i32
    }
    %scan3A_6 = arith.constant 128 : i32
    %scan3A_7 = arith.constant 0 : i32
    %scan3A_8 = arith.constant 5 : i32
    %scan3A_9 = arith.addi %scan3A_7, %scan3A_8 : i32
    %scan3A_10 = arith.constant 1 : i32
    scf.for %scan3A_65 = %scan3A_7 to %scan3A_9 step %scan3A_10  : i32 {
      %mul3A_66 = arith.constant 128 : i32
      %mul3A_67 = arith.muli %scan3A_65, %mul3A_66 : i32
      %add3A_68 = arith.constant 0 : i32
      %add3A_69 = arith.addi %add3A_68, %mul3A_67 : i32
      %mul3A_70 = arith.constant 640 : i32
      %mul3A_71 = arith.muli %arg1, %mul3A_70 : i32
      %add3A_72 = arith.addi %mul3A_71, %add3A_69 : i32
      %dma_start3A_73 = arith.constant 0 : i32
      %dma_start3A_74 = tpu.memref_slice %arg12[%add3A_72, %dma_start3A_73] : memref<10240x128xf32, #tpu.memory_space<vmem_shared>> -> memref<128x128xf32, #tpu.memory_space<vmem_shared>>
      %dma_start3A_75 = arith.constant 0 : i32
      %dma_start3A_76 = tpu.memref_slice %arg12[%add3A_72, %dma_start3A_75] : memref<10240x128xf32, #tpu.memory_space<vmem_shared>> -> memref<128x128xf32, #tpu.memory_space<vmem_shared>>
      tpu.enqueue_dma source(%arg10 : memref<128x128xf32, #tpu.memory_space<vmem>>) target(%dma_start3A_76 : memref<128x128xf32, #tpu.memory_space<vmem_shared>>) target_semaphore(%arg14 : memref<!tpu.dma_semaphore, #tpu.memory_space<semaphore_mem>>)
    }
    %scan3A_11 = arith.constant 5 : i32
    %scan3A_12 = arith.constant 0 : i32
    %scan3A_13 = arith.constant 5 : i32
    %scan3A_14 = arith.addi %scan3A_12, %scan3A_13 : i32
    %scan3A_15 = arith.constant 1 : i32
    scf.for %scan3A_65 = %scan3A_12 to %scan3A_14 step %scan3A_15  : i32 {
      %mul3A_66 = arith.constant 128 : i32
      %mul3A_67 = arith.muli %scan3A_65, %mul3A_66 : i32
      %add3A_68 = arith.constant 0 : i32
      %add3A_69 = arith.addi %add3A_68, %mul3A_67 : i32
      %mul3A_70 = arith.constant 640 : i32
      %mul3A_71 = arith.muli %arg1, %mul3A_70 : i32
      %add3A_72 = arith.addi %mul3A_71, %add3A_69 : i32
      %dma_wait3A_73 = arith.constant 0 : i32
      %dma_wait3A_74 = tpu.memref_slice %arg12[%add3A_72, %dma_wait3A_73] : memref<10240x128xf32, #tpu.memory_space<vmem_shared>> -> memref<128x128xf32, #tpu.memory_space<vmem_shared>>
      %dma_wait3A_75 = arith.constant 0 : i32
      %dma_wait3A_76 = tpu.memref_slice %arg12[%add3A_72, %dma_wait3A_75] : memref<10240x128xf32, #tpu.memory_space<vmem_shared>> -> memref<128x128xf32, #tpu.memory_space<vmem_shared>>
      tpu.wait_dma2 semaphore(%arg14 : memref<!tpu.dma_semaphore, #tpu.memory_space<semaphore_mem>>) src(%arg10 : memref<128x128xf32, #tpu.memory_space<vmem>>) dst(%dma_wait3A_76 : memref<128x128xf32, #tpu.memory_space<vmem_shared>>)
    }
    %scan3A_16 = arith.constant 5 : i32
    %barrier3A = arith.constant 0 : index
    tpu.barrier barrier_id(%barrier3A)
    %add3A_17 = arith.constant 0 : i32
    %add3A_18 = arith.addi %mul3A_2, %add3A_17 : i32
    %mul3A_19 = arith.constant 8 : i32
    %mul3A_20 = arith.muli %add3A_18, %mul3A_19 : i32
    %dma_start3A = arith.constant 0 : i32
    %dma_start3A_21 = tpu.memref_slice %arg3[%mul3A_20, %dma_start3A] : memref<2560x128xi32, #tpu.memory_space<hbm>> -> memref<8x128xi32, #tpu.memory_space<hbm>>
    %dma_start3A_22 = arith.constant 0 : i32
    %dma_start3A_23 = tpu.memref_slice %arg3[%mul3A_20, %dma_start3A_22] : memref<2560x128xi32, #tpu.memory_space<hbm>> -> memref<8x128xi32, #tpu.memory_space<hbm>>
    tpu.enqueue_dma source(%dma_start3A_23 : memref<8x128xi32, #tpu.memory_space<hbm>>) target(%arg6 : memref<8x128xi32, #tpu.memory_space<vmem>>) target_semaphore(%arg13 : memref<!tpu.dma_semaphore, #tpu.memory_space<semaphore_mem>>)
    %add3A_24 = arith.constant 0 : i32
    %add3A_25 = arith.addi %mul3A_2, %add3A_24 : i32
    %mul3A_26 = arith.constant 8 : i32
    %mul3A_27 = arith.muli %add3A_25, %mul3A_26 : i32
    %dma_start3A_28 = arith.constant 0 : i32
    %dma_start3A_29 = tpu.memref_slice %arg4[%mul3A_27, %dma_start3A_28] : memref<2560x128xi32, #tpu.memory_space<hbm>> -> memref<8x128xi32, #tpu.memory_space<hbm>>
    %dma_start3A_30 = arith.constant 0 : i32
    %dma_start3A_31 = tpu.memref_slice %arg4[%mul3A_27, %dma_start3A_30] : memref<2560x128xi32, #tpu.memory_space<hbm>> -> memref<8x128xi32, #tpu.memory_space<hbm>>
    tpu.enqueue_dma source(%dma_start3A_31 : memref<8x128xi32, #tpu.memory_space<hbm>>) target(%arg8 : memref<8x128xi32, #tpu.memory_space<vmem>>) target_semaphore(%arg13 : memref<!tpu.dma_semaphore, #tpu.memory_space<semaphore_mem>>)
    %dma_start3A_32 = arith.constant 10112 : i32
    %dma_start3A_33 = arith.constant 0 : i32
    %dma_start3A_34 = tpu.memref_slice %arg12[%dma_start3A_32, %dma_start3A_33] : memref<10240x128xf32, #tpu.memory_space<vmem_shared>> -> memref<128x128xf32, #tpu.memory_space<vmem_shared>>
    %dma_start3A_35 = arith.constant 10112 : i32
    %dma_start3A_36 = arith.constant 0 : i32
    %dma_start3A_37 = tpu.memref_slice %arg12[%dma_start3A_35, %dma_start3A_36] : memref<10240x128xf32, #tpu.memory_space<vmem_shared>> -> memref<128x128xf32, #tpu.memory_space<vmem_shared>>
    tpu.enqueue_dma source(%arg10 : memref<128x128xf32, #tpu.memory_space<vmem>>) target(%dma_start3A_37 : memref<128x128xf32, #tpu.memory_space<vmem_shared>>) target_semaphore(%arg17 : memref<!tpu.dma_semaphore, #tpu.memory_space<semaphore_mem>>)
    %dma_start3A_38 = arith.constant 10112 : i32
    %dma_start3A_39 = arith.constant 0 : i32
    %dma_start3A_40 = tpu.memref_slice %arg12[%dma_start3A_38, %dma_start3A_39] : memref<10240x128xf32, #tpu.memory_space<vmem_shared>> -> memref<128x128xf32, #tpu.memory_space<vmem_shared>>
    %dma_start3A_41 = arith.constant 10112 : i32
    %dma_start3A_42 = arith.constant 0 : i32
    %dma_start3A_43 = tpu.memref_slice %arg12[%dma_start3A_41, %dma_start3A_42] : memref<10240x128xf32, #tpu.memory_space<vmem_shared>> -> memref<128x128xf32, #tpu.memory_space<vmem_shared>>
    tpu.enqueue_dma source(%arg10 : memref<128x128xf32, #tpu.memory_space<vmem>>) target(%dma_start3A_43 : memref<128x128xf32, #tpu.memory_space<vmem_shared>>) target_semaphore(%arg18 : memref<!tpu.dma_semaphore, #tpu.memory_space<semaphore_mem>>)
    %scan3A_44 = arith.constant 0 : i32
    %scan3A_45 = arith.constant 5 : i32
    %scan3A_46 = arith.addi %scan3A_44, %scan3A_45 : i32
    %scan3A_47 = arith.constant 1 : i32
    scf.for %scan3A_65 = %scan3A_44 to %scan3A_46 step %scan3A_47  : i32 {
      %mul3A_66 = arith.constant 2 : i32
      %mul3A_67 = arith.muli %scan3A_65, %mul3A_66 : i32
      %add3A_68 = arith.constant 0 : i32
      %add3A_69 = arith.addi %add3A_68, %mul3A_67 : i32
      %add3A_70 = arith.constant 0 : i32
      %add3A_71 = arith.addi %add3A_69, %add3A_70 : i32
      %add3A_72 = arith.constant 1 : i32
      %add3A_73 = arith.addi %add3A_71, %add3A_72 : i32
      %lt3A = arith.constant 10 : i32
      %lt3A_74 = arith.cmpi slt, %add3A_73, %lt3A : i32
      %convert_element_type3A = arith.extui %lt3A_74 : i1 to i32
      %cond3A = arith.constant 0 : i32
      %cond3A_75 = arith.cmpi ne, %convert_element_type3A, %cond3A : i32
      scf.if %cond3A_75 {
        %add3A_553 = arith.constant 0 : i32
        %add3A_554 = arith.addi %add3A_69, %add3A_553 : i32
        %add3A_555 = arith.constant 1 : i32
        %add3A_556 = arith.addi %add3A_554, %add3A_555 : i32
        %add3A_557 = arith.addi %mul3A_2, %add3A_556 : i32
        %mul3A_558 = arith.constant 8 : i32
        %mul3A_559 = arith.muli %add3A_557, %mul3A_558 : i32
        %dma_start3A_560 = arith.constant 0 : i32
        %dma_start3A_561 = tpu.memref_slice %arg3[%mul3A_559, %dma_start3A_560] : memref<2560x128xi32, #tpu.memory_space<hbm>> -> memref<8x128xi32, #tpu.memory_space<hbm>>
        %dma_start3A_562 = arith.constant 0 : i32
        %dma_start3A_563 = tpu.memref_slice %arg3[%mul3A_559, %dma_start3A_562] : memref<2560x128xi32, #tpu.memory_space<hbm>> -> memref<8x128xi32, #tpu.memory_space<hbm>>
        tpu.enqueue_dma source(%dma_start3A_563 : memref<8x128xi32, #tpu.memory_space<hbm>>) target(%arg7 : memref<8x128xi32, #tpu.memory_space<vmem>>) target_semaphore(%arg14 : memref<!tpu.dma_semaphore, #tpu.memory_space<semaphore_mem>>)
        %add3A_564 = arith.addi %mul3A_2, %add3A_556 : i32
        %mul3A_565 = arith.constant 8 : i32
        %mul3A_566 = arith.muli %add3A_564, %mul3A_565 : i32
        %dma_start3A_567 = arith.constant 0 : i32
        %dma_start3A_568 = tpu.memref_slice %arg4[%mul3A_566, %dma_start3A_567] : memref<2560x128xi32, #tpu.memory_space<hbm>> -> memref<8x128xi32, #tpu.memory_space<hbm>>
        %dma_start3A_569 = arith.constant 0 : i32
        %dma_start3A_570 = tpu.memref_slice %arg4[%mul3A_566, %dma_start3A_569] : memref<2560x128xi32, #tpu.memory_space<hbm>> -> memref<8x128xi32, #tpu.memory_space<hbm>>
        tpu.enqueue_dma source(%dma_start3A_570 : memref<8x128xi32, #tpu.memory_space<hbm>>) target(%arg9 : memref<8x128xi32, #tpu.memory_space<vmem>>) target_semaphore(%arg14 : memref<!tpu.dma_semaphore, #tpu.memory_space<semaphore_mem>>)
      } else {
      }
      %dma_wait3A_76 = arith.constant 0 : i32
      %dma_wait3A_77 = arith.constant 0 : i32
      %dma_wait3A_78 = tpu.memref_slice %arg3[%dma_wait3A_76, %dma_wait3A_77] : memref<2560x128xi32, #tpu.memory_space<hbm>> -> memref<8x128xi32, #tpu.memory_space<hbm>>
      %dma_wait3A_79 = arith.constant 0 : i32
      %dma_wait3A_80 = arith.constant 0 : i32
      %dma_wait3A_81 = tpu.memref_slice %arg3[%dma_wait3A_79, %dma_wait3A_80] : memref<2560x128xi32, #tpu.memory_space<hbm>> -> memref<8x128xi32, #tpu.memory_space<hbm>>
      tpu.wait_dma2 semaphore(%arg13 : memref<!tpu.dma_semaphore, #tpu.memory_space<semaphore_mem>>) src(%dma_wait3A_81 : memref<8x128xi32, #tpu.memory_space<hbm>>) dst(%arg6 : memref<8x128xi32, #tpu.memory_space<vmem>>)
      %dma_wait3A_82 = arith.constant 0 : i32
      %dma_wait3A_83 = arith.constant 0 : i32
      %dma_wait3A_84 = tpu.memref_slice %arg4[%dma_wait3A_82, %dma_wait3A_83] : memref<2560x128xi32, #tpu.memory_space<hbm>> -> memref<8x128xi32, #tpu.memory_space<hbm>>
      %dma_wait3A_85 = arith.constant 0 : i32
      %dma_wait3A_86 = arith.constant 0 : i32
      %dma_wait3A_87 = tpu.memref_slice %arg4[%dma_wait3A_85, %dma_wait3A_86] : memref<2560x128xi32, #tpu.memory_space<hbm>> -> memref<8x128xi32, #tpu.memory_space<hbm>>
      tpu.wait_dma2 semaphore(%arg13 : memref<!tpu.dma_semaphore, #tpu.memory_space<semaphore_mem>>) src(%dma_wait3A_87 : memref<8x128xi32, #tpu.memory_space<hbm>>) dst(%arg8 : memref<8x128xi32, #tpu.memory_space<vmem>>)
      %dma_wait3A_88 = arith.constant 10112 : i32
      %dma_wait3A_89 = arith.constant 0 : i32
      %dma_wait3A_90 = tpu.memref_slice %arg12[%dma_wait3A_88, %dma_wait3A_89] : memref<10240x128xf32, #tpu.memory_space<vmem_shared>> -> memref<128x128xf32, #tpu.memory_space<vmem_shared>>
      %dma_wait3A_91 = arith.constant 10112 : i32
      %dma_wait3A_92 = arith.constant 0 : i32
      %dma_wait3A_93 = tpu.memref_slice %arg12[%dma_wait3A_91, %dma_wait3A_92] : memref<10240x128xf32, #tpu.memory_space<vmem_shared>> -> memref<128x128xf32, #tpu.memory_space<vmem_shared>>
      tpu.wait_dma2 semaphore(%arg17 : memref<!tpu.dma_semaphore, #tpu.memory_space<semaphore_mem>>) src(%arg10 : memref<128x128xf32, #tpu.memory_space<vmem>>) dst(%dma_wait3A_93 : memref<128x128xf32, #tpu.memory_space<vmem_shared>>)
      %dma_start3A_94 = arith.constant 0 : i32
      %dma_start3A_95 = arith.constant 0 : i32
      %dma_start3A_96 = tpu.memref_slice %arg6[%dma_start3A_94, %dma_start3A_95] : memref<8x128xi32, #tpu.memory_space<vmem>> -> memref<1x128xi32, #tpu.memory_space<vmem>>
      %dma_start3A_97 = tpu.memref_squeeze %dma_start3A_96 : memref<1x128xi32, #tpu.memory_space<vmem>> -> memref<128xi32, #tpu.memory_space<vmem>>
      %dma_start3A_98 = arith.constant 0 : i32
      %dma_start3A_99 = arith.constant 0 : i32
      %dma_start3A_100 = tpu.memref_slice %arg2[%dma_start3A_98, %dma_start3A_99] : memref<10000x128xf32, #tpu.memory_space<hbm>> -> memref<10000x128xf32, #tpu.memory_space<hbm>>
      tpu.enqueue_indirect_dma source(%dma_start3A_100 : memref<10000x128xf32, #tpu.memory_space<hbm>>) target(%arg10 : memref<128x128xf32, #tpu.memory_space<vmem>>) offsets(%dma_start3A_97 : memref<128xi32, #tpu.memory_space<vmem>>) semaphore(%arg15 : memref<!tpu.dma_semaphore, #tpu.memory_space<semaphore_mem>>)
      %dma_wait3A_101 = arith.constant 10112 : i32
      %dma_wait3A_102 = arith.constant 0 : i32
      %dma_wait3A_103 = tpu.memref_slice %arg12[%dma_wait3A_101, %dma_wait3A_102] : memref<10240x128xf32, #tpu.memory_space<vmem_shared>> -> memref<128x128xf32, #tpu.memory_space<vmem_shared>>
      %dma_wait3A_104 = arith.constant 10112 : i32
      %dma_wait3A_105 = arith.constant 0 : i32
      %dma_wait3A_106 = tpu.memref_slice %arg12[%dma_wait3A_104, %dma_wait3A_105] : memref<10240x128xf32, #tpu.memory_space<vmem_shared>> -> memref<128x128xf32, #tpu.memory_space<vmem_shared>>
      tpu.wait_dma2 semaphore(%arg18 : memref<!tpu.dma_semaphore, #tpu.memory_space<semaphore_mem>>) src(%arg11 : memref<128x128xf32, #tpu.memory_space<vmem>>) dst(%dma_wait3A_106 : memref<128x128xf32, #tpu.memory_space<vmem_shared>>)
      %dma_start3A_107 = arith.constant 1 : i32
      %dma_start3A_108 = arith.constant 0 : i32
      %dma_start3A_109 = tpu.memref_slice %arg6[%dma_start3A_107, %dma_start3A_108] : memref<8x128xi32, #tpu.memory_space<vmem>> -> memref<1x128xi32, #tpu.memory_space<vmem>>
      %dma_start3A_110 = tpu.memref_squeeze %dma_start3A_109 : memref<1x128xi32, #tpu.memory_space<vmem>> -> memref<128xi32, #tpu.memory_space<vmem>>
      %dma_start3A_111 = arith.constant 0 : i32
      %dma_start3A_112 = arith.constant 0 : i32
      %dma_start3A_113 = tpu.memref_slice %arg2[%dma_start3A_111, %dma_start3A_112] : memref<10000x128xf32, #tpu.memory_space<hbm>> -> memref<10000x128xf32, #tpu.memory_space<hbm>>
      tpu.enqueue_indirect_dma source(%dma_start3A_113 : memref<10000x128xf32, #tpu.memory_space<hbm>>) target(%arg11 : memref<128x128xf32, #tpu.memory_space<vmem>>) offsets(%dma_start3A_110 : memref<128xi32, #tpu.memory_space<vmem>>) semaphore(%arg16 : memref<!tpu.dma_semaphore, #tpu.memory_space<semaphore_mem>>)
      %dma_wait3A_114 = arith.constant 0 : i32
      %dma_wait3A_115 = arith.constant 0 : i32
      %dma_wait3A_116 = tpu.memref_slice %arg6[%dma_wait3A_114, %dma_wait3A_115] : memref<8x128xi32, #tpu.memory_space<vmem>> -> memref<1x128xi32, #tpu.memory_space<vmem>>
      %dma_wait3A_117 = tpu.memref_squeeze %dma_wait3A_116 : memref<1x128xi32, #tpu.memory_space<vmem>> -> memref<128xi32, #tpu.memory_space<vmem>>
      %dma_wait3A_118 = arith.constant 0 : i32
      %dma_wait3A_119 = arith.constant 0 : i32
      %dma_wait3A_120 = tpu.memref_slice %arg2[%dma_wait3A_118, %dma_wait3A_119] : memref<10000x128xf32, #tpu.memory_space<hbm>> -> memref<10000x128xf32, #tpu.memory_space<hbm>>
      tpu.wait_indirect_dma semaphore(%arg15 : memref<!tpu.dma_semaphore, #tpu.memory_space<semaphore_mem>>) src(%dma_wait3A_120 : memref<10000x128xf32, #tpu.memory_space<hbm>>) dst(%arg10 : memref<128x128xf32, #tpu.memory_space<vmem>>)
      %dma_start3A_121 = arith.constant 0 : i32
      %dma_start3A_122 = arith.constant 0 : i32
      %dma_start3A_123 = tpu.memref_slice %arg8[%dma_start3A_121, %dma_start3A_122] : memref<8x128xi32, #tpu.memory_space<vmem>> -> memref<1x128xi32, #tpu.memory_space<vmem>>
      %dma_start3A_124 = tpu.memref_squeeze %dma_start3A_123 : memref<1x128xi32, #tpu.memory_space<vmem>> -> memref<128xi32, #tpu.memory_space<vmem>>
      %dma_start3A_125 = arith.constant 0 : i32
      %dma_start3A_126 = arith.constant 0 : i32
      %dma_start3A_127 = tpu.memref_slice %arg12[%dma_start3A_125, %dma_start3A_126] : memref<10240x128xf32, #tpu.memory_space<vmem_shared>> -> memref<10240x128xf32, #tpu.memory_space<vmem_shared>>
      tpu.enqueue_indirect_dma source(%arg10 : memref<128x128xf32, #tpu.memory_space<vmem>>) target(%dma_start3A_127 : memref<10240x128xf32, #tpu.memory_space<vmem_shared>>) offsets(%dma_start3A_124 : memref<128xi32, #tpu.memory_space<vmem>>) semaphore(%arg17 : memref<!tpu.dma_semaphore, #tpu.memory_space<semaphore_mem>>) {add = true}
      %dma_wait3A_128 = arith.constant 0 : i32
      %dma_wait3A_129 = arith.constant 0 : i32
      %dma_wait3A_130 = tpu.memref_slice %arg8[%dma_wait3A_128, %dma_wait3A_129] : memref<8x128xi32, #tpu.memory_space<vmem>> -> memref<1x128xi32, #tpu.memory_space<vmem>>
      %dma_wait3A_131 = tpu.memref_squeeze %dma_wait3A_130 : memref<1x128xi32, #tpu.memory_space<vmem>> -> memref<128xi32, #tpu.memory_space<vmem>>
      %dma_wait3A_132 = arith.constant 0 : i32
      %dma_wait3A_133 = arith.constant 0 : i32
      %dma_wait3A_134 = tpu.memref_slice %arg12[%dma_wait3A_132, %dma_wait3A_133] : memref<10240x128xf32, #tpu.memory_space<vmem_shared>> -> memref<10240x128xf32, #tpu.memory_space<vmem_shared>>
      tpu.wait_indirect_dma semaphore(%arg17 : memref<!tpu.dma_semaphore, #tpu.memory_space<semaphore_mem>>) src(%arg10 : memref<128x128xf32, #tpu.memory_space<vmem>>) dst(%dma_wait3A_134 : memref<10240x128xf32, #tpu.memory_space<vmem_shared>>)
      %dma_start3A_135 = arith.constant 2 : i32
      %dma_start3A_136 = arith.constant 0 : i32
      %dma_start3A_137 = tpu.memref_slice %arg6[%dma_start3A_135, %dma_start3A_136] : memref<8x128xi32, #tpu.memory_space<vmem>> -> memref<1x128xi32, #tpu.memory_space<vmem>>
      %dma_start3A_138 = tpu.memref_squeeze %dma_start3A_137 : memref<1x128xi32, #tpu.memory_space<vmem>> -> memref<128xi32, #tpu.memory_space<vmem>>
      %dma_start3A_139 = arith.constant 0 : i32
      %dma_start3A_140 = arith.constant 0 : i32
      %dma_start3A_141 = tpu.memref_slice %arg2[%dma_start3A_139, %dma_start3A_140] : memref<10000x128xf32, #tpu.memory_space<hbm>> -> memref<10000x128xf32, #tpu.memory_space<hbm>>
      tpu.enqueue_indirect_dma source(%dma_start3A_141 : memref<10000x128xf32, #tpu.memory_space<hbm>>) target(%arg10 : memref<128x128xf32, #tpu.memory_space<vmem>>) offsets(%dma_start3A_138 : memref<128xi32, #tpu.memory_space<vmem>>) semaphore(%arg15 : memref<!tpu.dma_semaphore, #tpu.memory_space<semaphore_mem>>)
      %dma_wait3A_142 = arith.constant 1 : i32
      %dma_wait3A_143 = arith.constant 0 : i32
      %dma_wait3A_144 = tpu.memref_slice %arg6[%dma_wait3A_142, %dma_wait3A_143] : memref<8x128xi32, #tpu.memory_space<vmem>> -> memref<1x128xi32, #tpu.memory_space<vmem>>
      %dma_wait3A_145 = tpu.memref_squeeze %dma_wait3A_144 : memref<1x128xi32, #tpu.memory_space<vmem>> -> memref<128xi32, #tpu.memory_space<vmem>>
      %dma_wait3A_146 = arith.constant 0 : i32
      %dma_wait3A_147 = arith.constant 0 : i32
      %dma_wait3A_148 = tpu.memref_slice %arg2[%dma_wait3A_146, %dma_wait3A_147] : memref<10000x128xf32, #tpu.memory_space<hbm>> -> memref<10000x128xf32, #tpu.memory_space<hbm>>
      tpu.wait_indirect_dma semaphore(%arg16 : memref<!tpu.dma_semaphore, #tpu.memory_space<semaphore_mem>>) src(%dma_wait3A_148 : memref<10000x128xf32, #tpu.memory_space<hbm>>) dst(%arg11 : memref<128x128xf32, #tpu.memory_space<vmem>>)
      %dma_start3A_149 = arith.constant 1 : i32
      %dma_start3A_150 = arith.constant 0 : i32
      %dma_start3A_151 = tpu.memref_slice %arg8[%dma_start3A_149, %dma_start3A_150] : memref<8x128xi32, #tpu.memory_space<vmem>> -> memref<1x128xi32, #tpu.memory_space<vmem>>
      %dma_start3A_152 = tpu.memref_squeeze %dma_start3A_151 : memref<1x128xi32, #tpu.memory_space<vmem>> -> memref<128xi32, #tpu.memory_space<vmem>>
      %dma_start3A_153 = arith.constant 0 : i32
      %dma_start3A_154 = arith.constant 0 : i32
      %dma_start3A_155 = tpu.memref_slice %arg12[%dma_start3A_153, %dma_start3A_154] : memref<10240x128xf32, #tpu.memory_space<vmem_shared>> -> memref<10240x128xf32, #tpu.memory_space<vmem_shared>>
      tpu.enqueue_indirect_dma source(%arg11 : memref<128x128xf32, #tpu.memory_space<vmem>>) target(%dma_start3A_155 : memref<10240x128xf32, #tpu.memory_space<vmem_shared>>) offsets(%dma_start3A_152 : memref<128xi32, #tpu.memory_space<vmem>>) semaphore(%arg18 : memref<!tpu.dma_semaphore, #tpu.memory_space<semaphore_mem>>) {add = true}
      %dma_wait3A_156 = arith.constant 1 : i32
      %dma_wait3A_157 = arith.constant 0 : i32
      %dma_wait3A_158 = tpu.memref_slice %arg8[%dma_wait3A_156, %dma_wait3A_157] : memref<8x128xi32, #tpu.memory_space<vmem>> -> memref<1x128xi32, #tpu.memory_space<vmem>>
      %dma_wait3A_159 = tpu.memref_squeeze %dma_wait3A_158 : memref<1x128xi32, #tpu.memory_space<vmem>> -> memref<128xi32, #tpu.memory_space<vmem>>
      %dma_wait3A_160 = arith.constant 0 : i32
      %dma_wait3A_161 = arith.constant 0 : i32
      %dma_wait3A_162 = tpu.memref_slice %arg12[%dma_wait3A_160, %dma_wait3A_161] : memref<10240x128xf32, #tpu.memory_space<vmem_shared>> -> memref<10240x128xf32, #tpu.memory_space<vmem_shared>>
      tpu.wait_indirect_dma semaphore(%arg18 : memref<!tpu.dma_semaphore, #tpu.memory_space<semaphore_mem>>) src(%arg11 : memref<128x128xf32, #tpu.memory_space<vmem>>) dst(%dma_wait3A_162 : memref<10240x128xf32, #tpu.memory_space<vmem_shared>>)
      %dma_start3A_163 = arith.constant 3 : i32
      %dma_start3A_164 = arith.constant 0 : i32
      %dma_start3A_165 = tpu.memref_slice %arg6[%dma_start3A_163, %dma_start3A_164] : memref<8x128xi32, #tpu.memory_space<vmem>> -> memref<1x128xi32, #tpu.memory_space<vmem>>
      %dma_start3A_166 = tpu.memref_squeeze %dma_start3A_165 : memref<1x128xi32, #tpu.memory_space<vmem>> -> memref<128xi32, #tpu.memory_space<vmem>>
      %dma_start3A_167 = arith.constant 0 : i32
      %dma_start3A_168 = arith.constant 0 : i32
      %dma_start3A_169 = tpu.memref_slice %arg2[%dma_start3A_167, %dma_start3A_168] : memref<10000x128xf32, #tpu.memory_space<hbm>> -> memref<10000x128xf32, #tpu.memory_space<hbm>>
      tpu.enqueue_indirect_dma source(%dma_start3A_169 : memref<10000x128xf32, #tpu.memory_space<hbm>>) target(%arg11 : memref<128x128xf32, #tpu.memory_space<vmem>>) offsets(%dma_start3A_166 : memref<128xi32, #tpu.memory_space<vmem>>) semaphore(%arg16 : memref<!tpu.dma_semaphore, #tpu.memory_space<semaphore_mem>>)
      %dma_wait3A_170 = arith.constant 2 : i32
      %dma_wait3A_171 = arith.constant 0 : i32
      %dma_wait3A_172 = tpu.memref_slice %arg6[%dma_wait3A_170, %dma_wait3A_171] : memref<8x128xi32, #tpu.memory_space<vmem>> -> memref<1x128xi32, #tpu.memory_space<vmem>>
      %dma_wait3A_173 = tpu.memref_squeeze %dma_wait3A_172 : memref<1x128xi32, #tpu.memory_space<vmem>> -> memref<128xi32, #tpu.memory_space<vmem>>
      %dma_wait3A_174 = arith.constant 0 : i32
      %dma_wait3A_175 = arith.constant 0 : i32
      %dma_wait3A_176 = tpu.memref_slice %arg2[%dma_wait3A_174, %dma_wait3A_175] : memref<10000x128xf32, #tpu.memory_space<hbm>> -> memref<10000x128xf32, #tpu.memory_space<hbm>>
      tpu.wait_indirect_dma semaphore(%arg15 : memref<!tpu.dma_semaphore, #tpu.memory_space<semaphore_mem>>) src(%dma_wait3A_176 : memref<10000x128xf32, #tpu.memory_space<hbm>>) dst(%arg10 : memref<128x128xf32, #tpu.memory_space<vmem>>)
      %dma_start3A_177 = arith.constant 2 : i32
      %dma_start3A_178 = arith.constant 0 : i32
      %dma_start3A_179 = tpu.memref_slice %arg8[%dma_start3A_177, %dma_start3A_178] : memref<8x128xi32, #tpu.memory_space<vmem>> -> memref<1x128xi32, #tpu.memory_space<vmem>>
      %dma_start3A_180 = tpu.memref_squeeze %dma_start3A_179 : memref<1x128xi32, #tpu.memory_space<vmem>> -> memref<128xi32, #tpu.memory_space<vmem>>
      %dma_start3A_181 = arith.constant 0 : i32
      %dma_start3A_182 = arith.constant 0 : i32
      %dma_start3A_183 = tpu.memref_slice %arg12[%dma_start3A_181, %dma_start3A_182] : memref<10240x128xf32, #tpu.memory_space<vmem_shared>> -> memref<10240x128xf32, #tpu.memory_space<vmem_shared>>
      tpu.enqueue_indirect_dma source(%arg10 : memref<128x128xf32, #tpu.memory_space<vmem>>) target(%dma_start3A_183 : memref<10240x128xf32, #tpu.memory_space<vmem_shared>>) offsets(%dma_start3A_180 : memref<128xi32, #tpu.memory_space<vmem>>) semaphore(%arg17 : memref<!tpu.dma_semaphore, #tpu.memory_space<semaphore_mem>>) {add = true}
      %dma_wait3A_184 = arith.constant 2 : i32
      %dma_wait3A_185 = arith.constant 0 : i32
      %dma_wait3A_186 = tpu.memref_slice %arg8[%dma_wait3A_184, %dma_wait3A_185] : memref<8x128xi32, #tpu.memory_space<vmem>> -> memref<1x128xi32, #tpu.memory_space<vmem>>
      %dma_wait3A_187 = tpu.memref_squeeze %dma_wait3A_186 : memref<1x128xi32, #tpu.memory_space<vmem>> -> memref<128xi32, #tpu.memory_space<vmem>>
      %dma_wait3A_188 = arith.constant 0 : i32
      %dma_wait3A_189 = arith.constant 0 : i32
      %dma_wait3A_190 = tpu.memref_slice %arg12[%dma_wait3A_188, %dma_wait3A_189] : memref<10240x128xf32, #tpu.memory_space<vmem_shared>> -> memref<10240x128xf32, #tpu.memory_space<vmem_shared>>
      tpu.wait_indirect_dma semaphore(%arg17 : memref<!tpu.dma_semaphore, #tpu.memory_space<semaphore_mem>>) src(%arg10 : memref<128x128xf32, #tpu.memory_space<vmem>>) dst(%dma_wait3A_190 : memref<10240x128xf32, #tpu.memory_space<vmem_shared>>)
      %dma_start3A_191 = arith.constant 4 : i32
      %dma_start3A_192 = arith.constant 0 : i32
      %dma_start3A_193 = tpu.memref_slice %arg6[%dma_start3A_191, %dma_start3A_192] : memref<8x128xi32, #tpu.memory_space<vmem>> -> memref<1x128xi32, #tpu.memory_space<vmem>>
      %dma_start3A_194 = tpu.memref_squeeze %dma_start3A_193 : memref<1x128xi32, #tpu.memory_space<vmem>> -> memref<128xi32, #tpu.memory_space<vmem>>
      %dma_start3A_195 = arith.constant 0 : i32
      %dma_start3A_196 = arith.constant 0 : i32
      %dma_start3A_197 = tpu.memref_slice %arg2[%dma_start3A_195, %dma_start3A_196] : memref<10000x128xf32, #tpu.memory_space<hbm>> -> memref<10000x128xf32, #tpu.memory_space<hbm>>
      tpu.enqueue_indirect_dma source(%dma_start3A_197 : memref<10000x128xf32, #tpu.memory_space<hbm>>) target(%arg10 : memref<128x128xf32, #tpu.memory_space<vmem>>) offsets(%dma_start3A_194 : memref<128xi32, #tpu.memory_space<vmem>>) semaphore(%arg15 : memref<!tpu.dma_semaphore, #tpu.memory_space<semaphore_mem>>)
      %dma_wait3A_198 = arith.constant 3 : i32
      %dma_wait3A_199 = arith.constant 0 : i32
      %dma_wait3A_200 = tpu.memref_slice %arg6[%dma_wait3A_198, %dma_wait3A_199] : memref<8x128xi32, #tpu.memory_space<vmem>> -> memref<1x128xi32, #tpu.memory_space<vmem>>
      %dma_wait3A_201 = tpu.memref_squeeze %dma_wait3A_200 : memref<1x128xi32, #tpu.memory_space<vmem>> -> memref<128xi32, #tpu.memory_space<vmem>>
      %dma_wait3A_202 = arith.constant 0 : i32
      %dma_wait3A_203 = arith.constant 0 : i32
      %dma_wait3A_204 = tpu.memref_slice %arg2[%dma_wait3A_202, %dma_wait3A_203] : memref<10000x128xf32, #tpu.memory_space<hbm>> -> memref<10000x128xf32, #tpu.memory_space<hbm>>
      tpu.wait_indirect_dma semaphore(%arg16 : memref<!tpu.dma_semaphore, #tpu.memory_space<semaphore_mem>>) src(%dma_wait3A_204 : memref<10000x128xf32, #tpu.memory_space<hbm>>) dst(%arg11 : memref<128x128xf32, #tpu.memory_space<vmem>>)
      %dma_start3A_205 = arith.constant 3 : i32
      %dma_start3A_206 = arith.constant 0 : i32
      %dma_start3A_207 = tpu.memref_slice %arg8[%dma_start3A_205, %dma_start3A_206] : memref<8x128xi32, #tpu.memory_space<vmem>> -> memref<1x128xi32, #tpu.memory_space<vmem>>
      %dma_start3A_208 = tpu.memref_squeeze %dma_start3A_207 : memref<1x128xi32, #tpu.memory_space<vmem>> -> memref<128xi32, #tpu.memory_space<vmem>>
      %dma_start3A_209 = arith.constant 0 : i32
      %dma_start3A_210 = arith.constant 0 : i32
      %dma_start3A_211 = tpu.memref_slice %arg12[%dma_start3A_209, %dma_start3A_210] : memref<10240x128xf32, #tpu.memory_space<vmem_shared>> -> memref<10240x128xf32, #tpu.memory_space<vmem_shared>>
      tpu.enqueue_indirect_dma source(%arg11 : memref<128x128xf32, #tpu.memory_space<vmem>>) target(%dma_start3A_211 : memref<10240x128xf32, #tpu.memory_space<vmem_shared>>) offsets(%dma_start3A_208 : memref<128xi32, #tpu.memory_space<vmem>>) semaphore(%arg18 : memref<!tpu.dma_semaphore, #tpu.memory_space<semaphore_mem>>) {add = true}
      %dma_wait3A_212 = arith.constant 3 : i32
      %dma_wait3A_213 = arith.constant 0 : i32
      %dma_wait3A_214 = tpu.memref_slice %arg8[%dma_wait3A_212, %dma_wait3A_213] : memref<8x128xi32, #tpu.memory_space<vmem>> -> memref<1x128xi32, #tpu.memory_space<vmem>>
      %dma_wait3A_215 = tpu.memref_squeeze %dma_wait3A_214 : memref<1x128xi32, #tpu.memory_space<vmem>> -> memref<128xi32, #tpu.memory_space<vmem>>
      %dma_wait3A_216 = arith.constant 0 : i32
      %dma_wait3A_217 = arith.constant 0 : i32
      %dma_wait3A_218 = tpu.memref_slice %arg12[%dma_wait3A_216, %dma_wait3A_217] : memref<10240x128xf32, #tpu.memory_space<vmem_shared>> -> memref<10240x128xf32, #tpu.memory_space<vmem_shared>>
      tpu.wait_indirect_dma semaphore(%arg18 : memref<!tpu.dma_semaphore, #tpu.memory_space<semaphore_mem>>) src(%arg11 : memref<128x128xf32, #tpu.memory_space<vmem>>) dst(%dma_wait3A_218 : memref<10240x128xf32, #tpu.memory_space<vmem_shared>>)
      %dma_start3A_219 = arith.constant 5 : i32
      %dma_start3A_220 = arith.constant 0 : i32
      %dma_start3A_221 = tpu.memref_slice %arg6[%dma_start3A_219, %dma_start3A_220] : memref<8x128xi32, #tpu.memory_space<vmem>> -> memref<1x128xi32, #tpu.memory_space<vmem>>
      %dma_start3A_222 = tpu.memref_squeeze %dma_start3A_221 : memref<1x128xi32, #tpu.memory_space<vmem>> -> memref<128xi32, #tpu.memory_space<vmem>>
      %dma_start3A_223 = arith.constant 0 : i32
      %dma_start3A_224 = arith.constant 0 : i32
      %dma_start3A_225 = tpu.memref_slice %arg2[%dma_start3A_223, %dma_start3A_224] : memref<10000x128xf32, #tpu.memory_space<hbm>> -> memref<10000x128xf32, #tpu.memory_space<hbm>>
      tpu.enqueue_indirect_dma source(%dma_start3A_225 : memref<10000x128xf32, #tpu.memory_space<hbm>>) target(%arg11 : memref<128x128xf32, #tpu.memory_space<vmem>>) offsets(%dma_start3A_222 : memref<128xi32, #tpu.memory_space<vmem>>) semaphore(%arg16 : memref<!tpu.dma_semaphore, #tpu.memory_space<semaphore_mem>>)
      %dma_wait3A_226 = arith.constant 4 : i32
      %dma_wait3A_227 = arith.constant 0 : i32
      %dma_wait3A_228 = tpu.memref_slice %arg6[%dma_wait3A_226, %dma_wait3A_227] : memref<8x128xi32, #tpu.memory_space<vmem>> -> memref<1x128xi32, #tpu.memory_space<vmem>>
      %dma_wait3A_229 = tpu.memref_squeeze %dma_wait3A_228 : memref<1x128xi32, #tpu.memory_space<vmem>> -> memref<128xi32, #tpu.memory_space<vmem>>
      %dma_wait3A_230 = arith.constant 0 : i32
      %dma_wait3A_231 = arith.constant 0 : i32
      %dma_wait3A_232 = tpu.memref_slice %arg2[%dma_wait3A_230, %dma_wait3A_231] : memref<10000x128xf32, #tpu.memory_space<hbm>> -> memref<10000x128xf32, #tpu.memory_space<hbm>>
      tpu.wait_indirect_dma semaphore(%arg15 : memref<!tpu.dma_semaphore, #tpu.memory_space<semaphore_mem>>) src(%dma_wait3A_232 : memref<10000x128xf32, #tpu.memory_space<hbm>>) dst(%arg10 : memref<128x128xf32, #tpu.memory_space<vmem>>)
      %dma_start3A_233 = arith.constant 4 : i32
      %dma_start3A_234 = arith.constant 0 : i32
      %dma_start3A_235 = tpu.memref_slice %arg8[%dma_start3A_233, %dma_start3A_234] : memref<8x128xi32, #tpu.memory_space<vmem>> -> memref<1x128xi32, #tpu.memory_space<vmem>>
      %dma_start3A_236 = tpu.memref_squeeze %dma_start3A_235 : memref<1x128xi32, #tpu.memory_space<vmem>> -> memref<128xi32, #tpu.memory_space<vmem>>
      %dma_start3A_237 = arith.constant 0 : i32
      %dma_start3A_238 = arith.constant 0 : i32
      %dma_start3A_239 = tpu.memref_slice %arg12[%dma_start3A_237, %dma_start3A_238] : memref<10240x128xf32, #tpu.memory_space<vmem_shared>> -> memref<10240x128xf32, #tpu.memory_space<vmem_shared>>
      tpu.enqueue_indirect_dma source(%arg10 : memref<128x128xf32, #tpu.memory_space<vmem>>) target(%dma_start3A_239 : memref<10240x128xf32, #tpu.memory_space<vmem_shared>>) offsets(%dma_start3A_236 : memref<128xi32, #tpu.memory_space<vmem>>) semaphore(%arg17 : memref<!tpu.dma_semaphore, #tpu.memory_space<semaphore_mem>>) {add = true}
      %dma_wait3A_240 = arith.constant 4 : i32
      %dma_wait3A_241 = arith.constant 0 : i32
      %dma_wait3A_242 = tpu.memref_slice %arg8[%dma_wait3A_240, %dma_wait3A_241] : memref<8x128xi32, #tpu.memory_space<vmem>> -> memref<1x128xi32, #tpu.memory_space<vmem>>
      %dma_wait3A_243 = tpu.memref_squeeze %dma_wait3A_242 : memref<1x128xi32, #tpu.memory_space<vmem>> -> memref<128xi32, #tpu.memory_space<vmem>>
      %dma_wait3A_244 = arith.constant 0 : i32
      %dma_wait3A_245 = arith.constant 0 : i32
      %dma_wait3A_246 = tpu.memref_slice %arg12[%dma_wait3A_244, %dma_wait3A_245] : memref<10240x128xf32, #tpu.memory_space<vmem_shared>> -> memref<10240x128xf32, #tpu.memory_space<vmem_shared>>
      tpu.wait_indirect_dma semaphore(%arg17 : memref<!tpu.dma_semaphore, #tpu.memory_space<semaphore_mem>>) src(%arg10 : memref<128x128xf32, #tpu.memory_space<vmem>>) dst(%dma_wait3A_246 : memref<10240x128xf32, #tpu.memory_space<vmem_shared>>)
      %dma_start3A_247 = arith.constant 6 : i32
      %dma_start3A_248 = arith.constant 0 : i32
      %dma_start3A_249 = tpu.memref_slice %arg6[%dma_start3A_247, %dma_start3A_248] : memref<8x128xi32, #tpu.memory_space<vmem>> -> memref<1x128xi32, #tpu.memory_space<vmem>>
      %dma_start3A_250 = tpu.memref_squeeze %dma_start3A_249 : memref<1x128xi32, #tpu.memory_space<vmem>> -> memref<128xi32, #tpu.memory_space<vmem>>
      %dma_start3A_251 = arith.constant 0 : i32
      %dma_start3A_252 = arith.constant 0 : i32
      %dma_start3A_253 = tpu.memref_slice %arg2[%dma_start3A_251, %dma_start3A_252] : memref<10000x128xf32, #tpu.memory_space<hbm>> -> memref<10000x128xf32, #tpu.memory_space<hbm>>
      tpu.enqueue_indirect_dma source(%dma_start3A_253 : memref<10000x128xf32, #tpu.memory_space<hbm>>) target(%arg10 : memref<128x128xf32, #tpu.memory_space<vmem>>) offsets(%dma_start3A_250 : memref<128xi32, #tpu.memory_space<vmem>>) semaphore(%arg15 : memref<!tpu.dma_semaphore, #tpu.memory_space<semaphore_mem>>)
      %dma_wait3A_254 = arith.constant 5 : i32
      %dma_wait3A_255 = arith.constant 0 : i32
      %dma_wait3A_256 = tpu.memref_slice %arg6[%dma_wait3A_254, %dma_wait3A_255] : memref<8x128xi32, #tpu.memory_space<vmem>> -> memref<1x128xi32, #tpu.memory_space<vmem>>
      %dma_wait3A_257 = tpu.memref_squeeze %dma_wait3A_256 : memref<1x128xi32, #tpu.memory_space<vmem>> -> memref<128xi32, #tpu.memory_space<vmem>>
      %dma_wait3A_258 = arith.constant 0 : i32
      %dma_wait3A_259 = arith.constant 0 : i32
      %dma_wait3A_260 = tpu.memref_slice %arg2[%dma_wait3A_258, %dma_wait3A_259] : memref<10000x128xf32, #tpu.memory_space<hbm>> -> memref<10000x128xf32, #tpu.memory_space<hbm>>
      tpu.wait_indirect_dma semaphore(%arg16 : memref<!tpu.dma_semaphore, #tpu.memory_space<semaphore_mem>>) src(%dma_wait3A_260 : memref<10000x128xf32, #tpu.memory_space<hbm>>) dst(%arg11 : memref<128x128xf32, #tpu.memory_space<vmem>>)
      %dma_start3A_261 = arith.constant 5 : i32
      %dma_start3A_262 = arith.constant 0 : i32
      %dma_start3A_263 = tpu.memref_slice %arg8[%dma_start3A_261, %dma_start3A_262] : memref<8x128xi32, #tpu.memory_space<vmem>> -> memref<1x128xi32, #tpu.memory_space<vmem>>
      %dma_start3A_264 = tpu.memref_squeeze %dma_start3A_263 : memref<1x128xi32, #tpu.memory_space<vmem>> -> memref<128xi32, #tpu.memory_space<vmem>>
      %dma_start3A_265 = arith.constant 0 : i32
      %dma_start3A_266 = arith.constant 0 : i32
      %dma_start3A_267 = tpu.memref_slice %arg12[%dma_start3A_265, %dma_start3A_266] : memref<10240x128xf32, #tpu.memory_space<vmem_shared>> -> memref<10240x128xf32, #tpu.memory_space<vmem_shared>>
      tpu.enqueue_indirect_dma source(%arg11 : memref<128x128xf32, #tpu.memory_space<vmem>>) target(%dma_start3A_267 : memref<10240x128xf32, #tpu.memory_space<vmem_shared>>) offsets(%dma_start3A_264 : memref<128xi32, #tpu.memory_space<vmem>>) semaphore(%arg18 : memref<!tpu.dma_semaphore, #tpu.memory_space<semaphore_mem>>) {add = true}
      %dma_wait3A_268 = arith.constant 5 : i32
      %dma_wait3A_269 = arith.constant 0 : i32
      %dma_wait3A_270 = tpu.memref_slice %arg8[%dma_wait3A_268, %dma_wait3A_269] : memref<8x128xi32, #tpu.memory_space<vmem>> -> memref<1x128xi32, #tpu.memory_space<vmem>>
      %dma_wait3A_271 = tpu.memref_squeeze %dma_wait3A_270 : memref<1x128xi32, #tpu.memory_space<vmem>> -> memref<128xi32, #tpu.memory_space<vmem>>
      %dma_wait3A_272 = arith.constant 0 : i32
      %dma_wait3A_273 = arith.constant 0 : i32
      %dma_wait3A_274 = tpu.memref_slice %arg12[%dma_wait3A_272, %dma_wait3A_273] : memref<10240x128xf32, #tpu.memory_space<vmem_shared>> -> memref<10240x128xf32, #tpu.memory_space<vmem_shared>>
      tpu.wait_indirect_dma semaphore(%arg18 : memref<!tpu.dma_semaphore, #tpu.memory_space<semaphore_mem>>) src(%arg11 : memref<128x128xf32, #tpu.memory_space<vmem>>) dst(%dma_wait3A_274 : memref<10240x128xf32, #tpu.memory_space<vmem_shared>>)
      %dma_start3A_275 = arith.constant 7 : i32
      %dma_start3A_276 = arith.constant 0 : i32
      %dma_start3A_277 = tpu.memref_slice %arg6[%dma_start3A_275, %dma_start3A_276] : memref<8x128xi32, #tpu.memory_space<vmem>> -> memref<1x128xi32, #tpu.memory_space<vmem>>
      %dma_start3A_278 = tpu.memref_squeeze %dma_start3A_277 : memref<1x128xi32, #tpu.memory_space<vmem>> -> memref<128xi32, #tpu.memory_space<vmem>>
      %dma_start3A_279 = arith.constant 0 : i32
      %dma_start3A_280 = arith.constant 0 : i32
      %dma_start3A_281 = tpu.memref_slice %arg2[%dma_start3A_279, %dma_start3A_280] : memref<10000x128xf32, #tpu.memory_space<hbm>> -> memref<10000x128xf32, #tpu.memory_space<hbm>>
      tpu.enqueue_indirect_dma source(%dma_start3A_281 : memref<10000x128xf32, #tpu.memory_space<hbm>>) target(%arg11 : memref<128x128xf32, #tpu.memory_space<vmem>>) offsets(%dma_start3A_278 : memref<128xi32, #tpu.memory_space<vmem>>) semaphore(%arg16 : memref<!tpu.dma_semaphore, #tpu.memory_space<semaphore_mem>>)
      %dma_wait3A_282 = arith.constant 6 : i32
      %dma_wait3A_283 = arith.constant 0 : i32
      %dma_wait3A_284 = tpu.memref_slice %arg6[%dma_wait3A_282, %dma_wait3A_283] : memref<8x128xi32, #tpu.memory_space<vmem>> -> memref<1x128xi32, #tpu.memory_space<vmem>>
      %dma_wait3A_285 = tpu.memref_squeeze %dma_wait3A_284 : memref<1x128xi32, #tpu.memory_space<vmem>> -> memref<128xi32, #tpu.memory_space<vmem>>
      %dma_wait3A_286 = arith.constant 0 : i32
      %dma_wait3A_287 = arith.constant 0 : i32
      %dma_wait3A_288 = tpu.memref_slice %arg2[%dma_wait3A_286, %dma_wait3A_287] : memref<10000x128xf32, #tpu.memory_space<hbm>> -> memref<10000x128xf32, #tpu.memory_space<hbm>>
      tpu.wait_indirect_dma semaphore(%arg15 : memref<!tpu.dma_semaphore, #tpu.memory_space<semaphore_mem>>) src(%dma_wait3A_288 : memref<10000x128xf32, #tpu.memory_space<hbm>>) dst(%arg10 : memref<128x128xf32, #tpu.memory_space<vmem>>)
      %dma_start3A_289 = arith.constant 6 : i32
      %dma_start3A_290 = arith.constant 0 : i32
      %dma_start3A_291 = tpu.memref_slice %arg8[%dma_start3A_289, %dma_start3A_290] : memref<8x128xi32, #tpu.memory_space<vmem>> -> memref<1x128xi32, #tpu.memory_space<vmem>>
      %dma_start3A_292 = tpu.memref_squeeze %dma_start3A_291 : memref<1x128xi32, #tpu.memory_space<vmem>> -> memref<128xi32, #tpu.memory_space<vmem>>
      %dma_start3A_293 = arith.constant 0 : i32
      %dma_start3A_294 = arith.constant 0 : i32
      %dma_start3A_295 = tpu.memref_slice %arg12[%dma_start3A_293, %dma_start3A_294] : memref<10240x128xf32, #tpu.memory_space<vmem_shared>> -> memref<10240x128xf32, #tpu.memory_space<vmem_shared>>
      tpu.enqueue_indirect_dma source(%arg10 : memref<128x128xf32, #tpu.memory_space<vmem>>) target(%dma_start3A_295 : memref<10240x128xf32, #tpu.memory_space<vmem_shared>>) offsets(%dma_start3A_292 : memref<128xi32, #tpu.memory_space<vmem>>) semaphore(%arg17 : memref<!tpu.dma_semaphore, #tpu.memory_space<semaphore_mem>>) {add = true}
      %dma_wait3A_296 = arith.constant 7 : i32
      %dma_wait3A_297 = arith.constant 0 : i32
      %dma_wait3A_298 = tpu.memref_slice %arg6[%dma_wait3A_296, %dma_wait3A_297] : memref<8x128xi32, #tpu.memory_space<vmem>> -> memref<1x128xi32, #tpu.memory_space<vmem>>
      %dma_wait3A_299 = tpu.memref_squeeze %dma_wait3A_298 : memref<1x128xi32, #tpu.memory_space<vmem>> -> memref<128xi32, #tpu.memory_space<vmem>>
      %dma_wait3A_300 = arith.constant 0 : i32
      %dma_wait3A_301 = arith.constant 0 : i32
      %dma_wait3A_302 = tpu.memref_slice %arg2[%dma_wait3A_300, %dma_wait3A_301] : memref<10000x128xf32, #tpu.memory_space<hbm>> -> memref<10000x128xf32, #tpu.memory_space<hbm>>
      tpu.wait_indirect_dma semaphore(%arg16 : memref<!tpu.dma_semaphore, #tpu.memory_space<semaphore_mem>>) src(%dma_wait3A_302 : memref<10000x128xf32, #tpu.memory_space<hbm>>) dst(%arg11 : memref<128x128xf32, #tpu.memory_space<vmem>>)
      %dma_start3A_303 = arith.constant 7 : i32
      %dma_start3A_304 = arith.constant 0 : i32
      %dma_start3A_305 = tpu.memref_slice %arg8[%dma_start3A_303, %dma_start3A_304] : memref<8x128xi32, #tpu.memory_space<vmem>> -> memref<1x128xi32, #tpu.memory_space<vmem>>
      %dma_start3A_306 = tpu.memref_squeeze %dma_start3A_305 : memref<1x128xi32, #tpu.memory_space<vmem>> -> memref<128xi32, #tpu.memory_space<vmem>>
      %dma_start3A_307 = arith.constant 0 : i32
      %dma_start3A_308 = arith.constant 0 : i32
      %dma_start3A_309 = tpu.memref_slice %arg12[%dma_start3A_307, %dma_start3A_308] : memref<10240x128xf32, #tpu.memory_space<vmem_shared>> -> memref<10240x128xf32, #tpu.memory_space<vmem_shared>>
      tpu.enqueue_indirect_dma source(%arg11 : memref<128x128xf32, #tpu.memory_space<vmem>>) target(%dma_start3A_309 : memref<10240x128xf32, #tpu.memory_space<vmem_shared>>) offsets(%dma_start3A_306 : memref<128xi32, #tpu.memory_space<vmem>>) semaphore(%arg18 : memref<!tpu.dma_semaphore, #tpu.memory_space<semaphore_mem>>) {add = true}
      %add3A_310 = arith.constant 1 : i32
      %add3A_311 = arith.addi %add3A_69, %add3A_310 : i32
      %add3A_312 = arith.constant 1 : i32
      %add3A_313 = arith.addi %add3A_311, %add3A_312 : i32
      %lt3A_314 = arith.constant 10 : i32
      %lt3A_315 = arith.cmpi slt, %add3A_313, %lt3A_314 : i32
      %convert_element_type3A_316 = arith.extui %lt3A_315 : i1 to i32
      %cond3A_317 = arith.constant 0 : i32
      %cond3A_318 = arith.cmpi ne, %convert_element_type3A_316, %cond3A_317 : i32
      scf.if %cond3A_318 {
        %add3A_553 = arith.constant 1 : i32
        %add3A_554 = arith.addi %add3A_69, %add3A_553 : i32
        %add3A_555 = arith.constant 1 : i32
        %add3A_556 = arith.addi %add3A_554, %add3A_555 : i32
        %add3A_557 = arith.addi %mul3A_2, %add3A_556 : i32
        %mul3A_558 = arith.constant 8 : i32
        %mul3A_559 = arith.muli %add3A_557, %mul3A_558 : i32
        %dma_start3A_560 = arith.constant 0 : i32
        %dma_start3A_561 = tpu.memref_slice %arg3[%mul3A_559, %dma_start3A_560] : memref<2560x128xi32, #tpu.memory_space<hbm>> -> memref<8x128xi32, #tpu.memory_space<hbm>>
        %dma_start3A_562 = arith.constant 0 : i32
        %dma_start3A_563 = tpu.memref_slice %arg3[%mul3A_559, %dma_start3A_562] : memref<2560x128xi32, #tpu.memory_space<hbm>> -> memref<8x128xi32, #tpu.memory_space<hbm>>
        tpu.enqueue_dma source(%dma_start3A_563 : memref<8x128xi32, #tpu.memory_space<hbm>>) target(%arg6 : memref<8x128xi32, #tpu.memory_space<vmem>>) target_semaphore(%arg13 : memref<!tpu.dma_semaphore, #tpu.memory_space<semaphore_mem>>)
        %add3A_564 = arith.addi %mul3A_2, %add3A_556 : i32
        %mul3A_565 = arith.constant 8 : i32
        %mul3A_566 = arith.muli %add3A_564, %mul3A_565 : i32
        %dma_start3A_567 = arith.constant 0 : i32
        %dma_start3A_568 = tpu.memref_slice %arg4[%mul3A_566, %dma_start3A_567] : memref<2560x128xi32, #tpu.memory_space<hbm>> -> memref<8x128xi32, #tpu.memory_space<hbm>>
        %dma_start3A_569 = arith.constant 0 : i32
        %dma_start3A_570 = tpu.memref_slice %arg4[%mul3A_566, %dma_start3A_569] : memref<2560x128xi32, #tpu.memory_space<hbm>> -> memref<8x128xi32, #tpu.memory_space<hbm>>
        tpu.enqueue_dma source(%dma_start3A_570 : memref<8x128xi32, #tpu.memory_space<hbm>>) target(%arg8 : memref<8x128xi32, #tpu.memory_space<vmem>>) target_semaphore(%arg13 : memref<!tpu.dma_semaphore, #tpu.memory_space<semaphore_mem>>)
      } else {
      }
      %dma_wait3A_319 = arith.constant 0 : i32
      %dma_wait3A_320 = arith.constant 0 : i32
      %dma_wait3A_321 = tpu.memref_slice %arg3[%dma_wait3A_319, %dma_wait3A_320] : memref<2560x128xi32, #tpu.memory_space<hbm>> -> memref<8x128xi32, #tpu.memory_space<hbm>>
      %dma_wait3A_322 = arith.constant 0 : i32
      %dma_wait3A_323 = arith.constant 0 : i32
      %dma_wait3A_324 = tpu.memref_slice %arg3[%dma_wait3A_322, %dma_wait3A_323] : memref<2560x128xi32, #tpu.memory_space<hbm>> -> memref<8x128xi32, #tpu.memory_space<hbm>>
      tpu.wait_dma2 semaphore(%arg14 : memref<!tpu.dma_semaphore, #tpu.memory_space<semaphore_mem>>) src(%dma_wait3A_324 : memref<8x128xi32, #tpu.memory_space<hbm>>) dst(%arg7 : memref<8x128xi32, #tpu.memory_space<vmem>>)
      %dma_wait3A_325 = arith.constant 0 : i32
      %dma_wait3A_326 = arith.constant 0 : i32
      %dma_wait3A_327 = tpu.memref_slice %arg4[%dma_wait3A_325, %dma_wait3A_326] : memref<2560x128xi32, #tpu.memory_space<hbm>> -> memref<8x128xi32, #tpu.memory_space<hbm>>
      %dma_wait3A_328 = arith.constant 0 : i32
      %dma_wait3A_329 = arith.constant 0 : i32
      %dma_wait3A_330 = tpu.memref_slice %arg4[%dma_wait3A_328, %dma_wait3A_329] : memref<2560x128xi32, #tpu.memory_space<hbm>> -> memref<8x128xi32, #tpu.memory_space<hbm>>
      tpu.wait_dma2 semaphore(%arg14 : memref<!tpu.dma_semaphore, #tpu.memory_space<semaphore_mem>>) src(%dma_wait3A_330 : memref<8x128xi32, #tpu.memory_space<hbm>>) dst(%arg9 : memref<8x128xi32, #tpu.memory_space<vmem>>)
      %dma_wait3A_331 = arith.constant 10112 : i32
      %dma_wait3A_332 = arith.constant 0 : i32
      %dma_wait3A_333 = tpu.memref_slice %arg12[%dma_wait3A_331, %dma_wait3A_332] : memref<10240x128xf32, #tpu.memory_space<vmem_shared>> -> memref<128x128xf32, #tpu.memory_space<vmem_shared>>
      %dma_wait3A_334 = arith.constant 10112 : i32
      %dma_wait3A_335 = arith.constant 0 : i32
      %dma_wait3A_336 = tpu.memref_slice %arg12[%dma_wait3A_334, %dma_wait3A_335] : memref<10240x128xf32, #tpu.memory_space<vmem_shared>> -> memref<128x128xf32, #tpu.memory_space<vmem_shared>>
      tpu.wait_dma2 semaphore(%arg17 : memref<!tpu.dma_semaphore, #tpu.memory_space<semaphore_mem>>) src(%arg10 : memref<128x128xf32, #tpu.memory_space<vmem>>) dst(%dma_wait3A_336 : memref<128x128xf32, #tpu.memory_space<vmem_shared>>)
      %dma_start3A_337 = arith.constant 0 : i32
      %dma_start3A_338 = arith.constant 0 : i32
      %dma_start3A_339 = tpu.memref_slice %arg7[%dma_start3A_337, %dma_start3A_338] : memref<8x128xi32, #tpu.memory_space<vmem>> -> memref<1x128xi32, #tpu.memory_space<vmem>>
      %dma_start3A_340 = tpu.memref_squeeze %dma_start3A_339 : memref<1x128xi32, #tpu.memory_space<vmem>> -> memref<128xi32, #tpu.memory_space<vmem>>
      %dma_start3A_341 = arith.constant 0 : i32
      %dma_start3A_342 = arith.constant 0 : i32
      %dma_start3A_343 = tpu.memref_slice %arg2[%dma_start3A_341, %dma_start3A_342] : memref<10000x128xf32, #tpu.memory_space<hbm>> -> memref<10000x128xf32, #tpu.memory_space<hbm>>
      tpu.enqueue_indirect_dma source(%dma_start3A_343 : memref<10000x128xf32, #tpu.memory_space<hbm>>) target(%arg10 : memref<128x128xf32, #tpu.memory_space<vmem>>) offsets(%dma_start3A_340 : memref<128xi32, #tpu.memory_space<vmem>>) semaphore(%arg15 : memref<!tpu.dma_semaphore, #tpu.memory_space<semaphore_mem>>)
      %dma_wait3A_344 = arith.constant 10112 : i32
      %dma_wait3A_345 = arith.constant 0 : i32
      %dma_wait3A_346 = tpu.memref_slice %arg12[%dma_wait3A_344, %dma_wait3A_345] : memref<10240x128xf32, #tpu.memory_space<vmem_shared>> -> memref<128x128xf32, #tpu.memory_space<vmem_shared>>
      %dma_wait3A_347 = arith.constant 10112 : i32
      %dma_wait3A_348 = arith.constant 0 : i32
      %dma_wait3A_349 = tpu.memref_slice %arg12[%dma_wait3A_347, %dma_wait3A_348] : memref<10240x128xf32, #tpu.memory_space<vmem_shared>> -> memref<128x128xf32, #tpu.memory_space<vmem_shared>>
      tpu.wait_dma2 semaphore(%arg18 : memref<!tpu.dma_semaphore, #tpu.memory_space<semaphore_mem>>) src(%arg11 : memref<128x128xf32, #tpu.memory_space<vmem>>) dst(%dma_wait3A_349 : memref<128x128xf32, #tpu.memory_space<vmem_shared>>)
      %dma_start3A_350 = arith.constant 1 : i32
      %dma_start3A_351 = arith.constant 0 : i32
      %dma_start3A_352 = tpu.memref_slice %arg7[%dma_start3A_350, %dma_start3A_351] : memref<8x128xi32, #tpu.memory_space<vmem>> -> memref<1x128xi32, #tpu.memory_space<vmem>>
      %dma_start3A_353 = tpu.memref_squeeze %dma_start3A_352 : memref<1x128xi32, #tpu.memory_space<vmem>> -> memref<128xi32, #tpu.memory_space<vmem>>
      %dma_start3A_354 = arith.constant 0 : i32
      %dma_start3A_355 = arith.constant 0 : i32
      %dma_start3A_356 = tpu.memref_slice %arg2[%dma_start3A_354, %dma_start3A_355] : memref<10000x128xf32, #tpu.memory_space<hbm>> -> memref<10000x128xf32, #tpu.memory_space<hbm>>
      tpu.enqueue_indirect_dma source(%dma_start3A_356 : memref<10000x128xf32, #tpu.memory_space<hbm>>) target(%arg11 : memref<128x128xf32, #tpu.memory_space<vmem>>) offsets(%dma_start3A_353 : memref<128xi32, #tpu.memory_space<vmem>>) semaphore(%arg16 : memref<!tpu.dma_semaphore, #tpu.memory_space<semaphore_mem>>)
      %dma_wait3A_357 = arith.constant 0 : i32
      %dma_wait3A_358 = arith.constant 0 : i32
      %dma_wait3A_359 = tpu.memref_slice %arg7[%dma_wait3A_357, %dma_wait3A_358] : memref<8x128xi32, #tpu.memory_space<vmem>> -> memref<1x128xi32, #tpu.memory_space<vmem>>
      %dma_wait3A_360 = tpu.memref_squeeze %dma_wait3A_359 : memref<1x128xi32, #tpu.memory_space<vmem>> -> memref<128xi32, #tpu.memory_space<vmem>>
      %dma_wait3A_361 = arith.constant 0 : i32
      %dma_wait3A_362 = arith.constant 0 : i32
      %dma_wait3A_363 = tpu.memref_slice %arg2[%dma_wait3A_361, %dma_wait3A_362] : memref<10000x128xf32, #tpu.memory_space<hbm>> -> memref<10000x128xf32, #tpu.memory_space<hbm>>
      tpu.wait_indirect_dma semaphore(%arg15 : memref<!tpu.dma_semaphore, #tpu.memory_space<semaphore_mem>>) src(%dma_wait3A_363 : memref<10000x128xf32, #tpu.memory_space<hbm>>) dst(%arg10 : memref<128x128xf32, #tpu.memory_space<vmem>>)
      %dma_start3A_364 = arith.constant 0 : i32
      %dma_start3A_365 = arith.constant 0 : i32
      %dma_start3A_366 = tpu.memref_slice %arg9[%dma_start3A_364, %dma_start3A_365] : memref<8x128xi32, #tpu.memory_space<vmem>> -> memref<1x128xi32, #tpu.memory_space<vmem>>
      %dma_start3A_367 = tpu.memref_squeeze %dma_start3A_366 : memref<1x128xi32, #tpu.memory_space<vmem>> -> memref<128xi32, #tpu.memory_space<vmem>>
      %dma_start3A_368 = arith.constant 0 : i32
      %dma_start3A_369 = arith.constant 0 : i32
      %dma_start3A_370 = tpu.memref_slice %arg12[%dma_start3A_368, %dma_start3A_369] : memref<10240x128xf32, #tpu.memory_space<vmem_shared>> -> memref<10240x128xf32, #tpu.memory_space<vmem_shared>>
      tpu.enqueue_indirect_dma source(%arg10 : memref<128x128xf32, #tpu.memory_space<vmem>>) target(%dma_start3A_370 : memref<10240x128xf32, #tpu.memory_space<vmem_shared>>) offsets(%dma_start3A_367 : memref<128xi32, #tpu.memory_space<vmem>>) semaphore(%arg17 : memref<!tpu.dma_semaphore, #tpu.memory_space<semaphore_mem>>) {add = true}
      %dma_wait3A_371 = arith.constant 0 : i32
      %dma_wait3A_372 = arith.constant 0 : i32
      %dma_wait3A_373 = tpu.memref_slice %arg9[%dma_wait3A_371, %dma_wait3A_372] : memref<8x128xi32, #tpu.memory_space<vmem>> -> memref<1x128xi32, #tpu.memory_space<vmem>>
      %dma_wait3A_374 = tpu.memref_squeeze %dma_wait3A_373 : memref<1x128xi32, #tpu.memory_space<vmem>> -> memref<128xi32, #tpu.memory_space<vmem>>
      %dma_wait3A_375 = arith.constant 0 : i32
      %dma_wait3A_376 = arith.constant 0 : i32
      %dma_wait3A_377 = tpu.memref_slice %arg12[%dma_wait3A_375, %dma_wait3A_376] : memref<10240x128xf32, #tpu.memory_space<vmem_shared>> -> memref<10240x128xf32, #tpu.memory_space<vmem_shared>>
      tpu.wait_indirect_dma semaphore(%arg17 : memref<!tpu.dma_semaphore, #tpu.memory_space<semaphore_mem>>) src(%arg10 : memref<128x128xf32, #tpu.memory_space<vmem>>) dst(%dma_wait3A_377 : memref<10240x128xf32, #tpu.memory_space<vmem_shared>>)
      %dma_start3A_378 = arith.constant 2 : i32
      %dma_start3A_379 = arith.constant 0 : i32
      %dma_start3A_380 = tpu.memref_slice %arg7[%dma_start3A_378, %dma_start3A_379] : memref<8x128xi32, #tpu.memory_space<vmem>> -> memref<1x128xi32, #tpu.memory_space<vmem>>
      %dma_start3A_381 = tpu.memref_squeeze %dma_start3A_380 : memref<1x128xi32, #tpu.memory_space<vmem>> -> memref<128xi32, #tpu.memory_space<vmem>>
      %dma_start3A_382 = arith.constant 0 : i32
      %dma_start3A_383 = arith.constant 0 : i32
      %dma_start3A_384 = tpu.memref_slice %arg2[%dma_start3A_382, %dma_start3A_383] : memref<10000x128xf32, #tpu.memory_space<hbm>> -> memref<10000x128xf32, #tpu.memory_space<hbm>>
      tpu.enqueue_indirect_dma source(%dma_start3A_384 : memref<10000x128xf32, #tpu.memory_space<hbm>>) target(%arg10 : memref<128x128xf32, #tpu.memory_space<vmem>>) offsets(%dma_start3A_381 : memref<128xi32, #tpu.memory_space<vmem>>) semaphore(%arg15 : memref<!tpu.dma_semaphore, #tpu.memory_space<semaphore_mem>>)
      %dma_wait3A_385 = arith.constant 1 : i32
      %dma_wait3A_386 = arith.constant 0 : i32
      %dma_wait3A_387 = tpu.memref_slice %arg7[%dma_wait3A_385, %dma_wait3A_386] : memref<8x128xi32, #tpu.memory_space<vmem>> -> memref<1x128xi32, #tpu.memory_space<vmem>>
      %dma_wait3A_388 = tpu.memref_squeeze %dma_wait3A_387 : memref<1x128xi32, #tpu.memory_space<vmem>> -> memref<128xi32, #tpu.memory_space<vmem>>
      %dma_wait3A_389 = arith.constant 0 : i32
      %dma_wait3A_390 = arith.constant 0 : i32
      %dma_wait3A_391 = tpu.memref_slice %arg2[%dma_wait3A_389, %dma_wait3A_390] : memref<10000x128xf32, #tpu.memory_space<hbm>> -> memref<10000x128xf32, #tpu.memory_space<hbm>>
      tpu.wait_indirect_dma semaphore(%arg16 : memref<!tpu.dma_semaphore, #tpu.memory_space<semaphore_mem>>) src(%dma_wait3A_391 : memref<10000x128xf32, #tpu.memory_space<hbm>>) dst(%arg11 : memref<128x128xf32, #tpu.memory_space<vmem>>)
      %dma_start3A_392 = arith.constant 1 : i32
      %dma_start3A_393 = arith.constant 0 : i32
      %dma_start3A_394 = tpu.memref_slice %arg9[%dma_start3A_392, %dma_start3A_393] : memref<8x128xi32, #tpu.memory_space<vmem>> -> memref<1x128xi32, #tpu.memory_space<vmem>>
      %dma_start3A_395 = tpu.memref_squeeze %dma_start3A_394 : memref<1x128xi32, #tpu.memory_space<vmem>> -> memref<128xi32, #tpu.memory_space<vmem>>
      %dma_start3A_396 = arith.constant 0 : i32
      %dma_start3A_397 = arith.constant 0 : i32
      %dma_start3A_398 = tpu.memref_slice %arg12[%dma_start3A_396, %dma_start3A_397] : memref<10240x128xf32, #tpu.memory_space<vmem_shared>> -> memref<10240x128xf32, #tpu.memory_space<vmem_shared>>
      tpu.enqueue_indirect_dma source(%arg11 : memref<128x128xf32, #tpu.memory_space<vmem>>) target(%dma_start3A_398 : memref<10240x128xf32, #tpu.memory_space<vmem_shared>>) offsets(%dma_start3A_395 : memref<128xi32, #tpu.memory_space<vmem>>) semaphore(%arg18 : memref<!tpu.dma_semaphore, #tpu.memory_space<semaphore_mem>>) {add = true}
      %dma_wait3A_399 = arith.constant 1 : i32
      %dma_wait3A_400 = arith.constant 0 : i32
      %dma_wait3A_401 = tpu.memref_slice %arg9[%dma_wait3A_399, %dma_wait3A_400] : memref<8x128xi32, #tpu.memory_space<vmem>> -> memref<1x128xi32, #tpu.memory_space<vmem>>
      %dma_wait3A_402 = tpu.memref_squeeze %dma_wait3A_401 : memref<1x128xi32, #tpu.memory_space<vmem>> -> memref<128xi32, #tpu.memory_space<vmem>>
      %dma_wait3A_403 = arith.constant 0 : i32
      %dma_wait3A_404 = arith.constant 0 : i32
      %dma_wait3A_405 = tpu.memref_slice %arg12[%dma_wait3A_403, %dma_wait3A_404] : memref<10240x128xf32, #tpu.memory_space<vmem_shared>> -> memref<10240x128xf32, #tpu.memory_space<vmem_shared>>
      tpu.wait_indirect_dma semaphore(%arg18 : memref<!tpu.dma_semaphore, #tpu.memory_space<semaphore_mem>>) src(%arg11 : memref<128x128xf32, #tpu.memory_space<vmem>>) dst(%dma_wait3A_405 : memref<10240x128xf32, #tpu.memory_space<vmem_shared>>)
      %dma_start3A_406 = arith.constant 3 : i32
      %dma_start3A_407 = arith.constant 0 : i32
      %dma_start3A_408 = tpu.memref_slice %arg7[%dma_start3A_406, %dma_start3A_407] : memref<8x128xi32, #tpu.memory_space<vmem>> -> memref<1x128xi32, #tpu.memory_space<vmem>>
      %dma_start3A_409 = tpu.memref_squeeze %dma_start3A_408 : memref<1x128xi32, #tpu.memory_space<vmem>> -> memref<128xi32, #tpu.memory_space<vmem>>
      %dma_start3A_410 = arith.constant 0 : i32
      %dma_start3A_411 = arith.constant 0 : i32
      %dma_start3A_412 = tpu.memref_slice %arg2[%dma_start3A_410, %dma_start3A_411] : memref<10000x128xf32, #tpu.memory_space<hbm>> -> memref<10000x128xf32, #tpu.memory_space<hbm>>
      tpu.enqueue_indirect_dma source(%dma_start3A_412 : memref<10000x128xf32, #tpu.memory_space<hbm>>) target(%arg11 : memref<128x128xf32, #tpu.memory_space<vmem>>) offsets(%dma_start3A_409 : memref<128xi32, #tpu.memory_space<vmem>>) semaphore(%arg16 : memref<!tpu.dma_semaphore, #tpu.memory_space<semaphore_mem>>)
      %dma_wait3A_413 = arith.constant 2 : i32
      %dma_wait3A_414 = arith.constant 0 : i32
      %dma_wait3A_415 = tpu.memref_slice %arg7[%dma_wait3A_413, %dma_wait3A_414] : memref<8x128xi32, #tpu.memory_space<vmem>> -> memref<1x128xi32, #tpu.memory_space<vmem>>
      %dma_wait3A_416 = tpu.memref_squeeze %dma_wait3A_415 : memref<1x128xi32, #tpu.memory_space<vmem>> -> memref<128xi32, #tpu.memory_space<vmem>>
      %dma_wait3A_417 = arith.constant 0 : i32
      %dma_wait3A_418 = arith.constant 0 : i32
      %dma_wait3A_419 = tpu.memref_slice %arg2[%dma_wait3A_417, %dma_wait3A_418] : memref<10000x128xf32, #tpu.memory_space<hbm>> -> memref<10000x128xf32, #tpu.memory_space<hbm>>
      tpu.wait_indirect_dma semaphore(%arg15 : memref<!tpu.dma_semaphore, #tpu.memory_space<semaphore_mem>>) src(%dma_wait3A_419 : memref<10000x128xf32, #tpu.memory_space<hbm>>) dst(%arg10 : memref<128x128xf32, #tpu.memory_space<vmem>>)
      %dma_start3A_420 = arith.constant 2 : i32
      %dma_start3A_421 = arith.constant 0 : i32
      %dma_start3A_422 = tpu.memref_slice %arg9[%dma_start3A_420, %dma_start3A_421] : memref<8x128xi32, #tpu.memory_space<vmem>> -> memref<1x128xi32, #tpu.memory_space<vmem>>
      %dma_start3A_423 = tpu.memref_squeeze %dma_start3A_422 : memref<1x128xi32, #tpu.memory_space<vmem>> -> memref<128xi32, #tpu.memory_space<vmem>>
      %dma_start3A_424 = arith.constant 0 : i32
      %dma_start3A_425 = arith.constant 0 : i32
      %dma_start3A_426 = tpu.memref_slice %arg12[%dma_start3A_424, %dma_start3A_425] : memref<10240x128xf32, #tpu.memory_space<vmem_shared>> -> memref<10240x128xf32, #tpu.memory_space<vmem_shared>>
      tpu.enqueue_indirect_dma source(%arg10 : memref<128x128xf32, #tpu.memory_space<vmem>>) target(%dma_start3A_426 : memref<10240x128xf32, #tpu.memory_space<vmem_shared>>) offsets(%dma_start3A_423 : memref<128xi32, #tpu.memory_space<vmem>>) semaphore(%arg17 : memref<!tpu.dma_semaphore, #tpu.memory_space<semaphore_mem>>) {add = true}
      %dma_wait3A_427 = arith.constant 2 : i32
      %dma_wait3A_428 = arith.constant 0 : i32
      %dma_wait3A_429 = tpu.memref_slice %arg9[%dma_wait3A_427, %dma_wait3A_428] : memref<8x128xi32, #tpu.memory_space<vmem>> -> memref<1x128xi32, #tpu.memory_space<vmem>>
      %dma_wait3A_430 = tpu.memref_squeeze %dma_wait3A_429 : memref<1x128xi32, #tpu.memory_space<vmem>> -> memref<128xi32, #tpu.memory_space<vmem>>
      %dma_wait3A_431 = arith.constant 0 : i32
      %dma_wait3A_432 = arith.constant 0 : i32
      %dma_wait3A_433 = tpu.memref_slice %arg12[%dma_wait3A_431, %dma_wait3A_432] : memref<10240x128xf32, #tpu.memory_space<vmem_shared>> -> memref<10240x128xf32, #tpu.memory_space<vmem_shared>>
      tpu.wait_indirect_dma semaphore(%arg17 : memref<!tpu.dma_semaphore, #tpu.memory_space<semaphore_mem>>) src(%arg10 : memref<128x128xf32, #tpu.memory_space<vmem>>) dst(%dma_wait3A_433 : memref<10240x128xf32, #tpu.memory_space<vmem_shared>>)
      %dma_start3A_434 = arith.constant 4 : i32
      %dma_start3A_435 = arith.constant 0 : i32
      %dma_start3A_436 = tpu.memref_slice %arg7[%dma_start3A_434, %dma_start3A_435] : memref<8x128xi32, #tpu.memory_space<vmem>> -> memref<1x128xi32, #tpu.memory_space<vmem>>
      %dma_start3A_437 = tpu.memref_squeeze %dma_start3A_436 : memref<1x128xi32, #tpu.memory_space<vmem>> -> memref<128xi32, #tpu.memory_space<vmem>>
      %dma_start3A_438 = arith.constant 0 : i32
      %dma_start3A_439 = arith.constant 0 : i32
      %dma_start3A_440 = tpu.memref_slice %arg2[%dma_start3A_438, %dma_start3A_439] : memref<10000x128xf32, #tpu.memory_space<hbm>> -> memref<10000x128xf32, #tpu.memory_space<hbm>>
      tpu.enqueue_indirect_dma source(%dma_start3A_440 : memref<10000x128xf32, #tpu.memory_space<hbm>>) target(%arg10 : memref<128x128xf32, #tpu.memory_space<vmem>>) offsets(%dma_start3A_437 : memref<128xi32, #tpu.memory_space<vmem>>) semaphore(%arg15 : memref<!tpu.dma_semaphore, #tpu.memory_space<semaphore_mem>>)
      %dma_wait3A_441 = arith.constant 3 : i32
      %dma_wait3A_442 = arith.constant 0 : i32
      %dma_wait3A_443 = tpu.memref_slice %arg7[%dma_wait3A_441, %dma_wait3A_442] : memref<8x128xi32, #tpu.memory_space<vmem>> -> memref<1x128xi32, #tpu.memory_space<vmem>>
      %dma_wait3A_444 = tpu.memref_squeeze %dma_wait3A_443 : memref<1x128xi32, #tpu.memory_space<vmem>> -> memref<128xi32, #tpu.memory_space<vmem>>
      %dma_wait3A_445 = arith.constant 0 : i32
      %dma_wait3A_446 = arith.constant 0 : i32
      %dma_wait3A_447 = tpu.memref_slice %arg2[%dma_wait3A_445, %dma_wait3A_446] : memref<10000x128xf32, #tpu.memory_space<hbm>> -> memref<10000x128xf32, #tpu.memory_space<hbm>>
      tpu.wait_indirect_dma semaphore(%arg16 : memref<!tpu.dma_semaphore, #tpu.memory_space<semaphore_mem>>) src(%dma_wait3A_447 : memref<10000x128xf32, #tpu.memory_space<hbm>>) dst(%arg11 : memref<128x128xf32, #tpu.memory_space<vmem>>)
      %dma_start3A_448 = arith.constant 3 : i32
      %dma_start3A_449 = arith.constant 0 : i32
      %dma_start3A_450 = tpu.memref_slice %arg9[%dma_start3A_448, %dma_start3A_449] : memref<8x128xi32, #tpu.memory_space<vmem>> -> memref<1x128xi32, #tpu.memory_space<vmem>>
      %dma_start3A_451 = tpu.memref_squeeze %dma_start3A_450 : memref<1x128xi32, #tpu.memory_space<vmem>> -> memref<128xi32, #tpu.memory_space<vmem>>
      %dma_start3A_452 = arith.constant 0 : i32
      %dma_start3A_453 = arith.constant 0 : i32
      %dma_start3A_454 = tpu.memref_slice %arg12[%dma_start3A_452, %dma_start3A_453] : memref<10240x128xf32, #tpu.memory_space<vmem_shared>> -> memref<10240x128xf32, #tpu.memory_space<vmem_shared>>
      tpu.enqueue_indirect_dma source(%arg11 : memref<128x128xf32, #tpu.memory_space<vmem>>) target(%dma_start3A_454 : memref<10240x128xf32, #tpu.memory_space<vmem_shared>>) offsets(%dma_start3A_451 : memref<128xi32, #tpu.memory_space<vmem>>) semaphore(%arg18 : memref<!tpu.dma_semaphore, #tpu.memory_space<semaphore_mem>>) {add = true}
      %dma_wait3A_455 = arith.constant 3 : i32
      %dma_wait3A_456 = arith.constant 0 : i32
      %dma_wait3A_457 = tpu.memref_slice %arg9[%dma_wait3A_455, %dma_wait3A_456] : memref<8x128xi32, #tpu.memory_space<vmem>> -> memref<1x128xi32, #tpu.memory_space<vmem>>
      %dma_wait3A_458 = tpu.memref_squeeze %dma_wait3A_457 : memref<1x128xi32, #tpu.memory_space<vmem>> -> memref<128xi32, #tpu.memory_space<vmem>>
      %dma_wait3A_459 = arith.constant 0 : i32
      %dma_wait3A_460 = arith.constant 0 : i32
      %dma_wait3A_461 = tpu.memref_slice %arg12[%dma_wait3A_459, %dma_wait3A_460] : memref<10240x128xf32, #tpu.memory_space<vmem_shared>> -> memref<10240x128xf32, #tpu.memory_space<vmem_shared>>
      tpu.wait_indirect_dma semaphore(%arg18 : memref<!tpu.dma_semaphore, #tpu.memory_space<semaphore_mem>>) src(%arg11 : memref<128x128xf32, #tpu.memory_space<vmem>>) dst(%dma_wait3A_461 : memref<10240x128xf32, #tpu.memory_space<vmem_shared>>)
      %dma_start3A_462 = arith.constant 5 : i32
      %dma_start3A_463 = arith.constant 0 : i32
      %dma_start3A_464 = tpu.memref_slice %arg7[%dma_start3A_462, %dma_start3A_463] : memref<8x128xi32, #tpu.memory_space<vmem>> -> memref<1x128xi32, #tpu.memory_space<vmem>>
      %dma_start3A_465 = tpu.memref_squeeze %dma_start3A_464 : memref<1x128xi32, #tpu.memory_space<vmem>> -> memref<128xi32, #tpu.memory_space<vmem>>
      %dma_start3A_466 = arith.constant 0 : i32
      %dma_start3A_467 = arith.constant 0 : i32
      %dma_start3A_468 = tpu.memref_slice %arg2[%dma_start3A_466, %dma_start3A_467] : memref<10000x128xf32, #tpu.memory_space<hbm>> -> memref<10000x128xf32, #tpu.memory_space<hbm>>
      tpu.enqueue_indirect_dma source(%dma_start3A_468 : memref<10000x128xf32, #tpu.memory_space<hbm>>) target(%arg11 : memref<128x128xf32, #tpu.memory_space<vmem>>) offsets(%dma_start3A_465 : memref<128xi32, #tpu.memory_space<vmem>>) semaphore(%arg16 : memref<!tpu.dma_semaphore, #tpu.memory_space<semaphore_mem>>)
      %dma_wait3A_469 = arith.constant 4 : i32
      %dma_wait3A_470 = arith.constant 0 : i32
      %dma_wait3A_471 = tpu.memref_slice %arg7[%dma_wait3A_469, %dma_wait3A_470] : memref<8x128xi32, #tpu.memory_space<vmem>> -> memref<1x128xi32, #tpu.memory_space<vmem>>
      %dma_wait3A_472 = tpu.memref_squeeze %dma_wait3A_471 : memref<1x128xi32, #tpu.memory_space<vmem>> -> memref<128xi32, #tpu.memory_space<vmem>>
      %dma_wait3A_473 = arith.constant 0 : i32
      %dma_wait3A_474 = arith.constant 0 : i32
      %dma_wait3A_475 = tpu.memref_slice %arg2[%dma_wait3A_473, %dma_wait3A_474] : memref<10000x128xf32, #tpu.memory_space<hbm>> -> memref<10000x128xf32, #tpu.memory_space<hbm>>
      tpu.wait_indirect_dma semaphore(%arg15 : memref<!tpu.dma_semaphore, #tpu.memory_space<semaphore_mem>>) src(%dma_wait3A_475 : memref<10000x128xf32, #tpu.memory_space<hbm>>) dst(%arg10 : memref<128x128xf32, #tpu.memory_space<vmem>>)
      %dma_start3A_476 = arith.constant 4 : i32
      %dma_start3A_477 = arith.constant 0 : i32
      %dma_start3A_478 = tpu.memref_slice %arg9[%dma_start3A_476, %dma_start3A_477] : memref<8x128xi32, #tpu.memory_space<vmem>> -> memref<1x128xi32, #tpu.memory_space<vmem>>
      %dma_start3A_479 = tpu.memref_squeeze %dma_start3A_478 : memref<1x128xi32, #tpu.memory_space<vmem>> -> memref<128xi32, #tpu.memory_space<vmem>>
      %dma_start3A_480 = arith.constant 0 : i32
      %dma_start3A_481 = arith.constant 0 : i32
      %dma_start3A_482 = tpu.memref_slice %arg12[%dma_start3A_480, %dma_start3A_481] : memref<10240x128xf32, #tpu.memory_space<vmem_shared>> -> memref<10240x128xf32, #tpu.memory_space<vmem_shared>>
      tpu.enqueue_indirect_dma source(%arg10 : memref<128x128xf32, #tpu.memory_space<vmem>>) target(%dma_start3A_482 : memref<10240x128xf32, #tpu.memory_space<vmem_shared>>) offsets(%dma_start3A_479 : memref<128xi32, #tpu.memory_space<vmem>>) semaphore(%arg17 : memref<!tpu.dma_semaphore, #tpu.memory_space<semaphore_mem>>) {add = true}
      %dma_wait3A_483 = arith.constant 4 : i32
      %dma_wait3A_484 = arith.constant 0 : i32
      %dma_wait3A_485 = tpu.memref_slice %arg9[%dma_wait3A_483, %dma_wait3A_484] : memref<8x128xi32, #tpu.memory_space<vmem>> -> memref<1x128xi32, #tpu.memory_space<vmem>>
      %dma_wait3A_486 = tpu.memref_squeeze %dma_wait3A_485 : memref<1x128xi32, #tpu.memory_space<vmem>> -> memref<128xi32, #tpu.memory_space<vmem>>
      %dma_wait3A_487 = arith.constant 0 : i32
      %dma_wait3A_488 = arith.constant 0 : i32
      %dma_wait3A_489 = tpu.memref_slice %arg12[%dma_wait3A_487, %dma_wait3A_488] : memref<10240x128xf32, #tpu.memory_space<vmem_shared>> -> memref<10240x128xf32, #tpu.memory_space<vmem_shared>>
      tpu.wait_indirect_dma semaphore(%arg17 : memref<!tpu.dma_semaphore, #tpu.memory_space<semaphore_mem>>) src(%arg10 : memref<128x128xf32, #tpu.memory_space<vmem>>) dst(%dma_wait3A_489 : memref<10240x128xf32, #tpu.memory_space<vmem_shared>>)
      %dma_start3A_490 = arith.constant 6 : i32
      %dma_start3A_491 = arith.constant 0 : i32
      %dma_start3A_492 = tpu.memref_slice %arg7[%dma_start3A_490, %dma_start3A_491] : memref<8x128xi32, #tpu.memory_space<vmem>> -> memref<1x128xi32, #tpu.memory_space<vmem>>
      %dma_start3A_493 = tpu.memref_squeeze %dma_start3A_492 : memref<1x128xi32, #tpu.memory_space<vmem>> -> memref<128xi32, #tpu.memory_space<vmem>>
      %dma_start3A_494 = arith.constant 0 : i32
      %dma_start3A_495 = arith.constant 0 : i32
      %dma_start3A_496 = tpu.memref_slice %arg2[%dma_start3A_494, %dma_start3A_495] : memref<10000x128xf32, #tpu.memory_space<hbm>> -> memref<10000x128xf32, #tpu.memory_space<hbm>>
      tpu.enqueue_indirect_dma source(%dma_start3A_496 : memref<10000x128xf32, #tpu.memory_space<hbm>>) target(%arg10 : memref<128x128xf32, #tpu.memory_space<vmem>>) offsets(%dma_start3A_493 : memref<128xi32, #tpu.memory_space<vmem>>) semaphore(%arg15 : memref<!tpu.dma_semaphore, #tpu.memory_space<semaphore_mem>>)
      %dma_wait3A_497 = arith.constant 5 : i32
      %dma_wait3A_498 = arith.constant 0 : i32
      %dma_wait3A_499 = tpu.memref_slice %arg7[%dma_wait3A_497, %dma_wait3A_498] : memref<8x128xi32, #tpu.memory_space<vmem>> -> memref<1x128xi32, #tpu.memory_space<vmem>>
      %dma_wait3A_500 = tpu.memref_squeeze %dma_wait3A_499 : memref<1x128xi32, #tpu.memory_space<vmem>> -> memref<128xi32, #tpu.memory_space<vmem>>
      %dma_wait3A_501 = arith.constant 0 : i32
      %dma_wait3A_502 = arith.constant 0 : i32
      %dma_wait3A_503 = tpu.memref_slice %arg2[%dma_wait3A_501, %dma_wait3A_502] : memref<10000x128xf32, #tpu.memory_space<hbm>> -> memref<10000x128xf32, #tpu.memory_space<hbm>>
      tpu.wait_indirect_dma semaphore(%arg16 : memref<!tpu.dma_semaphore, #tpu.memory_space<semaphore_mem>>) src(%dma_wait3A_503 : memref<10000x128xf32, #tpu.memory_space<hbm>>) dst(%arg11 : memref<128x128xf32, #tpu.memory_space<vmem>>)
      %dma_start3A_504 = arith.constant 5 : i32
      %dma_start3A_505 = arith.constant 0 : i32
      %dma_start3A_506 = tpu.memref_slice %arg9[%dma_start3A_504, %dma_start3A_505] : memref<8x128xi32, #tpu.memory_space<vmem>> -> memref<1x128xi32, #tpu.memory_space<vmem>>
      %dma_start3A_507 = tpu.memref_squeeze %dma_start3A_506 : memref<1x128xi32, #tpu.memory_space<vmem>> -> memref<128xi32, #tpu.memory_space<vmem>>
      %dma_start3A_508 = arith.constant 0 : i32
      %dma_start3A_509 = arith.constant 0 : i32
      %dma_start3A_510 = tpu.memref_slice %arg12[%dma_start3A_508, %dma_start3A_509] : memref<10240x128xf32, #tpu.memory_space<vmem_shared>> -> memref<10240x128xf32, #tpu.memory_space<vmem_shared>>
      tpu.enqueue_indirect_dma source(%arg11 : memref<128x128xf32, #tpu.memory_space<vmem>>) target(%dma_start3A_510 : memref<10240x128xf32, #tpu.memory_space<vmem_shared>>) offsets(%dma_start3A_507 : memref<128xi32, #tpu.memory_space<vmem>>) semaphore(%arg18 : memref<!tpu.dma_semaphore, #tpu.memory_space<semaphore_mem>>) {add = true}
      %dma_wait3A_511 = arith.constant 5 : i32
      %dma_wait3A_512 = arith.constant 0 : i32
      %dma_wait3A_513 = tpu.memref_slice %arg9[%dma_wait3A_511, %dma_wait3A_512] : memref<8x128xi32, #tpu.memory_space<vmem>> -> memref<1x128xi32, #tpu.memory_space<vmem>>
      %dma_wait3A_514 = tpu.memref_squeeze %dma_wait3A_513 : memref<1x128xi32, #tpu.memory_space<vmem>> -> memref<128xi32, #tpu.memory_space<vmem>>
      %dma_wait3A_515 = arith.constant 0 : i32
      %dma_wait3A_516 = arith.constant 0 : i32
      %dma_wait3A_517 = tpu.memref_slice %arg12[%dma_wait3A_515, %dma_wait3A_516] : memref<10240x128xf32, #tpu.memory_space<vmem_shared>> -> memref<10240x128xf32, #tpu.memory_space<vmem_shared>>
      tpu.wait_indirect_dma semaphore(%arg18 : memref<!tpu.dma_semaphore, #tpu.memory_space<semaphore_mem>>) src(%arg11 : memref<128x128xf32, #tpu.memory_space<vmem>>) dst(%dma_wait3A_517 : memref<10240x128xf32, #tpu.memory_space<vmem_shared>>)
      %dma_start3A_518 = arith.constant 7 : i32
      %dma_start3A_519 = arith.constant 0 : i32
      %dma_start3A_520 = tpu.memref_slice %arg7[%dma_start3A_518, %dma_start3A_519] : memref<8x128xi32, #tpu.memory_space<vmem>> -> memref<1x128xi32, #tpu.memory_space<vmem>>
      %dma_start3A_521 = tpu.memref_squeeze %dma_start3A_520 : memref<1x128xi32, #tpu.memory_space<vmem>> -> memref<128xi32, #tpu.memory_space<vmem>>
      %dma_start3A_522 = arith.constant 0 : i32
      %dma_start3A_523 = arith.constant 0 : i32
      %dma_start3A_524 = tpu.memref_slice %arg2[%dma_start3A_522, %dma_start3A_523] : memref<10000x128xf32, #tpu.memory_space<hbm>> -> memref<10000x128xf32, #tpu.memory_space<hbm>>
      tpu.enqueue_indirect_dma source(%dma_start3A_524 : memref<10000x128xf32, #tpu.memory_space<hbm>>) target(%arg11 : memref<128x128xf32, #tpu.memory_space<vmem>>) offsets(%dma_start3A_521 : memref<128xi32, #tpu.memory_space<vmem>>) semaphore(%arg16 : memref<!tpu.dma_semaphore, #tpu.memory_space<semaphore_mem>>)
      %dma_wait3A_525 = arith.constant 6 : i32
      %dma_wait3A_526 = arith.constant 0 : i32
      %dma_wait3A_527 = tpu.memref_slice %arg7[%dma_wait3A_525, %dma_wait3A_526] : memref<8x128xi32, #tpu.memory_space<vmem>> -> memref<1x128xi32, #tpu.memory_space<vmem>>
      %dma_wait3A_528 = tpu.memref_squeeze %dma_wait3A_527 : memref<1x128xi32, #tpu.memory_space<vmem>> -> memref<128xi32, #tpu.memory_space<vmem>>
      %dma_wait3A_529 = arith.constant 0 : i32
      %dma_wait3A_530 = arith.constant 0 : i32
      %dma_wait3A_531 = tpu.memref_slice %arg2[%dma_wait3A_529, %dma_wait3A_530] : memref<10000x128xf32, #tpu.memory_space<hbm>> -> memref<10000x128xf32, #tpu.memory_space<hbm>>
      tpu.wait_indirect_dma semaphore(%arg15 : memref<!tpu.dma_semaphore, #tpu.memory_space<semaphore_mem>>) src(%dma_wait3A_531 : memref<10000x128xf32, #tpu.memory_space<hbm>>) dst(%arg10 : memref<128x128xf32, #tpu.memory_space<vmem>>)
      %dma_start3A_532 = arith.constant 6 : i32
      %dma_start3A_533 = arith.constant 0 : i32
      %dma_start3A_534 = tpu.memref_slice %arg9[%dma_start3A_532, %dma_start3A_533] : memref<8x128xi32, #tpu.memory_space<vmem>> -> memref<1x128xi32, #tpu.memory_space<vmem>>
      %dma_start3A_535 = tpu.memref_squeeze %dma_start3A_534 : memref<1x128xi32, #tpu.memory_space<vmem>> -> memref<128xi32, #tpu.memory_space<vmem>>
      %dma_start3A_536 = arith.constant 0 : i32
      %dma_start3A_537 = arith.constant 0 : i32
      %dma_start3A_538 = tpu.memref_slice %arg12[%dma_start3A_536, %dma_start3A_537] : memref<10240x128xf32, #tpu.memory_space<vmem_shared>> -> memref<10240x128xf32, #tpu.memory_space<vmem_shared>>
      tpu.enqueue_indirect_dma source(%arg10 : memref<128x128xf32, #tpu.memory_space<vmem>>) target(%dma_start3A_538 : memref<10240x128xf32, #tpu.memory_space<vmem_shared>>) offsets(%dma_start3A_535 : memref<128xi32, #tpu.memory_space<vmem>>) semaphore(%arg17 : memref<!tpu.dma_semaphore, #tpu.memory_space<semaphore_mem>>) {add = true}
      %dma_wait3A_539 = arith.constant 7 : i32
      %dma_wait3A_540 = arith.constant 0 : i32
      %dma_wait3A_541 = tpu.memref_slice %arg7[%dma_wait3A_539, %dma_wait3A_540] : memref<8x128xi32, #tpu.memory_space<vmem>> -> memref<1x128xi32, #tpu.memory_space<vmem>>
      %dma_wait3A_542 = tpu.memref_squeeze %dma_wait3A_541 : memref<1x128xi32, #tpu.memory_space<vmem>> -> memref<128xi32, #tpu.memory_space<vmem>>
      %dma_wait3A_543 = arith.constant 0 : i32
      %dma_wait3A_544 = arith.constant 0 : i32
      %dma_wait3A_545 = tpu.memref_slice %arg2[%dma_wait3A_543, %dma_wait3A_544] : memref<10000x128xf32, #tpu.memory_space<hbm>> -> memref<10000x128xf32, #tpu.memory_space<hbm>>
      tpu.wait_indirect_dma semaphore(%arg16 : memref<!tpu.dma_semaphore, #tpu.memory_space<semaphore_mem>>) src(%dma_wait3A_545 : memref<10000x128xf32, #tpu.memory_space<hbm>>) dst(%arg11 : memref<128x128xf32, #tpu.memory_space<vmem>>)
      %dma_start3A_546 = arith.constant 7 : i32
      %dma_start3A_547 = arith.constant 0 : i32
      %dma_start3A_548 = tpu.memref_slice %arg9[%dma_start3A_546, %dma_start3A_547] : memref<8x128xi32, #tpu.memory_space<vmem>> -> memref<1x128xi32, #tpu.memory_space<vmem>>
      %dma_start3A_549 = tpu.memref_squeeze %dma_start3A_548 : memref<1x128xi32, #tpu.memory_space<vmem>> -> memref<128xi32, #tpu.memory_space<vmem>>
      %dma_start3A_550 = arith.constant 0 : i32
      %dma_start3A_551 = arith.constant 0 : i32
      %dma_start3A_552 = tpu.memref_slice %arg12[%dma_start3A_550, %dma_start3A_551] : memref<10240x128xf32, #tpu.memory_space<vmem_shared>> -> memref<10240x128xf32, #tpu.memory_space<vmem_shared>>
      tpu.enqueue_indirect_dma source(%arg11 : memref<128x128xf32, #tpu.memory_space<vmem>>) target(%dma_start3A_552 : memref<10240x128xf32, #tpu.memory_space<vmem_shared>>) offsets(%dma_start3A_549 : memref<128xi32, #tpu.memory_space<vmem>>) semaphore(%arg18 : memref<!tpu.dma_semaphore, #tpu.memory_space<semaphore_mem>>) {add = true}
    }
    %scan3A_48 = arith.constant 5 : i32
    %dma_wait3A = arith.constant 10112 : i32
    %dma_wait3A_49 = arith.constant 0 : i32
    %dma_wait3A_50 = tpu.memref_slice %arg12[%dma_wait3A, %dma_wait3A_49] : memref<10240x128xf32, #tpu.memory_space<vmem_shared>> -> memref<128x128xf32, #tpu.memory_space<vmem_shared>>
    %dma_wait3A_51 = arith.constant 10112 : i32
    %dma_wait3A_52 = arith.constant 0 : i32
    %dma_wait3A_53 = tpu.memref_slice %arg12[%dma_wait3A_51, %dma_wait3A_52] : memref<10240x128xf32, #tpu.memory_space<vmem_shared>> -> memref<128x128xf32, #tpu.memory_space<vmem_shared>>
    tpu.wait_dma2 semaphore(%arg17 : memref<!tpu.dma_semaphore, #tpu.memory_space<semaphore_mem>>) src(%arg10 : memref<128x128xf32, #tpu.memory_space<vmem>>) dst(%dma_wait3A_53 : memref<128x128xf32, #tpu.memory_space<vmem_shared>>)
    %dma_wait3A_54 = arith.constant 10112 : i32
    %dma_wait3A_55 = arith.constant 0 : i32
    %dma_wait3A_56 = tpu.memref_slice %arg12[%dma_wait3A_54, %dma_wait3A_55] : memref<10240x128xf32, #tpu.memory_space<vmem_shared>> -> memref<128x128xf32, #tpu.memory_space<vmem_shared>>
    %dma_wait3A_57 = arith.constant 10112 : i32
    %dma_wait3A_58 = arith.constant 0 : i32
    %dma_wait3A_59 = tpu.memref_slice %arg12[%dma_wait3A_57, %dma_wait3A_58] : memref<10240x128xf32, #tpu.memory_space<vmem_shared>> -> memref<128x128xf32, #tpu.memory_space<vmem_shared>>
    tpu.wait_dma2 semaphore(%arg18 : memref<!tpu.dma_semaphore, #tpu.memory_space<semaphore_mem>>) src(%arg11 : memref<128x128xf32, #tpu.memory_space<vmem>>) dst(%dma_wait3A_59 : memref<128x128xf32, #tpu.memory_space<vmem_shared>>)
    %barrier3A_60 = arith.constant 0 : index
    tpu.barrier barrier_id(%barrier3A_60)
    %mul3A_61 = arith.constant 640 : i32
    %mul3A_62 = arith.muli %arg1, %mul3A_61 : i32
    %mul3A_63 = arith.constant 640 : i32
    %mul3A_64 = arith.muli %arg1, %mul3A_63 : i32
    "tpu.region"() ({
      %run_scoped3A = tpu.sem_alloc : memref<!tpu.dma_semaphore, #tpu.memory_space<semaphore_mem>>
      %dma_start3A_65 = arith.constant 0 : i32
      %dma_start3A_66 = tpu.memref_slice %arg5[%arg0, %mul3A_64, %dma_start3A_65] : memref<2x10240x128xf32, #tpu.memory_space<hbm>> -> memref<1x640x128xf32, #tpu.memory_space<hbm>>
      %dma_start3A_67 = tpu.memref_squeeze %dma_start3A_66 : memref<1x640x128xf32, #tpu.memory_space<hbm>> -> memref<640x128xf32, #tpu.memory_space<hbm>>
      %dma_start3A_68 = arith.constant 0 : i32
      %dma_start3A_69 = tpu.memref_slice %arg12[%mul3A_62, %dma_start3A_68] : memref<10240x128xf32, #tpu.memory_space<vmem_shared>> -> memref<640x128xf32, #tpu.memory_space<vmem_shared>>
      tpu.enqueue_dma source(%dma_start3A_69 : memref<640x128xf32, #tpu.memory_space<vmem_shared>>) target(%dma_start3A_67 : memref<640x128xf32, #tpu.memory_space<hbm>>) target_semaphore(%run_scoped3A : memref<!tpu.dma_semaphore, #tpu.memory_space<semaphore_mem>>)
      %dma_wait3A_70 = arith.constant 0 : i32
      %dma_wait3A_71 = tpu.memref_slice %arg5[%arg0, %mul3A_64, %dma_wait3A_70] : memref<2x10240x128xf32, #tpu.memory_space<hbm>> -> memref<1x640x128xf32, #tpu.memory_space<hbm>>
      %dma_wait3A_72 = tpu.memref_squeeze %dma_wait3A_71 : memref<1x640x128xf32, #tpu.memory_space<hbm>> -> memref<640x128xf32, #tpu.memory_space<hbm>>
      %dma_wait3A_73 = arith.constant 0 : i32
      %dma_wait3A_74 = tpu.memref_slice %arg12[%mul3A_62, %dma_wait3A_73] : memref<10240x128xf32, #tpu.memory_space<vmem_shared>> -> memref<640x128xf32, #tpu.memory_space<vmem_shared>>
      tpu.wait_dma2 semaphore(%run_scoped3A : memref<!tpu.dma_semaphore, #tpu.memory_space<semaphore_mem>>) src(%dma_wait3A_74 : memref<640x128xf32, #tpu.memory_space<vmem_shared>>) dst(%dma_wait3A_72 : memref<640x128xf32, #tpu.memory_space<hbm>>)
      tpu.yield
    }) : () -> ()
    return
  }
}

module attributes {stable_mosaic.version = 14 : i64} {
  func.func @body(%arg0: memref<10000x128xf32, #tpu.memory_space<vmem>>, %arg1: memref<128x128xf32, #tpu.memory_space<vmem>>, %arg2: memref<2x10240xf32, #tpu.memory_space<vmem>>, %arg3: memref<10000x128xf32, #tpu.memory_space<vmem>>, %arg4: memref<10000x1xf32, #tpu.memory_space<vmem>>) attributes {dimension_semantics = [], scalar_prefetch = 0 : i64, scratch_operands = 0 : i64, tpu.core_type = #tpu.core_type<tc>} {
    %get3A = arith.constant 0 : index
    %get3A_0 = arith.constant 0 : index
    %get3A_1 = vector.load %arg2[%get3A, %get3A_0] : memref<2x10240xf32, #tpu.memory_space<vmem>>, vector<1x10000xf32>
    %get3A_2 = vector.shape_cast %get3A_1 : vector<1x10000xf32> to vector<10000xf32>
    %get3A_3 = arith.constant 1 : index
    %get3A_4 = arith.constant 0 : index
    %get3A_5 = vector.load %arg2[%get3A_3, %get3A_4] : memref<2x10240xf32, #tpu.memory_space<vmem>>, vector<1x10000xf32>
    %get3A_6 = vector.shape_cast %get3A_5 : vector<1x10000xf32> to vector<10000xf32>
    %add3A = arith.addf %get3A_2, %get3A_6 : vector<10000xf32>
    %add3A_7 = arith.constant 1.000000e+00 : f32
    %add3A_8 = vector.broadcast %add3A_7 : f32 to vector<10000xf32>
    %add3A_9 = arith.addf %add3A, %add3A_8 : vector<10000xf32>
    %rsqrt3A = math.rsqrt %add3A_9 : vector<10000xf32>
    %broadcast_in_dim3A = vector.shape_cast %rsqrt3A : vector<10000xf32> to vector<10000x1xf32>
    %swap3A = arith.constant 0 : index
    %swap3A_10 = arith.constant 0 : index
    %swap3A_11 = vector.load %arg4[%swap3A, %swap3A_10] : memref<10000x1xf32, #tpu.memory_space<vmem>>, vector<10000x1xf32>
    tpu.vector_store %arg4[%swap3A, %swap3A_10], %broadcast_in_dim3A {strides = array<i32>} : memref<10000x1xf32, #tpu.memory_space<vmem>>, vector<10000x1xf32>,
    %get3A_12 = arith.constant 0 : index
    %get3A_13 = arith.constant 0 : index
    %get3A_14 = vector.load %arg0[%get3A_12, %get3A_13] : memref<10000x128xf32, #tpu.memory_space<vmem>>, vector<10000x128xf32>
    %get3A_15 = arith.constant 0 : index
    %get3A_16 = arith.constant 0 : index
    %get3A_17 = vector.load %arg1[%get3A_15, %get3A_16] : memref<128x128xf32, #tpu.memory_space<vmem>>, vector<128x128xf32>
    %dot_general3A = arith.constant dense<0.000000e+00> : vector<10000x128xf32>
    %dot_general3A_18 = tpu.matmul %get3A_14, %get3A_17, %dot_general3A {dimension_numbers = #tpu.dot_dimension_numbers<[1], [0], [0], [1], [0, 0, 1, 1], [], []>, transpose_lhs_hint = false} : vector<10000x128xf32>, vector<128x128xf32>, vector<10000x128xf32> -> vector<10000x128xf32>
    %broadcast_in_dim3A_19 = vector.shape_cast %rsqrt3A : vector<10000xf32> to vector<10000x1xf32>
    %mul3A = vector.broadcast %broadcast_in_dim3A_19 : vector<10000x1xf32> to vector<10000x128xf32>
    %mul3A_20 = arith.mulf %dot_general3A_18, %mul3A : vector<10000x128xf32>
    %swap3A_21 = arith.constant 0 : index
    %swap3A_22 = arith.constant 0 : index
    %swap3A_23 = vector.load %arg3[%swap3A_21, %swap3A_22] : memref<10000x128xf32, #tpu.memory_space<vmem>>, vector<10000x128xf32>
    tpu.vector_store %arg3[%swap3A_21, %swap3A_22], %mul3A_20 {strides = array<i32>} : memref<10000x128xf32, #tpu.memory_space<vmem>>, vector<10000x128xf32>,
    return
  }
}

module attributes {stable_mosaic.version = 14 : i64} {
  func.func @body(%arg0: memref<2x10240x128xf32, #tpu.memory_space<vmem>>, %arg1: memref<10000x128xf32, #tpu.memory_space<vmem>>, %arg2: memref<10000x1xf32, #tpu.memory_space<vmem>>, %arg3: memref<1x128xf32, #tpu.memory_space<vmem>>, %arg4: memref<128x128xf32, #tpu.memory_space<vmem>>, %arg5: memref<10000x128xf32, #tpu.memory_space<vmem>>) attributes {dimension_semantics = [], scalar_prefetch = 0 : i64, scratch_operands = 0 : i64, tpu.core_type = #tpu.core_type<tc>} {
    %get3A = arith.constant 0 : index
    %get3A_0 = arith.constant 0 : index
    %get3A_1 = arith.constant 0 : index
    %get3A_2 = vector.load %arg0[%get3A, %get3A_0, %get3A_1] : memref<2x10240x128xf32, #tpu.memory_space<vmem>>, vector<1x10000x128xf32>
    %get3A_3 = vector.shape_cast %get3A_2 : vector<1x10000x128xf32> to vector<10000x128xf32>
    %get3A_4 = arith.constant 1 : index
    %get3A_5 = arith.constant 0 : index
    %get3A_6 = arith.constant 0 : index
    %get3A_7 = vector.load %arg0[%get3A_4, %get3A_5, %get3A_6] : memref<2x10240x128xf32, #tpu.memory_space<vmem>>, vector<1x10000x128xf32>
    %get3A_8 = vector.shape_cast %get3A_7 : vector<1x10000x128xf32> to vector<10000x128xf32>
    %add3A = arith.addf %get3A_3, %get3A_8 : vector<10000x128xf32>
    %get3A_9 = arith.constant 0 : index
    %get3A_10 = arith.constant 0 : index
    %get3A_11 = vector.load %arg1[%get3A_9, %get3A_10] : memref<10000x128xf32, #tpu.memory_space<vmem>>, vector<10000x128xf32>
    %add3A_12 = arith.addf %add3A, %get3A_11 : vector<10000x128xf32>
    %get3A_13 = arith.constant 0 : index
    %get3A_14 = arith.constant 0 : index
    %get3A_15 = vector.load %arg2[%get3A_13, %get3A_14] : memref<10000x1xf32, #tpu.memory_space<vmem>>, vector<10000x1xf32>
    %mul3A = vector.broadcast %get3A_15 : vector<10000x1xf32> to vector<10000x128xf32>
    %mul3A_16 = arith.mulf %mul3A, %add3A_12 : vector<10000x128xf32>
    %get3A_17 = arith.constant 0 : index
    %get3A_18 = arith.constant 0 : index
    %get3A_19 = vector.load %arg3[%get3A_17, %get3A_18] : memref<1x128xf32, #tpu.memory_space<vmem>>, vector<1x128xf32>
    %add3A_20 = vector.broadcast %get3A_19 : vector<1x128xf32> to vector<10000x128xf32>
    %add3A_21 = arith.addf %mul3A_16, %add3A_20 : vector<10000x128xf32>
    %max3A = arith.constant 0.000000e+00 : f32
    %max3A_22 = vector.broadcast %max3A : f32 to vector<10000x128xf32>
    %max3A_23 = arith.maximumf %add3A_21, %max3A_22 : vector<10000x128xf32>
    %get3A_24 = arith.constant 0 : index
    %get3A_25 = arith.constant 0 : index
    %get3A_26 = vector.load %arg4[%get3A_24, %get3A_25] : memref<128x128xf32, #tpu.memory_space<vmem>>, vector<128x128xf32>
    %dot_general3A = arith.constant dense<0.000000e+00> : vector<10000x128xf32>
    %dot_general3A_27 = tpu.matmul %max3A_23, %get3A_26, %dot_general3A {dimension_numbers = #tpu.dot_dimension_numbers<[1], [0], [0], [1], [0, 0, 1, 1], [], []>, transpose_lhs_hint = false} : vector<10000x128xf32>, vector<128x128xf32>, vector<10000x128xf32> -> vector<10000x128xf32>
    %get3A_28 = arith.constant 0 : index
    %get3A_29 = arith.constant 0 : index
    %get3A_30 = vector.load %arg2[%get3A_28, %get3A_29] : memref<10000x1xf32, #tpu.memory_space<vmem>>, vector<10000x1xf32>
    %mul3A_31 = vector.broadcast %get3A_30 : vector<10000x1xf32> to vector<10000x128xf32>
    %mul3A_32 = arith.mulf %dot_general3A_27, %mul3A_31 : vector<10000x128xf32>
    %swap3A = arith.constant 0 : index
    %swap3A_33 = arith.constant 0 : index
    %swap3A_34 = vector.load %arg5[%swap3A, %swap3A_33] : memref<10000x128xf32, #tpu.memory_space<vmem>>, vector<10000x128xf32>
    tpu.vector_store %arg5[%swap3A, %swap3A_33], %mul3A_32 {strides = array<i32>} : memref<10000x128xf32, #tpu.memory_space<vmem>>, vector<10000x128xf32>,
    return
  }
}

module attributes {stable_mosaic.version = 14 : i64} {
  func.func @body(%arg0: memref<2x10240x128xf32, #tpu.memory_space<vmem>>, %arg1: memref<10000x128xf32, #tpu.memory_space<vmem>>, %arg2: memref<10000x1xf32, #tpu.memory_space<vmem>>, %arg3: memref<1x128xf32, #tpu.memory_space<vmem>>, %arg4: memref<10000x1xi32, #tpu.memory_space<vmem>>, %arg5: memref<128x1xf32, #tpu.memory_space<vmem>>, %arg6: memref<1x1xf32, #tpu.memory_space<vmem>>, %arg7: memref<128x1xf32, #tpu.memory_space<vmem>>) attributes {dimension_semantics = [], scalar_prefetch = 0 : i64, scratch_operands = 0 : i64, tpu.core_type = #tpu.core_type<tc>} {
    %get3A = arith.constant 0 : index
    %get3A_0 = arith.constant 0 : index
    %get3A_1 = arith.constant 0 : index
    %get3A_2 = vector.load %arg0[%get3A, %get3A_0, %get3A_1] : memref<2x10240x128xf32, #tpu.memory_space<vmem>>, vector<1x10000x128xf32>
    %get3A_3 = vector.shape_cast %get3A_2 : vector<1x10000x128xf32> to vector<10000x128xf32>
    %get3A_4 = arith.constant 1 : index
    %get3A_5 = arith.constant 0 : index
    %get3A_6 = arith.constant 0 : index
    %get3A_7 = vector.load %arg0[%get3A_4, %get3A_5, %get3A_6] : memref<2x10240x128xf32, #tpu.memory_space<vmem>>, vector<1x10000x128xf32>
    %get3A_8 = vector.shape_cast %get3A_7 : vector<1x10000x128xf32> to vector<10000x128xf32>
    %add3A = arith.addf %get3A_3, %get3A_8 : vector<10000x128xf32>
    %get3A_9 = arith.constant 0 : index
    %get3A_10 = arith.constant 0 : index
    %get3A_11 = vector.load %arg1[%get3A_9, %get3A_10] : memref<10000x128xf32, #tpu.memory_space<vmem>>, vector<10000x128xf32>
    %add3A_12 = arith.addf %add3A, %get3A_11 : vector<10000x128xf32>
    %get3A_13 = arith.constant 0 : index
    %get3A_14 = arith.constant 0 : index
    %get3A_15 = vector.load %arg2[%get3A_13, %get3A_14] : memref<10000x1xf32, #tpu.memory_space<vmem>>, vector<10000x1xf32>
    %mul3A = vector.broadcast %get3A_15 : vector<10000x1xf32> to vector<10000x128xf32>
    %mul3A_16 = arith.mulf %mul3A, %add3A_12 : vector<10000x128xf32>
    %get3A_17 = arith.constant 0 : index
    %get3A_18 = arith.constant 0 : index
    %get3A_19 = vector.load %arg3[%get3A_17, %get3A_18] : memref<1x128xf32, #tpu.memory_space<vmem>>, vector<1x128xf32>
    %add3A_20 = vector.broadcast %get3A_19 : vector<1x128xf32> to vector<10000x128xf32>
    %add3A_21 = arith.addf %mul3A_16, %add3A_20 : vector<10000x128xf32>
    %max3A = arith.constant 0.000000e+00 : f32
    %max3A_22 = vector.broadcast %max3A : f32 to vector<10000x128xf32>
    %max3A_23 = arith.maximumf %add3A_21, %max3A_22 : vector<10000x128xf32>
    %iota3A = tpu.iota {dimensions = array<i32: 1>} : vector<1x128xi32>
    %get3A_24 = arith.constant 0 : index
    %get3A_25 = arith.constant 0 : index
    %get3A_26 = vector.load %arg4[%get3A_24, %get3A_25] : memref<10000x1xi32, #tpu.memory_space<vmem>>, vector<10000x1xi32>
    %eq3A = vector.broadcast %get3A_26 : vector<10000x1xi32> to vector<10000x128xi32>
    %eq3A_27 = vector.broadcast %iota3A : vector<1x128xi32> to vector<10000x128xi32>
    %eq3A_28 = arith.cmpi eq, %eq3A, %eq3A_27 : vector<10000x128xi32>
    %convert_element_type3A = arith.extui %eq3A_28 : vector<10000x128xi1> to vector<10000x128xi32>
    %convert_element_type3A_29 = arith.sitofp %convert_element_type3A : vector<10000x128xi32> to vector<10000x128xf32>
    %dot_general3A = arith.constant dense<0.000000e+00> : vector<128x128xf32>
    %dot_general3A_30 = tpu.matmul %convert_element_type3A_29, %max3A_23, %dot_general3A {dimension_numbers = #tpu.dot_dimension_numbers<[0], [0], [1], [1], [0, 1, 1, 1], [], []>, transpose_lhs_hint = false} : vector<10000x128xf32>, vector<10000x128xf32>, vector<128x128xf32> -> vector<128x128xf32>
    %reduce_sum3A = arith.constant dense<0.000000e+00> : vector<128xf32>
    %reduce_sum3A_31 = vector.multi_reduction <add>, %convert_element_type3A_29, %reduce_sum3A [0] : vector<10000x128xf32> to vector<128xf32>
    %max3A_32 = arith.constant 1.000000e+00 : f32
    %max3A_33 = vector.broadcast %max3A_32 : f32 to vector<128xf32>
    %max3A_34 = arith.maximumf %reduce_sum3A_31, %max3A_33 : vector<128xf32>
    %broadcast_in_dim3A = vector.shape_cast %max3A_34 : vector<128xf32> to vector<128x1xf32>
    %div3A = vector.broadcast %broadcast_in_dim3A : vector<128x1xf32> to vector<128x128xf32>
    %div3A_35 = arith.divf %dot_general3A_30, %div3A : vector<128x128xf32>
    %get3A_36 = arith.constant 0 : index
    %get3A_37 = arith.constant 0 : index
    %get3A_38 = vector.load %arg5[%get3A_36, %get3A_37] : memref<128x1xf32, #tpu.memory_space<vmem>>, vector<128x1xf32>
    %dot_general3A_39 = arith.constant dense<0.000000e+00> : vector<128x1xf32>
    %dot_general3A_40 = tpu.matmul %div3A_35, %get3A_38, %dot_general3A_39 {dimension_numbers = #tpu.dot_dimension_numbers<[1], [0], [0], [1], [0, 0, 1, 1], [], []>, transpose_lhs_hint = false} : vector<128x128xf32>, vector<128x1xf32>, vector<128x1xf32> -> vector<128x1xf32>
    %get3A_41 = arith.constant 0 : index
    %get3A_42 = arith.constant 0 : index
    %get3A_43 = vector.load %arg6[%get3A_41, %get3A_42] : memref<1x1xf32, #tpu.memory_space<vmem>>, vector<1x1xf32>
    %add3A_44 = vector.broadcast %get3A_43 : vector<1x1xf32> to vector<128x1xf32>
    %add3A_45 = arith.addf %dot_general3A_40, %add3A_44 : vector<128x1xf32>
    %swap3A = arith.constant 0 : index
    %swap3A_46 = arith.constant 0 : index
    %swap3A_47 = vector.load %arg7[%swap3A, %swap3A_46] : memref<128x1xf32, #tpu.memory_space<vmem>>, vector<128x1xf32>
    tpu.vector_store %arg7[%swap3A, %swap3A_46], %add3A_45 {strides = array<i32>} : memref<128x1xf32, #tpu.memory_space<vmem>>, vector<128x1xf32>,
    return
  }
}

</mosaic_0001>

<sc_bundles>
// kernel: kernel.11.cloned.1.call-start
scs
__scs_entry_jumppad:
0x0: {  	(pc) =	sbr.rel $0x88, $3  }
0x1: {  	(tag) =	ssettag $0x0;
	lr =	simm.s32 $0x1  }
0x2: {  	[smem:$0x3F98] =	sst lr;
	_ =	strace $0xD0000000  }
0x3: {  	_ = 	snop  }
0x4: {  	_ = 	snop  }
0x5: {  	_ = 	snop  }
0x6: {  	_ = 	snop  }
0x7: {  	_ = 	snop  }
__scs_overlays_trampoline_lowered:
0x8: {  	[smem:$0x3FA7] =	sst s0  }
0x9: {  	[smem:$0x3FA8] =	sst s1  }
0xa: {  	[smem:$0x3FA9] =	sst s2  }
0xb: {  	[smem:$0x3FAA] =	sst s3  }
0xc: {  	[smem:$0x3FAB] =	sst s4  }
0xd: {  	[smem:$0x3FAC] =	sst s5  }
0xe: {  	[smem:$0x3FAD] =	sst s6  }
0xf: {  	[smem:$0x3FAE] =	sst s7  }
0x10: {  	[smem:$0x3FAF] =	sst s8  }
0x11: {  	[smem:$0x3FB0] =	sst s9;
	s0 =	simm.s32 @!p0 $0x0  }
0x12: {  	s1 =	sld [smem:$0x3F96];
	s0 =	simm.s32 @p0 $0x1  }
0x13: {  	[smem:$0x3FB1] =	sst s0;
	s0 =	simm.s32 @!p1 $0x0  }
0x14: {  	s2 =	sld [smem:$0x3F95];
	s0 =	simm.s32 @p1 $0x1  }
0x15: {  	[smem:$0x3FB2] =	sst s0;
	s0 =	simm.s32 @!p2 $0x0  }
0x16: {  	s3 =	sld [smem:$0x3FDB];
	s0 =	simm.s32 @p2 $0x1  }
0x17: {  	s4 =	simm.s32 $0x1BF5;
	[smem:$0x3FB4] =	sst s0  }
0x18: {  	s0 =	sld [smem:$0x3F97];
	_ =	swait.ge [sflag:s4], $0x0  }
0x19: {  	s7 =	sld [smem:$0x3F98]  }
0x1a: {  	s8 =	sadd.s32 $0xFFFFE003, lr  }
0x1b: {  	s9 =	sadd.s32 $0xFFFFFEF7, lr;
	s5 =	simm.s32 $0xFFFFFFFF;
	p2 =	slt.u32 s8, $0xFFFFF086  }
0x1c: {  	p1 =	slt.u32 s9, $0xF7A;
	s5 =	simm.s32 @!p2 $0x0  }
0x1d: {  	s5 =	simm.s32 @p1 $0x1;
	p0 =	seq.s32 s7, s2  }
0x1e: {  	s7 =	smul.u32 @!p0 $0xF7A, s2;
	p2 =	seq.s32 @!p0 s5, $0x0  }
0x1f: {  	s9 =	smul.u32 $0xF7A, s1;
	s8 =	simm.s32 @!p0 $0x1BF5;
	p2 =	por !p2, p0  }
0x20: {  	[sflag:s8] =	ssyncset.s32 @!p0 $0xFFFFF086;
	s6 =	sadd.s32 @!p0 s3, s7;
	s7 =	simm.s32 @!p0 $0x108  }
0x21: {  	s3 =	sadd.s32 s3, s9;
	s6 =	sadd.s32 @!p0 $0x88, s6;
	s7 =	simm.s32 @p2 $0x1082  }
0x22: {  	[simem:s7], [sflag:s8] =	dma.local @!p0 [hbm:s6], $0xF7A  }
0x23: {  	s9 =	sor.u32 $0xD0000000, s2;
	s6 =	simm.s32 $0x108;
	_ =	swait.ge @!p0 [sflag:s8], $0x0  }
0x24: {  	s3 =	sadd.s32 $0x88, s3;
	s6 =	simm.s32 @!p1 $0x1082;
	[sflag:s4] =	ssyncset.s32 $0xFFFFF086  }
0x25: {  	[simem:s6], [sflag:s4] =	dma.local [hbm:s3], $0xF7A  }
0x26: {  	[smem:$0x3F98] =	sst s1;
	(tag) =	ssettag s2;
	_ =	strace s9  }
0x27: {  	s1 =	sld [smem:$0x3FA8]  }
0x28: {  	s2 =	sld [smem:$0x3FA9]  }
0x29: {  	s4 =	sld [smem:$0x3FAB]  }
0x2a: {  	p0 =	seq.s32 s5, $0x0;
	s5 =	sld [smem:$0x3FAC]  }
0x2b: {  	s6 =	sld [smem:$0x3FAD]  }
0x2c: {  	s7 =	sld [smem:$0x3FAE]  }
0x2d: {  	s3 =	simm.s32 $0x108;
	s8 =	sld [smem:$0x3FAF]  }
0x2e: {  	s3 =	simm.s32 @!p0 $0x1082;
	s9 =	sld [smem:$0x3FB0]  }
0x2f: {  	lr =	sadd.s32 s0, s3;
	s0 =	sld [smem:$0x3FA7]  }
0x30: {  	s3 =	sld [smem:$0x3FAA]  }
0x31: {  	[smem:$0x3FB3] =	sst s10  }
0x32: {  	s10 =	sld [smem:$0x3FB1];
	_ =	sdelay $0x3  }
0x33: {  	p0 =	seq.s32 s10, $0x1;
	s10 =	sld [smem:$0x3FB3];
	_ =	sdelay $0x3  }
0x34: {  	[smem:$0x3FB3] =	sst s10  }
0x35: {  	s10 =	sld [smem:$0x3FB2];
	_ =	sdelay $0x3  }
0x36: {  	p1 =	seq.s32 s10, $0x1;
	s10 =	sld [smem:$0x3FB3];
	_ =	sdelay $0x3  }
0x37: {  	[smem:$0x3FB3] =	sst s10  }
0x38: {  	s10 =	sld [smem:$0x3FB4]  }
0x39: {  	_ = 	snop;
	(pc) =	sbr.ind lr, $3  }
0x3a: {  	_ = 	snop  }
0x3b: {  	_ = 	snop  }
0x3c: {  	p2 =	seq.s32 s10, $0x1;
	s10 =	sld [smem:$0x3FB3]  }
0x3d: {  	_ =	shalt  }
0x3e: {  	_ =	shalt  }
0x3f: {  	_ =	shalt  }
0x40: {  	_ =	shalt  }
0x41: {  	_ =	shalt  }
0x42: {  	_ =	shalt  }
0x43: {  	_ =	shalt  }
0x44: {  	_ =	shalt  }
0x45: {  	_ =	shalt  }
0x46: {  	_ =	shalt  }
0x47: {  	_ =	shalt  }
0x48: {  	_ =	shalt  }
0x49: {  	_ =	shalt  }
0x4a: {  	_ =	shalt  }
0x4b: {  	_ =	shalt  }
0x4c: {  	_ =	shalt  }
0x4d: {  	_ =	shalt  }
0x4e: {  	_ =	shalt  }
0x4f: {  	_ =	shalt  }
0x50: {  	_ =	shalt  }
0x51: {  	_ =	shalt  }
0x52: {  	_ =	shalt  }
0x53: {  	_ =	shalt  }
0x54: {  	_ =	shalt  }
0x55: {  	_ =	shalt  }
0x56: {  	_ =	shalt  }
0x57: {  	_ =	shalt  }
0x58: {  	_ =	shalt  }
0x59: {  	_ =	shalt  }
0x5a: {  	_ =	shalt  }
0x5b: {  	_ =	shalt  }
0x5c: {  	_ =	shalt  }
0x5d: {  	_ =	shalt  }
0x5e: {  	_ =	shalt  }
0x5f: {  	_ =	shalt  }
0x60: {  	_ =	shalt  }
0x61: {  	_ =	shalt  }
0x62: {  	_ =	shalt  }
0x63: {  	_ =	shalt  }
0x64: {  	_ =	shalt  }
0x65: {  	_ =	shalt  }
0x66: {  	_ =	shalt  }
0x67: {  	_ =	shalt  }
0x68: {  	_ =	shalt  }
0x69: {  	_ =	shalt  }
0x6a: {  	_ =	shalt  }
0x6b: {  	_ =	shalt  }
0x6c: {  	_ =	shalt  }
0x6d: {  	_ =	shalt  }
0x6e: {  	_ =	shalt  }
0x6f: {  	_ =	shalt  }
0x70: {  	_ =	shalt  }
0x71: {  	_ =	shalt  }
0x72: {  	_ =	shalt  }
0x73: {  	_ =	shalt  }
0x74: {  	_ =	shalt  }
0x75: {  	_ =	shalt  }
0x76: {  	_ =	shalt  }
0x77: {  	_ =	shalt  }
0x78: {  	_ =	shalt  }
0x79: {  	_ =	shalt  }
0x7a: {  	_ =	shalt  }
0x7b: {  	_ =	shalt  }
0x7c: {  	_ =	shalt  }
0x7d: {  	_ =	shalt  }
0x7e: {  	_ =	shalt  }
0x7f: {  	_ =	shalt  }
0x80: {  	_ =	shalt  }
0x81: {  	_ =	shalt  }
0x82: {  	_ =	shalt  }
0x83: {  	_ =	shalt  }
0x84: {  	_ =	shalt  }
0x85: {  	_ =	shalt  }
0x86: {  	_ =	shalt  }
0x87: {  	_ =	shalt  }
.Lfunc_end0:
.L_simem_size_0:
called_computation.1_lowered:
.L_overlay_start_0:
0x88: {  	s2 =	sld [smem:$0x3FD9]  }
0x89: {  	s3 =	sld [smem:$0x3FFE];
	_ =	sdelay $0x1  }
0x8a: {  	s1 =	srdreg.scid  }
0x8b: {  	s0 =	sand.u32 $0x1, s1  }
0x8c: {  	s16 =	sshll.u32 s0, $0xA;
	s2 =	sadd.s32 s3, s2  }
0x8d: {  	s2 =	sadd.s32 s2, s16  }
0x8e: {  	[smem:$0x3FBF] =	sst s2  }
0x8f: {  	_ = 	snop  }
0x90: {  	(tm) =	ssettm $0x1  }
0x91: {  	s17 =	sld [smem:$0x3FFB];
	_ =	sdelay $0x3  }
0x92: {  	_ =	strace s17  }
0x93: {  	s2 =	sld [smem:$0x3FFC];
	_ =	sdelay $0x3  }
0x94: {  	_ =	strace s2  }
0x95: {  	s2 =	sld [smem:$0x3FFD];
	_ =	sdelay $0x3  }
0x96: {  	_ =	strace s2  }
0x97: {  	_ =	strace $0x8FFFFFFF  }
0x98: {  	s18 =	sld [smem:$0x3FDB];
	_ =	sdelay $0x1  }
0x99: {  	s19 =	simm.s32 $_scs_section_size  }
0x9a: {  	s4 =	simm.s32 $_size__tile_overlayer_lowered;
	s5 =	simm.s32 $_tile_overlayer_lowered  }
0x9b: {  	s22 =	simm.s32 $0x1BFF;
	s21 =	sshll.u32 s5, $0x1;
	s2 =	sadd.s32 s19, s18  }
0x9c: {  	s6 =	simm.s32 $0x0;
	s20 =	sshll.u32 s4, $0x1;
	s4 =	sadd.s32 s21, s2  }
0x9d: {  	[timem:s6], [sflag:s22] =	dma.local [hbm:s4], s20  }
0x9e: {  	_ =	swait.ge [sflag:s22], s20  }
0x9f: {  	s3 =	ssub.s32 $0x0, s20;
	[sflag:s22] =	ssyncset.done $0x0  }
0xa0: {  	[sflag:s22] =	ssyncadd.s32 s3;
	_ =	sdelay $0x1  }
0xa1: {  	s23 =	simm.s32 $0x1B8B  }
0xa2: {  	_ =	swait.ge [sflag:s23], $0x1  }
0xa3: {  	[sflag:s23] =	ssyncset.done $0x0  }
0xa4: {  	s25 =	simm.s32 $0x1B8E;
	s24 =	sld [smem:$0x3FFE];
	[sflag:s23] =	ssyncadd.s32 $0xFFFFFFFF  }
0xa5: {  	s26 =	simm.s32 $execute0_lowered;
	[smem:$0x3FD2] =	sst s25  }
0xa6: {  	s4 =	sshll.u32 s26, $0x1;
	_ =	strace $0x80000049;
	[dreg:$0x1] =	wrdreg $0xFFFFFFFF  }
0xa7: {  	s28 =	simm.s32 $_size_execute0_lowered;
	s2 =	sadd.s32 s2, s4;
	[dreg:$0x0] =	wrdreg $0x0  }
0xa8: {  	s4 =	sshll.u32 s28, $0x1;
	[dreg:$0x2] =	wrdreg s2  }
0xa9: {  	[dreg:$0x3] =	wrdreg s4  }
0xaa: {  	[dreg:$0x4] =	wrdreg $0xC0  }
0xab: {  	_ =	task [dreg:s6], $0x5FFFF  }
0xac: {  	[dreg:$0x1] =	wrdreg $0xFFFFFFFF  }
0xad: {  	[dreg:$0x0] =	wrdreg $0x60  }
0xae: {  	[dreg:$0x2] =	wrdreg s24  }
0xaf: {  	[dreg:$0x3] =	wrdreg $0x90000  }
0xb0: {  	[dreg:$0x4] =	wrdreg $0x9  }
0xb1: {  	_ =	task.clear_ibuf [dreg:s6], $0x5FFFF;
	_ =	strace $0x90000049  }
0xb2: {  	s29 =	simm.s32 $0x9;
	_ =	strace $0x8000004B  }
0xb3: {  	_ =	swait.ge [sflag:s29], $0x1  }
0xb4: {  	[sflag:s29] =	ssyncadd.s32 $0xFFFFFFFF  }
0xb5: {  	_ =	strace $0x9000004B  }
0xb6: {  	_ =	sfence  }
0xb7: {  	s30 =	sld [smem:$0x0];
	_ =	sdelay $0x2  }
0xb8: {  	s31 =	sshll.u32 s1, $0xD;
	s1 =	sshrl.u32 s1, $0x2  }
0xb9: {  	s3 =	sand.u32 $0x4000, s31;
	s1 =	sadd.s32 s1, s30  }
0xba: {  	s0 =	sor.u32 s3, s0;
	s1 =	sshll.u32 s1, $0x11  }
0xbb: {  	s0 =	sor.u32 s1, s0  }
0xbc: {  	s0 =	sadd.s32 $0x8F2B, s0  }
0xbd: {  	[sflag:s0] =	ssyncadd.remote.s32 $0x1  }
0xbe: {  	_ =	sfence.sel $0xFFFF  }
0xbf: {  	[dreg:$0x0] =	wrdreg $0xFFFFFFFF;
	(pc) =	sbr.abs _section_cstart, $3  }
0xc0: {  	[dreg:$0x1] =	wrdreg $0xFFFFFFFF  }
0xc1: {  	_ =	task.clear_ibuf [dreg:s6], $0x2FFFF;
	_ =	strace $0x9FFFFFFF  }
0xc2: {  	(tm) =	ssettm $0x7FFFFFFF  }
0xc3: {  	_ =	shalt  }
tec
execute0_lowered:
.L_overlay_start_1:
0x0: {  	(tag) =	ssettag $0x1  }
0x1: {  	s0 =	rddreg [dreg:$0x0]  }
0x2: {  	s1 =	rddreg [dreg:$0x1];
	s2 =	srdreg.scid  }
0x3: {  	s3 =	simm.s32 $0x0;
	s11 =	stileid.u32;
	s24 =	simm.s32 $0x100  }
0x4: {  	s25 =	simm.s32 $0x880;
	s12 =	simm.s32 $0x280;
	s15 =	simm.s32 $0xA00  }
0x5: {  	s28 =	simm.s32 $0x600;
	s29 =	simm.s32 $0xD80;
	s30 =	simm.s32 $0x680  }
0x6: {  	s31 =	simm.s32 $0xE00;
	[smem:$0x7FF] =	sst s3;
	s6 =	smul.u32 $0x14000, s11  }
0x7: {  	s26 =	sadd.s32 $0x13C000, s1;
	_ =	strace $0x8000004A;
	[dreg:$0x7] =	wrdreg s24  }
0x8: {  	s2 =	sand.u32 $0x1, s2;
	s17 =	smul.u32 $0xA, s11;
	[dreg:$0x1c] =	wrdreg s26  }
0x9: {  	s4 =	sadd.s32 $0x16A00, s0;
	s19 =	smul.u32 $0x50000, s11;
	[dreg:$0x8] =	wrdreg s25  }
0xa: {  	s8 =	sadd.s32 $0xCA00, s0;
	s5 =	smul.u32 $0x140000, s2;
	[dreg:$0xd] =	wrdreg s12  }
0xb: {  	s7 =	smul.u32 $0xA0, s2;
	[dreg:$0xe] =	wrdreg s15;
	s24 =	simm.s32 $0xC80  }
0xc: {  	s10 =	ssub.s32 $0x2, s2;
	s25 =	simm.s32 $0x580;
	[dreg:$0x16] =	wrdreg s24  }
0xd: {  	s2 =	sshll.u32 s2, $0x4;
	s26 =	simm.s32 $0xD00;
	[dreg:$0x17] =	wrdreg s25  }
0xe: {  	s18 =	sshrl.u32 s10, $0x1;
	s2 =	sor.u32 s11, s2;
	[dreg:$0x18] =	wrdreg s26  }
0xf: {  	s5 =	sadd.s32 s6, s5;
	s6 =	sadd.s32 s17, s7;
	s17 =	simm.s32 $0x300  }
0x10: {  	s10 =	ssub.s32 s10, s18;
	s18 =	simm.s32 $0xA80;
	[dreg:$0xf] =	wrdreg s17  }
0x11: {  	s7 =	sshrl.u32 s19, $0x2;
	s19 =	simm.s32 $0x380;
	[dreg:$0x10] =	wrdreg s18  }
0x12: {  	s14 =	sadd.s32 s7, s1;
	s7 =	smax.u32 s10, $0x1;
	[dreg:$0x11] =	wrdreg s19  }
0x13: {  	s2 =	smul.u32 $0x500, s2;
	s10 =	simm.s32 $0x980;
	[dreg:$0x1e] =	wrdreg s7  }
0x14: {  	s9 =	sadd.s32 $0x2A00, s0;
	s15 =	simm.s32 $0x1000;
	[dreg:$0xc] =	wrdreg s10  }
0x15: {  	s24 =	simm.s32 $0x5000;
	s23 =	sadd.s32 s8, s2;
	[dreg:$0x19] =	wrdreg s14  }
0x16: {  	s5 =	sshrl.u32 s5, $0x3;
	s2 =	sadd.s32 s9, s2;
	[dreg:$0x1a] =	wrdreg s23  }
0x17: {  	s6 =	sshll.u32 s6, $0x7;
	s13 =	sadd.s32 $0xC000, s14;
	[dreg:$0x1b] =	wrdreg s2  }
0x18: {  	s20 =	sadd.s32 $0x100, s6;
	s16 =	sadd.s32 $0x10000, s14;
	[smem:$0x7FC] =	sst s13  }
0x19: {  	s0 =	sadd.s32 s5, s0;
	s21 =	sadd.s32 s20, s8;
	[smem:$0x7FD] =	sst s16  }
0x1a: {  	s22 =	sadd.s32 s6, s8;
	s5 =	sadd.s32 s20, s9;
	[dreg:$0x3] =	wrdreg s21  }
0x1b: {  	s6 =	sadd.s32 s6, s9;
	s11 =	sadd.s32 $0x80, s22;
	[dreg:$0x4] =	wrdreg s5  }
0x1c: {  	s25 =	simm.s32 $0x3;
	s6 =	sadd.s32 $0x80, s6;
	[dreg:$0x5] =	wrdreg s11  }
0x1d: {  	s26 =	simm.s32 $0x4;
	s0 =	sadd.s32 $0x3DC00, s0;
	[dreg:$0x6] =	wrdreg s6  }
0x1e: {  	s17 =	simm.s32 $0x800;
	s9 =	sadd.s32 $0x4000, s14;
	[dreg:$0x1d] =	wrdreg s0  }
0x1f: {  	s18 =	simm.s32 $0x400;
	s8 =	simm.s32 $0x200;
	[dreg:$0x1f] =	wrdreg s9  }
0x20: {  	s19 =	simm.s32 $0xC00;
	s20 =	simm.s32 $0xB00;
	[dreg:$0xb] =	wrdreg s8  }
0x21: {  	s7 =	simm.s32 $0xF00;
	s22 =	simm.s32 $0x480;
	[dreg:$0x12] =	wrdreg s20  }
0x22: {  	s16 =	simm.s32 $0x2;
	s23 =	simm.s32 $0x500;
	[dreg:$0x14] =	wrdreg s22  }
0x23: {  	s2 =	simm.s32 $0xE80;
	s5 =	simm.s32 $0x180;
	[dreg:$0x15] =	wrdreg s23  }
0x24: {  	s6 =	simm.s32 $0x900;
	s11 =	sadd.s32 $0x8000, s14;
	[dreg:$0x9] =	wrdreg s5  }
0x25: {  	s21 =	simm.s32 $0xB80;
	s20 =	simm.s32 $0x1;
	[dreg:$0xa] =	wrdreg s6  }
0x26: {  	s22 =	simm.s32 $0x80;
	s23 =	simm.s32 $0x6;
	[smem:$0x7FB] =	sst s11  }
0x27: {  	s0 =	simm.s32 $0x700;
	s9 =	simm.s32 $0xF80;
	[dreg:$0x13] =	wrdreg s21  }
0x28: {  	v0 =	vimm.f32 $0.0e+00;
	s21 =	simm.s32 $0x5;
	s6 =	simm.s32 $0x780;
	s11 =	simm.s32 $0x0  }
.LBB2_1:
0x29: {  	s12 =	simm.s32 $0x0;
	s13 =	simm.s32 $0x200  }
.LBB2_2:
0x2a: {  	p0 =	sne.s32 s13, $0xFE00;
	[tilespmem:s12+$0x1070] =	vst v0  }
0x2b: {  	[tilespmem:s12+$0x1000] =	vst v0  }
0x2c: {  	[tilespmem:s12+$0x1010] =	vst v0  }
.Ltmp0:
0x2d: {  	[tilespmem:s12+$0x1020] =	vst v0;
	(pc) =	sbr.rel @p0 .LBB2_2-.Ltmp0, $4  }
0x2e: {  	[tilespmem:s12+$0x1030] =	vst v0  }
0x2f: {  	[tilespmem:s12+$0x1040] =	vst v0  }
0x30: {  	[tilespmem:s12+$0x1050] =	vst v0  }
0x31: {  	[tilespmem:s12+$0x1060] =	vst v0;
	s12 =	sshra.s32 s13, $0x2;
	s13 =	sadd.s32 $0x200, s13  }
0x32: {  	[tilespmem:s12+$0x1070] =	vst v0  }
0x33: {  	[tilespmem:s12+$0x1000] =	vst v0  }
0x34: {  	[tilespmem:s12+$0x1010] =	vst v0  }
0x35: {  	[tilespmem:s12+$0x1020] =	vst v0  }
0x36: {  	[tilespmem:s12+$0x1030] =	vst v0  }
0x37: {  	[tilespmem:s12+$0x1040] =	vst v0  }
0x38: {  	[tilespmem:s12+$0x1050] =	vst v0  }
0x39: {  	[tilespmem:s12+$0x1060] =	vst v0;
	s5 =	rddreg [dreg:$0x1f]  }
0x3a: {  	[spmem:s14] =	stream.linear.scatter [tilespmem:s15], [sflag:$0x2], $0x4000, $0x38;
	[tilespmem:$0x1D000] =	vst v63  }
0x3b: {  	s12 =	sld [smem:$0x7FB]  }
0x3c: {  	[spmem:s5] =	stream.linear.scatter [tilespmem:s15], [sflag:$0x2], $0x4000, $0x38;
	[tilespmem:$0x1D000] =	vst v63  }
0x3d: {  	s13 =	sld [smem:$0x7FC]  }
0x3e: {  	[spmem:s12] =	stream.linear.scatter [tilespmem:s15], [sflag:$0x2], $0x4000, $0x38;
	[tilespmem:$0x1D000] =	vst v63  }
0x3f: {  	s14 =	sld [smem:$0x7FD]  }
0x40: {  	[spmem:s13] =	stream.linear.scatter [tilespmem:s15], [sflag:$0x2], $0x4000, $0x38;
	[tilespmem:$0x1D000] =	vst v63  }
0x41: {  	_ = 	snop  }
0x42: {  	[spmem:s14] =	stream.linear.scatter [tilespmem:s15], [sflag:$0x2], $0x4000, $0x38;
	[tilespmem:$0x1D000] =	vst v63  }
0x43: {  	_ =	swait.ge [sflag:s16], $0x4000  }
0x44: {  	[sflag:s16] =	ssyncset.done $0x0  }
0x45: {  	[sflag:s16] =	ssyncadd.s32 $0xFFFFC000  }
0x46: {  	_ =	swait.ge [sflag:s16], $0x4000  }
0x47: {  	[sflag:s16] =	ssyncset.done $0x0  }
0x48: {  	[sflag:s16] =	ssyncadd.s32 $0xFFFFC000  }
0x49: {  	_ =	swait.ge [sflag:s16], $0x4000  }
0x4a: {  	[sflag:s16] =	ssyncset.done $0x0  }
0x4b: {  	[sflag:s16] =	ssyncadd.s32 $0xFFFFC000  }
0x4c: {  	_ =	swait.ge [sflag:s16], $0x4000  }
0x4d: {  	[sflag:s16] =	ssyncset.done $0x0  }
0x4e: {  	[sflag:s16] =	ssyncadd.s32 $0xFFFFC000  }
0x4f: {  	_ =	swait.ge [sflag:s16], $0x4000  }
0x50: {  	[sflag:s16] =	ssyncset.done $0x0  }
0x51: {  	[sflag:s16] =	ssyncadd.s32 $0xFFFFC000  }
0x52: {  	[bflag:$0x0] =	sbarrier.arrive $0xFFFF  }
0x53: {  	s10 =	simm.s32 $0x0;
	s8 =	rddreg [dreg:$0x1a]  }
0x54: {  	[tilespmem:s10], [sflag:$0x1] =	stream.linear.gather [hbm4b:s8+s10], $0x400, $0x38;
	[tilespmem:$0x1D000] =	vst v63  }
0x55: {  	s12 =	rddreg [dreg:$0x1b]  }
0x56: {  	[tilespmem:s17], [sflag:$0x1] =	stream.linear.gather [hbm4b:s12+s10], $0x400, $0x38;
	[tilespmem:$0x1D000] =	vst v63  }
0x57: {  	s13 =	rddreg [dreg:$0x1c]  }
0x58: {  	[spmem:s13] =	stream.linear.scatter [tilespmem:s15], [sflag:$0x5], $0x4000, $0x38;
	[tilespmem:$0x1D000] =	vst v63  }
0x59: {  	s14 =	rddreg [dreg:$0x5]  }
0x5a: {  	[spmem:s13] =	stream.linear.scatter [tilespmem:s15], [sflag:$0x6], $0x4000, $0x38;
	[tilespmem:$0x1D000] =	vst v63  }
0x5b: {  	s5 =	rddreg [dreg:$0x6];
	s10 =	sadd.s32 $0x0, s14  }
0x5c: {  	[tilespmem:s18], [sflag:$0x2] =	stream.linear.gather [hbm4b:s10+s3], $0x400, $0x38;
	[tilespmem:$0x1D000] =	vst v63  }
0x5d: {  	s8 =	sadd.s32 $0x0, s5  }
0x5e: {  	[tilespmem:s19], [sflag:$0x2] =	stream.linear.gather [hbm4b:s8+s3], $0x400, $0x38;
	[tilespmem:$0x1D000] =	vst v63  }
0x5f: {  	_ =	swait.ge [sflag:s20], $0x400  }
0x60: {  	[sflag:s20] =	ssyncset.done $0x0  }
0x61: {  	[sflag:s20] =	ssyncadd.s32 $0xFFFFFC00  }
0x62: {  	_ =	swait.ge [sflag:s20], $0x400  }
0x63: {  	[sflag:s20] =	ssyncset.done $0x0  }
0x64: {  	[sflag:s20] =	ssyncadd.s32 $0xFFFFFC00  }
0x65: {  	_ =	swait.ge [sflag:s21], $0x4000  }
0x66: {  	[sflag:s21] =	ssyncset.done $0x0  }
0x67: {  	[sflag:s21] =	ssyncadd.s32 $0xFFFFC000  }
0x68: {  	[tilespmem:s15], [sflag:$0x3] =	stream.indirect.gather [hbm4b:s4+s22], $0x80, s3, s22, $0xb8;
	[tilespmem:$0x1D000] =	vst v63  }
0x69: {  	_ =	swait.ge [sflag:s23], $0x4000  }
0x6a: {  	[sflag:s23] =	ssyncset.done $0x0  }
0x6b: {  	[sflag:s23] =	ssyncadd.s32 $0xFFFFC000  }
0x6c: {  	[tilespmem:s24], [sflag:$0x4] =	stream.indirect.gather [hbm4b:s4+s22], $0x80, s22, s22, $0xb8;
	[tilespmem:$0x1D000] =	vst v63  }
0x6d: {  	_ =	swait.ge [sflag:s25], $0x4000  }
0x6e: {  	[sflag:s25] =	ssyncset.done $0x0  }
0x6f: {  	[sflag:s25] =	ssyncadd.s32 $0xFFFFC000  }
0x70: {  	[spmem:s1] =	stream.indirect.scatter.add.f32 [tilespmem:s15], [sflag:$0x5], $0x80, s17, s22, $0xb8;
	[tilespmem:$0x1D000] =	vst v63  }
0x71: {  	_ =	swait.ge [sflag:s21], $0x4000  }
0x72: {  	[sflag:s21] =	ssyncset.done $0x0  }
0x73: {  	s12 =	rddreg [dreg:$0x7];
	[sflag:s21] =	ssyncadd.s32 $0xFFFFC000  }
0x74: {  	[tilespmem:s15], [sflag:$0x3] =	stream.indirect.gather [hbm4b:s4+s22], $0x80, s12, s22, $0xb8;
	[tilespmem:$0x1D000] =	vst v63  }
0x75: {  	_ =	swait.ge [sflag:s26], $0x4000  }
0x76: {  	[sflag:s26] =	ssyncset.done $0x0  }
0x77: {  	s13 =	rddreg [dreg:$0x8];
	[sflag:s26] =	ssyncadd.s32 $0xFFFFC000  }
0x78: {  	[spmem:s1] =	stream.indirect.scatter.add.f32 [tilespmem:s24], [sflag:$0x6], $0x80, s13, s22, $0xb8;
	[tilespmem:$0x1D000] =	vst v63  }
0x79: {  	_ =	swait.ge [sflag:s23], $0x4000  }
0x7a: {  	[sflag:s23] =	ssyncset.done $0x0  }
0x7b: {  	s14 =	rddreg [dreg:$0x9];
	[sflag:s23] =	ssyncadd.s32 $0xFFFFC000  }
0x7c: {  	[tilespmem:s24], [sflag:$0x4] =	stream.indirect.gather [hbm4b:s4+s22], $0x80, s14, s22, $0xb8;
	[tilespmem:$0x1D000] =	vst v63  }
0x7d: {  	_ =	swait.ge [sflag:s25], $0x4000  }
0x7e: {  	[sflag:s25] =	ssyncset.done $0x0  }
0x7f: {  	s5 =	rddreg [dreg:$0xa];
	[sflag:s25] =	ssyncadd.s32 $0xFFFFC000  }
0x80: {  	[spmem:s1] =	stream.indirect.scatter.add.f32 [tilespmem:s15], [sflag:$0x5], $0x80, s5, s22, $0xb8;
	[tilespmem:$0x1D000] =	vst v63  }
0x81: {  	_ =	swait.ge [sflag:s21], $0x4000  }
0x82: {  	[sflag:s21] =	ssyncset.done $0x0  }
0x83: {  	s8 =	rddreg [dreg:$0xb];
	[sflag:s21] =	ssyncadd.s32 $0xFFFFC000  }
0x84: {  	[tilespmem:s15], [sflag:$0x3] =	stream.indirect.gather [hbm4b:s4+s22], $0x80, s8, s22, $0xb8;
	[tilespmem:$0x1D000] =	vst v63  }
0x85: {  	_ =	swait.ge [sflag:s26], $0x4000  }
0x86: {  	[sflag:s26] =	ssyncset.done $0x0  }
0x87: {  	s12 =	rddreg [dreg:$0xc];
	[sflag:s26] =	ssyncadd.s32 $0xFFFFC000  }
0x88: {  	[spmem:s1] =	stream.indirect.scatter.add.f32 [tilespmem:s24], [sflag:$0x6], $0x80, s12, s22, $0xb8;
	[tilespmem:$0x1D000] =	vst v63  }
0x89: {  	_ =	swait.ge [sflag:s23], $0x4000  }
0x8a: {  	[sflag:s23] =	ssyncset.done $0x0  }
0x8b: {  	s13 =	rddreg [dreg:$0xd];
	[sflag:s23] =	ssyncadd.s32 $0xFFFFC000  }
0x8c: {  	[tilespmem:s24], [sflag:$0x4] =	stream.indirect.gather [hbm4b:s4+s22], $0x80, s13, s22, $0xb8;
	[tilespmem:$0x1D000] =	vst v63  }
0x8d: {  	_ =	swait.ge [sflag:s25], $0x4000  }
0x8e: {  	[sflag:s25] =	ssyncset.done $0x0  }
0x8f: {  	s14 =	rddreg [dreg:$0xe];
	[sflag:s25] =	ssyncadd.s32 $0xFFFFC000  }
0x90: {  	[spmem:s1] =	stream.indirect.scatter.add.f32 [tilespmem:s15], [sflag:$0x5], $0x80, s14, s22, $0xb8;
	[tilespmem:$0x1D000] =	vst v63  }
0x91: {  	_ =	swait.ge [sflag:s21], $0x4000  }
0x92: {  	[sflag:s21] =	ssyncset.done $0x0  }
0x93: {  	s5 =	rddreg [dreg:$0xf];
	[sflag:s21] =	ssyncadd.s32 $0xFFFFC000  }
0x94: {  	[tilespmem:s15], [sflag:$0x3] =	stream.indirect.gather [hbm4b:s4+s22], $0x80, s5, s22, $0xb8;
	[tilespmem:$0x1D000] =	vst v63  }
0x95: {  	_ =	swait.ge [sflag:s26], $0x4000  }
0x96: {  	[sflag:s26] =	ssyncset.done $0x0  }
0x97: {  	s8 =	rddreg [dreg:$0x10];
	[sflag:s26] =	ssyncadd.s32 $0xFFFFC000  }
0x98: {  	[spmem:s1] =	stream.indirect.scatter.add.f32 [tilespmem:s24], [sflag:$0x6], $0x80, s8, s22, $0xb8;
	[tilespmem:$0x1D000] =	vst v63  }
0x99: {  	_ =	swait.ge [sflag:s23], $0x4000  }
0x9a: {  	[sflag:s23] =	ssyncset.done $0x0  }
0x9b: {  	s12 =	rddreg [dreg:$0x11];
	[sflag:s23] =	ssyncadd.s32 $0xFFFFC000  }
0x9c: {  	[tilespmem:s24], [sflag:$0x4] =	stream.indirect.gather [hbm4b:s4+s22], $0x80, s12, s22, $0xb8;
	[tilespmem:$0x1D000] =	vst v63  }
0x9d: {  	_ =	swait.ge [sflag:s25], $0x4000  }
0x9e: {  	[sflag:s25] =	ssyncset.done $0x0  }
0x9f: {  	s13 =	rddreg [dreg:$0x12];
	[sflag:s25] =	ssyncadd.s32 $0xFFFFC000  }
0xa0: {  	[spmem:s1] =	stream.indirect.scatter.add.f32 [tilespmem:s15], [sflag:$0x5], $0x80, s13, s22, $0xb8;
	[tilespmem:$0x1D000] =	vst v63  }
0xa1: {  	_ =	swait.ge [sflag:s26], $0x4000  }
0xa2: {  	s14 =	rddreg [dreg:$0x13];
	[sflag:s26] =	ssyncset.done $0x0  }
0xa3: {  	p0 =	por $0x0, $0x0;
	s12 =	rddreg [dreg:$0x3];
	[sflag:s26] =	ssyncadd.s32 $0xFFFFC000  }
0xa4: {  	[spmem:s1] =	stream.indirect.scatter.add.f32 [tilespmem:s24], [sflag:$0x6], $0x80, s14, s22, $0xb8;
	[tilespmem:$0x1D000] =	vst v63  }
0xa5: {  	s13 =	rddreg [dreg:$0x4];
	s10 =	sadd.s32 @!p0 $0x0, s12;
	s12 =	simm.s32 @!p0 $0x0  }
0xa6: {  	[tilespmem:s12], [sflag:$0x1] =	stream.linear.gather @!p0 [hbm4b:s10+s12], $0x400, $0x38;
	[tilespmem:$0x1D000] =	vst v63  }
0xa7: {  	s10 =	sadd.s32 @!p0 $0x0, s13;
	s13 =	simm.s32 @!p0 $0x800  }
0xa8: {  	[tilespmem:s13], [sflag:$0x1] =	stream.linear.gather @!p0 [hbm4b:s10+s12], $0x400, $0x38;
	[tilespmem:$0x1D000] =	vst v63  }
0xa9: {  	_ =	swait.ge [sflag:s16], $0x400  }
0xaa: {  	[sflag:s16] =	ssyncset.done $0x0  }
0xab: {  	[sflag:s16] =	ssyncadd.s32 $0xFFFFFC00  }
0xac: {  	_ =	swait.ge [sflag:s16], $0x400  }
0xad: {  	[sflag:s16] =	ssyncset.done $0x0  }
0xae: {  	[sflag:s16] =	ssyncadd.s32 $0xFFFFFC00  }
0xaf: {  	_ =	swait.ge [sflag:s21], $0x4000  }
0xb0: {  	[sflag:s21] =	ssyncset.done $0x0  }
0xb1: {  	[sflag:s21] =	ssyncadd.s32 $0xFFFFC000  }
0xb2: {  	[tilespmem:s15], [sflag:$0x3] =	stream.indirect.gather [hbm4b:s4+s22], $0x80, s18, s22, $0xb8;
	[tilespmem:$0x1D000] =	vst v63  }
0xb3: {  	_ =	swait.ge [sflag:s23], $0x4000  }
0xb4: {  	[sflag:s23] =	ssyncset.done $0x0  }
0xb5: {  	s5 =	rddreg [dreg:$0x14];
	[sflag:s23] =	ssyncadd.s32 $0xFFFFC000  }
0xb6: {  	[tilespmem:s24], [sflag:$0x4] =	stream.indirect.gather [hbm4b:s4+s22], $0x80, s5, s22, $0xb8;
	[tilespmem:$0x1D000] =	vst v63  }
0xb7: {  	_ =	swait.ge [sflag:s25], $0x4000  }
0xb8: {  	[sflag:s25] =	ssyncset.done $0x0  }
0xb9: {  	[sflag:s25] =	ssyncadd.s32 $0xFFFFC000  }
0xba: {  	[spmem:s1] =	stream.indirect.scatter.add.f32 [tilespmem:s15], [sflag:$0x5], $0x80, s19, s22, $0xb8;
	[tilespmem:$0x1D000] =	vst v63  }
0xbb: {  	_ =	swait.ge [sflag:s21], $0x4000  }
0xbc: {  	[sflag:s21] =	ssyncset.done $0x0  }
0xbd: {  	s8 =	rddreg [dreg:$0x15];
	[sflag:s21] =	ssyncadd.s32 $0xFFFFC000  }
0xbe: {  	[tilespmem:s15], [sflag:$0x3] =	stream.indirect.gather [hbm4b:s4+s22], $0x80, s8, s22, $0xb8;
	[tilespmem:$0x1D000] =	vst v63  }
0xbf: {  	_ =	swait.ge [sflag:s26], $0x4000  }
0xc0: {  	[sflag:s26] =	ssyncset.done $0x0  }
0xc1: {  	s12 =	rddreg [dreg:$0x16];
	[sflag:s26] =	ssyncadd.s32 $0xFFFFC000  }
0xc2: {  	[spmem:s1] =	stream.indirect.scatter.add.f32 [tilespmem:s24], [sflag:$0x6], $0x80, s12, s22, $0xb8;
	[tilespmem:$0x1D000] =	vst v63  }
0xc3: {  	_ =	swait.ge [sflag:s23], $0x4000  }
0xc4: {  	[sflag:s23] =	ssyncset.done $0x0  }
0xc5: {  	s13 =	rddreg [dreg:$0x17];
	[sflag:s23] =	ssyncadd.s32 $0xFFFFC000  }
0xc6: {  	[tilespmem:s24], [sflag:$0x4] =	stream.indirect.gather [hbm4b:s4+s22], $0x80, s13, s22, $0xb8;
	[tilespmem:$0x1D000] =	vst v63  }
0xc7: {  	_ =	swait.ge [sflag:s25], $0x4000  }
0xc8: {  	[sflag:s25] =	ssyncset.done $0x0  }
0xc9: {  	s14 =	rddreg [dreg:$0x18];
	[sflag:s25] =	ssyncadd.s32 $0xFFFFC000  }
0xca: {  	[spmem:s1] =	stream.indirect.scatter.add.f32 [tilespmem:s15], [sflag:$0x5], $0x80, s14, s22, $0xb8;
	[tilespmem:$0x1D000] =	vst v63  }
0xcb: {  	_ =	swait.ge [sflag:s21], $0x4000  }
0xcc: {  	[sflag:s21] =	ssyncset.done $0x0  }
0xcd: {  	[sflag:s21] =	ssyncadd.s32 $0xFFFFC000  }
0xce: {  	[tilespmem:s15], [sflag:$0x3] =	stream.indirect.gather [hbm4b:s4+s22], $0x80, s28, s22, $0xb8;
	[tilespmem:$0x1D000] =	vst v63  }
0xcf: {  	_ =	swait.ge [sflag:s26], $0x4000  }
0xd0: {  	[sflag:s26] =	ssyncset.done $0x0  }
0xd1: {  	[sflag:s26] =	ssyncadd.s32 $0xFFFFC000  }
0xd2: {  	[spmem:s1] =	stream.indirect.scatter.add.f32 [tilespmem:s24], [sflag:$0x6], $0x80, s29, s22, $0xb8;
	[tilespmem:$0x1D000] =	vst v63  }
0xd3: {  	_ =	swait.ge [sflag:s23], $0x4000  }
0xd4: {  	[sflag:s23] =	ssyncset.done $0x0  }
0xd5: {  	[sflag:s23] =	ssyncadd.s32 $0xFFFFC000  }
0xd6: {  	[tilespmem:s24], [sflag:$0x4] =	stream.indirect.gather [hbm4b:s4+s22], $0x80, s30, s22, $0xb8;
	[tilespmem:$0x1D000] =	vst v63  }
0xd7: {  	_ =	swait.ge [sflag:s25], $0x4000  }
0xd8: {  	[sflag:s25] =	ssyncset.done $0x0  }
0xd9: {  	[sflag:s25] =	ssyncadd.s32 $0xFFFFC000  }
0xda: {  	[spmem:s1] =	stream.indirect.scatter.add.f32 [tilespmem:s15], [sflag:$0x5], $0x80, s31, s22, $0xb8;
	[tilespmem:$0x1D000] =	vst v63  }
0xdb: {  	_ =	swait.ge [sflag:s21], $0x4000  }
0xdc: {  	[sflag:s21] =	ssyncset.done $0x0  }
0xdd: {  	[sflag:s21] =	ssyncadd.s32 $0xFFFFC000  }
0xde: {  	[tilespmem:s15], [sflag:$0x3] =	stream.indirect.gather [hbm4b:s4+s22], $0x80, s0, s22, $0xb8;
	[tilespmem:$0x1D000] =	vst v63  }
0xdf: {  	_ =	swait.ge [sflag:s26], $0x4000  }
0xe0: {  	[sflag:s26] =	ssyncset.done $0x0  }
0xe1: {  	[sflag:s26] =	ssyncadd.s32 $0xFFFFC000  }
0xe2: {  	[spmem:s1] =	stream.indirect.scatter.add.f32 [tilespmem:s24], [sflag:$0x6], $0x80, s2, s22, $0xb8;
	[tilespmem:$0x1D000] =	vst v63  }
0xe3: {  	_ =	swait.ge [sflag:s23], $0x4000  }
0xe4: {  	[sflag:s23] =	ssyncset.done $0x0  }
0xe5: {  	[sflag:s23] =	ssyncadd.s32 $0xFFFFC000  }
0xe6: {  	[tilespmem:s24], [sflag:$0x4] =	stream.indirect.gather [hbm4b:s4+s22], $0x80, s6, s22, $0xb8;
	[tilespmem:$0x1D000] =	vst v63  }
0xe7: {  	_ =	swait.ge [sflag:s25], $0x4000  }
0xe8: {  	[sflag:s25] =	ssyncset.done $0x0  }
0xe9: {  	[sflag:s25] =	ssyncadd.s32 $0xFFFFC000  }
0xea: {  	[spmem:s1] =	stream.indirect.scatter.add.f32 [tilespmem:s15], [sflag:$0x5], $0x80, s7, s22, $0xb8;
	[tilespmem:$0x1D000] =	vst v63  }
0xeb: {  	_ =	swait.ge [sflag:s26], $0x4000  }
0xec: {  	s12 =	simm.s32 $0x100;
	s14 =	rddreg [dreg:$0x5];
	[sflag:s26] =	ssyncset.done $0x0  }
0xed: {  	s13 =	simm.s32 $0x200;
	s10 =	rddreg [dreg:$0x6];
	[sflag:s26] =	ssyncadd.s32 $0xFFFFC000  }
.LBB2_4:
0xee: {  	[spmem:s1] =	stream.indirect.scatter.add.f32 [tilespmem:s24], [sflag:$0x6], $0x80, s9, s22, $0xb8;
	[tilespmem:$0x1D000] =	vst v63  }
0xef: {  	s8 =	sadd.s32 s12, s14  }
0xf0: {  	[tilespmem:s18], [sflag:$0x2] =	stream.linear.gather [hbm4b:s8+s3], $0x400, $0x38;
	[tilespmem:$0x1D000] =	vst v63  }
0xf1: {  	s5 =	sadd.s32 s12, s10  }
0xf2: {  	[tilespmem:s19], [sflag:$0x2] =	stream.linear.gather [hbm4b:s5+s3], $0x400, $0x38;
	[tilespmem:$0x1D000] =	vst v63  }
0xf3: {  	_ =	swait.ge [sflag:s20], $0x400  }
0xf4: {  	[sflag:s20] =	ssyncset.done $0x0  }
0xf5: {  	[sflag:s20] =	ssyncadd.s32 $0xFFFFFC00  }
0xf6: {  	_ =	swait.ge [sflag:s20], $0x400  }
0xf7: {  	[sflag:s20] =	ssyncset.done $0x0  }
0xf8: {  	[sflag:s20] =	ssyncadd.s32 $0xFFFFFC00  }
0xf9: {  	_ =	swait.ge [sflag:s21], $0x4000  }
0xfa: {  	[sflag:s21] =	ssyncset.done $0x0  }
0xfb: {  	[sflag:s21] =	ssyncadd.s32 $0xFFFFC000  }
0xfc: {  	[tilespmem:s15], [sflag:$0x3] =	stream.indirect.gather [hbm4b:s4+s22], $0x80, s3, s22, $0xb8;
	[tilespmem:$0x1D000] =	vst v63  }
0xfd: {  	_ =	swait.ge [sflag:s23], $0x4000  }
0xfe: {  	[sflag:s23] =	ssyncset.done $0x0  }
0xff: {  	[sflag:s23] =	ssyncadd.s32 $0xFFFFC000  }
0x100: {  	[tilespmem:s24], [sflag:$0x4] =	stream.indirect.gather [hbm4b:s4+s22], $0x80, s22, s22, $0xb8;
	[tilespmem:$0x1D000] =	vst v63  }
0x101: {  	_ =	swait.ge [sflag:s25], $0x4000  }
0x102: {  	[sflag:s25] =	ssyncset.done $0x0  }
0x103: {  	[sflag:s25] =	ssyncadd.s32 $0xFFFFC000  }
0x104: {  	[spmem:s1] =	stream.indirect.scatter.add.f32 [tilespmem:s15], [sflag:$0x5], $0x80, s17, s22, $0xb8;
	[tilespmem:$0x1D000] =	vst v63  }
0x105: {  	_ =	swait.ge [sflag:s21], $0x4000  }
0x106: {  	[sflag:s21] =	ssyncset.done $0x0  }
0x107: {  	s10 =	rddreg [dreg:$0x7];
	[sflag:s21] =	ssyncadd.s32 $0xFFFFC000  }
0x108: {  	[tilespmem:s15], [sflag:$0x3] =	stream.indirect.gather [hbm4b:s4+s22], $0x80, s10, s22, $0xb8;
	[tilespmem:$0x1D000] =	vst v63  }
0x109: {  	_ =	swait.ge [sflag:s26], $0x4000  }
0x10a: {  	[sflag:s26] =	ssyncset.done $0x0  }
0x10b: {  	s5 =	rddreg [dreg:$0x8];
	[sflag:s26] =	ssyncadd.s32 $0xFFFFC000  }
0x10c: {  	[spmem:s1] =	stream.indirect.scatter.add.f32 [tilespmem:s24], [sflag:$0x6], $0x80, s5, s22, $0xb8;
	[tilespmem:$0x1D000] =	vst v63  }
0x10d: {  	_ =	swait.ge [sflag:s23], $0x4000  }
0x10e: {  	[sflag:s23] =	ssyncset.done $0x0  }
0x10f: {  	s10 =	rddreg [dreg:$0x9];
	[sflag:s23] =	ssyncadd.s32 $0xFFFFC000  }
0x110: {  	[tilespmem:s24], [sflag:$0x4] =	stream.indirect.gather [hbm4b:s4+s22], $0x80, s10, s22, $0xb8;
	[tilespmem:$0x1D000] =	vst v63  }
0x111: {  	_ =	swait.ge [sflag:s25], $0x4000  }
0x112: {  	[sflag:s25] =	ssyncset.done $0x0  }
0x113: {  	s5 =	rddreg [dreg:$0xa];
	[sflag:s25] =	ssyncadd.s32 $0xFFFFC000  }
0x114: {  	[spmem:s1] =	stream.indirect.scatter.add.f32 [tilespmem:s15], [sflag:$0x5], $0x80, s5, s22, $0xb8;
	[tilespmem:$0x1D000] =	vst v63  }
0x115: {  	_ =	swait.ge [sflag:s21], $0x4000  }
0x116: {  	[sflag:s21] =	ssyncset.done $0x0  }
0x117: {  	s10 =	rddreg [dreg:$0xb];
	[sflag:s21] =	ssyncadd.s32 $0xFFFFC000  }
0x118: {  	[tilespmem:s15], [sflag:$0x3] =	stream.indirect.gather [hbm4b:s4+s22], $0x80, s10, s22, $0xb8;
	[tilespmem:$0x1D000] =	vst v63  }
0x119: {  	_ =	swait.ge [sflag:s26], $0x4000  }
0x11a: {  	[sflag:s26] =	ssyncset.done $0x0  }
0x11b: {  	s5 =	rddreg [dreg:$0xc];
	[sflag:s26] =	ssyncadd.s32 $0xFFFFC000  }
0x11c: {  	[spmem:s1] =	stream.indirect.scatter.add.f32 [tilespmem:s24], [sflag:$0x6], $0x80, s5, s22, $0xb8;
	[tilespmem:$0x1D000] =	vst v63  }
0x11d: {  	_ =	swait.ge [sflag:s23], $0x4000  }
0x11e: {  	[sflag:s23] =	ssyncset.done $0x0  }
0x11f: {  	s10 =	rddreg [dreg:$0xd];
	[sflag:s23] =	ssyncadd.s32 $0xFFFFC000  }
0x120: {  	[tilespmem:s24], [sflag:$0x4] =	stream.indirect.gather [hbm4b:s4+s22], $0x80, s10, s22, $0xb8;
	[tilespmem:$0x1D000] =	vst v63  }
0x121: {  	_ =	swait.ge [sflag:s25], $0x4000  }
0x122: {  	[sflag:s25] =	ssyncset.done $0x0  }
0x123: {  	s5 =	rddreg [dreg:$0xe];
	[sflag:s25] =	ssyncadd.s32 $0xFFFFC000  }
0x124: {  	[spmem:s1] =	stream.indirect.scatter.add.f32 [tilespmem:s15], [sflag:$0x5], $0x80, s5, s22, $0xb8;
	[tilespmem:$0x1D000] =	vst v63  }
0x125: {  	_ =	swait.ge [sflag:s21], $0x4000  }
0x126: {  	[sflag:s21] =	ssyncset.done $0x0  }
0x127: {  	s10 =	rddreg [dreg:$0xf];
	[sflag:s21] =	ssyncadd.s32 $0xFFFFC000  }
0x128: {  	[tilespmem:s15], [sflag:$0x3] =	stream.indirect.gather [hbm4b:s4+s22], $0x80, s10, s22, $0xb8;
	[tilespmem:$0x1D000] =	vst v63  }
0x129: {  	_ =	swait.ge [sflag:s26], $0x4000  }
0x12a: {  	[sflag:s26] =	ssyncset.done $0x0  }
0x12b: {  	s5 =	rddreg [dreg:$0x10];
	[sflag:s26] =	ssyncadd.s32 $0xFFFFC000  }
0x12c: {  	[spmem:s1] =	stream.indirect.scatter.add.f32 [tilespmem:s24], [sflag:$0x6], $0x80, s5, s22, $0xb8;
	[tilespmem:$0x1D000] =	vst v63  }
0x12d: {  	_ =	swait.ge [sflag:s23], $0x4000  }
0x12e: {  	[sflag:s23] =	ssyncset.done $0x0  }
0x12f: {  	s10 =	rddreg [dreg:$0x11];
	[sflag:s23] =	ssyncadd.s32 $0xFFFFC000  }
0x130: {  	[tilespmem:s24], [sflag:$0x4] =	stream.indirect.gather [hbm4b:s4+s22], $0x80, s10, s22, $0xb8;
	[tilespmem:$0x1D000] =	vst v63  }
0x131: {  	_ =	swait.ge [sflag:s25], $0x4000  }
0x132: {  	[sflag:s25] =	ssyncset.done $0x0  }
0x133: {  	s5 =	rddreg [dreg:$0x12];
	[sflag:s25] =	ssyncadd.s32 $0xFFFFC000  }
0x134: {  	[spmem:s1] =	stream.indirect.scatter.add.f32 [tilespmem:s15], [sflag:$0x5], $0x80, s5, s22, $0xb8;
	[tilespmem:$0x1D000] =	vst v63  }
0x135: {  	_ =	swait.ge [sflag:s26], $0x4000  }
0x136: {  	s8 =	rddreg [dreg:$0x13];
	[sflag:s26] =	ssyncset.done $0x0  }
0x137: {  	p1 =	seq.s32 s12, $0x400;
	s10 =	rddreg [dreg:$0x3];
	[sflag:s26] =	ssyncadd.s32 $0xFFFFC000  }
0x138: {  	[spmem:s1] =	stream.indirect.scatter.add.f32 [tilespmem:s24], [sflag:$0x6], $0x80, s8, s22, $0xb8;
	[tilespmem:$0x1D000] =	vst v63  }
0x139: {  	s5 =	rddreg [dreg:$0x4];
	s8 =	sadd.s32 @!p1 s12, s10;
	s10 =	simm.s32 @!p1 $0x0  }
0x13a: {  	[tilespmem:s10], [sflag:$0x1] =	stream.linear.gather @!p1 [hbm4b:s8+s10], $0x400, $0x38;
	[tilespmem:$0x1D000] =	vst v63  }
0x13b: {  	s5 =	sadd.s32 @!p1 s12, s5;
	s8 =	simm.s32 @!p1 $0x800  }
0x13c: {  	[tilespmem:s8], [sflag:$0x1] =	stream.linear.gather @!p1 [hbm4b:s5+s10], $0x400, $0x38;
	[tilespmem:$0x1D000] =	vst v63  }
0x13d: {  	_ =	swait.ge [sflag:s16], $0x400  }
0x13e: {  	[sflag:s16] =	ssyncset.done $0x0  }
0x13f: {  	[sflag:s16] =	ssyncadd.s32 $0xFFFFFC00  }
0x140: {  	_ =	swait.ge [sflag:s16], $0x400  }
0x141: {  	[sflag:s16] =	ssyncset.done $0x0  }
0x142: {  	[sflag:s16] =	ssyncadd.s32 $0xFFFFFC00  }
0x143: {  	_ =	swait.ge [sflag:s21], $0x4000  }
0x144: {  	[sflag:s21] =	ssyncset.done $0x0  }
0x145: {  	[sflag:s21] =	ssyncadd.s32 $0xFFFFC000  }
0x146: {  	[tilespmem:s15], [sflag:$0x3] =	stream.indirect.gather [hbm4b:s4+s22], $0x80, s18, s22, $0xb8;
	[tilespmem:$0x1D000] =	vst v63  }
0x147: {  	_ =	swait.ge [sflag:s23], $0x4000  }
0x148: {  	[sflag:s23] =	ssyncset.done $0x0  }
0x149: {  	s10 =	rddreg [dreg:$0x14];
	[sflag:s23] =	ssyncadd.s32 $0xFFFFC000  }
0x14a: {  	[tilespmem:s24], [sflag:$0x4] =	stream.indirect.gather [hbm4b:s4+s22], $0x80, s10, s22, $0xb8;
	[tilespmem:$0x1D000] =	vst v63  }
0x14b: {  	_ =	swait.ge [sflag:s25], $0x4000  }
0x14c: {  	[sflag:s25] =	ssyncset.done $0x0  }
0x14d: {  	[sflag:s25] =	ssyncadd.s32 $0xFFFFC000  }
0x14e: {  	[spmem:s1] =	stream.indirect.scatter.add.f32 [tilespmem:s15], [sflag:$0x5], $0x80, s19, s22, $0xb8;
	[tilespmem:$0x1D000] =	vst v63  }
0x14f: {  	_ =	swait.ge [sflag:s21], $0x4000  }
0x150: {  	s14 =	smov.u32 s13;
	[sflag:s21] =	ssyncset.done $0x0  }
0x151: {  	s12 =	smov.u32 s14;
	s14 =	rddreg [dreg:$0x15];
	[sflag:s21] =	ssyncadd.s32 $0xFFFFC000  }
0x152: {  	[tilespmem:s15], [sflag:$0x3] =	stream.indirect.gather [hbm4b:s4+s22], $0x80, s14, s22, $0xb8;
	[tilespmem:$0x1D000] =	vst v63  }
0x153: {  	_ =	swait.ge [sflag:s26], $0x4000  }
0x154: {  	[sflag:s26] =	ssyncset.done $0x0  }
0x155: {  	s8 =	rddreg [dreg:$0x16];
	[sflag:s26] =	ssyncadd.s32 $0xFFFFC000  }
0x156: {  	[spmem:s1] =	stream.indirect.scatter.add.f32 [tilespmem:s24], [sflag:$0x6], $0x80, s8, s22, $0xb8;
	[tilespmem:$0x1D000] =	vst v63  }
0x157: {  	_ =	swait.ge [sflag:s23], $0x4000  }
0x158: {  	[sflag:s23] =	ssyncset.done $0x0  }
0x159: {  	s10 =	rddreg [dreg:$0x17];
	[sflag:s23] =	ssyncadd.s32 $0xFFFFC000  }
0x15a: {  	[tilespmem:s24], [sflag:$0x4] =	stream.indirect.gather [hbm4b:s4+s22], $0x80, s10, s22, $0xb8;
	[tilespmem:$0x1D000] =	vst v63  }
0x15b: {  	_ =	swait.ge [sflag:s25], $0x4000  }
0x15c: {  	[sflag:s25] =	ssyncset.done $0x0  }
0x15d: {  	s14 =	rddreg [dreg:$0x18];
	[sflag:s25] =	ssyncadd.s32 $0xFFFFC000  }
0x15e: {  	[spmem:s1] =	stream.indirect.scatter.add.f32 [tilespmem:s15], [sflag:$0x5], $0x80, s14, s22, $0xb8;
	[tilespmem:$0x1D000] =	vst v63  }
0x15f: {  	_ =	swait.ge [sflag:s21], $0x4000  }
0x160: {  	[sflag:s21] =	ssyncset.done $0x0  }
0x161: {  	[sflag:s21] =	ssyncadd.s32 $0xFFFFC000  }
0x162: {  	[tilespmem:s15], [sflag:$0x3] =	stream.indirect.gather [hbm4b:s4+s22], $0x80, s28, s22, $0xb8;
	[tilespmem:$0x1D000] =	vst v63  }
0x163: {  	_ =	swait.ge [sflag:s26], $0x4000  }
0x164: {  	[sflag:s26] =	ssyncset.done $0x0  }
0x165: {  	[sflag:s26] =	ssyncadd.s32 $0xFFFFC000  }
0x166: {  	[spmem:s1] =	stream.indirect.scatter.add.f32 [tilespmem:s24], [sflag:$0x6], $0x80, s29, s22, $0xb8;
	[tilespmem:$0x1D000] =	vst v63  }
0x167: {  	_ =	swait.ge [sflag:s23], $0x4000  }
0x168: {  	[sflag:s23] =	ssyncset.done $0x0  }
0x169: {  	[sflag:s23] =	ssyncadd.s32 $0xFFFFC000  }
0x16a: {  	[tilespmem:s24], [sflag:$0x4] =	stream.indirect.gather [hbm4b:s4+s22], $0x80, s30, s22, $0xb8;
	[tilespmem:$0x1D000] =	vst v63  }
0x16b: {  	_ =	swait.ge [sflag:s25], $0x4000  }
0x16c: {  	[sflag:s25] =	ssyncset.done $0x0  }
0x16d: {  	[sflag:s25] =	ssyncadd.s32 $0xFFFFC000  }
0x16e: {  	[spmem:s1] =	stream.indirect.scatter.add.f32 [tilespmem:s15], [sflag:$0x5], $0x80, s31, s22, $0xb8;
	[tilespmem:$0x1D000] =	vst v63  }
0x16f: {  	_ =	swait.ge [sflag:s21], $0x4000  }
0x170: {  	[sflag:s21] =	ssyncset.done $0x0  }
0x171: {  	[sflag:s21] =	ssyncadd.s32 $0xFFFFC000  }
0x172: {  	[tilespmem:s15], [sflag:$0x3] =	stream.indirect.gather [hbm4b:s4+s22], $0x80, s0, s22, $0xb8;
	[tilespmem:$0x1D000] =	vst v63  }
0x173: {  	_ =	swait.ge [sflag:s26], $0x4000  }
0x174: {  	[sflag:s26] =	ssyncset.done $0x0  }
0x175: {  	[sflag:s26] =	ssyncadd.s32 $0xFFFFC000  }
0x176: {  	[spmem:s1] =	stream.indirect.scatter.add.f32 [tilespmem:s24], [sflag:$0x6], $0x80, s2, s22, $0xb8;
	[tilespmem:$0x1D000] =	vst v63  }
0x177: {  	_ =	swait.ge [sflag:s23], $0x4000  }
0x178: {  	[sflag:s23] =	ssyncset.done $0x0  }
0x179: {  	[sflag:s23] =	ssyncadd.s32 $0xFFFFC000  }
0x17a: {  	[tilespmem:s24], [sflag:$0x4] =	stream.indirect.gather [hbm4b:s4+s22], $0x80, s6, s22, $0xb8;
	[tilespmem:$0x1D000] =	vst v63  }
0x17b: {  	s13 =	sadd.s32 $0x100, s13;
	_ =	swait.ge [sflag:s25], $0x4000  }
0x17c: {  	p0 =	sne.s32 s13, $0x500;
	[sflag:s25] =	ssyncset.done $0x0  }
.Ltmp1:
0x17d: {  	[sflag:s25] =	ssyncadd.s32 $0xFFFFC000;
	(pc) =	sbr.rel @p0 .LBB2_4-.Ltmp1, $4  }
0x17e: {  	[spmem:s1] =	stream.indirect.scatter.add.f32 [tilespmem:s15], [sflag:$0x5], $0x80, s7, s22, $0xb8;
	[tilespmem:$0x1D000] =	vst v63  }
0x17f: {  	_ =	swait.ge [sflag:s26], $0x4000  }
0x180: {  	s14 =	rddreg [dreg:$0x5];
	[sflag:s26] =	ssyncset.done $0x0  }
0x181: {  	s10 =	rddreg [dreg:$0x6];
	[sflag:s26] =	ssyncadd.s32 $0xFFFFC000  }
0x182: {  	[spmem:s1] =	stream.indirect.scatter.add.f32 [tilespmem:s24], [sflag:$0x6], $0x80, s9, s22, $0xb8;
	[tilespmem:$0x1D000] =	vst v63  }
0x183: {  	s5 =	sadd.s32 s12, s14  }
0x184: {  	[tilespmem:s18], [sflag:$0x2] =	stream.linear.gather [hbm4b:s5+s3], $0x400, $0x38;
	[tilespmem:$0x1D000] =	vst v63  }
0x185: {  	s13 =	sadd.s32 s12, s10  }
0x186: {  	[tilespmem:s19], [sflag:$0x2] =	stream.linear.gather [hbm4b:s13+s3], $0x400, $0x38;
	[tilespmem:$0x1D000] =	vst v63  }
0x187: {  	_ =	swait.ge [sflag:s20], $0x400  }
0x188: {  	[sflag:s20] =	ssyncset.done $0x0  }
0x189: {  	[sflag:s20] =	ssyncadd.s32 $0xFFFFFC00  }
0x18a: {  	_ =	swait.ge [sflag:s20], $0x400  }
0x18b: {  	[sflag:s20] =	ssyncset.done $0x0  }
0x18c: {  	[sflag:s20] =	ssyncadd.s32 $0xFFFFFC00  }
0x18d: {  	_ =	swait.ge [sflag:s21], $0x4000  }
0x18e: {  	[sflag:s21] =	ssyncset.done $0x0  }
0x18f: {  	[sflag:s21] =	ssyncadd.s32 $0xFFFFC000  }
0x190: {  	[tilespmem:s15], [sflag:$0x3] =	stream.indirect.gather [hbm4b:s4+s22], $0x80, s3, s22, $0xb8;
	[tilespmem:$0x1D000] =	vst v63  }
0x191: {  	_ =	swait.ge [sflag:s23], $0x4000  }
0x192: {  	[sflag:s23] =	ssyncset.done $0x0  }
0x193: {  	[sflag:s23] =	ssyncadd.s32 $0xFFFFC000  }
0x194: {  	[tilespmem:s24], [sflag:$0x4] =	stream.indirect.gather [hbm4b:s4+s22], $0x80, s22, s22, $0xb8;
	[tilespmem:$0x1D000] =	vst v63  }
0x195: {  	_ =	swait.ge [sflag:s25], $0x4000  }
0x196: {  	[sflag:s25] =	ssyncset.done $0x0  }
0x197: {  	[sflag:s25] =	ssyncadd.s32 $0xFFFFC000  }
0x198: {  	[spmem:s1] =	stream.indirect.scatter.add.f32 [tilespmem:s15], [sflag:$0x5], $0x80, s17, s22, $0xb8;
	[tilespmem:$0x1D000] =	vst v63  }
0x199: {  	_ =	swait.ge [sflag:s21], $0x4000  }
0x19a: {  	[sflag:s21] =	ssyncset.done $0x0  }
0x19b: {  	s14 =	rddreg [dreg:$0x7];
	[sflag:s21] =	ssyncadd.s32 $0xFFFFC000  }
0x19c: {  	[tilespmem:s15], [sflag:$0x3] =	stream.indirect.gather [hbm4b:s4+s22], $0x80, s14, s22, $0xb8;
	[tilespmem:$0x1D000] =	vst v63  }
0x19d: {  	_ =	swait.ge [sflag:s26], $0x4000  }
0x19e: {  	[sflag:s26] =	ssyncset.done $0x0  }
0x19f: {  	s8 =	rddreg [dreg:$0x8];
	[sflag:s26] =	ssyncadd.s32 $0xFFFFC000  }
0x1a0: {  	[spmem:s1] =	stream.indirect.scatter.add.f32 [tilespmem:s24], [sflag:$0x6], $0x80, s8, s22, $0xb8;
	[tilespmem:$0x1D000] =	vst v63  }
0x1a1: {  	_ =	swait.ge [sflag:s23], $0x4000  }
0x1a2: {  	[sflag:s23] =	ssyncset.done $0x0  }
0x1a3: {  	s10 =	rddreg [dreg:$0x9];
	[sflag:s23] =	ssyncadd.s32 $0xFFFFC000  }
0x1a4: {  	[tilespmem:s24], [sflag:$0x4] =	stream.indirect.gather [hbm4b:s4+s22], $0x80, s10, s22, $0xb8;
	[tilespmem:$0x1D000] =	vst v63  }
0x1a5: {  	_ =	swait.ge [sflag:s25], $0x4000  }
0x1a6: {  	[sflag:s25] =	ssyncset.done $0x0  }
0x1a7: {  	s13 =	rddreg [dreg:$0xa];
	[sflag:s25] =	ssyncadd.s32 $0xFFFFC000  }
0x1a8: {  	[spmem:s1] =	stream.indirect.scatter.add.f32 [tilespmem:s15], [sflag:$0x5], $0x80, s13, s22, $0xb8;
	[tilespmem:$0x1D000] =	vst v63  }
0x1a9: {  	_ =	swait.ge [sflag:s21], $0x4000  }
0x1aa: {  	[sflag:s21] =	ssyncset.done $0x0  }
0x1ab: {  	s14 =	rddreg [dreg:$0xb];
	[sflag:s21] =	ssyncadd.s32 $0xFFFFC000  }
0x1ac: {  	[tilespmem:s15], [sflag:$0x3] =	stream.indirect.gather [hbm4b:s4+s22], $0x80, s14, s22, $0xb8;
	[tilespmem:$0x1D000] =	vst v63  }
0x1ad: {  	_ =	swait.ge [sflag:s26], $0x4000  }
0x1ae: {  	[sflag:s26] =	ssyncset.done $0x0  }
0x1af: {  	s8 =	rddreg [dreg:$0xc];
	[sflag:s26] =	ssyncadd.s32 $0xFFFFC000  }
0x1b0: {  	[spmem:s1] =	stream.indirect.scatter.add.f32 [tilespmem:s24], [sflag:$0x6], $0x80, s8, s22, $0xb8;
	[tilespmem:$0x1D000] =	vst v63  }
0x1b1: {  	_ =	swait.ge [sflag:s23], $0x4000  }
0x1b2: {  	[sflag:s23] =	ssyncset.done $0x0  }
0x1b3: {  	s10 =	rddreg [dreg:$0xd];
	[sflag:s23] =	ssyncadd.s32 $0xFFFFC000  }
0x1b4: {  	[tilespmem:s24], [sflag:$0x4] =	stream.indirect.gather [hbm4b:s4+s22], $0x80, s10, s22, $0xb8;
	[tilespmem:$0x1D000] =	vst v63  }
0x1b5: {  	_ =	swait.ge [sflag:s25], $0x4000  }
0x1b6: {  	[sflag:s25] =	ssyncset.done $0x0  }
0x1b7: {  	s13 =	rddreg [dreg:$0xe];
	[sflag:s25] =	ssyncadd.s32 $0xFFFFC000  }
0x1b8: {  	[spmem:s1] =	stream.indirect.scatter.add.f32 [tilespmem:s15], [sflag:$0x5], $0x80, s13, s22, $0xb8;
	[tilespmem:$0x1D000] =	vst v63  }
0x1b9: {  	_ =	swait.ge [sflag:s21], $0x4000  }
0x1ba: {  	[sflag:s21] =	ssyncset.done $0x0  }
0x1bb: {  	s14 =	rddreg [dreg:$0xf];
	[sflag:s21] =	ssyncadd.s32 $0xFFFFC000  }
0x1bc: {  	[tilespmem:s15], [sflag:$0x3] =	stream.indirect.gather [hbm4b:s4+s22], $0x80, s14, s22, $0xb8;
	[tilespmem:$0x1D000] =	vst v63  }
0x1bd: {  	_ =	swait.ge [sflag:s26], $0x4000  }
0x1be: {  	[sflag:s26] =	ssyncset.done $0x0  }
0x1bf: {  	s8 =	rddreg [dreg:$0x10];
	[sflag:s26] =	ssyncadd.s32 $0xFFFFC000  }
0x1c0: {  	[spmem:s1] =	stream.indirect.scatter.add.f32 [tilespmem:s24], [sflag:$0x6], $0x80, s8, s22, $0xb8;
	[tilespmem:$0x1D000] =	vst v63  }
0x1c1: {  	_ =	swait.ge [sflag:s23], $0x4000  }
0x1c2: {  	[sflag:s23] =	ssyncset.done $0x0  }
0x1c3: {  	s10 =	rddreg [dreg:$0x11];
	[sflag:s23] =	ssyncadd.s32 $0xFFFFC000  }
0x1c4: {  	[tilespmem:s24], [sflag:$0x4] =	stream.indirect.gather [hbm4b:s4+s22], $0x80, s10, s22, $0xb8;
	[tilespmem:$0x1D000] =	vst v63  }
0x1c5: {  	_ =	swait.ge [sflag:s25], $0x4000  }
0x1c6: {  	[sflag:s25] =	ssyncset.done $0x0  }
0x1c7: {  	s13 =	rddreg [dreg:$0x12];
	[sflag:s25] =	ssyncadd.s32 $0xFFFFC000  }
0x1c8: {  	[spmem:s1] =	stream.indirect.scatter.add.f32 [tilespmem:s15], [sflag:$0x5], $0x80, s13, s22, $0xb8;
	[tilespmem:$0x1D000] =	vst v63  }
0x1c9: {  	_ =	swait.ge [sflag:s26], $0x4000  }
0x1ca: {  	s14 =	rddreg [dreg:$0x13];
	[sflag:s26] =	ssyncset.done $0x0  }
0x1cb: {  	p0 =	seq.s32 s12, $0x400;
	s8 =	rddreg [dreg:$0x3];
	[sflag:s26] =	ssyncadd.s32 $0xFFFFC000  }
0x1cc: {  	[spmem:s1] =	stream.indirect.scatter.add.f32 [tilespmem:s24], [sflag:$0x6], $0x80, s14, s22, $0xb8;
	[tilespmem:$0x1D000] =	vst v63  }
0x1cd: {  	s10 =	rddreg [dreg:$0x4];
	s5 =	sadd.s32 @!p0 s12, s8;
	s8 =	simm.s32 @!p0 $0x0  }
0x1ce: {  	[tilespmem:s8], [sflag:$0x1] =	stream.linear.gather @!p0 [hbm4b:s5+s8], $0x400, $0x38;
	[tilespmem:$0x1D000] =	vst v63  }
0x1cf: {  	s5 =	sadd.s32 @!p0 s12, s10;
	s10 =	simm.s32 @!p0 $0x800  }
0x1d0: {  	[tilespmem:s10], [sflag:$0x1] =	stream.linear.gather @!p0 [hbm4b:s5+s8], $0x400, $0x38;
	[tilespmem:$0x1D000] =	vst v63  }
0x1d1: {  	_ =	swait.ge [sflag:s16], $0x400  }
0x1d2: {  	[sflag:s16] =	ssyncset.done $0x0  }
0x1d3: {  	[sflag:s16] =	ssyncadd.s32 $0xFFFFFC00  }
0x1d4: {  	_ =	swait.ge [sflag:s16], $0x400  }
0x1d5: {  	[sflag:s16] =	ssyncset.done $0x0  }
0x1d6: {  	[sflag:s16] =	ssyncadd.s32 $0xFFFFFC00  }
0x1d7: {  	_ =	swait.ge [sflag:s21], $0x4000  }
0x1d8: {  	[sflag:s21] =	ssyncset.done $0x0  }
0x1d9: {  	[sflag:s21] =	ssyncadd.s32 $0xFFFFC000  }
0x1da: {  	[tilespmem:s15], [sflag:$0x3] =	stream.indirect.gather [hbm4b:s4+s22], $0x80, s18, s22, $0xb8;
	[tilespmem:$0x1D000] =	vst v63  }
0x1db: {  	_ =	swait.ge [sflag:s23], $0x4000  }
0x1dc: {  	[sflag:s23] =	ssyncset.done $0x0  }
0x1dd: {  	s10 =	rddreg [dreg:$0x14];
	[sflag:s23] =	ssyncadd.s32 $0xFFFFC000  }
0x1de: {  	[tilespmem:s24], [sflag:$0x4] =	stream.indirect.gather [hbm4b:s4+s22], $0x80, s10, s22, $0xb8;
	[tilespmem:$0x1D000] =	vst v63  }
0x1df: {  	_ =	swait.ge [sflag:s25], $0x4000  }
0x1e0: {  	[sflag:s25] =	ssyncset.done $0x0  }
0x1e1: {  	[sflag:s25] =	ssyncadd.s32 $0xFFFFC000  }
0x1e2: {  	[spmem:s1] =	stream.indirect.scatter.add.f32 [tilespmem:s15], [sflag:$0x5], $0x80, s19, s22, $0xb8;
	[tilespmem:$0x1D000] =	vst v63  }
0x1e3: {  	_ =	swait.ge [sflag:s21], $0x4000  }
0x1e4: {  	[sflag:s21] =	ssyncset.done $0x0  }
0x1e5: {  	s12 =	rddreg [dreg:$0x15];
	[sflag:s21] =	ssyncadd.s32 $0xFFFFC000  }
0x1e6: {  	[tilespmem:s15], [sflag:$0x3] =	stream.indirect.gather [hbm4b:s4+s22], $0x80, s12, s22, $0xb8;
	[tilespmem:$0x1D000] =	vst v63  }
0x1e7: {  	_ =	swait.ge [sflag:s26], $0x4000  }
0x1e8: {  	[sflag:s26] =	ssyncset.done $0x0  }
0x1e9: {  	s13 =	rddreg [dreg:$0x16];
	[sflag:s26] =	ssyncadd.s32 $0xFFFFC000  }
0x1ea: {  	[spmem:s1] =	stream.indirect.scatter.add.f32 [tilespmem:s24], [sflag:$0x6], $0x80, s13, s22, $0xb8;
	[tilespmem:$0x1D000] =	vst v63  }
0x1eb: {  	_ =	swait.ge [sflag:s23], $0x4000  }
0x1ec: {  	[sflag:s23] =	ssyncset.done $0x0  }
0x1ed: {  	s14 =	rddreg [dreg:$0x17];
	[sflag:s23] =	ssyncadd.s32 $0xFFFFC000  }
0x1ee: {  	[tilespmem:s24], [sflag:$0x4] =	stream.indirect.gather [hbm4b:s4+s22], $0x80, s14, s22, $0xb8;
	[tilespmem:$0x1D000] =	vst v63  }
0x1ef: {  	_ =	swait.ge [sflag:s25], $0x4000  }
0x1f0: {  	[sflag:s25] =	ssyncset.done $0x0  }
0x1f1: {  	s8 =	rddreg [dreg:$0x18];
	[sflag:s25] =	ssyncadd.s32 $0xFFFFC000  }
0x1f2: {  	[spmem:s1] =	stream.indirect.scatter.add.f32 [tilespmem:s15], [sflag:$0x5], $0x80, s8, s22, $0xb8;
	[tilespmem:$0x1D000] =	vst v63  }
0x1f3: {  	_ =	swait.ge [sflag:s21], $0x4000  }
0x1f4: {  	[sflag:s21] =	ssyncset.done $0x0  }
0x1f5: {  	[sflag:s21] =	ssyncadd.s32 $0xFFFFC000  }
0x1f6: {  	[tilespmem:s15], [sflag:$0x3] =	stream.indirect.gather [hbm4b:s4+s22], $0x80, s28, s22, $0xb8;
	[tilespmem:$0x1D000] =	vst v63  }
0x1f7: {  	_ =	swait.ge [sflag:s26], $0x4000  }
0x1f8: {  	[sflag:s26] =	ssyncset.done $0x0  }
0x1f9: {  	[sflag:s26] =	ssyncadd.s32 $0xFFFFC000  }
0x1fa: {  	[spmem:s1] =	stream.indirect.scatter.add.f32 [tilespmem:s24], [sflag:$0x6], $0x80, s29, s22, $0xb8;
	[tilespmem:$0x1D000] =	vst v63  }
0x1fb: {  	_ =	swait.ge [sflag:s23], $0x4000  }
0x1fc: {  	[sflag:s23] =	ssyncset.done $0x0  }
0x1fd: {  	[sflag:s23] =	ssyncadd.s32 $0xFFFFC000  }
0x1fe: {  	[tilespmem:s24], [sflag:$0x4] =	stream.indirect.gather [hbm4b:s4+s22], $0x80, s30, s22, $0xb8;
	[tilespmem:$0x1D000] =	vst v63  }
0x1ff: {  	_ =	swait.ge [sflag:s25], $0x4000  }
0x200: {  	[sflag:s25] =	ssyncset.done $0x0  }
0x201: {  	[sflag:s25] =	ssyncadd.s32 $0xFFFFC000  }
0x202: {  	[spmem:s1] =	stream.indirect.scatter.add.f32 [tilespmem:s15], [sflag:$0x5], $0x80, s31, s22, $0xb8;
	[tilespmem:$0x1D000] =	vst v63  }
0x203: {  	_ =	swait.ge [sflag:s21], $0x4000  }
0x204: {  	[sflag:s21] =	ssyncset.done $0x0  }
0x205: {  	[sflag:s21] =	ssyncadd.s32 $0xFFFFC000  }
0x206: {  	[tilespmem:s15], [sflag:$0x3] =	stream.indirect.gather [hbm4b:s4+s22], $0x80, s0, s22, $0xb8;
	[tilespmem:$0x1D000] =	vst v63  }
0x207: {  	_ =	swait.ge [sflag:s26], $0x4000  }
0x208: {  	[sflag:s26] =	ssyncset.done $0x0  }
0x209: {  	[sflag:s26] =	ssyncadd.s32 $0xFFFFC000  }
0x20a: {  	[spmem:s1] =	stream.indirect.scatter.add.f32 [tilespmem:s24], [sflag:$0x6], $0x80, s2, s22, $0xb8;
	[tilespmem:$0x1D000] =	vst v63  }
0x20b: {  	_ =	swait.ge [sflag:s23], $0x4000  }
0x20c: {  	[sflag:s23] =	ssyncset.done $0x0  }
0x20d: {  	[sflag:s23] =	ssyncadd.s32 $0xFFFFC000  }
0x20e: {  	[tilespmem:s24], [sflag:$0x4] =	stream.indirect.gather [hbm4b:s4+s22], $0x80, s6, s22, $0xb8;
	[tilespmem:$0x1D000] =	vst v63  }
0x20f: {  	_ =	swait.ge [sflag:s25], $0x4000  }
0x210: {  	[sflag:s25] =	ssyncset.done $0x0  }
0x211: {  	[sflag:s25] =	ssyncadd.s32 $0xFFFFC000  }
0x212: {  	[spmem:s1] =	stream.indirect.scatter.add.f32 [tilespmem:s15], [sflag:$0x5], $0x80, s7, s22, $0xb8;
	[tilespmem:$0x1D000] =	vst v63  }
0x213: {  	_ =	swait.ge [sflag:s26], $0x4000  }
0x214: {  	[sflag:s26] =	ssyncset.done $0x0  }
0x215: {  	[sflag:s26] =	ssyncadd.s32 $0xFFFFC000  }
0x216: {  	[spmem:s1] =	stream.indirect.scatter.add.f32 [tilespmem:s24], [sflag:$0x6], $0x80, s9, s22, $0xb8;
	[tilespmem:$0x1D000] =	vst v63  }
0x217: {  	_ =	swait.ge [sflag:s21], $0x4000  }
0x218: {  	[sflag:s21] =	ssyncset.done $0x0  }
0x219: {  	[sflag:s21] =	ssyncadd.s32 $0xFFFFC000  }
0x21a: {  	_ =	swait.ge [sflag:s23], $0x4000  }
0x21b: {  	[sflag:s23] =	ssyncset.done $0x0  }
0x21c: {  	[sflag:s23] =	ssyncadd.s32 $0xFFFFC000  }
0x21d: {  	s10 =	stileid.u32;
	[bflag:$0x0] =	sbarrier.arrive $0xFFFF  }
0x21e: {  	s5 =	sshll.u32 s10, $0x6;
	s14 =	rddreg [dreg:$0x19]  }
0x21f: {  	s5 =	sor.u32 $0x1C07, s5;
	s13 =	rddreg [dreg:$0x1d];
	s12 =	sshrl.u32 s14, $0x3  }
0x220: {  	[hbm:s13], [sflag:s5] =	dma.local [spmem:s12], $0x2800  }
0x221: {  	s12 =	simm.s32 $0x7  }
0x222: {  	_ =	swait.ge [sflag:s12], $0x2800  }
0x223: {  	s11 =	sadd.s32 $0x1, s11;
	s13 =	rddreg [dreg:$0x1e]  }
0x224: {  	p0 =	sne.s32 s11, s13  }
.Ltmp2:
0x225: {  	_ = 	snop;
	(pc) =	sbr.rel @p0 .LBB2_1-.Ltmp2, $3  }
0x226: {  	_ =	sdelay $0x1  }
0x227: {  	[sflag:s12] =	ssyncset.done $0x0  }
0x228: {  	[sflag:s12] =	ssyncadd.s32 $0xFFFFD800  }
0x229: {  	_ =	sfence.sel $0x180000  }
0x22a: {  	[bflag:$0x0] =	sbarrier.arrive $0xFFFF  }
0x22b: {  	_ =	strace $0x9000004A  }
0x22c: {  	s0 =	stileid.u32;
	[bflag:$0x2] =	sbarrier.arrive $0xFFFF  }
0x22d: {  	p0 =	sne.s32 s0, $0x0;
	s0 =	rddreg [dreg:$0x2]  }
0x22e: {  	s0 =	sadd.s32 @!p0 $0x100000, s0  }
0x22f: {  	[sflag:s0] =	ssyncadd.tile.s32 @!p0 $0x1;
	_ =	shalt  }
.Lfunc_end2:
_tile_overlayer_lowered:
.L_overlay_start_2:
0x230: {  	(tag) =	ssettag $0x2  }
0x231: {  	s0 =	rddreg [dreg:$0x0];
	s2 =	stileid.u32  }
0x232: {  	s1 =	rddreg [dreg:$0x1];
	p0 =	sne.s32 s2, $0x0  }
0x233: {  	s3 =	rddreg [dreg:$0x2];
	[bflag:$0x3] =	sbarrier.arrive $0xFFFF;
	s2 =	simm.s32 @!p0 $0x1C07  }
0x234: {  	[timem:s3], [sflag:s2] =	dma.local @!p0 [hbm:s0], s1  }
0x235: {  	s0 =	simm.s32 @!p0 $0x7  }
0x236: {  	_ =	swait.ge @!p0 [sflag:s0], s1  }
0x237: {  	s1 =	ssub.s32 @!p0 $0x0, s1;
	[sflag:s0] =	ssyncset.done @!p0 $0x0  }
0x238: {  	[sflag:s0] =	ssyncadd.s32 @!p0 s1  }
0x239: {  	[bflag:$0x3] =	sbarrier.arrive $0xFFFF  }
0x23a: {  	_ =	shalt  }

// kernel: kernel.14.cloned.1.call-start
scs
__scs_entry_jumppad:
0x0: {  	(pc) =	sbr.rel $0x88, $3  }
0x1: {  	(tag) =	ssettag $0x0;
	lr =	simm.s32 $0x1  }
0x2: {  	[smem:$0x3F98] =	sst lr;
	_ =	strace $0xD0000000  }
0x3: {  	_ = 	snop  }
0x4: {  	_ = 	snop  }
0x5: {  	_ = 	snop  }
0x6: {  	_ = 	snop  }
0x7: {  	_ = 	snop  }
__scs_overlays_trampoline_lowered:
0x8: {  	[smem:$0x3FA7] =	sst s0  }
0x9: {  	[smem:$0x3FA8] =	sst s1  }
0xa: {  	[smem:$0x3FA9] =	sst s2  }
0xb: {  	[smem:$0x3FAA] =	sst s3  }
0xc: {  	[smem:$0x3FAB] =	sst s4  }
0xd: {  	[smem:$0x3FAC] =	sst s5  }
0xe: {  	[smem:$0x3FAD] =	sst s6  }
0xf: {  	[smem:$0x3FAE] =	sst s7  }
0x10: {  	[smem:$0x3FAF] =	sst s8  }
0x11: {  	[smem:$0x3FB0] =	sst s9;
	s0 =	simm.s32 @!p0 $0x0  }
0x12: {  	s1 =	sld [smem:$0x3F96];
	s0 =	simm.s32 @p0 $0x1  }
0x13: {  	[smem:$0x3FB1] =	sst s0;
	s0 =	simm.s32 @!p1 $0x0  }
0x14: {  	s2 =	sld [smem:$0x3F95];
	s0 =	simm.s32 @p1 $0x1  }
0x15: {  	[smem:$0x3FB2] =	sst s0;
	s0 =	simm.s32 @!p2 $0x0  }
0x16: {  	s3 =	sld [smem:$0x3FDB];
	s0 =	simm.s32 @p2 $0x1  }
0x17: {  	s4 =	simm.s32 $0x1BF5;
	[smem:$0x3FB4] =	sst s0  }
0x18: {  	s0 =	sld [smem:$0x3F97];
	_ =	swait.ge [sflag:s4], $0x0  }
0x19: {  	s7 =	sld [smem:$0x3F98]  }
0x1a: {  	s8 =	sadd.s32 $0xFFFFE003, lr  }
0x1b: {  	s9 =	sadd.s32 $0xFFFFFEF7, lr;
	s5 =	simm.s32 $0xFFFFFFFF;
	p2 =	slt.u32 s8, $0xFFFFF086  }
0x1c: {  	p1 =	slt.u32 s9, $0xF7A;
	s5 =	simm.s32 @!p2 $0x0  }
0x1d: {  	s5 =	simm.s32 @p1 $0x1;
	p0 =	seq.s32 s7, s2  }
0x1e: {  	s7 =	smul.u32 @!p0 $0xF7A, s2;
	p2 =	seq.s32 @!p0 s5, $0x0  }
0x1f: {  	s9 =	smul.u32 $0xF7A, s1;
	s8 =	simm.s32 @!p0 $0x1BF5;
	p2 =	por !p2, p0  }
0x20: {  	[sflag:s8] =	ssyncset.s32 @!p0 $0xFFFFF086;
	s6 =	sadd.s32 @!p0 s3, s7;
	s7 =	simm.s32 @!p0 $0x108  }
0x21: {  	s3 =	sadd.s32 s3, s9;
	s6 =	sadd.s32 @!p0 $0x88, s6;
	s7 =	simm.s32 @p2 $0x1082  }
0x22: {  	[simem:s7], [sflag:s8] =	dma.local @!p0 [hbm:s6], $0xF7A  }
0x23: {  	s9 =	sor.u32 $0xD0000000, s2;
	s6 =	simm.s32 $0x108;
	_ =	swait.ge @!p0 [sflag:s8], $0x0  }
0x24: {  	s3 =	sadd.s32 $0x88, s3;
	s6 =	simm.s32 @!p1 $0x1082;
	[sflag:s4] =	ssyncset.s32 $0xFFFFF086  }
0x25: {  	[simem:s6], [sflag:s4] =	dma.local [hbm:s3], $0xF7A  }
0x26: {  	[smem:$0x3F98] =	sst s1;
	(tag) =	ssettag s2;
	_ =	strace s9  }
0x27: {  	s1 =	sld [smem:$0x3FA8]  }
0x28: {  	s2 =	sld [smem:$0x3FA9]  }
0x29: {  	s4 =	sld [smem:$0x3FAB]  }
0x2a: {  	p0 =	seq.s32 s5, $0x0;
	s5 =	sld [smem:$0x3FAC]  }
0x2b: {  	s6 =	sld [smem:$0x3FAD]  }
0x2c: {  	s7 =	sld [smem:$0x3FAE]  }
0x2d: {  	s3 =	simm.s32 $0x108;
	s8 =	sld [smem:$0x3FAF]  }
0x2e: {  	s3 =	simm.s32 @!p0 $0x1082;
	s9 =	sld [smem:$0x3FB0]  }
0x2f: {  	lr =	sadd.s32 s0, s3;
	s0 =	sld [smem:$0x3FA7]  }
0x30: {  	s3 =	sld [smem:$0x3FAA]  }
0x31: {  	[smem:$0x3FB3] =	sst s10  }
0x32: {  	s10 =	sld [smem:$0x3FB1];
	_ =	sdelay $0x3  }
0x33: {  	p0 =	seq.s32 s10, $0x1;
	s10 =	sld [smem:$0x3FB3];
	_ =	sdelay $0x3  }
0x34: {  	[smem:$0x3FB3] =	sst s10  }
0x35: {  	s10 =	sld [smem:$0x3FB2];
	_ =	sdelay $0x3  }
0x36: {  	p1 =	seq.s32 s10, $0x1;
	s10 =	sld [smem:$0x3FB3];
	_ =	sdelay $0x3  }
0x37: {  	[smem:$0x3FB3] =	sst s10  }
0x38: {  	s10 =	sld [smem:$0x3FB4]  }
0x39: {  	_ = 	snop;
	(pc) =	sbr.ind lr, $3  }
0x3a: {  	_ = 	snop  }
0x3b: {  	_ = 	snop  }
0x3c: {  	p2 =	seq.s32 s10, $0x1;
	s10 =	sld [smem:$0x3FB3]  }
0x3d: {  	_ =	shalt  }
0x3e: {  	_ =	shalt  }
0x3f: {  	_ =	shalt  }
0x40: {  	_ =	shalt  }
0x41: {  	_ =	shalt  }
0x42: {  	_ =	shalt  }
0x43: {  	_ =	shalt  }
0x44: {  	_ =	shalt  }
0x45: {  	_ =	shalt  }
0x46: {  	_ =	shalt  }
0x47: {  	_ =	shalt  }
0x48: {  	_ =	shalt  }
0x49: {  	_ =	shalt  }
0x4a: {  	_ =	shalt  }
0x4b: {  	_ =	shalt  }
0x4c: {  	_ =	shalt  }
0x4d: {  	_ =	shalt  }
0x4e: {  	_ =	shalt  }
0x4f: {  	_ =	shalt  }
0x50: {  	_ =	shalt  }
0x51: {  	_ =	shalt  }
0x52: {  	_ =	shalt  }
0x53: {  	_ =	shalt  }
0x54: {  	_ =	shalt  }
0x55: {  	_ =	shalt  }
0x56: {  	_ =	shalt  }
0x57: {  	_ =	shalt  }
0x58: {  	_ =	shalt  }
0x59: {  	_ =	shalt  }
0x5a: {  	_ =	shalt  }
0x5b: {  	_ =	shalt  }
0x5c: {  	_ =	shalt  }
0x5d: {  	_ =	shalt  }
0x5e: {  	_ =	shalt  }
0x5f: {  	_ =	shalt  }
0x60: {  	_ =	shalt  }
0x61: {  	_ =	shalt  }
0x62: {  	_ =	shalt  }
0x63: {  	_ =	shalt  }
0x64: {  	_ =	shalt  }
0x65: {  	_ =	shalt  }
0x66: {  	_ =	shalt  }
0x67: {  	_ =	shalt  }
0x68: {  	_ =	shalt  }
0x69: {  	_ =	shalt  }
0x6a: {  	_ =	shalt  }
0x6b: {  	_ =	shalt  }
0x6c: {  	_ =	shalt  }
0x6d: {  	_ =	shalt  }
0x6e: {  	_ =	shalt  }
0x6f: {  	_ =	shalt  }
0x70: {  	_ =	shalt  }
0x71: {  	_ =	shalt  }
0x72: {  	_ =	shalt  }
0x73: {  	_ =	shalt  }
0x74: {  	_ =	shalt  }
0x75: {  	_ =	shalt  }
0x76: {  	_ =	shalt  }
0x77: {  	_ =	shalt  }
0x78: {  	_ =	shalt  }
0x79: {  	_ =	shalt  }
0x7a: {  	_ =	shalt  }
0x7b: {  	_ =	shalt  }
0x7c: {  	_ =	shalt  }
0x7d: {  	_ =	shalt  }
0x7e: {  	_ =	shalt  }
0x7f: {  	_ =	shalt  }
0x80: {  	_ =	shalt  }
0x81: {  	_ =	shalt  }
0x82: {  	_ =	shalt  }
0x83: {  	_ =	shalt  }
0x84: {  	_ =	shalt  }
0x85: {  	_ =	shalt  }
0x86: {  	_ =	shalt  }
0x87: {  	_ =	shalt  }
.Lfunc_end0:
.L_simem_size_0:
called_computation.2_lowered:
.L_overlay_start_0:
0x88: {  	s2 =	sld [smem:$0x3FD9]  }
0x89: {  	s3 =	sld [smem:$0x3FFE];
	_ =	sdelay $0x1  }
0x8a: {  	s1 =	srdreg.scid  }
0x8b: {  	s0 =	sand.u32 $0x1, s1  }
0x8c: {  	s16 =	sshll.u32 s0, $0xA;
	s2 =	sadd.s32 s3, s2  }
0x8d: {  	s2 =	sadd.s32 s2, s16  }
0x8e: {  	[smem:$0x3FBF] =	sst s2  }
0x8f: {  	_ = 	snop  }
0x90: {  	(tm) =	ssettm $0x1  }
0x91: {  	s17 =	sld [smem:$0x3FFB];
	_ =	sdelay $0x3  }
0x92: {  	_ =	strace s17  }
0x93: {  	s2 =	sld [smem:$0x3FFC];
	_ =	sdelay $0x3  }
0x94: {  	_ =	strace s2  }
0x95: {  	s2 =	sld [smem:$0x3FFD];
	_ =	sdelay $0x3  }
0x96: {  	_ =	strace s2  }
0x97: {  	_ =	strace $0x8FFFFFFF  }
0x98: {  	s18 =	sld [smem:$0x3FDB];
	_ =	sdelay $0x1  }
0x99: {  	s19 =	simm.s32 $_scs_section_size  }
0x9a: {  	s4 =	simm.s32 $_size__tile_overlayer_lowered;
	s5 =	simm.s32 $_tile_overlayer_lowered  }
0x9b: {  	s22 =	simm.s32 $0x1BFF;
	s21 =	sshll.u32 s5, $0x1;
	s2 =	sadd.s32 s19, s18  }
0x9c: {  	s6 =	simm.s32 $0x0;
	s20 =	sshll.u32 s4, $0x1;
	s4 =	sadd.s32 s21, s2  }
0x9d: {  	[timem:s6], [sflag:s22] =	dma.local [hbm:s4], s20  }
0x9e: {  	_ =	swait.ge [sflag:s22], s20  }
0x9f: {  	s3 =	ssub.s32 $0x0, s20;
	[sflag:s22] =	ssyncset.done $0x0  }
0xa0: {  	[sflag:s22] =	ssyncadd.s32 s3;
	_ =	sdelay $0x1  }
0xa1: {  	s23 =	simm.s32 $0x1B8B  }
0xa2: {  	_ =	swait.ge [sflag:s23], $0x1  }
0xa3: {  	[sflag:s23] =	ssyncset.done $0x0  }
0xa4: {  	s25 =	simm.s32 $0x1B8E;
	s24 =	sld [smem:$0x3FFE];
	[sflag:s23] =	ssyncadd.s32 $0xFFFFFFFF  }
0xa5: {  	s26 =	simm.s32 $execute0_lowered;
	[smem:$0x3FD2] =	sst s25  }
0xa6: {  	s4 =	sshll.u32 s26, $0x1;
	_ =	strace $0x8000004C;
	[dreg:$0x1] =	wrdreg $0xFFFFFFFF  }
0xa7: {  	s28 =	simm.s32 $_size_execute0_lowered;
	s2 =	sadd.s32 s2, s4;
	[dreg:$0x0] =	wrdreg $0x0  }
0xa8: {  	s4 =	sshll.u32 s28, $0x1;
	[dreg:$0x2] =	wrdreg s2  }
0xa9: {  	[dreg:$0x3] =	wrdreg s4  }
0xaa: {  	[dreg:$0x4] =	wrdreg $0xC0  }
0xab: {  	_ =	task [dreg:s6], $0x5FFFF  }
0xac: {  	[dreg:$0x1] =	wrdreg $0xFFFFFFFF  }
0xad: {  	[dreg:$0x0] =	wrdreg $0x60  }
0xae: {  	[dreg:$0x2] =	wrdreg s24  }
0xaf: {  	[dreg:$0x3] =	wrdreg $0x90000  }
0xb0: {  	[dreg:$0x4] =	wrdreg $0x9  }
0xb1: {  	_ =	task.clear_ibuf [dreg:s6], $0x5FFFF;
	_ =	strace $0x9000004C  }
0xb2: {  	s29 =	simm.s32 $0x9;
	_ =	strace $0x8000004E  }
0xb3: {  	_ =	swait.ge [sflag:s29], $0x1  }
0xb4: {  	[sflag:s29] =	ssyncadd.s32 $0xFFFFFFFF  }
0xb5: {  	_ =	strace $0x9000004E  }
0xb6: {  	_ =	sfence  }
0xb7: {  	s30 =	sld [smem:$0x0];
	_ =	sdelay $0x2  }
0xb8: {  	s31 =	sshll.u32 s1, $0xD;
	s1 =	sshrl.u32 s1, $0x2  }
0xb9: {  	s3 =	sand.u32 $0x4000, s31;
	s1 =	sadd.s32 s1, s30  }
0xba: {  	s0 =	sor.u32 s3, s0;
	s1 =	sshll.u32 s1, $0x11  }
0xbb: {  	s0 =	sor.u32 s1, s0  }
0xbc: {  	s0 =	sadd.s32 $0x8F2B, s0  }
0xbd: {  	[sflag:s0] =	ssyncadd.remote.s32 $0x1  }
0xbe: {  	_ =	sfence.sel $0xFFFF  }
0xbf: {  	[dreg:$0x0] =	wrdreg $0xFFFFFFFF;
	(pc) =	sbr.abs _section_cstart, $3  }
0xc0: {  	[dreg:$0x1] =	wrdreg $0xFFFFFFFF  }
0xc1: {  	_ =	task.clear_ibuf [dreg:s6], $0x2FFFF;
	_ =	strace $0x9FFFFFFF  }
0xc2: {  	(tm) =	ssettm $0x7FFFFFFF  }
0xc3: {  	_ =	shalt  }
tec
execute0_lowered:
.L_overlay_start_1:
0x0: {  	(tag) =	ssettag $0x1  }
0x1: {  	s0 =	rddreg [dreg:$0x0]  }
0x2: {  	s1 =	rddreg [dreg:$0x1];
	s2 =	srdreg.scid  }
0x3: {  	s3 =	simm.s32 $0x0;
	s11 =	stileid.u32;
	s24 =	simm.s32 $0x100  }
0x4: {  	s25 =	simm.s32 $0x880;
	s12 =	simm.s32 $0x280;
	s15 =	simm.s32 $0xA00  }
0x5: {  	s28 =	simm.s32 $0x600;
	s29 =	simm.s32 $0xD80;
	s30 =	simm.s32 $0x680  }
0x6: {  	s31 =	simm.s32 $0xE00;
	[smem:$0x7FF] =	sst s3;
	s6 =	smul.u32 $0x14000, s11  }
0x7: {  	s26 =	sadd.s32 $0x13C000, s1;
	_ =	strace $0x8000004D;
	[dreg:$0x7] =	wrdreg s24  }
0x8: {  	s2 =	sand.u32 $0x1, s2;
	s17 =	smul.u32 $0xA, s11;
	[dreg:$0x1c] =	wrdreg s26  }
0x9: {  	s4 =	sadd.s32 $0x16A00, s0;
	s19 =	smul.u32 $0x50000, s11;
	[dreg:$0x8] =	wrdreg s25  }
0xa: {  	s8 =	sadd.s32 $0xCA00, s0;
	s5 =	smul.u32 $0x140000, s2;
	[dreg:$0xd] =	wrdreg s12  }
0xb: {  	s7 =	smul.u32 $0xA0, s2;
	[dreg:$0xe] =	wrdreg s15;
	s24 =	simm.s32 $0xC80  }
0xc: {  	s10 =	ssub.s32 $0x2, s2;
	s25 =	simm.s32 $0x580;
	[dreg:$0x16] =	wrdreg s24  }
0xd: {  	s2 =	sshll.u32 s2, $0x4;
	s26 =	simm.s32 $0xD00;
	[dreg:$0x17] =	wrdreg s25  }
0xe: {  	s18 =	sshrl.u32 s10, $0x1;
	s2 =	sor.u32 s11, s2;
	[dreg:$0x18] =	wrdreg s26  }
0xf: {  	s5 =	sadd.s32 s6, s5;
	s6 =	sadd.s32 s17, s7;
	s17 =	simm.s32 $0x300  }
0x10: {  	s10 =	ssub.s32 s10, s18;
	s18 =	simm.s32 $0xA80;
	[dreg:$0xf] =	wrdreg s17  }
0x11: {  	s7 =	sshrl.u32 s19, $0x2;
	s19 =	simm.s32 $0x380;
	[dreg:$0x10] =	wrdreg s18  }
0x12: {  	s14 =	sadd.s32 s7, s1;
	s7 =	smax.u32 s10, $0x1;
	[dreg:$0x11] =	wrdreg s19  }
0x13: {  	s2 =	smul.u32 $0x500, s2;
	s10 =	simm.s32 $0x980;
	[dreg:$0x1e] =	wrdreg s7  }
0x14: {  	s9 =	sadd.s32 $0x2A00, s0;
	s15 =	simm.s32 $0x1000;
	[dreg:$0xc] =	wrdreg s10  }
0x15: {  	s24 =	simm.s32 $0x5000;
	s23 =	sadd.s32 s8, s2;
	[dreg:$0x19] =	wrdreg s14  }
0x16: {  	s5 =	sshrl.u32 s5, $0x3;
	s2 =	sadd.s32 s9, s2;
	[dreg:$0x1a] =	wrdreg s23  }
0x17: {  	s6 =	sshll.u32 s6, $0x7;
	s13 =	sadd.s32 $0xC000, s14;
	[dreg:$0x1b] =	wrdreg s2  }
0x18: {  	s20 =	sadd.s32 $0x100, s6;
	s16 =	sadd.s32 $0x10000, s14;
	[smem:$0x7FC] =	sst s13  }
0x19: {  	s0 =	sadd.s32 s5, s0;
	s21 =	sadd.s32 s20, s8;
	[smem:$0x7FD] =	sst s16  }
0x1a: {  	s22 =	sadd.s32 s6, s8;
	s5 =	sadd.s32 s20, s9;
	[dreg:$0x3] =	wrdreg s21  }
0x1b: {  	s6 =	sadd.s32 s6, s9;
	s11 =	sadd.s32 $0x80, s22;
	[dreg:$0x4] =	wrdreg s5  }
0x1c: {  	s25 =	simm.s32 $0x3;
	s6 =	sadd.s32 $0x80, s6;
	[dreg:$0x5] =	wrdreg s11  }
0x1d: {  	s26 =	simm.s32 $0x4;
	s0 =	sadd.s32 $0x3DC00, s0;
	[dreg:$0x6] =	wrdreg s6  }
0x1e: {  	s17 =	simm.s32 $0x800;
	s9 =	sadd.s32 $0x4000, s14;
	[dreg:$0x1d] =	wrdreg s0  }
0x1f: {  	s18 =	simm.s32 $0x400;
	s8 =	simm.s32 $0x200;
	[dreg:$0x1f] =	wrdreg s9  }
0x20: {  	s19 =	simm.s32 $0xC00;
	s20 =	simm.s32 $0xB00;
	[dreg:$0xb] =	wrdreg s8  }
0x21: {  	s7 =	simm.s32 $0xF00;
	s22 =	simm.s32 $0x480;
	[dreg:$0x12] =	wrdreg s20  }
0x22: {  	s16 =	simm.s32 $0x2;
	s23 =	simm.s32 $0x500;
	[dreg:$0x14] =	wrdreg s22  }
0x23: {  	s2 =	simm.s32 $0xE80;
	s5 =	simm.s32 $0x180;
	[dreg:$0x15] =	wrdreg s23  }
0x24: {  	s6 =	simm.s32 $0x900;
	s11 =	sadd.s32 $0x8000, s14;
	[dreg:$0x9] =	wrdreg s5  }
0x25: {  	s21 =	simm.s32 $0xB80;
	s20 =	simm.s32 $0x1;
	[dreg:$0xa] =	wrdreg s6  }
0x26: {  	s22 =	simm.s32 $0x80;
	s23 =	simm.s32 $0x6;
	[smem:$0x7FB] =	sst s11  }
0x27: {  	s0 =	simm.s32 $0x700;
	s9 =	simm.s32 $0xF80;
	[dreg:$0x13] =	wrdreg s21  }
0x28: {  	v0 =	vimm.f32 $0.0e+00;
	s21 =	simm.s32 $0x5;
	s6 =	simm.s32 $0x780;
	s11 =	simm.s32 $0x0  }
.LBB2_1:
0x29: {  	s12 =	simm.s32 $0x0;
	s13 =	simm.s32 $0x200  }
.LBB2_2:
0x2a: {  	p0 =	sne.s32 s13, $0xFE00;
	[tilespmem:s12+$0x1070] =	vst v0  }
0x2b: {  	[tilespmem:s12+$0x1000] =	vst v0  }
0x2c: {  	[tilespmem:s12+$0x1010] =	vst v0  }
.Ltmp0:
0x2d: {  	[tilespmem:s12+$0x1020] =	vst v0;
	(pc) =	sbr.rel @p0 .LBB2_2-.Ltmp0, $4  }
0x2e: {  	[tilespmem:s12+$0x1030] =	vst v0  }
0x2f: {  	[tilespmem:s12+$0x1040] =	vst v0  }
0x30: {  	[tilespmem:s12+$0x1050] =	vst v0  }
0x31: {  	[tilespmem:s12+$0x1060] =	vst v0;
	s12 =	sshra.s32 s13, $0x2;
	s13 =	sadd.s32 $0x200, s13  }
0x32: {  	[tilespmem:s12+$0x1070] =	vst v0  }
0x33: {  	[tilespmem:s12+$0x1000] =	vst v0  }
0x34: {  	[tilespmem:s12+$0x1010] =	vst v0  }
0x35: {  	[tilespmem:s12+$0x1020] =	vst v0  }
0x36: {  	[tilespmem:s12+$0x1030] =	vst v0  }
0x37: {  	[tilespmem:s12+$0x1040] =	vst v0  }
0x38: {  	[tilespmem:s12+$0x1050] =	vst v0  }
0x39: {  	[tilespmem:s12+$0x1060] =	vst v0;
	s5 =	rddreg [dreg:$0x1f]  }
0x3a: {  	[spmem:s14] =	stream.linear.scatter [tilespmem:s15], [sflag:$0x2], $0x4000, $0x38;
	[tilespmem:$0x1D000] =	vst v63  }
0x3b: {  	s12 =	sld [smem:$0x7FB]  }
0x3c: {  	[spmem:s5] =	stream.linear.scatter [tilespmem:s15], [sflag:$0x2], $0x4000, $0x38;
	[tilespmem:$0x1D000] =	vst v63  }
0x3d: {  	s13 =	sld [smem:$0x7FC]  }
0x3e: {  	[spmem:s12] =	stream.linear.scatter [tilespmem:s15], [sflag:$0x2], $0x4000, $0x38;
	[tilespmem:$0x1D000] =	vst v63  }
0x3f: {  	s14 =	sld [smem:$0x7FD]  }
0x40: {  	[spmem:s13] =	stream.linear.scatter [tilespmem:s15], [sflag:$0x2], $0x4000, $0x38;
	[tilespmem:$0x1D000] =	vst v63  }
0x41: {  	_ = 	snop  }
0x42: {  	[spmem:s14] =	stream.linear.scatter [tilespmem:s15], [sflag:$0x2], $0x4000, $0x38;
	[tilespmem:$0x1D000] =	vst v63  }
0x43: {  	_ =	swait.ge [sflag:s16], $0x4000  }
0x44: {  	[sflag:s16] =	ssyncset.done $0x0  }
0x45: {  	[sflag:s16] =	ssyncadd.s32 $0xFFFFC000  }
0x46: {  	_ =	swait.ge [sflag:s16], $0x4000  }
0x47: {  	[sflag:s16] =	ssyncset.done $0x0  }
0x48: {  	[sflag:s16] =	ssyncadd.s32 $0xFFFFC000  }
0x49: {  	_ =	swait.ge [sflag:s16], $0x4000  }
0x4a: {  	[sflag:s16] =	ssyncset.done $0x0  }
0x4b: {  	[sflag:s16] =	ssyncadd.s32 $0xFFFFC000  }
0x4c: {  	_ =	swait.ge [sflag:s16], $0x4000  }
0x4d: {  	[sflag:s16] =	ssyncset.done $0x0  }
0x4e: {  	[sflag:s16] =	ssyncadd.s32 $0xFFFFC000  }
0x4f: {  	_ =	swait.ge [sflag:s16], $0x4000  }
0x50: {  	[sflag:s16] =	ssyncset.done $0x0  }
0x51: {  	[sflag:s16] =	ssyncadd.s32 $0xFFFFC000  }
0x52: {  	[bflag:$0x0] =	sbarrier.arrive $0xFFFF  }
0x53: {  	s10 =	simm.s32 $0x0;
	s8 =	rddreg [dreg:$0x1a]  }
0x54: {  	[tilespmem:s10], [sflag:$0x1] =	stream.linear.gather [hbm4b:s8+s10], $0x400, $0x38;
	[tilespmem:$0x1D000] =	vst v63  }
0x55: {  	s12 =	rddreg [dreg:$0x1b]  }
0x56: {  	[tilespmem:s17], [sflag:$0x1] =	stream.linear.gather [hbm4b:s12+s10], $0x400, $0x38;
	[tilespmem:$0x1D000] =	vst v63  }
0x57: {  	s13 =	rddreg [dreg:$0x1c]  }
0x58: {  	[spmem:s13] =	stream.linear.scatter [tilespmem:s15], [sflag:$0x5], $0x4000, $0x38;
	[tilespmem:$0x1D000] =	vst v63  }
0x59: {  	s14 =	rddreg [dreg:$0x5]  }
0x5a: {  	[spmem:s13] =	stream.linear.scatter [tilespmem:s15], [sflag:$0x6], $0x4000, $0x38;
	[tilespmem:$0x1D000] =	vst v63  }
0x5b: {  	s5 =	rddreg [dreg:$0x6];
	s10 =	sadd.s32 $0x0, s14  }
0x5c: {  	[tilespmem:s18], [sflag:$0x2] =	stream.linear.gather [hbm4b:s10+s3], $0x400, $0x38;
	[tilespmem:$0x1D000] =	vst v63  }
0x5d: {  	s8 =	sadd.s32 $0x0, s5  }
0x5e: {  	[tilespmem:s19], [sflag:$0x2] =	stream.linear.gather [hbm4b:s8+s3], $0x400, $0x38;
	[tilespmem:$0x1D000] =	vst v63  }
0x5f: {  	_ =	swait.ge [sflag:s20], $0x400  }
0x60: {  	[sflag:s20] =	ssyncset.done $0x0  }
0x61: {  	[sflag:s20] =	ssyncadd.s32 $0xFFFFFC00  }
0x62: {  	_ =	swait.ge [sflag:s20], $0x400  }
0x63: {  	[sflag:s20] =	ssyncset.done $0x0  }
0x64: {  	[sflag:s20] =	ssyncadd.s32 $0xFFFFFC00  }
0x65: {  	_ =	swait.ge [sflag:s21], $0x4000  }
0x66: {  	[sflag:s21] =	ssyncset.done $0x0  }
0x67: {  	[sflag:s21] =	ssyncadd.s32 $0xFFFFC000  }
0x68: {  	[tilespmem:s15], [sflag:$0x3] =	stream.indirect.gather [hbm4b:s4+s22], $0x80, s3, s22, $0xb8;
	[tilespmem:$0x1D000] =	vst v63  }
0x69: {  	_ =	swait.ge [sflag:s23], $0x4000  }
0x6a: {  	[sflag:s23] =	ssyncset.done $0x0  }
0x6b: {  	[sflag:s23] =	ssyncadd.s32 $0xFFFFC000  }
0x6c: {  	[tilespmem:s24], [sflag:$0x4] =	stream.indirect.gather [hbm4b:s4+s22], $0x80, s22, s22, $0xb8;
	[tilespmem:$0x1D000] =	vst v63  }
0x6d: {  	_ =	swait.ge [sflag:s25], $0x4000  }
0x6e: {  	[sflag:s25] =	ssyncset.done $0x0  }
0x6f: {  	[sflag:s25] =	ssyncadd.s32 $0xFFFFC000  }
0x70: {  	[spmem:s1] =	stream.indirect.scatter.add.f32 [tilespmem:s15], [sflag:$0x5], $0x80, s17, s22, $0xb8;
	[tilespmem:$0x1D000] =	vst v63  }
0x71: {  	_ =	swait.ge [sflag:s21], $0x4000  }
0x72: {  	[sflag:s21] =	ssyncset.done $0x0  }
0x73: {  	s12 =	rddreg [dreg:$0x7];
	[sflag:s21] =	ssyncadd.s32 $0xFFFFC000  }
0x74: {  	[tilespmem:s15], [sflag:$0x3] =	stream.indirect.gather [hbm4b:s4+s22], $0x80, s12, s22, $0xb8;
	[tilespmem:$0x1D000] =	vst v63  }
0x75: {  	_ =	swait.ge [sflag:s26], $0x4000  }
0x76: {  	[sflag:s26] =	ssyncset.done $0x0  }
0x77: {  	s13 =	rddreg [dreg:$0x8];
	[sflag:s26] =	ssyncadd.s32 $0xFFFFC000  }
0x78: {  	[spmem:s1] =	stream.indirect.scatter.add.f32 [tilespmem:s24], [sflag:$0x6], $0x80, s13, s22, $0xb8;
	[tilespmem:$0x1D000] =	vst v63  }
0x79: {  	_ =	swait.ge [sflag:s23], $0x4000  }
0x7a: {  	[sflag:s23] =	ssyncset.done $0x0  }
0x7b: {  	s14 =	rddreg [dreg:$0x9];
	[sflag:s23] =	ssyncadd.s32 $0xFFFFC000  }
0x7c: {  	[tilespmem:s24], [sflag:$0x4] =	stream.indirect.gather [hbm4b:s4+s22], $0x80, s14, s22, $0xb8;
	[tilespmem:$0x1D000] =	vst v63  }
0x7d: {  	_ =	swait.ge [sflag:s25], $0x4000  }
0x7e: {  	[sflag:s25] =	ssyncset.done $0x0  }
0x7f: {  	s5 =	rddreg [dreg:$0xa];
	[sflag:s25] =	ssyncadd.s32 $0xFFFFC000  }
0x80: {  	[spmem:s1] =	stream.indirect.scatter.add.f32 [tilespmem:s15], [sflag:$0x5], $0x80, s5, s22, $0xb8;
	[tilespmem:$0x1D000] =	vst v63  }
0x81: {  	_ =	swait.ge [sflag:s21], $0x4000  }
0x82: {  	[sflag:s21] =	ssyncset.done $0x0  }
0x83: {  	s8 =	rddreg [dreg:$0xb];
	[sflag:s21] =	ssyncadd.s32 $0xFFFFC000  }
0x84: {  	[tilespmem:s15], [sflag:$0x3] =	stream.indirect.gather [hbm4b:s4+s22], $0x80, s8, s22, $0xb8;
	[tilespmem:$0x1D000] =	vst v63  }
0x85: {  	_ =	swait.ge [sflag:s26], $0x4000  }
0x86: {  	[sflag:s26] =	ssyncset.done $0x0  }
0x87: {  	s12 =	rddreg [dreg:$0xc];
	[sflag:s26] =	ssyncadd.s32 $0xFFFFC000  }
0x88: {  	[spmem:s1] =	stream.indirect.scatter.add.f32 [tilespmem:s24], [sflag:$0x6], $0x80, s12, s22, $0xb8;
	[tilespmem:$0x1D000] =	vst v63  }
0x89: {  	_ =	swait.ge [sflag:s23], $0x4000  }
0x8a: {  	[sflag:s23] =	ssyncset.done $0x0  }
0x8b: {  	s13 =	rddreg [dreg:$0xd];
	[sflag:s23] =	ssyncadd.s32 $0xFFFFC000  }
0x8c: {  	[tilespmem:s24], [sflag:$0x4] =	stream.indirect.gather [hbm4b:s4+s22], $0x80, s13, s22, $0xb8;
	[tilespmem:$0x1D000] =	vst v63  }
0x8d: {  	_ =	swait.ge [sflag:s25], $0x4000  }
0x8e: {  	[sflag:s25] =	ssyncset.done $0x0  }
0x8f: {  	s14 =	rddreg [dreg:$0xe];
	[sflag:s25] =	ssyncadd.s32 $0xFFFFC000  }
0x90: {  	[spmem:s1] =	stream.indirect.scatter.add.f32 [tilespmem:s15], [sflag:$0x5], $0x80, s14, s22, $0xb8;
	[tilespmem:$0x1D000] =	vst v63  }
0x91: {  	_ =	swait.ge [sflag:s21], $0x4000  }
0x92: {  	[sflag:s21] =	ssyncset.done $0x0  }
0x93: {  	s5 =	rddreg [dreg:$0xf];
	[sflag:s21] =	ssyncadd.s32 $0xFFFFC000  }
0x94: {  	[tilespmem:s15], [sflag:$0x3] =	stream.indirect.gather [hbm4b:s4+s22], $0x80, s5, s22, $0xb8;
	[tilespmem:$0x1D000] =	vst v63  }
0x95: {  	_ =	swait.ge [sflag:s26], $0x4000  }
0x96: {  	[sflag:s26] =	ssyncset.done $0x0  }
0x97: {  	s8 =	rddreg [dreg:$0x10];
	[sflag:s26] =	ssyncadd.s32 $0xFFFFC000  }
0x98: {  	[spmem:s1] =	stream.indirect.scatter.add.f32 [tilespmem:s24], [sflag:$0x6], $0x80, s8, s22, $0xb8;
	[tilespmem:$0x1D000] =	vst v63  }
0x99: {  	_ =	swait.ge [sflag:s23], $0x4000  }
0x9a: {  	[sflag:s23] =	ssyncset.done $0x0  }
0x9b: {  	s12 =	rddreg [dreg:$0x11];
	[sflag:s23] =	ssyncadd.s32 $0xFFFFC000  }
0x9c: {  	[tilespmem:s24], [sflag:$0x4] =	stream.indirect.gather [hbm4b:s4+s22], $0x80, s12, s22, $0xb8;
	[tilespmem:$0x1D000] =	vst v63  }
0x9d: {  	_ =	swait.ge [sflag:s25], $0x4000  }
0x9e: {  	[sflag:s25] =	ssyncset.done $0x0  }
0x9f: {  	s13 =	rddreg [dreg:$0x12];
	[sflag:s25] =	ssyncadd.s32 $0xFFFFC000  }
0xa0: {  	[spmem:s1] =	stream.indirect.scatter.add.f32 [tilespmem:s15], [sflag:$0x5], $0x80, s13, s22, $0xb8;
	[tilespmem:$0x1D000] =	vst v63  }
0xa1: {  	_ =	swait.ge [sflag:s26], $0x4000  }
0xa2: {  	s14 =	rddreg [dreg:$0x13];
	[sflag:s26] =	ssyncset.done $0x0  }
0xa3: {  	p0 =	por $0x0, $0x0;
	s12 =	rddreg [dreg:$0x3];
	[sflag:s26] =	ssyncadd.s32 $0xFFFFC000  }
0xa4: {  	[spmem:s1] =	stream.indirect.scatter.add.f32 [tilespmem:s24], [sflag:$0x6], $0x80, s14, s22, $0xb8;
	[tilespmem:$0x1D000] =	vst v63  }
0xa5: {  	s13 =	rddreg [dreg:$0x4];
	s10 =	sadd.s32 @!p0 $0x0, s12;
	s12 =	simm.s32 @!p0 $0x0  }
0xa6: {  	[tilespmem:s12], [sflag:$0x1] =	stream.linear.gather @!p0 [hbm4b:s10+s12], $0x400, $0x38;
	[tilespmem:$0x1D000] =	vst v63  }
0xa7: {  	s10 =	sadd.s32 @!p0 $0x0, s13;
	s13 =	simm.s32 @!p0 $0x800  }
0xa8: {  	[tilespmem:s13], [sflag:$0x1] =	stream.linear.gather @!p0 [hbm4b:s10+s12], $0x400, $0x38;
	[tilespmem:$0x1D000] =	vst v63  }
0xa9: {  	_ =	swait.ge [sflag:s16], $0x400  }
0xaa: {  	[sflag:s16] =	ssyncset.done $0x0  }
0xab: {  	[sflag:s16] =	ssyncadd.s32 $0xFFFFFC00  }
0xac: {  	_ =	swait.ge [sflag:s16], $0x400  }
0xad: {  	[sflag:s16] =	ssyncset.done $0x0  }
0xae: {  	[sflag:s16] =	ssyncadd.s32 $0xFFFFFC00  }
0xaf: {  	_ =	swait.ge [sflag:s21], $0x4000  }
0xb0: {  	[sflag:s21] =	ssyncset.done $0x0  }
0xb1: {  	[sflag:s21] =	ssyncadd.s32 $0xFFFFC000  }
0xb2: {  	[tilespmem:s15], [sflag:$0x3] =	stream.indirect.gather [hbm4b:s4+s22], $0x80, s18, s22, $0xb8;
	[tilespmem:$0x1D000] =	vst v63  }
0xb3: {  	_ =	swait.ge [sflag:s23], $0x4000  }
0xb4: {  	[sflag:s23] =	ssyncset.done $0x0  }
0xb5: {  	s5 =	rddreg [dreg:$0x14];
	[sflag:s23] =	ssyncadd.s32 $0xFFFFC000  }
0xb6: {  	[tilespmem:s24], [sflag:$0x4] =	stream.indirect.gather [hbm4b:s4+s22], $0x80, s5, s22, $0xb8;
	[tilespmem:$0x1D000] =	vst v63  }
0xb7: {  	_ =	swait.ge [sflag:s25], $0x4000  }
0xb8: {  	[sflag:s25] =	ssyncset.done $0x0  }
0xb9: {  	[sflag:s25] =	ssyncadd.s32 $0xFFFFC000  }
0xba: {  	[spmem:s1] =	stream.indirect.scatter.add.f32 [tilespmem:s15], [sflag:$0x5], $0x80, s19, s22, $0xb8;
	[tilespmem:$0x1D000] =	vst v63  }
0xbb: {  	_ =	swait.ge [sflag:s21], $0x4000  }
0xbc: {  	[sflag:s21] =	ssyncset.done $0x0  }
0xbd: {  	s8 =	rddreg [dreg:$0x15];
	[sflag:s21] =	ssyncadd.s32 $0xFFFFC000  }
0xbe: {  	[tilespmem:s15], [sflag:$0x3] =	stream.indirect.gather [hbm4b:s4+s22], $0x80, s8, s22, $0xb8;
	[tilespmem:$0x1D000] =	vst v63  }
0xbf: {  	_ =	swait.ge [sflag:s26], $0x4000  }
0xc0: {  	[sflag:s26] =	ssyncset.done $0x0  }
0xc1: {  	s12 =	rddreg [dreg:$0x16];
	[sflag:s26] =	ssyncadd.s32 $0xFFFFC000  }
0xc2: {  	[spmem:s1] =	stream.indirect.scatter.add.f32 [tilespmem:s24], [sflag:$0x6], $0x80, s12, s22, $0xb8;
	[tilespmem:$0x1D000] =	vst v63  }
0xc3: {  	_ =	swait.ge [sflag:s23], $0x4000  }
0xc4: {  	[sflag:s23] =	ssyncset.done $0x0  }
0xc5: {  	s13 =	rddreg [dreg:$0x17];
	[sflag:s23] =	ssyncadd.s32 $0xFFFFC000  }
0xc6: {  	[tilespmem:s24], [sflag:$0x4] =	stream.indirect.gather [hbm4b:s4+s22], $0x80, s13, s22, $0xb8;
	[tilespmem:$0x1D000] =	vst v63  }
0xc7: {  	_ =	swait.ge [sflag:s25], $0x4000  }
0xc8: {  	[sflag:s25] =	ssyncset.done $0x0  }
0xc9: {  	s14 =	rddreg [dreg:$0x18];
	[sflag:s25] =	ssyncadd.s32 $0xFFFFC000  }
0xca: {  	[spmem:s1] =	stream.indirect.scatter.add.f32 [tilespmem:s15], [sflag:$0x5], $0x80, s14, s22, $0xb8;
	[tilespmem:$0x1D000] =	vst v63  }
0xcb: {  	_ =	swait.ge [sflag:s21], $0x4000  }
0xcc: {  	[sflag:s21] =	ssyncset.done $0x0  }
0xcd: {  	[sflag:s21] =	ssyncadd.s32 $0xFFFFC000  }
0xce: {  	[tilespmem:s15], [sflag:$0x3] =	stream.indirect.gather [hbm4b:s4+s22], $0x80, s28, s22, $0xb8;
	[tilespmem:$0x1D000] =	vst v63  }
0xcf: {  	_ =	swait.ge [sflag:s26], $0x4000  }
0xd0: {  	[sflag:s26] =	ssyncset.done $0x0  }
0xd1: {  	[sflag:s26] =	ssyncadd.s32 $0xFFFFC000  }
0xd2: {  	[spmem:s1] =	stream.indirect.scatter.add.f32 [tilespmem:s24], [sflag:$0x6], $0x80, s29, s22, $0xb8;
	[tilespmem:$0x1D000] =	vst v63  }
0xd3: {  	_ =	swait.ge [sflag:s23], $0x4000  }
0xd4: {  	[sflag:s23] =	ssyncset.done $0x0  }
0xd5: {  	[sflag:s23] =	ssyncadd.s32 $0xFFFFC000  }
0xd6: {  	[tilespmem:s24], [sflag:$0x4] =	stream.indirect.gather [hbm4b:s4+s22], $0x80, s30, s22, $0xb8;
	[tilespmem:$0x1D000] =	vst v63  }
0xd7: {  	_ =	swait.ge [sflag:s25], $0x4000  }
0xd8: {  	[sflag:s25] =	ssyncset.done $0x0  }
0xd9: {  	[sflag:s25] =	ssyncadd.s32 $0xFFFFC000  }
0xda: {  	[spmem:s1] =	stream.indirect.scatter.add.f32 [tilespmem:s15], [sflag:$0x5], $0x80, s31, s22, $0xb8;
	[tilespmem:$0x1D000] =	vst v63  }
0xdb: {  	_ =	swait.ge [sflag:s21], $0x4000  }
0xdc: {  	[sflag:s21] =	ssyncset.done $0x0  }
0xdd: {  	[sflag:s21] =	ssyncadd.s32 $0xFFFFC000  }
0xde: {  	[tilespmem:s15], [sflag:$0x3] =	stream.indirect.gather [hbm4b:s4+s22], $0x80, s0, s22, $0xb8;
	[tilespmem:$0x1D000] =	vst v63  }
0xdf: {  	_ =	swait.ge [sflag:s26], $0x4000  }
0xe0: {  	[sflag:s26] =	ssyncset.done $0x0  }
0xe1: {  	[sflag:s26] =	ssyncadd.s32 $0xFFFFC000  }
0xe2: {  	[spmem:s1] =	stream.indirect.scatter.add.f32 [tilespmem:s24], [sflag:$0x6], $0x80, s2, s22, $0xb8;
	[tilespmem:$0x1D000] =	vst v63  }
0xe3: {  	_ =	swait.ge [sflag:s23], $0x4000  }
0xe4: {  	[sflag:s23] =	ssyncset.done $0x0  }
0xe5: {  	[sflag:s23] =	ssyncadd.s32 $0xFFFFC000  }
0xe6: {  	[tilespmem:s24], [sflag:$0x4] =	stream.indirect.gather [hbm4b:s4+s22], $0x80, s6, s22, $0xb8;
	[tilespmem:$0x1D000] =	vst v63  }
0xe7: {  	_ =	swait.ge [sflag:s25], $0x4000  }
0xe8: {  	[sflag:s25] =	ssyncset.done $0x0  }
0xe9: {  	[sflag:s25] =	ssyncadd.s32 $0xFFFFC000  }
0xea: {  	[spmem:s1] =	stream.indirect.scatter.add.f32 [tilespmem:s15], [sflag:$0x5], $0x80, s7, s22, $0xb8;
	[tilespmem:$0x1D000] =	vst v63  }
0xeb: {  	_ =	swait.ge [sflag:s26], $0x4000  }
0xec: {  	s12 =	simm.s32 $0x100;
	s14 =	rddreg [dreg:$0x5];
	[sflag:s26] =	ssyncset.done $0x0  }
0xed: {  	s13 =	simm.s32 $0x200;
	s10 =	rddreg [dreg:$0x6];
	[sflag:s26] =	ssyncadd.s32 $0xFFFFC000  }
.LBB2_4:
0xee: {  	[spmem:s1] =	stream.indirect.scatter.add.f32 [tilespmem:s24], [sflag:$0x6], $0x80, s9, s22, $0xb8;
	[tilespmem:$0x1D000] =	vst v63  }
0xef: {  	s8 =	sadd.s32 s12, s14  }
0xf0: {  	[tilespmem:s18], [sflag:$0x2] =	stream.linear.gather [hbm4b:s8+s3], $0x400, $0x38;
	[tilespmem:$0x1D000] =	vst v63  }
0xf1: {  	s5 =	sadd.s32 s12, s10  }
0xf2: {  	[tilespmem:s19], [sflag:$0x2] =	stream.linear.gather [hbm4b:s5+s3], $0x400, $0x38;
	[tilespmem:$0x1D000] =	vst v63  }
0xf3: {  	_ =	swait.ge [sflag:s20], $0x400  }
0xf4: {  	[sflag:s20] =	ssyncset.done $0x0  }
0xf5: {  	[sflag:s20] =	ssyncadd.s32 $0xFFFFFC00  }
0xf6: {  	_ =	swait.ge [sflag:s20], $0x400  }
0xf7: {  	[sflag:s20] =	ssyncset.done $0x0  }
0xf8: {  	[sflag:s20] =	ssyncadd.s32 $0xFFFFFC00  }
0xf9: {  	_ =	swait.ge [sflag:s21], $0x4000  }
0xfa: {  	[sflag:s21] =	ssyncset.done $0x0  }
0xfb: {  	[sflag:s21] =	ssyncadd.s32 $0xFFFFC000  }
0xfc: {  	[tilespmem:s15], [sflag:$0x3] =	stream.indirect.gather [hbm4b:s4+s22], $0x80, s3, s22, $0xb8;
	[tilespmem:$0x1D000] =	vst v63  }
0xfd: {  	_ =	swait.ge [sflag:s23], $0x4000  }
0xfe: {  	[sflag:s23] =	ssyncset.done $0x0  }
0xff: {  	[sflag:s23] =	ssyncadd.s32 $0xFFFFC000  }
0x100: {  	[tilespmem:s24], [sflag:$0x4] =	stream.indirect.gather [hbm4b:s4+s22], $0x80, s22, s22, $0xb8;
	[tilespmem:$0x1D000] =	vst v63  }
0x101: {  	_ =	swait.ge [sflag:s25], $0x4000  }
0x102: {  	[sflag:s25] =	ssyncset.done $0x0  }
0x103: {  	[sflag:s25] =	ssyncadd.s32 $0xFFFFC000  }
0x104: {  	[spmem:s1] =	stream.indirect.scatter.add.f32 [tilespmem:s15], [sflag:$0x5], $0x80, s17, s22, $0xb8;
	[tilespmem:$0x1D000] =	vst v63  }
0x105: {  	_ =	swait.ge [sflag:s21], $0x4000  }
0x106: {  	[sflag:s21] =	ssyncset.done $0x0  }
0x107: {  	s10 =	rddreg [dreg:$0x7];
	[sflag:s21] =	ssyncadd.s32 $0xFFFFC000  }
0x108: {  	[tilespmem:s15], [sflag:$0x3] =	stream.indirect.gather [hbm4b:s4+s22], $0x80, s10, s22, $0xb8;
	[tilespmem:$0x1D000] =	vst v63  }
0x109: {  	_ =	swait.ge [sflag:s26], $0x4000  }
0x10a: {  	[sflag:s26] =	ssyncset.done $0x0  }
0x10b: {  	s5 =	rddreg [dreg:$0x8];
	[sflag:s26] =	ssyncadd.s32 $0xFFFFC000  }
0x10c: {  	[spmem:s1] =	stream.indirect.scatter.add.f32 [tilespmem:s24], [sflag:$0x6], $0x80, s5, s22, $0xb8;
	[tilespmem:$0x1D000] =	vst v63  }
0x10d: {  	_ =	swait.ge [sflag:s23], $0x4000  }
0x10e: {  	[sflag:s23] =	ssyncset.done $0x0  }
0x10f: {  	s10 =	rddreg [dreg:$0x9];
	[sflag:s23] =	ssyncadd.s32 $0xFFFFC000  }
0x110: {  	[tilespmem:s24], [sflag:$0x4] =	stream.indirect.gather [hbm4b:s4+s22], $0x80, s10, s22, $0xb8;
	[tilespmem:$0x1D000] =	vst v63  }
0x111: {  	_ =	swait.ge [sflag:s25], $0x4000  }
0x112: {  	[sflag:s25] =	ssyncset.done $0x0  }
0x113: {  	s5 =	rddreg [dreg:$0xa];
	[sflag:s25] =	ssyncadd.s32 $0xFFFFC000  }
0x114: {  	[spmem:s1] =	stream.indirect.scatter.add.f32 [tilespmem:s15], [sflag:$0x5], $0x80, s5, s22, $0xb8;
	[tilespmem:$0x1D000] =	vst v63  }
0x115: {  	_ =	swait.ge [sflag:s21], $0x4000  }
0x116: {  	[sflag:s21] =	ssyncset.done $0x0  }
0x117: {  	s10 =	rddreg [dreg:$0xb];
	[sflag:s21] =	ssyncadd.s32 $0xFFFFC000  }
0x118: {  	[tilespmem:s15], [sflag:$0x3] =	stream.indirect.gather [hbm4b:s4+s22], $0x80, s10, s22, $0xb8;
	[tilespmem:$0x1D000] =	vst v63  }
0x119: {  	_ =	swait.ge [sflag:s26], $0x4000  }
0x11a: {  	[sflag:s26] =	ssyncset.done $0x0  }
0x11b: {  	s5 =	rddreg [dreg:$0xc];
	[sflag:s26] =	ssyncadd.s32 $0xFFFFC000  }
0x11c: {  	[spmem:s1] =	stream.indirect.scatter.add.f32 [tilespmem:s24], [sflag:$0x6], $0x80, s5, s22, $0xb8;
	[tilespmem:$0x1D000] =	vst v63  }
0x11d: {  	_ =	swait.ge [sflag:s23], $0x4000  }
0x11e: {  	[sflag:s23] =	ssyncset.done $0x0  }
0x11f: {  	s10 =	rddreg [dreg:$0xd];
	[sflag:s23] =	ssyncadd.s32 $0xFFFFC000  }
0x120: {  	[tilespmem:s24], [sflag:$0x4] =	stream.indirect.gather [hbm4b:s4+s22], $0x80, s10, s22, $0xb8;
	[tilespmem:$0x1D000] =	vst v63  }
0x121: {  	_ =	swait.ge [sflag:s25], $0x4000  }
0x122: {  	[sflag:s25] =	ssyncset.done $0x0  }
0x123: {  	s5 =	rddreg [dreg:$0xe];
	[sflag:s25] =	ssyncadd.s32 $0xFFFFC000  }
0x124: {  	[spmem:s1] =	stream.indirect.scatter.add.f32 [tilespmem:s15], [sflag:$0x5], $0x80, s5, s22, $0xb8;
	[tilespmem:$0x1D000] =	vst v63  }
0x125: {  	_ =	swait.ge [sflag:s21], $0x4000  }
0x126: {  	[sflag:s21] =	ssyncset.done $0x0  }
0x127: {  	s10 =	rddreg [dreg:$0xf];
	[sflag:s21] =	ssyncadd.s32 $0xFFFFC000  }
0x128: {  	[tilespmem:s15], [sflag:$0x3] =	stream.indirect.gather [hbm4b:s4+s22], $0x80, s10, s22, $0xb8;
	[tilespmem:$0x1D000] =	vst v63  }
0x129: {  	_ =	swait.ge [sflag:s26], $0x4000  }
0x12a: {  	[sflag:s26] =	ssyncset.done $0x0  }
0x12b: {  	s5 =	rddreg [dreg:$0x10];
	[sflag:s26] =	ssyncadd.s32 $0xFFFFC000  }
0x12c: {  	[spmem:s1] =	stream.indirect.scatter.add.f32 [tilespmem:s24], [sflag:$0x6], $0x80, s5, s22, $0xb8;
	[tilespmem:$0x1D000] =	vst v63  }
0x12d: {  	_ =	swait.ge [sflag:s23], $0x4000  }
0x12e: {  	[sflag:s23] =	ssyncset.done $0x0  }
0x12f: {  	s10 =	rddreg [dreg:$0x11];
	[sflag:s23] =	ssyncadd.s32 $0xFFFFC000  }
0x130: {  	[tilespmem:s24], [sflag:$0x4] =	stream.indirect.gather [hbm4b:s4+s22], $0x80, s10, s22, $0xb8;
	[tilespmem:$0x1D000] =	vst v63  }
0x131: {  	_ =	swait.ge [sflag:s25], $0x4000  }
0x132: {  	[sflag:s25] =	ssyncset.done $0x0  }
0x133: {  	s5 =	rddreg [dreg:$0x12];
	[sflag:s25] =	ssyncadd.s32 $0xFFFFC000  }
0x134: {  	[spmem:s1] =	stream.indirect.scatter.add.f32 [tilespmem:s15], [sflag:$0x5], $0x80, s5, s22, $0xb8;
	[tilespmem:$0x1D000] =	vst v63  }
0x135: {  	_ =	swait.ge [sflag:s26], $0x4000  }
0x136: {  	s8 =	rddreg [dreg:$0x13];
	[sflag:s26] =	ssyncset.done $0x0  }
0x137: {  	p1 =	seq.s32 s12, $0x400;
	s10 =	rddreg [dreg:$0x3];
	[sflag:s26] =	ssyncadd.s32 $0xFFFFC000  }
0x138: {  	[spmem:s1] =	stream.indirect.scatter.add.f32 [tilespmem:s24], [sflag:$0x6], $0x80, s8, s22, $0xb8;
	[tilespmem:$0x1D000] =	vst v63  }
0x139: {  	s5 =	rddreg [dreg:$0x4];
	s8 =	sadd.s32 @!p1 s12, s10;
	s10 =	simm.s32 @!p1 $0x0  }
0x13a: {  	[tilespmem:s10], [sflag:$0x1] =	stream.linear.gather @!p1 [hbm4b:s8+s10], $0x400, $0x38;
	[tilespmem:$0x1D000] =	vst v63  }
0x13b: {  	s5 =	sadd.s32 @!p1 s12, s5;
	s8 =	simm.s32 @!p1 $0x800  }
0x13c: {  	[tilespmem:s8], [sflag:$0x1] =	stream.linear.gather @!p1 [hbm4b:s5+s10], $0x400, $0x38;
	[tilespmem:$0x1D000] =	vst v63  }
0x13d: {  	_ =	swait.ge [sflag:s16], $0x400  }
0x13e: {  	[sflag:s16] =	ssyncset.done $0x0  }
0x13f: {  	[sflag:s16] =	ssyncadd.s32 $0xFFFFFC00  }
0x140: {  	_ =	swait.ge [sflag:s16], $0x400  }
0x141: {  	[sflag:s16] =	ssyncset.done $0x0  }
0x142: {  	[sflag:s16] =	ssyncadd.s32 $0xFFFFFC00  }
0x143: {  	_ =	swait.ge [sflag:s21], $0x4000  }
0x144: {  	[sflag:s21] =	ssyncset.done $0x0  }
0x145: {  	[sflag:s21] =	ssyncadd.s32 $0xFFFFC000  }
0x146: {  	[tilespmem:s15], [sflag:$0x3] =	stream.indirect.gather [hbm4b:s4+s22], $0x80, s18, s22, $0xb8;
	[tilespmem:$0x1D000] =	vst v63  }
0x147: {  	_ =	swait.ge [sflag:s23], $0x4000  }
0x148: {  	[sflag:s23] =	ssyncset.done $0x0  }
0x149: {  	s10 =	rddreg [dreg:$0x14];
	[sflag:s23] =	ssyncadd.s32 $0xFFFFC000  }
0x14a: {  	[tilespmem:s24], [sflag:$0x4] =	stream.indirect.gather [hbm4b:s4+s22], $0x80, s10, s22, $0xb8;
	[tilespmem:$0x1D000] =	vst v63  }
0x14b: {  	_ =	swait.ge [sflag:s25], $0x4000  }
0x14c: {  	[sflag:s25] =	ssyncset.done $0x0  }
0x14d: {  	[sflag:s25] =	ssyncadd.s32 $0xFFFFC000  }
0x14e: {  	[spmem:s1] =	stream.indirect.scatter.add.f32 [tilespmem:s15], [sflag:$0x5], $0x80, s19, s22, $0xb8;
	[tilespmem:$0x1D000] =	vst v63  }
0x14f: {  	_ =	swait.ge [sflag:s21], $0x4000  }
0x150: {  	s14 =	smov.u32 s13;
	[sflag:s21] =	ssyncset.done $0x0  }
0x151: {  	s12 =	smov.u32 s14;
	s14 =	rddreg [dreg:$0x15];
	[sflag:s21] =	ssyncadd.s32 $0xFFFFC000  }
0x152: {  	[tilespmem:s15], [sflag:$0x3] =	stream.indirect.gather [hbm4b:s4+s22], $0x80, s14, s22, $0xb8;
	[tilespmem:$0x1D000] =	vst v63  }
0x153: {  	_ =	swait.ge [sflag:s26], $0x4000  }
0x154: {  	[sflag:s26] =	ssyncset.done $0x0  }
0x155: {  	s8 =	rddreg [dreg:$0x16];
	[sflag:s26] =	ssyncadd.s32 $0xFFFFC000  }
0x156: {  	[spmem:s1] =	stream.indirect.scatter.add.f32 [tilespmem:s24], [sflag:$0x6], $0x80, s8, s22, $0xb8;
	[tilespmem:$0x1D000] =	vst v63  }
0x157: {  	_ =	swait.ge [sflag:s23], $0x4000  }
0x158: {  	[sflag:s23] =	ssyncset.done $0x0  }
0x159: {  	s10 =	rddreg [dreg:$0x17];
	[sflag:s23] =	ssyncadd.s32 $0xFFFFC000  }
0x15a: {  	[tilespmem:s24], [sflag:$0x4] =	stream.indirect.gather [hbm4b:s4+s22], $0x80, s10, s22, $0xb8;
	[tilespmem:$0x1D000] =	vst v63  }
0x15b: {  	_ =	swait.ge [sflag:s25], $0x4000  }
0x15c: {  	[sflag:s25] =	ssyncset.done $0x0  }
0x15d: {  	s14 =	rddreg [dreg:$0x18];
	[sflag:s25] =	ssyncadd.s32 $0xFFFFC000  }
0x15e: {  	[spmem:s1] =	stream.indirect.scatter.add.f32 [tilespmem:s15], [sflag:$0x5], $0x80, s14, s22, $0xb8;
	[tilespmem:$0x1D000] =	vst v63  }
0x15f: {  	_ =	swait.ge [sflag:s21], $0x4000  }
0x160: {  	[sflag:s21] =	ssyncset.done $0x0  }
0x161: {  	[sflag:s21] =	ssyncadd.s32 $0xFFFFC000  }
0x162: {  	[tilespmem:s15], [sflag:$0x3] =	stream.indirect.gather [hbm4b:s4+s22], $0x80, s28, s22, $0xb8;
	[tilespmem:$0x1D000] =	vst v63  }
0x163: {  	_ =	swait.ge [sflag:s26], $0x4000  }
0x164: {  	[sflag:s26] =	ssyncset.done $0x0  }
0x165: {  	[sflag:s26] =	ssyncadd.s32 $0xFFFFC000  }
0x166: {  	[spmem:s1] =	stream.indirect.scatter.add.f32 [tilespmem:s24], [sflag:$0x6], $0x80, s29, s22, $0xb8;
	[tilespmem:$0x1D000] =	vst v63  }
0x167: {  	_ =	swait.ge [sflag:s23], $0x4000  }
0x168: {  	[sflag:s23] =	ssyncset.done $0x0  }
0x169: {  	[sflag:s23] =	ssyncadd.s32 $0xFFFFC000  }
0x16a: {  	[tilespmem:s24], [sflag:$0x4] =	stream.indirect.gather [hbm4b:s4+s22], $0x80, s30, s22, $0xb8;
	[tilespmem:$0x1D000] =	vst v63  }
0x16b: {  	_ =	swait.ge [sflag:s25], $0x4000  }
0x16c: {  	[sflag:s25] =	ssyncset.done $0x0  }
0x16d: {  	[sflag:s25] =	ssyncadd.s32 $0xFFFFC000  }
0x16e: {  	[spmem:s1] =	stream.indirect.scatter.add.f32 [tilespmem:s15], [sflag:$0x5], $0x80, s31, s22, $0xb8;
	[tilespmem:$0x1D000] =	vst v63  }
0x16f: {  	_ =	swait.ge [sflag:s21], $0x4000  }
0x170: {  	[sflag:s21] =	ssyncset.done $0x0  }
0x171: {  	[sflag:s21] =	ssyncadd.s32 $0xFFFFC000  }
0x172: {  	[tilespmem:s15], [sflag:$0x3] =	stream.indirect.gather [hbm4b:s4+s22], $0x80, s0, s22, $0xb8;
	[tilespmem:$0x1D000] =	vst v63  }
0x173: {  	_ =	swait.ge [sflag:s26], $0x4000  }
0x174: {  	[sflag:s26] =	ssyncset.done $0x0  }
0x175: {  	[sflag:s26] =	ssyncadd.s32 $0xFFFFC000  }
0x176: {  	[spmem:s1] =	stream.indirect.scatter.add.f32 [tilespmem:s24], [sflag:$0x6], $0x80, s2, s22, $0xb8;
	[tilespmem:$0x1D000] =	vst v63  }
0x177: {  	_ =	swait.ge [sflag:s23], $0x4000  }
0x178: {  	[sflag:s23] =	ssyncset.done $0x0  }
0x179: {  	[sflag:s23] =	ssyncadd.s32 $0xFFFFC000  }
0x17a: {  	[tilespmem:s24], [sflag:$0x4] =	stream.indirect.gather [hbm4b:s4+s22], $0x80, s6, s22, $0xb8;
	[tilespmem:$0x1D000] =	vst v63  }
0x17b: {  	s13 =	sadd.s32 $0x100, s13;
	_ =	swait.ge [sflag:s25], $0x4000  }
0x17c: {  	p0 =	sne.s32 s13, $0x500;
	[sflag:s25] =	ssyncset.done $0x0  }
.Ltmp1:
0x17d: {  	[sflag:s25] =	ssyncadd.s32 $0xFFFFC000;
	(pc) =	sbr.rel @p0 .LBB2_4-.Ltmp1, $4  }
0x17e: {  	[spmem:s1] =	stream.indirect.scatter.add.f32 [tilespmem:s15], [sflag:$0x5], $0x80, s7, s22, $0xb8;
	[tilespmem:$0x1D000] =	vst v63  }
0x17f: {  	_ =	swait.ge [sflag:s26], $0x4000  }
0x180: {  	s14 =	rddreg [dreg:$0x5];
	[sflag:s26] =	ssyncset.done $0x0  }
0x181: {  	s10 =	rddreg [dreg:$0x6];
	[sflag:s26] =	ssyncadd.s32 $0xFFFFC000  }
0x182: {  	[spmem:s1] =	stream.indirect.scatter.add.f32 [tilespmem:s24], [sflag:$0x6], $0x80, s9, s22, $0xb8;
	[tilespmem:$0x1D000] =	vst v63  }
0x183: {  	s5 =	sadd.s32 s12, s14  }
0x184: {  	[tilespmem:s18], [sflag:$0x2] =	stream.linear.gather [hbm4b:s5+s3], $0x400, $0x38;
	[tilespmem:$0x1D000] =	vst v63  }
0x185: {  	s13 =	sadd.s32 s12, s10  }
0x186: {  	[tilespmem:s19], [sflag:$0x2] =	stream.linear.gather [hbm4b:s13+s3], $0x400, $0x38;
	[tilespmem:$0x1D000] =	vst v63  }
0x187: {  	_ =	swait.ge [sflag:s20], $0x400  }
0x188: {  	[sflag:s20] =	ssyncset.done $0x0  }
0x189: {  	[sflag:s20] =	ssyncadd.s32 $0xFFFFFC00  }
0x18a: {  	_ =	swait.ge [sflag:s20], $0x400  }
0x18b: {  	[sflag:s20] =	ssyncset.done $0x0  }
0x18c: {  	[sflag:s20] =	ssyncadd.s32 $0xFFFFFC00  }
0x18d: {  	_ =	swait.ge [sflag:s21], $0x4000  }
0x18e: {  	[sflag:s21] =	ssyncset.done $0x0  }
0x18f: {  	[sflag:s21] =	ssyncadd.s32 $0xFFFFC000  }
0x190: {  	[tilespmem:s15], [sflag:$0x3] =	stream.indirect.gather [hbm4b:s4+s22], $0x80, s3, s22, $0xb8;
	[tilespmem:$0x1D000] =	vst v63  }
0x191: {  	_ =	swait.ge [sflag:s23], $0x4000  }
0x192: {  	[sflag:s23] =	ssyncset.done $0x0  }
0x193: {  	[sflag:s23] =	ssyncadd.s32 $0xFFFFC000  }
0x194: {  	[tilespmem:s24], [sflag:$0x4] =	stream.indirect.gather [hbm4b:s4+s22], $0x80, s22, s22, $0xb8;
	[tilespmem:$0x1D000] =	vst v63  }
0x195: {  	_ =	swait.ge [sflag:s25], $0x4000  }
0x196: {  	[sflag:s25] =	ssyncset.done $0x0  }
0x197: {  	[sflag:s25] =	ssyncadd.s32 $0xFFFFC000  }
0x198: {  	[spmem:s1] =	stream.indirect.scatter.add.f32 [tilespmem:s15], [sflag:$0x5], $0x80, s17, s22, $0xb8;
	[tilespmem:$0x1D000] =	vst v63  }
0x199: {  	_ =	swait.ge [sflag:s21], $0x4000  }
0x19a: {  	[sflag:s21] =	ssyncset.done $0x0  }
0x19b: {  	s14 =	rddreg [dreg:$0x7];
	[sflag:s21] =	ssyncadd.s32 $0xFFFFC000  }
0x19c: {  	[tilespmem:s15], [sflag:$0x3] =	stream.indirect.gather [hbm4b:s4+s22], $0x80, s14, s22, $0xb8;
	[tilespmem:$0x1D000] =	vst v63  }
0x19d: {  	_ =	swait.ge [sflag:s26], $0x4000  }
0x19e: {  	[sflag:s26] =	ssyncset.done $0x0  }
0x19f: {  	s8 =	rddreg [dreg:$0x8];
	[sflag:s26] =	ssyncadd.s32 $0xFFFFC000  }
0x1a0: {  	[spmem:s1] =	stream.indirect.scatter.add.f32 [tilespmem:s24], [sflag:$0x6], $0x80, s8, s22, $0xb8;
	[tilespmem:$0x1D000] =	vst v63  }
0x1a1: {  	_ =	swait.ge [sflag:s23], $0x4000  }
0x1a2: {  	[sflag:s23] =	ssyncset.done $0x0  }
0x1a3: {  	s10 =	rddreg [dreg:$0x9];
	[sflag:s23] =	ssyncadd.s32 $0xFFFFC000  }
0x1a4: {  	[tilespmem:s24], [sflag:$0x4] =	stream.indirect.gather [hbm4b:s4+s22], $0x80, s10, s22, $0xb8;
	[tilespmem:$0x1D000] =	vst v63  }
0x1a5: {  	_ =	swait.ge [sflag:s25], $0x4000  }
0x1a6: {  	[sflag:s25] =	ssyncset.done $0x0  }
0x1a7: {  	s13 =	rddreg [dreg:$0xa];
	[sflag:s25] =	ssyncadd.s32 $0xFFFFC000  }
0x1a8: {  	[spmem:s1] =	stream.indirect.scatter.add.f32 [tilespmem:s15], [sflag:$0x5], $0x80, s13, s22, $0xb8;
	[tilespmem:$0x1D000] =	vst v63  }
0x1a9: {  	_ =	swait.ge [sflag:s21], $0x4000  }
0x1aa: {  	[sflag:s21] =	ssyncset.done $0x0  }
0x1ab: {  	s14 =	rddreg [dreg:$0xb];
	[sflag:s21] =	ssyncadd.s32 $0xFFFFC000  }
0x1ac: {  	[tilespmem:s15], [sflag:$0x3] =	stream.indirect.gather [hbm4b:s4+s22], $0x80, s14, s22, $0xb8;
	[tilespmem:$0x1D000] =	vst v63  }
0x1ad: {  	_ =	swait.ge [sflag:s26], $0x4000  }
0x1ae: {  	[sflag:s26] =	ssyncset.done $0x0  }
0x1af: {  	s8 =	rddreg [dreg:$0xc];
	[sflag:s26] =	ssyncadd.s32 $0xFFFFC000  }
0x1b0: {  	[spmem:s1] =	stream.indirect.scatter.add.f32 [tilespmem:s24], [sflag:$0x6], $0x80, s8, s22, $0xb8;
	[tilespmem:$0x1D000] =	vst v63  }
0x1b1: {  	_ =	swait.ge [sflag:s23], $0x4000  }
0x1b2: {  	[sflag:s23] =	ssyncset.done $0x0  }
0x1b3: {  	s10 =	rddreg [dreg:$0xd];
	[sflag:s23] =	ssyncadd.s32 $0xFFFFC000  }
0x1b4: {  	[tilespmem:s24], [sflag:$0x4] =	stream.indirect.gather [hbm4b:s4+s22], $0x80, s10, s22, $0xb8;
	[tilespmem:$0x1D000] =	vst v63  }
0x1b5: {  	_ =	swait.ge [sflag:s25], $0x4000  }
0x1b6: {  	[sflag:s25] =	ssyncset.done $0x0  }
0x1b7: {  	s13 =	rddreg [dreg:$0xe];
	[sflag:s25] =	ssyncadd.s32 $0xFFFFC000  }
0x1b8: {  	[spmem:s1] =	stream.indirect.scatter.add.f32 [tilespmem:s15], [sflag:$0x5], $0x80, s13, s22, $0xb8;
	[tilespmem:$0x1D000] =	vst v63  }
0x1b9: {  	_ =	swait.ge [sflag:s21], $0x4000  }
0x1ba: {  	[sflag:s21] =	ssyncset.done $0x0  }
0x1bb: {  	s14 =	rddreg [dreg:$0xf];
	[sflag:s21] =	ssyncadd.s32 $0xFFFFC000  }
0x1bc: {  	[tilespmem:s15], [sflag:$0x3] =	stream.indirect.gather [hbm4b:s4+s22], $0x80, s14, s22, $0xb8;
	[tilespmem:$0x1D000] =	vst v63  }
0x1bd: {  	_ =	swait.ge [sflag:s26], $0x4000  }
0x1be: {  	[sflag:s26] =	ssyncset.done $0x0  }
0x1bf: {  	s8 =	rddreg [dreg:$0x10];
	[sflag:s26] =	ssyncadd.s32 $0xFFFFC000  }
0x1c0: {  	[spmem:s1] =	stream.indirect.scatter.add.f32 [tilespmem:s24], [sflag:$0x6], $0x80, s8, s22, $0xb8;
	[tilespmem:$0x1D000] =	vst v63  }
0x1c1: {  	_ =	swait.ge [sflag:s23], $0x4000  }
0x1c2: {  	[sflag:s23] =	ssyncset.done $0x0  }
0x1c3: {  	s10 =	rddreg [dreg:$0x11];
	[sflag:s23] =	ssyncadd.s32 $0xFFFFC000  }
0x1c4: {  	[tilespmem:s24], [sflag:$0x4] =	stream.indirect.gather [hbm4b:s4+s22], $0x80, s10, s22, $0xb8;
	[tilespmem:$0x1D000] =	vst v63  }
0x1c5: {  	_ =	swait.ge [sflag:s25], $0x4000  }
0x1c6: {  	[sflag:s25] =	ssyncset.done $0x0  }
0x1c7: {  	s13 =	rddreg [dreg:$0x12];
	[sflag:s25] =	ssyncadd.s32 $0xFFFFC000  }
0x1c8: {  	[spmem:s1] =	stream.indirect.scatter.add.f32 [tilespmem:s15], [sflag:$0x5], $0x80, s13, s22, $0xb8;
	[tilespmem:$0x1D000] =	vst v63  }
0x1c9: {  	_ =	swait.ge [sflag:s26], $0x4000  }
0x1ca: {  	s14 =	rddreg [dreg:$0x13];
	[sflag:s26] =	ssyncset.done $0x0  }
0x1cb: {  	p0 =	seq.s32 s12, $0x400;
	s8 =	rddreg [dreg:$0x3];
	[sflag:s26] =	ssyncadd.s32 $0xFFFFC000  }
0x1cc: {  	[spmem:s1] =	stream.indirect.scatter.add.f32 [tilespmem:s24], [sflag:$0x6], $0x80, s14, s22, $0xb8;
	[tilespmem:$0x1D000] =	vst v63  }
0x1cd: {  	s10 =	rddreg [dreg:$0x4];
	s5 =	sadd.s32 @!p0 s12, s8;
	s8 =	simm.s32 @!p0 $0x0  }
0x1ce: {  	[tilespmem:s8], [sflag:$0x1] =	stream.linear.gather @!p0 [hbm4b:s5+s8], $0x400, $0x38;
	[tilespmem:$0x1D000] =	vst v63  }
0x1cf: {  	s5 =	sadd.s32 @!p0 s12, s10;
	s10 =	simm.s32 @!p0 $0x800  }
0x1d0: {  	[tilespmem:s10], [sflag:$0x1] =	stream.linear.gather @!p0 [hbm4b:s5+s8], $0x400, $0x38;
	[tilespmem:$0x1D000] =	vst v63  }
0x1d1: {  	_ =	swait.ge [sflag:s16], $0x400  }
0x1d2: {  	[sflag:s16] =	ssyncset.done $0x0  }
0x1d3: {  	[sflag:s16] =	ssyncadd.s32 $0xFFFFFC00  }
0x1d4: {  	_ =	swait.ge [sflag:s16], $0x400  }
0x1d5: {  	[sflag:s16] =	ssyncset.done $0x0  }
0x1d6: {  	[sflag:s16] =	ssyncadd.s32 $0xFFFFFC00  }
0x1d7: {  	_ =	swait.ge [sflag:s21], $0x4000  }
0x1d8: {  	[sflag:s21] =	ssyncset.done $0x0  }
0x1d9: {  	[sflag:s21] =	ssyncadd.s32 $0xFFFFC000  }
0x1da: {  	[tilespmem:s15], [sflag:$0x3] =	stream.indirect.gather [hbm4b:s4+s22], $0x80, s18, s22, $0xb8;
	[tilespmem:$0x1D000] =	vst v63  }
0x1db: {  	_ =	swait.ge [sflag:s23], $0x4000  }
0x1dc: {  	[sflag:s23] =	ssyncset.done $0x0  }
0x1dd: {  	s10 =	rddreg [dreg:$0x14];
	[sflag:s23] =	ssyncadd.s32 $0xFFFFC000  }
0x1de: {  	[tilespmem:s24], [sflag:$0x4] =	stream.indirect.gather [hbm4b:s4+s22], $0x80, s10, s22, $0xb8;
	[tilespmem:$0x1D000] =	vst v63  }
0x1df: {  	_ =	swait.ge [sflag:s25], $0x4000  }
0x1e0: {  	[sflag:s25] =	ssyncset.done $0x0  }
0x1e1: {  	[sflag:s25] =	ssyncadd.s32 $0xFFFFC000  }
0x1e2: {  	[spmem:s1] =	stream.indirect.scatter.add.f32 [tilespmem:s15], [sflag:$0x5], $0x80, s19, s22, $0xb8;
	[tilespmem:$0x1D000] =	vst v63  }
0x1e3: {  	_ =	swait.ge [sflag:s21], $0x4000  }
0x1e4: {  	[sflag:s21] =	ssyncset.done $0x0  }
0x1e5: {  	s12 =	rddreg [dreg:$0x15];
	[sflag:s21] =	ssyncadd.s32 $0xFFFFC000  }
0x1e6: {  	[tilespmem:s15], [sflag:$0x3] =	stream.indirect.gather [hbm4b:s4+s22], $0x80, s12, s22, $0xb8;
	[tilespmem:$0x1D000] =	vst v63  }
0x1e7: {  	_ =	swait.ge [sflag:s26], $0x4000  }
0x1e8: {  	[sflag:s26] =	ssyncset.done $0x0  }
0x1e9: {  	s13 =	rddreg [dreg:$0x16];
	[sflag:s26] =	ssyncadd.s32 $0xFFFFC000  }
0x1ea: {  	[spmem:s1] =	stream.indirect.scatter.add.f32 [tilespmem:s24], [sflag:$0x6], $0x80, s13, s22, $0xb8;
	[tilespmem:$0x1D000] =	vst v63  }
0x1eb: {  	_ =	swait.ge [sflag:s23], $0x4000  }
0x1ec: {  	[sflag:s23] =	ssyncset.done $0x0  }
0x1ed: {  	s14 =	rddreg [dreg:$0x17];
	[sflag:s23] =	ssyncadd.s32 $0xFFFFC000  }
0x1ee: {  	[tilespmem:s24], [sflag:$0x4] =	stream.indirect.gather [hbm4b:s4+s22], $0x80, s14, s22, $0xb8;
	[tilespmem:$0x1D000] =	vst v63  }
0x1ef: {  	_ =	swait.ge [sflag:s25], $0x4000  }
0x1f0: {  	[sflag:s25] =	ssyncset.done $0x0  }
0x1f1: {  	s8 =	rddreg [dreg:$0x18];
	[sflag:s25] =	ssyncadd.s32 $0xFFFFC000  }
0x1f2: {  	[spmem:s1] =	stream.indirect.scatter.add.f32 [tilespmem:s15], [sflag:$0x5], $0x80, s8, s22, $0xb8;
	[tilespmem:$0x1D000] =	vst v63  }
0x1f3: {  	_ =	swait.ge [sflag:s21], $0x4000  }
0x1f4: {  	[sflag:s21] =	ssyncset.done $0x0  }
0x1f5: {  	[sflag:s21] =	ssyncadd.s32 $0xFFFFC000  }
0x1f6: {  	[tilespmem:s15], [sflag:$0x3] =	stream.indirect.gather [hbm4b:s4+s22], $0x80, s28, s22, $0xb8;
	[tilespmem:$0x1D000] =	vst v63  }
0x1f7: {  	_ =	swait.ge [sflag:s26], $0x4000  }
0x1f8: {  	[sflag:s26] =	ssyncset.done $0x0  }
0x1f9: {  	[sflag:s26] =	ssyncadd.s32 $0xFFFFC000  }
0x1fa: {  	[spmem:s1] =	stream.indirect.scatter.add.f32 [tilespmem:s24], [sflag:$0x6], $0x80, s29, s22, $0xb8;
	[tilespmem:$0x1D000] =	vst v63  }
0x1fb: {  	_ =	swait.ge [sflag:s23], $0x4000  }
0x1fc: {  	[sflag:s23] =	ssyncset.done $0x0  }
0x1fd: {  	[sflag:s23] =	ssyncadd.s32 $0xFFFFC000  }
0x1fe: {  	[tilespmem:s24], [sflag:$0x4] =	stream.indirect.gather [hbm4b:s4+s22], $0x80, s30, s22, $0xb8;
	[tilespmem:$0x1D000] =	vst v63  }
0x1ff: {  	_ =	swait.ge [sflag:s25], $0x4000  }
0x200: {  	[sflag:s25] =	ssyncset.done $0x0  }
0x201: {  	[sflag:s25] =	ssyncadd.s32 $0xFFFFC000  }
0x202: {  	[spmem:s1] =	stream.indirect.scatter.add.f32 [tilespmem:s15], [sflag:$0x5], $0x80, s31, s22, $0xb8;
	[tilespmem:$0x1D000] =	vst v63  }
0x203: {  	_ =	swait.ge [sflag:s21], $0x4000  }
0x204: {  	[sflag:s21] =	ssyncset.done $0x0  }
0x205: {  	[sflag:s21] =	ssyncadd.s32 $0xFFFFC000  }
0x206: {  	[tilespmem:s15], [sflag:$0x3] =	stream.indirect.gather [hbm4b:s4+s22], $0x80, s0, s22, $0xb8;
	[tilespmem:$0x1D000] =	vst v63  }
0x207: {  	_ =	swait.ge [sflag:s26], $0x4000  }
0x208: {  	[sflag:s26] =	ssyncset.done $0x0  }
0x209: {  	[sflag:s26] =	ssyncadd.s32 $0xFFFFC000  }
0x20a: {  	[spmem:s1] =	stream.indirect.scatter.add.f32 [tilespmem:s24], [sflag:$0x6], $0x80, s2, s22, $0xb8;
	[tilespmem:$0x1D000] =	vst v63  }
0x20b: {  	_ =	swait.ge [sflag:s23], $0x4000  }
0x20c: {  	[sflag:s23] =	ssyncset.done $0x0  }
0x20d: {  	[sflag:s23] =	ssyncadd.s32 $0xFFFFC000  }
0x20e: {  	[tilespmem:s24], [sflag:$0x4] =	stream.indirect.gather [hbm4b:s4+s22], $0x80, s6, s22, $0xb8;
	[tilespmem:$0x1D000] =	vst v63  }
0x20f: {  	_ =	swait.ge [sflag:s25], $0x4000  }
0x210: {  	[sflag:s25] =	ssyncset.done $0x0  }
0x211: {  	[sflag:s25] =	ssyncadd.s32 $0xFFFFC000  }
0x212: {  	[spmem:s1] =	stream.indirect.scatter.add.f32 [tilespmem:s15], [sflag:$0x5], $0x80, s7, s22, $0xb8;
	[tilespmem:$0x1D000] =	vst v63  }
0x213: {  	_ =	swait.ge [sflag:s26], $0x4000  }
0x214: {  	[sflag:s26] =	ssyncset.done $0x0  }
0x215: {  	[sflag:s26] =	ssyncadd.s32 $0xFFFFC000  }
0x216: {  	[spmem:s1] =	stream.indirect.scatter.add.f32 [tilespmem:s24], [sflag:$0x6], $0x80, s9, s22, $0xb8;
	[tilespmem:$0x1D000] =	vst v63  }
0x217: {  	_ =	swait.ge [sflag:s21], $0x4000  }
0x218: {  	[sflag:s21] =	ssyncset.done $0x0  }
0x219: {  	[sflag:s21] =	ssyncadd.s32 $0xFFFFC000  }
0x21a: {  	_ =	swait.ge [sflag:s23], $0x4000  }
0x21b: {  	[sflag:s23] =	ssyncset.done $0x0  }
0x21c: {  	[sflag:s23] =	ssyncadd.s32 $0xFFFFC000  }
0x21d: {  	s10 =	stileid.u32;
	[bflag:$0x0] =	sbarrier.arrive $0xFFFF  }
0x21e: {  	s5 =	sshll.u32 s10, $0x6;
	s14 =	rddreg [dreg:$0x19]  }
0x21f: {  	s5 =	sor.u32 $0x1C07, s5;
	s13 =	rddreg [dreg:$0x1d];
	s12 =	sshrl.u32 s14, $0x3  }
0x220: {  	[hbm:s13], [sflag:s5] =	dma.local [spmem:s12], $0x2800  }
0x221: {  	s12 =	simm.s32 $0x7  }
0x222: {  	_ =	swait.ge [sflag:s12], $0x2800  }
0x223: {  	s11 =	sadd.s32 $0x1, s11;
	s13 =	rddreg [dreg:$0x1e]  }
0x224: {  	p0 =	sne.s32 s11, s13  }
.Ltmp2:
0x225: {  	_ = 	snop;
	(pc) =	sbr.rel @p0 .LBB2_1-.Ltmp2, $3  }
0x226: {  	_ =	sdelay $0x1  }
0x227: {  	[sflag:s12] =	ssyncset.done $0x0  }
0x228: {  	[sflag:s12] =	ssyncadd.s32 $0xFFFFD800  }
0x229: {  	_ =	sfence.sel $0x180000  }
0x22a: {  	[bflag:$0x0] =	sbarrier.arrive $0xFFFF  }
0x22b: {  	_ =	strace $0x9000004D  }
0x22c: {  	s0 =	stileid.u32;
	[bflag:$0x2] =	sbarrier.arrive $0xFFFF  }
0x22d: {  	p0 =	sne.s32 s0, $0x0;
	s0 =	rddreg [dreg:$0x2]  }
0x22e: {  	s0 =	sadd.s32 @!p0 $0x100000, s0  }
0x22f: {  	[sflag:s0] =	ssyncadd.tile.s32 @!p0 $0x1;
	_ =	shalt  }
.Lfunc_end2:
_tile_overlayer_lowered:
.L_overlay_start_2:
0x230: {  	(tag) =	ssettag $0x2  }
0x231: {  	s0 =	rddreg [dreg:$0x0];
	s2 =	stileid.u32  }
0x232: {  	s1 =	rddreg [dreg:$0x1];
	p0 =	sne.s32 s2, $0x0  }
0x233: {  	s3 =	rddreg [dreg:$0x2];
	[bflag:$0x3] =	sbarrier.arrive $0xFFFF;
	s2 =	simm.s32 @!p0 $0x1C07  }
0x234: {  	[timem:s3], [sflag:s2] =	dma.local @!p0 [hbm:s0], s1  }
0x235: {  	s0 =	simm.s32 @!p0 $0x7  }
0x236: {  	_ =	swait.ge @!p0 [sflag:s0], s1  }
0x237: {  	s1 =	ssub.s32 @!p0 $0x0, s1;
	[sflag:s0] =	ssyncset.done @!p0 $0x0  }
0x238: {  	[sflag:s0] =	ssyncadd.s32 @!p0 s1  }
0x239: {  	[bflag:$0x3] =	sbarrier.arrive $0xFFFF  }
0x23a: {  	_ =	shalt  }

// kernel: kernel.8.cloned.1.call-start
scs
__scs_entry_jumppad:
0x0: {  	(pc) =	sbr.rel $0x88, $3  }
0x1: {  	(tag) =	ssettag $0x0;
	lr =	simm.s32 $0x1  }
0x2: {  	[smem:$0x3F98] =	sst lr;
	_ =	strace $0xD0000000  }
0x3: {  	_ = 	snop  }
0x4: {  	_ = 	snop  }
0x5: {  	_ = 	snop  }
0x6: {  	_ = 	snop  }
0x7: {  	_ = 	snop  }
__scs_overlays_trampoline_lowered:
0x8: {  	[smem:$0x3FA7] =	sst s0  }
0x9: {  	[smem:$0x3FA8] =	sst s1  }
0xa: {  	[smem:$0x3FA9] =	sst s2  }
0xb: {  	[smem:$0x3FAA] =	sst s3  }
0xc: {  	[smem:$0x3FAB] =	sst s4  }
0xd: {  	[smem:$0x3FAC] =	sst s5  }
0xe: {  	[smem:$0x3FAD] =	sst s6  }
0xf: {  	[smem:$0x3FAE] =	sst s7  }
0x10: {  	[smem:$0x3FAF] =	sst s8  }
0x11: {  	[smem:$0x3FB0] =	sst s9;
	s0 =	simm.s32 @!p0 $0x0  }
0x12: {  	s1 =	sld [smem:$0x3F96];
	s0 =	simm.s32 @p0 $0x1  }
0x13: {  	[smem:$0x3FB1] =	sst s0;
	s0 =	simm.s32 @!p1 $0x0  }
0x14: {  	s2 =	sld [smem:$0x3F95];
	s0 =	simm.s32 @p1 $0x1  }
0x15: {  	[smem:$0x3FB2] =	sst s0;
	s0 =	simm.s32 @!p2 $0x0  }
0x16: {  	s3 =	sld [smem:$0x3FDB];
	s0 =	simm.s32 @p2 $0x1  }
0x17: {  	s4 =	simm.s32 $0x1BF5;
	[smem:$0x3FB4] =	sst s0  }
0x18: {  	s0 =	sld [smem:$0x3F97];
	_ =	swait.ge [sflag:s4], $0x0  }
0x19: {  	s7 =	sld [smem:$0x3F98]  }
0x1a: {  	s8 =	sadd.s32 $0xFFFFE003, lr  }
0x1b: {  	s9 =	sadd.s32 $0xFFFFFEF7, lr;
	s5 =	simm.s32 $0xFFFFFFFF;
	p2 =	slt.u32 s8, $0xFFFFF086  }
0x1c: {  	p1 =	slt.u32 s9, $0xF7A;
	s5 =	simm.s32 @!p2 $0x0  }
0x1d: {  	s5 =	simm.s32 @p1 $0x1;
	p0 =	seq.s32 s7, s2  }
0x1e: {  	s7 =	smul.u32 @!p0 $0xF7A, s2;
	p2 =	seq.s32 @!p0 s5, $0x0  }
0x1f: {  	s9 =	smul.u32 $0xF7A, s1;
	s8 =	simm.s32 @!p0 $0x1BF5;
	p2 =	por !p2, p0  }
0x20: {  	[sflag:s8] =	ssyncset.s32 @!p0 $0xFFFFF086;
	s6 =	sadd.s32 @!p0 s3, s7;
	s7 =	simm.s32 @!p0 $0x108  }
0x21: {  	s3 =	sadd.s32 s3, s9;
	s6 =	sadd.s32 @!p0 $0x88, s6;
	s7 =	simm.s32 @p2 $0x1082  }
0x22: {  	[simem:s7], [sflag:s8] =	dma.local @!p0 [hbm:s6], $0xF7A  }
0x23: {  	s9 =	sor.u32 $0xD0000000, s2;
	s6 =	simm.s32 $0x108;
	_ =	swait.ge @!p0 [sflag:s8], $0x0  }
0x24: {  	s3 =	sadd.s32 $0x88, s3;
	s6 =	simm.s32 @!p1 $0x1082;
	[sflag:s4] =	ssyncset.s32 $0xFFFFF086  }
0x25: {  	[simem:s6], [sflag:s4] =	dma.local [hbm:s3], $0xF7A  }
0x26: {  	[smem:$0x3F98] =	sst s1;
	(tag) =	ssettag s2;
	_ =	strace s9  }
0x27: {  	s1 =	sld [smem:$0x3FA8]  }
0x28: {  	s2 =	sld [smem:$0x3FA9]  }
0x29: {  	s4 =	sld [smem:$0x3FAB]  }
0x2a: {  	p0 =	seq.s32 s5, $0x0;
	s5 =	sld [smem:$0x3FAC]  }
0x2b: {  	s6 =	sld [smem:$0x3FAD]  }
0x2c: {  	s7 =	sld [smem:$0x3FAE]  }
0x2d: {  	s3 =	simm.s32 $0x108;
	s8 =	sld [smem:$0x3FAF]  }
0x2e: {  	s3 =	simm.s32 @!p0 $0x1082;
	s9 =	sld [smem:$0x3FB0]  }
0x2f: {  	lr =	sadd.s32 s0, s3;
	s0 =	sld [smem:$0x3FA7]  }
0x30: {  	s3 =	sld [smem:$0x3FAA]  }
0x31: {  	[smem:$0x3FB3] =	sst s10  }
0x32: {  	s10 =	sld [smem:$0x3FB1];
	_ =	sdelay $0x3  }
0x33: {  	p0 =	seq.s32 s10, $0x1;
	s10 =	sld [smem:$0x3FB3];
	_ =	sdelay $0x3  }
0x34: {  	[smem:$0x3FB3] =	sst s10  }
0x35: {  	s10 =	sld [smem:$0x3FB2];
	_ =	sdelay $0x3  }
0x36: {  	p1 =	seq.s32 s10, $0x1;
	s10 =	sld [smem:$0x3FB3];
	_ =	sdelay $0x3  }
0x37: {  	[smem:$0x3FB3] =	sst s10  }
0x38: {  	s10 =	sld [smem:$0x3FB4]  }
0x39: {  	_ = 	snop;
	(pc) =	sbr.ind lr, $3  }
0x3a: {  	_ = 	snop  }
0x3b: {  	_ = 	snop  }
0x3c: {  	p2 =	seq.s32 s10, $0x1;
	s10 =	sld [smem:$0x3FB3]  }
0x3d: {  	_ =	shalt  }
0x3e: {  	_ =	shalt  }
0x3f: {  	_ =	shalt  }
0x40: {  	_ =	shalt  }
0x41: {  	_ =	shalt  }
0x42: {  	_ =	shalt  }
0x43: {  	_ =	shalt  }
0x44: {  	_ =	shalt  }
0x45: {  	_ =	shalt  }
0x46: {  	_ =	shalt  }
0x47: {  	_ =	shalt  }
0x48: {  	_ =	shalt  }
0x49: {  	_ =	shalt  }
0x4a: {  	_ =	shalt  }
0x4b: {  	_ =	shalt  }
0x4c: {  	_ =	shalt  }
0x4d: {  	_ =	shalt  }
0x4e: {  	_ =	shalt  }
0x4f: {  	_ =	shalt  }
0x50: {  	_ =	shalt  }
0x51: {  	_ =	shalt  }
0x52: {  	_ =	shalt  }
0x53: {  	_ =	shalt  }
0x54: {  	_ =	shalt  }
0x55: {  	_ =	shalt  }
0x56: {  	_ =	shalt  }
0x57: {  	_ =	shalt  }
0x58: {  	_ =	shalt  }
0x59: {  	_ =	shalt  }
0x5a: {  	_ =	shalt  }
0x5b: {  	_ =	shalt  }
0x5c: {  	_ =	shalt  }
0x5d: {  	_ =	shalt  }
0x5e: {  	_ =	shalt  }
0x5f: {  	_ =	shalt  }
0x60: {  	_ =	shalt  }
0x61: {  	_ =	shalt  }
0x62: {  	_ =	shalt  }
0x63: {  	_ =	shalt  }
0x64: {  	_ =	shalt  }
0x65: {  	_ =	shalt  }
0x66: {  	_ =	shalt  }
0x67: {  	_ =	shalt  }
0x68: {  	_ =	shalt  }
0x69: {  	_ =	shalt  }
0x6a: {  	_ =	shalt  }
0x6b: {  	_ =	shalt  }
0x6c: {  	_ =	shalt  }
0x6d: {  	_ =	shalt  }
0x6e: {  	_ =	shalt  }
0x6f: {  	_ =	shalt  }
0x70: {  	_ =	shalt  }
0x71: {  	_ =	shalt  }
0x72: {  	_ =	shalt  }
0x73: {  	_ =	shalt  }
0x74: {  	_ =	shalt  }
0x75: {  	_ =	shalt  }
0x76: {  	_ =	shalt  }
0x77: {  	_ =	shalt  }
0x78: {  	_ =	shalt  }
0x79: {  	_ =	shalt  }
0x7a: {  	_ =	shalt  }
0x7b: {  	_ =	shalt  }
0x7c: {  	_ =	shalt  }
0x7d: {  	_ =	shalt  }
0x7e: {  	_ =	shalt  }
0x7f: {  	_ =	shalt  }
0x80: {  	_ =	shalt  }
0x81: {  	_ =	shalt  }
0x82: {  	_ =	shalt  }
0x83: {  	_ =	shalt  }
0x84: {  	_ =	shalt  }
0x85: {  	_ =	shalt  }
0x86: {  	_ =	shalt  }
0x87: {  	_ =	shalt  }
.Lfunc_end0:
.L_simem_size_0:
called_computation_lowered:
.L_overlay_start_0:
0x88: {  	s2 =	sld [smem:$0x3FD9]  }
0x89: {  	s3 =	sld [smem:$0x3FFE];
	_ =	sdelay $0x1  }
0x8a: {  	s1 =	srdreg.scid  }
0x8b: {  	s0 =	sand.u32 $0x1, s1  }
0x8c: {  	s16 =	sshll.u32 s0, $0xA;
	s2 =	sadd.s32 s3, s2  }
0x8d: {  	s2 =	sadd.s32 s2, s16  }
0x8e: {  	[smem:$0x3FBF] =	sst s2  }
0x8f: {  	_ = 	snop  }
0x90: {  	(tm) =	ssettm $0x1  }
0x91: {  	s17 =	sld [smem:$0x3FFB];
	_ =	sdelay $0x3  }
0x92: {  	_ =	strace s17  }
0x93: {  	s2 =	sld [smem:$0x3FFC];
	_ =	sdelay $0x3  }
0x94: {  	_ =	strace s2  }
0x95: {  	s2 =	sld [smem:$0x3FFD];
	_ =	sdelay $0x3  }
0x96: {  	_ =	strace s2  }
0x97: {  	_ =	strace $0x8FFFFFFF  }
0x98: {  	s18 =	sld [smem:$0x3FDB];
	_ =	sdelay $0x1  }
0x99: {  	s19 =	simm.s32 $_scs_section_size  }
0x9a: {  	s4 =	simm.s32 $_size__tile_overlayer_lowered;
	s5 =	simm.s32 $_tile_overlayer_lowered  }
0x9b: {  	s22 =	simm.s32 $0x1BFF;
	s21 =	sshll.u32 s5, $0x1;
	s2 =	sadd.s32 s19, s18  }
0x9c: {  	s6 =	simm.s32 $0x0;
	s20 =	sshll.u32 s4, $0x1;
	s4 =	sadd.s32 s21, s2  }
0x9d: {  	[timem:s6], [sflag:s22] =	dma.local [hbm:s4], s20  }
0x9e: {  	_ =	swait.ge [sflag:s22], s20  }
0x9f: {  	s3 =	ssub.s32 $0x0, s20;
	[sflag:s22] =	ssyncset.done $0x0  }
0xa0: {  	[sflag:s22] =	ssyncadd.s32 s3;
	_ =	sdelay $0x1  }
0xa1: {  	s23 =	simm.s32 $0x1B8B  }
0xa2: {  	_ =	swait.ge [sflag:s23], $0x1  }
0xa3: {  	[sflag:s23] =	ssyncset.done $0x0  }
0xa4: {  	s25 =	simm.s32 $0x1B8E;
	s24 =	sld [smem:$0x3FFE];
	[sflag:s23] =	ssyncadd.s32 $0xFFFFFFFF  }
0xa5: {  	s26 =	simm.s32 $execute0_lowered;
	[smem:$0x3FD2] =	sst s25  }
0xa6: {  	s4 =	sshll.u32 s26, $0x1;
	_ =	strace $0x80000046;
	[dreg:$0x1] =	wrdreg $0xFFFFFFFF  }
0xa7: {  	s28 =	simm.s32 $_size_execute0_lowered;
	s2 =	sadd.s32 s2, s4;
	[dreg:$0x0] =	wrdreg $0x0  }
0xa8: {  	s4 =	sshll.u32 s28, $0x1;
	[dreg:$0x2] =	wrdreg s2  }
0xa9: {  	[dreg:$0x3] =	wrdreg s4  }
0xaa: {  	[dreg:$0x4] =	wrdreg $0xC0  }
0xab: {  	_ =	task [dreg:s6], $0x5FFFF  }
0xac: {  	[dreg:$0x1] =	wrdreg $0xFFFFFFFF  }
0xad: {  	[dreg:$0x0] =	wrdreg $0x60  }
0xae: {  	[dreg:$0x2] =	wrdreg s24  }
0xaf: {  	[dreg:$0x3] =	wrdreg $0x2B000  }
0xb0: {  	[dreg:$0x4] =	wrdreg $0x9  }
0xb1: {  	_ =	task.clear_ibuf [dreg:s6], $0x5FFFF;
	_ =	strace $0x90000046  }
0xb2: {  	s29 =	simm.s32 $0x9;
	_ =	strace $0x80000048  }
0xb3: {  	_ =	swait.ge [sflag:s29], $0x1  }
0xb4: {  	[sflag:s29] =	ssyncadd.s32 $0xFFFFFFFF  }
0xb5: {  	_ =	strace $0x90000048  }
0xb6: {  	_ =	sfence  }
0xb7: {  	s30 =	sld [smem:$0x0];
	_ =	sdelay $0x2  }
0xb8: {  	s31 =	sshll.u32 s1, $0xD;
	s1 =	sshrl.u32 s1, $0x2  }
0xb9: {  	s3 =	sand.u32 $0x4000, s31;
	s1 =	sadd.s32 s1, s30  }
0xba: {  	s0 =	sor.u32 s3, s0;
	s1 =	sshll.u32 s1, $0x11  }
0xbb: {  	s0 =	sor.u32 s1, s0  }
0xbc: {  	s0 =	sadd.s32 $0x8F2B, s0  }
0xbd: {  	[sflag:s0] =	ssyncadd.remote.s32 $0x1  }
0xbe: {  	_ =	sfence.sel $0xFFFF  }
0xbf: {  	[dreg:$0x0] =	wrdreg $0xFFFFFFFF;
	(pc) =	sbr.abs _section_cstart, $3  }
0xc0: {  	[dreg:$0x1] =	wrdreg $0xFFFFFFFF  }
0xc1: {  	_ =	task.clear_ibuf [dreg:s6], $0x2FFFF;
	_ =	strace $0x9FFFFFFF  }
0xc2: {  	(tm) =	ssettm $0x7FFFFFFF  }
0xc3: {  	_ =	shalt  }
tec
execute0_lowered:
.L_overlay_start_1:
0x0: {  	(tag) =	ssettag $0x1  }
0x1: {  	s4 =	rddreg [dreg:$0x0]  }
0x2: {  	s2 =	rddreg [dreg:$0x1];
	s3 =	srdreg.scid  }
0x3: {  	s1 =	stileid.u32;
	s0 =	rddreg [dreg:$0x2];
	s10 =	simm.s32 $0x80  }
0x4: {  	s11 =	simm.s32 $0x2800;
	s14 =	simm.s32 $0x0;
	s5 =	sand.u32 $0x1, s3  }
0x5: {  	s6 =	smul.u32 $0x280, s1;
	s3 =	simm.s32 $0x0;
	s12 =	sshll.u32 s1, $0x6  }
0x6: {  	s7 =	sshll.u32 s5, $0x4;
	s8 =	smul.u32 $0x2800, s5;
	[smem:$0x7FF] =	sst s3  }
0x7: {  	s5 =	ssub.s32 $0x2, s5;
	s12 =	sor.u32 $0x1C01, s12;
	s7 =	sor.u32 s1, s7  }
0x8: {  	s9 =	sshrl.u32 s5, $0x1;
	s7 =	smul.u32 $0x500, s7;
	s8 =	sadd.s32 s6, s8  }
0x9: {  	_ =	strace $0x80000047;
	s9 =	ssub.s32 s5, s9;
	s8 =	sshrl.u32 s8, $0x3  }
0xa: {  	s5 =	sadd.s32 s6, s2;
	s7 =	sadd.s32 s7, s4;
	s8 =	sadd.s32 s8, s4  }
0xb: {  	s13 =	sshrl.u32 s5, $0x3;
	s4 =	sadd.s32 $0x2A00, s7;
	s6 =	sadd.s32 $0x16A00, s8  }
0xc: {  	v0 =	vimm.f32 $1.000000000e+00;
	v1 =	vimm.f32 $0.0e+00;
	s7 =	smax.u32 s9, $0x1;
	s8 =	simm.s32 $0x1;
	s9 =	simm.s32 $0x2880  }
.LBB2_1:
0xd: {  	[tilespmem:s3], [sflag:$0x1] =	stream.linear.gather [hbm4b:s4+s3], $0x2800, $0x38;
	[tilespmem:$0x2D80] =	vst v63  }
0xe: {  	_ =	swait.ge [sflag:s8], $0x2800  }
0xf: {  	[sflag:s8] =	ssyncset.done $0x0  }
0x10: {  	[sflag:s8] =	ssyncadd.s32 $0xFFFFD800  }
0x11: {  	[tilespmem:$0x2800] =	vst v0  }
0x12: {  	[tilespmem:$0x2810] =	vst v0  }
0x13: {  	[tilespmem:$0x2820] =	vst v0  }
0x14: {  	[tilespmem:$0x2830] =	vst v0  }
0x15: {  	[tilespmem:$0x2840] =	vst v0  }
0x16: {  	[tilespmem:$0x2850] =	vst v0  }
0x17: {  	[tilespmem:$0x2860] =	vst v0  }
0x18: {  	[tilespmem:$0x2870] =	vst v0  }
0x19: {  	[tilespmem:$0x2880] =	vst v1  }
0x1a: {  	[tilespmem:$0x2890] =	vst v1  }
0x1b: {  	[tilespmem:$0x28A0] =	vst v1  }
0x1c: {  	[tilespmem:$0x28B0] =	vst v1  }
0x1d: {  	[tilespmem:$0x28C0] =	vst v1  }
0x1e: {  	[tilespmem:$0x28D0] =	vst v1  }
0x1f: {  	[tilespmem:$0x28E0] =	vst v1  }
0x20: {  	[tilespmem:$0x28F0] =	vst v1  }
0x21: {  	[tilespmem:$0x2900] =	vst v1  }
0x22: {  	[tilespmem:$0x2910] =	vst v1  }
0x23: {  	[tilespmem:$0x2920] =	vst v1  }
0x24: {  	[tilespmem:$0x2930] =	vst v1  }
0x25: {  	[tilespmem:$0x2940] =	vst v1  }
0x26: {  	[tilespmem:$0x2950] =	vst v1  }
0x27: {  	[tilespmem:$0x2960] =	vst v1  }
0x28: {  	[tilespmem:$0x2970] =	vst v1  }
0x29: {  	[tilespmem:$0x2980] =	vst v1  }
0x2a: {  	[tilespmem:$0x2990] =	vst v1  }
0x2b: {  	[tilespmem:$0x29A0] =	vst v1  }
0x2c: {  	[tilespmem:$0x29B0] =	vst v1  }
0x2d: {  	[tilespmem:$0x29C0] =	vst v1  }
0x2e: {  	[tilespmem:$0x29D0] =	vst v1  }
0x2f: {  	[tilespmem:$0x29E0] =	vst v1  }
0x30: {  	[tilespmem:$0x29F0] =	vst v1  }
0x31: {  	[tilespmem:$0x2A00] =	vst v1  }
0x32: {  	[tilespmem:$0x2A10] =	vst v1  }
0x33: {  	[tilespmem:$0x2A20] =	vst v1  }
0x34: {  	[tilespmem:$0x2A30] =	vst v1  }
0x35: {  	[tilespmem:$0x2A40] =	vst v1  }
0x36: {  	[tilespmem:$0x2A50] =	vst v1  }
0x37: {  	[tilespmem:$0x2A60] =	vst v1  }
0x38: {  	[tilespmem:$0x2A70] =	vst v1  }
0x39: {  	[tilespmem:$0x2A80] =	vst v1  }
0x3a: {  	[tilespmem:$0x2A90] =	vst v1  }
0x3b: {  	[tilespmem:$0x2AA0] =	vst v1  }
0x3c: {  	[tilespmem:$0x2AB0] =	vst v1  }
0x3d: {  	[tilespmem:$0x2AC0] =	vst v1  }
0x3e: {  	[tilespmem:$0x2AD0] =	vst v1  }
0x3f: {  	[tilespmem:$0x2AE0] =	vst v1  }
0x40: {  	[tilespmem:$0x2AF0] =	vst v1  }
0x41: {  	[spmem:s5] =	stream.linear.scatter [tilespmem:s9], [sflag:$0x1], $0x280, $0x38;
	[tilespmem:$0x2D80] =	vst v63  }
0x42: {  	_ =	swait.ge [sflag:s8], $0x280  }
0x43: {  	[sflag:s8] =	ssyncset.done $0x0  }
0x44: {  	[sflag:s8] =	ssyncadd.s32 $0xFFFFFD80  }
0x45: {  	s15 =	simm.s32 $0x0;
	[bflag:$0x0] =	sbarrier.arrive $0xFFFF  }
0x46: {  	[spmem:s2] =	stream.indirect.scatter.add.f32 [tilespmem:s11], [sflag:$0x1], $0x1, s15, s10, $0xb8;
	[tilespmem:$0x2D80] =	vst v63  }
0x47: {  	_ =	swait.ge [sflag:s8], $0x80  }
0x48: {  	s15 =	simm.s32 $0x200;
	[sflag:s8] =	ssyncset.done $0x0  }
.LBB2_2:
0x49: {  	s16 =	sshra.s32 s15, $0x2;
	[sflag:s8] =	ssyncadd.s32 $0xFFFFFF80;
	p0 =	sne.s32 s15, $0x9E00  }
0x4a: {  	[spmem:s2] =	stream.indirect.scatter.add.f32 [tilespmem:s11], [sflag:$0x1], $0x1, s16, s10, $0xb8;
	[tilespmem:$0x2D80] =	vst v63  }
.Ltmp0:
0x4b: {  	_ = 	snop;
	(pc) =	sbr.rel @p0 .LBB2_2-.Ltmp0, $4  }
0x4c: {  	_ = 	snop  }
0x4d: {  	s15 =	sadd.s32 $0x200, s15  }
0x4e: {  	_ =	swait.ge [sflag:s8], $0x80  }
0x4f: {  	[sflag:s8] =	ssyncset.done $0x0  }
0x50: {  	s14 =	sadd.s32 $0x1, s14  }
0x51: {  	[sflag:s8] =	ssyncadd.s32 $0xFFFFFF80;
	p0 =	sne.s32 s14, s7  }
.Ltmp1:
0x52: {  	[bflag:$0x0] =	sbarrier.arrive $0xFFFF;
	(pc) =	sbr.rel @p0 .LBB2_1-.Ltmp1, $4  }
0x53: {  	[hbm:s6], [sflag:s12] =	dma.local [spmem:s13], $0x50  }
0x54: {  	_ =	swait.ge [sflag:s8], $0x50  }
0x55: {  	[sflag:s8] =	ssyncset.done $0x0  }
0x56: {  	[sflag:s8] =	ssyncadd.s32 $0xFFFFFFB0  }
0x57: {  	_ =	sfence.sel $0x180000  }
0x58: {  	[bflag:$0x0] =	sbarrier.arrive $0xFFFF  }
0x59: {  	p0 =	sne.s32 s1, $0x0;
	_ =	strace $0x90000047  }
0x5a: {  	s0 =	sadd.s32 @!p0 $0x100000, s0;
	[bflag:$0x2] =	sbarrier.arrive $0xFFFF  }
0x5b: {  	[sflag:s0] =	ssyncadd.tile.s32 @!p0 $0x1;
	_ =	shalt  }
.Lfunc_end2:
_tile_overlayer_lowered:
.L_overlay_start_2:
0x5c: {  	(tag) =	ssettag $0x2  }
0x5d: {  	s0 =	rddreg [dreg:$0x0];
	s2 =	stileid.u32  }
0x5e: {  	s1 =	rddreg [dreg:$0x1];
	p0 =	sne.s32 s2, $0x0  }
0x5f: {  	s3 =	rddreg [dreg:$0x2];
	[bflag:$0x3] =	sbarrier.arrive $0xFFFF;
	s2 =	simm.s32 @!p0 $0x1C01  }
0x60: {  	[timem:s3], [sflag:s2] =	dma.local @!p0 [hbm:s0], s1  }
0x61: {  	s0 =	simm.s32 @!p0 $0x1  }
0x62: {  	_ =	swait.ge @!p0 [sflag:s0], s1  }
0x63: {  	s1 =	ssub.s32 @!p0 $0x0, s1;
	[sflag:s0] =	ssyncset.done @!p0 $0x0  }
0x64: {  	[sflag:s0] =	ssyncadd.s32 @!p0 s1  }
0x65: {  	[bflag:$0x3] =	sbarrier.arrive $0xFFFF  }
0x66: {  	_ =	shalt  }

</sc_bundles>
